<compile_context>
chip_gen: v7x
topology: tpu7x:2x2x1
jax: 0.10.2.dev20260603
libtpu: 0.0.44.dev20260713+nightly
codegen_flags: <defaults>
</compile_context>

<pallas_src>
import functools

import jax
import jax.numpy as jnp
from jax import lax
from jax.experimental import pallas as pl
from jax.experimental.pallas import tpu as pltpu
from jax.experimental.pallas import tpu_sc as plsc

NN = 10000
EE = 320000
D = 16
DEE = 64
NF = 256
NG = 64
EPS = 1e-5

NC = 2
NS = 16
NW = NC * NS
EW = EE // NW
CH = 125
NCH = EW // CH
ZR = NN // NS
RB = 8

BE = 8000


def _sc_mesh():
    return plsc.VectorSubcoreMesh(
        core_axis_name="c", subcore_axis_name="s", num_cores=NC, num_subcores=NS)


def _sc_gather(x, idx_r):
    nch = idx_r.shape[1]

    @functools.partial(
        pl.kernel,
        out_type=jax.ShapeDtypeStruct((NW, nch, CH, D), jnp.float32),
        mesh=_sc_mesh(),
        scratch_types=[
            pltpu.VMEM((nch, CH), jnp.int32),
            pltpu.VMEM((RB, CH, D), jnp.float32),
            pltpu.SemaphoreType.DMA,
            pltpu.SemaphoreType.DMA,
        ],
        compiler_params=pltpu.CompilerParams(use_tc_tiling_on_sc=False),
    )
    def gk(x_hbm, idx_hbm, out_hbm, idx_v, rows_v, gsem, osem):
        c = lax.axis_index("c")
        s = lax.axis_index("s")
        w = c * NS + s
        pltpu.sync_copy(idx_hbm.at[w], idx_v)

        def body(g, carry):
            for b in range(RB):
                j = g * RB + b
                pltpu.async_copy(x_hbm.at[idx_v.at[j]], rows_v.at[b], gsem)
            for b in range(RB):
                j = g * RB + b
                pltpu.make_async_copy(
                    x_hbm.at[idx_v.at[j]], rows_v.at[b], gsem).wait()
                pltpu.async_copy(rows_v.at[b], out_hbm.at[w, j], osem)
            for b in range(RB):
                j = g * RB + b
                pltpu.make_async_copy(
                    rows_v.at[b], out_hbm.at[w, j], osem).wait()
            return carry

        lax.fori_loop(0, nch // RB, body, 0)

    return gk(x, idx_r)


def _sc_scatter_add(msg_r, idx_r, zrows):
    nch = idx_r.shape[1]

    @functools.partial(
        pl.kernel,
        out_type=jax.ShapeDtypeStruct((NC, NN, D), jnp.float32),
        mesh=_sc_mesh(),
        scratch_types=[
            pltpu.VMEM((nch, CH), jnp.int32),
            pltpu.VMEM((RB, CH, D), jnp.float32),
            pltpu.VMEM_SHARED((NN, D), jnp.float32),
            pltpu.SemaphoreType.DMA,
            pltpu.SemaphoreType.DMA,
        ],
        compiler_params=pltpu.CompilerParams(use_tc_tiling_on_sc=False),
    )
    def sk(msg_hbm, idx_hbm, z_hbm, out_hbm, idx_v, rows_v, acc_sh, lsem, ssem):
        c = lax.axis_index("c")
        s = lax.axis_index("s")
        w = c * NS + s
        pltpu.sync_copy(z_hbm, acc_sh.at[pl.ds(s * ZR, ZR)])
        pltpu.sync_copy(idx_hbm.at[w], idx_v)
        plsc.subcore_barrier()

        def body(g, carry):
            for b in range(RB):
                j = g * RB + b
                pltpu.async_copy(msg_hbm.at[w, j], rows_v.at[b], lsem)
            for b in range(RB):
                j = g * RB + b
                pltpu.make_async_copy(
                    msg_hbm.at[w, j], rows_v.at[b], lsem).wait()
                pltpu.async_copy(rows_v.at[b], acc_sh.at[idx_v.at[j]], ssem,
                                 add=True)
            for b in range(RB):
                j = g * RB + b
                pltpu.make_async_copy(
                    rows_v.at[b], acc_sh.at[idx_v.at[j]], ssem).wait()
            return carry

        lax.fori_loop(0, nch // RB, body, 0)
        plsc.subcore_barrier()
        pltpu.sync_copy(acc_sh.at[pl.ds(s * ZR, ZR)],
                        out_hbm.at[c, pl.ds(s * ZR, ZR)])

    return sk(msg_r, idx_r, zrows)


def _msg_body(eap_ref, xjp_ref, w1bd_ref, b1p_ref, w2bd_ref, b2p_ref,
              rp_ref, sp_ref, out_ref):
    h = jnp.maximum(
        jnp.dot(eap_ref[...], w1bd_ref[...], preferred_element_type=jnp.float32)
        + b1p_ref[...], 0.0)
    w = jnp.dot(h, w2bd_ref[...], preferred_element_type=jnp.float32) \
        + b2p_ref[...]
    xe = jnp.dot(xjp_ref[...].astype(jnp.bfloat16), rp_ref[...],
                 preferred_element_type=jnp.float32)
    out_ref[...] = jnp.dot(xe * w, sp_ref[...],
                           preferred_element_type=jnp.float32)


def _tc_messages(eap, xjp, W1bd, b1p, W2bd, b2p, Rp, Sp):
    R = BE // 8
    ne = eap.shape[0] * 8
    return pl.pallas_call(
        _msg_body,
        grid=(ne // BE,),
        in_specs=[
            pl.BlockSpec((R, 128), lambda i: (i, 0)),
            pl.BlockSpec((R, 128), lambda i: (i, 0)),
            pl.BlockSpec((128, 8 * DEE), lambda i: (0, 0)),
            pl.BlockSpec((1, 8 * DEE), lambda i: (0, 0)),
            pl.BlockSpec((8 * DEE, 8 * D * D), lambda i: (0, 0)),
            pl.BlockSpec((1, 8 * D * D), lambda i: (0, 0)),
            pl.BlockSpec((128, 8 * D * D), lambda i: (0, 0)),
            pl.BlockSpec((8 * D * D, 128), lambda i: (0, 0)),
        ],
        out_specs=pl.BlockSpec((R, 128), lambda i: (i, 0)),
        out_shape=jax.ShapeDtypeStruct((ne // 8, 128), jnp.float32),
    )(eap, xjp, W1bd, b1p, W2bd, b2p, Rp, Sp)


def _bn_relu_of(parts):
    a = parts[0]
    for i in range(1, parts.shape[0]):
        a = a + parts[i]
    r = jnp.maximum(a, 0.0)
    ones_row = jnp.ones((1, NN), jnp.float32)
    mu = jnp.dot(ones_row, r, preferred_element_type=jnp.float32) / NN
    m2 = jnp.dot(ones_row, r * r, preferred_element_type=jnp.float32) / NN
    var = m2 - mu * mu
    return r, mu, var


def _bn_body(acc_ref, g_ref, b_ref, out_ref):
    r, mu, var = _bn_relu_of(acc_ref)
    out_ref[...] = (r - mu) * lax.rsqrt(var + EPS) * g_ref[...] + b_ref[...]


def _tc_bn_relu(parts, gamma, beta):
    return pl.pallas_call(
        _bn_body,
        out_shape=jax.ShapeDtypeStruct((NN, D), jnp.float32),
    )(parts, gamma.reshape(1, D), beta.reshape(1, D))


def _final_body(acc_ref, g_ref, b_ref, fb_ref, fbT_ref, gbT_ref,
                out_f_ref, out_g_ref):
    r, mu, var = _bn_relu_of(acc_ref)
    x2 = (r - mu) * lax.rsqrt(var + EPS) * g_ref[...] + b_ref[...]
    fb = fb_ref[...]
    fbT = fbT_ref[...]
    gbT = gbT_ref[...]
    ind_f = (fb == lax.broadcasted_iota(jnp.int32, (1, NF), 1)
             ).astype(jnp.float32)
    ind_fT = (fbT == lax.broadcasted_iota(jnp.int32, (NF, 1), 0)
              ).astype(jnp.float32)
    ind_gT = (gbT == lax.broadcasted_iota(jnp.int32, (NG, 1), 0)
              ).astype(jnp.float32)
    ones_col = jnp.ones((NN, 1), jnp.float32)
    counts = jnp.dot(ind_fT, ones_col, preferred_element_type=jnp.float32)
    npg = jnp.dot(ind_f, counts, preferred_element_type=jnp.float32)
    xn = x2 / npg
    xn_hi = xn.astype(jnp.bfloat16).astype(jnp.float32)
    xn_lo = xn - xn_hi
    out_f_ref[...] = (jnp.dot(ind_fT, xn_hi, preferred_element_type=jnp.float32)
                      + jnp.dot(ind_fT, xn_lo, preferred_element_type=jnp.float32))
    out_g_ref[...] = (jnp.dot(ind_gT, xn_hi, preferred_element_type=jnp.float32)
                      + jnp.dot(ind_gT, xn_lo, preferred_element_type=jnp.float32))


def _tc_final(parts, gamma, beta, fb, fbT, gbT):
    return pl.pallas_call(
        _final_body,
        out_shape=(jax.ShapeDtypeStruct((NF, D), jnp.float32),
                   jax.ShapeDtypeStruct((NG, D), jnp.float32)),
    )(parts, gamma.reshape(1, D), beta.reshape(1, D), fb, fbT, gbT)


def _pack_weights(W1, b1, W2, b2):
    eye8 = jnp.eye(8, dtype=jnp.float32)
    rsel = (jnp.arange(D * D, dtype=jnp.int32)[None, :] // D
            == jnp.arange(D, dtype=jnp.int32)[:, None]).astype(jnp.float32)
    ssel = (jnp.arange(D * D, dtype=jnp.int32)[:, None] % D
            == jnp.arange(D, dtype=jnp.int32)[None, :]).astype(jnp.float32)
    W1bd = jnp.kron(eye8, W1)
    W2bd = jnp.kron(eye8, W2)
    Rp = jnp.kron(eye8, rsel).astype(jnp.bfloat16)
    Sp = jnp.kron(eye8, ssel)
    b1p = jnp.tile(b1, 8).reshape(1, 8 * DEE)
    b2p = jnp.tile(b2, 8).reshape(1, 8 * D * D)
    return W1bd, b1p, W2bd, b2p, Rp, Sp


def kernel(x, edge_index, edge_attr, frag_batch, graph_batch,
           W1_0, b1_0, W2_0, b2_0, gamma_0, beta_0,
           W1_1, b1_1, W2_1, b2_1, gamma_1, beta_1):
    src_r = edge_index[0].reshape(NW, NCH, CH)
    dst_r = edge_index[1].reshape(NW, NCH, CH)
    zrows = jnp.zeros((ZR, D), jnp.float32)
    eap = edge_attr.reshape(EE // 8, 128)
    pk0 = _pack_weights(W1_0, b1_0, W2_0, b2_0)
    pk1 = _pack_weights(W1_1, b1_1, W2_1, b2_1)

    xj0 = _sc_gather(x, src_r).reshape(EE // 8, 128)
    msg0 = _tc_messages(eap, xj0, *pk0)
    acc0 = _sc_scatter_add(msg0.reshape(NW, NCH, CH, D), dst_r, zrows)
    x1 = _tc_bn_relu(acc0, gamma_0, beta_0)

    xj1 = _sc_gather(x1, src_r).reshape(EE // 8, 128)
    msg1 = _tc_messages(eap, xj1, *pk1)
    acc1 = _sc_scatter_add(msg1.reshape(NW, NCH, CH, D), dst_r, zrows)

    fb = frag_batch.reshape(NN, 1)
    fbT = frag_batch.reshape(1, NN)
    gbT = graph_batch.reshape(1, NN)
    return _tc_final(acc1, gamma_1, beta_1, fb, fbT, gbT)

# --- scband reference (transcript-rebuilt; emitter-appended) ---
"""Pipeline reference for scband-gnn-76794015252673 (READ-ONLY COPY).

The authoritative reference and input builder live on the scoring server;
editing this copy changes nothing except your own understanding.
"""

import jax, jax.numpy as jnp
import numpy as np

N = 10000
E = 320000
DIN = 16
DH = 16
DE = 16
DEE = 64
NF = 256
NG = 64
EPS = 1e-5


def _xavier(key, shape, gain=float(np.sqrt(2.0))):
    a = gain * np.sqrt(6.0 / (shape[0] + shape[1]))
    return jax.random.uniform(key, shape, minval=-a, maxval=a, dtype=jnp.float32)


def setup_inputs(seed: int = 0):
    key = jax.random.key(seed)
    ks = jax.random.split(key, 12)
    inp = {}
    inp["x"] = jax.random.normal(ks[0], (N, DIN), dtype=jnp.float32)
    inp["edge_index"] = jax.random.randint(ks[1], (2, E), 0, N, dtype=jnp.int32)
    inp["edge_attr"] = jax.random.normal(ks[2], (E, DE), dtype=jnp.float32)
    inp["frag_batch"] = jnp.sort(jax.random.randint(ks[3], (N,), 0, NF, dtype=jnp.int32))
    inp["graph_batch"] = jnp.sort(jax.random.randint(ks[4], (N,), 0, NG, dtype=jnp.int32))
    # layer 0 edge-net MLP: DE -> DEE -> DIN*DH ; layer 1: DE -> DEE -> DH*DH
    inp["W1_0"] = _xavier(ks[5], (DE, DEE))
    inp["b1_0"] = jnp.zeros((DEE,), jnp.float32)
    inp["W2_0"] = _xavier(ks[6], (DEE, DIN * DH))
    inp["b2_0"] = jnp.zeros((DIN * DH,), jnp.float32)
    inp["gamma_0"] = jnp.ones((DH,), jnp.float32)
    inp["beta_0"] = jnp.zeros((DH,), jnp.float32)
    inp["W1_1"] = _xavier(ks[7], (DE, DEE))
    inp["b1_1"] = jnp.zeros((DEE,), jnp.float32)
    inp["W2_1"] = _xavier(ks[8], (DEE, DH * DH))
    inp["b2_1"] = jnp.zeros((DH * DH,), jnp.float32)
    inp["gamma_1"] = jnp.ones((DH,), jnp.float32)
    inp["beta_1"] = jnp.zeros((DH,), jnp.float32)
    return inp


def _nnconv(x, src, dst, edge_attr, W1, b1, W2, b2, din):
    # edge MLP -> per-edge weight matrix [E, din, DH] (PyG NNConv, root_weight=False, bias=False, aggr='add')
    h = jnp.maximum(edge_attr @ W1 + b1, 0.0)
    w = (h @ W2 + b2).reshape(-1, din, DH)
    xj = jnp.take(x, src, axis=0)
    msg = jnp.einsum('ei,eio->eo', xj, w)
    return jnp.zeros((x.shape[0], DH), x.dtype).at[dst].add(msg)


def _bn_relu(x, gamma, beta):
    # bn(F.relu(x)) with track_running_stats=False -> batch statistics, biased var
    x = jnp.maximum(x, 0.0)
    mu = jnp.mean(x, axis=0)
    var = jnp.var(x, axis=0)
    return (x - mu) / jnp.sqrt(var + EPS) * gamma + beta


def reference(x, edge_index, edge_attr, frag_batch, graph_batch,
              W1_0, b1_0, W2_0, b2_0, gamma_0, beta_0,
              W1_1, b1_1, W2_1, b2_1, gamma_1, beta_1):
    src = edge_index[0]
    dst = edge_index[1]
    x = _bn_relu(_nnconv(x, src, dst, edge_attr, W1_0, b1_0, W2_0, b2_0, DIN), gamma_0, beta_0)
    x = _bn_relu(_nnconv(x, src, dst, edge_attr, W1_1, b1_1, W2_1, b2_1, DH), gamma_1, beta_1)
    counts = jax.ops.segment_sum(jnp.ones_like(frag_batch), frag_batch, num_segments=NF)
    # repeat_interleave(counts, counts) on a sorted batch vector == counts[frag_batch]
    nodes_per_graph = jnp.take(counts, frag_batch)
    xn = x / nodes_per_graph[:, None].astype(x.dtype)
    output = jax.ops.segment_sum(xn, frag_batch, num_segments=NF)
    graph_output = jax.ops.segment_sum(xn, graph_batch, num_segments=NG)
    # readout is None since dim_output == dim_hidden
    return (output, graph_output)

if __name__ == "__main__":
    import jax
    _d = setup_inputs()
    print(jax.jit(kernel)(*tuple(_d.values())))

</pallas_src>

<mosaic_0001>
#map = affine_map<(d0, d1) -> (0, 0)>
#map1 = affine_map<(d0, d1) -> (0, 0, 0)>
#map2 = affine_map<(d0, d1) -> (0, 0, 0, 0)>
module attributes {stable_mosaic.version = 14 : i64} {
  func.func @gk(%arg0: i32, %arg1: i32, %arg2: memref<10000x16xf32, #tpu.memory_space<hbm>>, %arg3: memref<32x80x125xi32, #tpu.memory_space<hbm>>, %arg4: memref<32x80x125x16xf32, #tpu.memory_space<hbm>>, %arg5: memref<80x125xi32, #tpu.memory_space<vmem>>, %arg6: memref<8x125x16xf32, #tpu.memory_space<vmem>>, %arg7: memref<!tpu.dma_semaphore, #tpu.memory_space<semaphore_mem>>, %arg8: memref<!tpu.dma_semaphore, #tpu.memory_space<semaphore_mem>>) attributes {dimension_semantics = [#tpu.dimension_semantics<core_parallel>, #tpu.dimension_semantics<subcore_parallel>], iteration_bounds = array<i64: 2, 16>, scalar_prefetch = 0 : i64, scratch_operands = 4 : i64, tpu.core_type = #tpu.core_type<sc_vector_subcore>, window_params = [{transform_indices = #map}, {transform_indices = #map1}, {transform_indices = #map2}]} {
    %mul3A = arith.constant 16 : i32
    %mul3A_0 = arith.muli %arg0, %mul3A : i32
    %add3A = arith.addi %mul3A_0, %arg1 : i32
    "tpu.region"() ({
      %run_scoped3A = tpu.sem_alloc : memref<!tpu.dma_semaphore, #tpu.memory_space<semaphore_mem>>
      %dma_start3A = arith.constant 0 : i32
      %dma_start3A_6 = arith.constant 0 : i32
      %dma_start3A_7 = tpu.memref_slice %arg3[%add3A, %dma_start3A, %dma_start3A_6] : memref<32x80x125xi32, #tpu.memory_space<hbm>> -> memref<1x80x125xi32, #tpu.memory_space<hbm>>
      %dma_start3A_8 = tpu.memref_squeeze %dma_start3A_7 : memref<1x80x125xi32, #tpu.memory_space<hbm>> -> memref<80x125xi32, #tpu.memory_space<hbm>>
      %dma_start3A_9 = arith.constant 0 : i32
      %dma_start3A_10 = arith.constant 0 : i32
      %dma_start3A_11 = tpu.memref_slice %arg3[%add3A, %dma_start3A_9, %dma_start3A_10] : memref<32x80x125xi32, #tpu.memory_space<hbm>> -> memref<1x80x125xi32, #tpu.memory_space<hbm>>
      %dma_start3A_12 = tpu.memref_squeeze %dma_start3A_11 : memref<1x80x125xi32, #tpu.memory_space<hbm>> -> memref<80x125xi32, #tpu.memory_space<hbm>>
      tpu.enqueue_dma source(%dma_start3A_12 : memref<80x125xi32, #tpu.memory_space<hbm>>) target(%arg5 : memref<80x125xi32, #tpu.memory_space<vmem>>) target_semaphore(%run_scoped3A : memref<!tpu.dma_semaphore, #tpu.memory_space<semaphore_mem>>)
      %dma_wait3A = arith.constant 0 : i32
      %dma_wait3A_13 = arith.constant 0 : i32
      %dma_wait3A_14 = tpu.memref_slice %arg3[%add3A, %dma_wait3A, %dma_wait3A_13] : memref<32x80x125xi32, #tpu.memory_space<hbm>> -> memref<1x80x125xi32, #tpu.memory_space<hbm>>
      %dma_wait3A_15 = tpu.memref_squeeze %dma_wait3A_14 : memref<1x80x125xi32, #tpu.memory_space<hbm>> -> memref<80x125xi32, #tpu.memory_space<hbm>>
      %dma_wait3A_16 = arith.constant 0 : i32
      %dma_wait3A_17 = arith.constant 0 : i32
      %dma_wait3A_18 = tpu.memref_slice %arg3[%add3A, %dma_wait3A_16, %dma_wait3A_17] : memref<32x80x125xi32, #tpu.memory_space<hbm>> -> memref<1x80x125xi32, #tpu.memory_space<hbm>>
      %dma_wait3A_19 = tpu.memref_squeeze %dma_wait3A_18 : memref<1x80x125xi32, #tpu.memory_space<hbm>> -> memref<80x125xi32, #tpu.memory_space<hbm>>
      tpu.wait_dma2 semaphore(%run_scoped3A : memref<!tpu.dma_semaphore, #tpu.memory_space<semaphore_mem>>) src(%dma_wait3A_19 : memref<80x125xi32, #tpu.memory_space<hbm>>) dst(%arg5 : memref<80x125xi32, #tpu.memory_space<vmem>>)
      tpu.yield
    }) : () -> ()
    %scan3A = arith.constant 0 : i32
    %scan3A_1 = arith.constant 0 : i32
    %scan3A_2 = arith.constant 10 : i32
    %scan3A_3 = arith.addi %scan3A_1, %scan3A_2 : i32
    %scan3A_4 = arith.constant 1 : i32
    scf.for %scan3A_6 = %scan3A_1 to %scan3A_3 step %scan3A_4  : i32 {
      %mul3A_7 = arith.constant 8 : i32
      %mul3A_8 = arith.muli %scan3A_6, %mul3A_7 : i32
      %add3A_9 = arith.constant 0 : i32
      %add3A_10 = arith.addi %mul3A_8, %add3A_9 : i32
      %dma_start3A = arith.constant 0 : i32
      %dma_start3A_11 = arith.constant 0 : i32
      %dma_start3A_12 = arith.constant 0 : i32
      %dma_start3A_13 = tpu.memref_slice %arg6[%dma_start3A, %dma_start3A_11, %dma_start3A_12] : memref<8x125x16xf32, #tpu.memory_space<vmem>> -> memref<1x125x16xf32, #tpu.memory_space<vmem>>
      %dma_start3A_14 = tpu.memref_squeeze %dma_start3A_13 : memref<1x125x16xf32, #tpu.memory_space<vmem>> -> memref<125x16xf32, #tpu.memory_space<vmem>>
      %dma_start3A_15 = arith.constant 0 : i32
      %dma_start3A_16 = tpu.memref_slice %arg5[%add3A_10, %dma_start3A_15] : memref<80x125xi32, #tpu.memory_space<vmem>> -> memref<1x125xi32, #tpu.memory_space<vmem>>
      %dma_start3A_17 = tpu.memref_squeeze %dma_start3A_16 : memref<1x125xi32, #tpu.memory_space<vmem>> -> memref<125xi32, #tpu.memory_space<vmem>>
      %dma_start3A_18 = arith.constant 0 : i32
      %dma_start3A_19 = arith.constant 0 : i32
      %dma_start3A_20 = tpu.memref_slice %arg2[%dma_start3A_18, %dma_start3A_19] : memref<10000x16xf32, #tpu.memory_space<hbm>> -> memref<10000x16xf32, #tpu.memory_space<hbm>>
      tpu.enqueue_indirect_dma source(%dma_start3A_20 : memref<10000x16xf32, #tpu.memory_space<hbm>>) target(%dma_start3A_14 : memref<125x16xf32, #tpu.memory_space<vmem>>) offsets(%dma_start3A_17 : memref<125xi32, #tpu.memory_space<vmem>>) semaphore(%arg7 : memref<!tpu.dma_semaphore, #tpu.memory_space<semaphore_mem>>)
      %mul3A_21 = arith.constant 8 : i32
      %mul3A_22 = arith.muli %scan3A_6, %mul3A_21 : i32
      %add3A_23 = arith.constant 1 : i32
      %add3A_24 = arith.addi %mul3A_22, %add3A_23 : i32
      %dma_start3A_25 = arith.constant 1 : i32
      %dma_start3A_26 = arith.constant 0 : i32
      %dma_start3A_27 = arith.constant 0 : i32
      %dma_start3A_28 = tpu.memref_slice %arg6[%dma_start3A_25, %dma_start3A_26, %dma_start3A_27] : memref<8x125x16xf32, #tpu.memory_space<vmem>> -> memref<1x125x16xf32, #tpu.memory_space<vmem>>
      %dma_start3A_29 = tpu.memref_squeeze %dma_start3A_28 : memref<1x125x16xf32, #tpu.memory_space<vmem>> -> memref<125x16xf32, #tpu.memory_space<vmem>>
      %dma_start3A_30 = arith.constant 0 : i32
      %dma_start3A_31 = tpu.memref_slice %arg5[%add3A_24, %dma_start3A_30] : memref<80x125xi32, #tpu.memory_space<vmem>> -> memref<1x125xi32, #tpu.memory_space<vmem>>
      %dma_start3A_32 = tpu.memref_squeeze %dma_start3A_31 : memref<1x125xi32, #tpu.memory_space<vmem>> -> memref<125xi32, #tpu.memory_space<vmem>>
      %dma_start3A_33 = arith.constant 0 : i32
      %dma_start3A_34 = arith.constant 0 : i32
      %dma_start3A_35 = tpu.memref_slice %arg2[%dma_start3A_33, %dma_start3A_34] : memref<10000x16xf32, #tpu.memory_space<hbm>> -> memref<10000x16xf32, #tpu.memory_space<hbm>>
      tpu.enqueue_indirect_dma source(%dma_start3A_35 : memref<10000x16xf32, #tpu.memory_space<hbm>>) target(%dma_start3A_29 : memref<125x16xf32, #tpu.memory_space<vmem>>) offsets(%dma_start3A_32 : memref<125xi32, #tpu.memory_space<vmem>>) semaphore(%arg7 : memref<!tpu.dma_semaphore, #tpu.memory_space<semaphore_mem>>)
      %mul3A_36 = arith.constant 8 : i32
      %mul3A_37 = arith.muli %scan3A_6, %mul3A_36 : i32
      %add3A_38 = arith.constant 2 : i32
      %add3A_39 = arith.addi %mul3A_37, %add3A_38 : i32
      %dma_start3A_40 = arith.constant 2 : i32
      %dma_start3A_41 = arith.constant 0 : i32
      %dma_start3A_42 = arith.constant 0 : i32
      %dma_start3A_43 = tpu.memref_slice %arg6[%dma_start3A_40, %dma_start3A_41, %dma_start3A_42] : memref<8x125x16xf32, #tpu.memory_space<vmem>> -> memref<1x125x16xf32, #tpu.memory_space<vmem>>
      %dma_start3A_44 = tpu.memref_squeeze %dma_start3A_43 : memref<1x125x16xf32, #tpu.memory_space<vmem>> -> memref<125x16xf32, #tpu.memory_space<vmem>>
      %dma_start3A_45 = arith.constant 0 : i32
      %dma_start3A_46 = tpu.memref_slice %arg5[%add3A_39, %dma_start3A_45] : memref<80x125xi32, #tpu.memory_space<vmem>> -> memref<1x125xi32, #tpu.memory_space<vmem>>
      %dma_start3A_47 = tpu.memref_squeeze %dma_start3A_46 : memref<1x125xi32, #tpu.memory_space<vmem>> -> memref<125xi32, #tpu.memory_space<vmem>>
      %dma_start3A_48 = arith.constant 0 : i32
      %dma_start3A_49 = arith.constant 0 : i32
      %dma_start3A_50 = tpu.memref_slice %arg2[%dma_start3A_48, %dma_start3A_49] : memref<10000x16xf32, #tpu.memory_space<hbm>> -> memref<10000x16xf32, #tpu.memory_space<hbm>>
      tpu.enqueue_indirect_dma source(%dma_start3A_50 : memref<10000x16xf32, #tpu.memory_space<hbm>>) target(%dma_start3A_44 : memref<125x16xf32, #tpu.memory_space<vmem>>) offsets(%dma_start3A_47 : memref<125xi32, #tpu.memory_space<vmem>>) semaphore(%arg7 : memref<!tpu.dma_semaphore, #tpu.memory_space<semaphore_mem>>)
      %mul3A_51 = arith.constant 8 : i32
      %mul3A_52 = arith.muli %scan3A_6, %mul3A_51 : i32
      %add3A_53 = arith.constant 3 : i32
      %add3A_54 = arith.addi %mul3A_52, %add3A_53 : i32
      %dma_start3A_55 = arith.constant 3 : i32
      %dma_start3A_56 = arith.constant 0 : i32
      %dma_start3A_57 = arith.constant 0 : i32
      %dma_start3A_58 = tpu.memref_slice %arg6[%dma_start3A_55, %dma_start3A_56, %dma_start3A_57] : memref<8x125x16xf32, #tpu.memory_space<vmem>> -> memref<1x125x16xf32, #tpu.memory_space<vmem>>
      %dma_start3A_59 = tpu.memref_squeeze %dma_start3A_58 : memref<1x125x16xf32, #tpu.memory_space<vmem>> -> memref<125x16xf32, #tpu.memory_space<vmem>>
      %dma_start3A_60 = arith.constant 0 : i32
      %dma_start3A_61 = tpu.memref_slice %arg5[%add3A_54, %dma_start3A_60] : memref<80x125xi32, #tpu.memory_space<vmem>> -> memref<1x125xi32, #tpu.memory_space<vmem>>
      %dma_start3A_62 = tpu.memref_squeeze %dma_start3A_61 : memref<1x125xi32, #tpu.memory_space<vmem>> -> memref<125xi32, #tpu.memory_space<vmem>>
      %dma_start3A_63 = arith.constant 0 : i32
      %dma_start3A_64 = arith.constant 0 : i32
      %dma_start3A_65 = tpu.memref_slice %arg2[%dma_start3A_63, %dma_start3A_64] : memref<10000x16xf32, #tpu.memory_space<hbm>> -> memref<10000x16xf32, #tpu.memory_space<hbm>>
      tpu.enqueue_indirect_dma source(%dma_start3A_65 : memref<10000x16xf32, #tpu.memory_space<hbm>>) target(%dma_start3A_59 : memref<125x16xf32, #tpu.memory_space<vmem>>) offsets(%dma_start3A_62 : memref<125xi32, #tpu.memory_space<vmem>>) semaphore(%arg7 : memref<!tpu.dma_semaphore, #tpu.memory_space<semaphore_mem>>)
      %mul3A_66 = arith.constant 8 : i32
      %mul3A_67 = arith.muli %scan3A_6, %mul3A_66 : i32
      %add3A_68 = arith.constant 4 : i32
      %add3A_69 = arith.addi %mul3A_67, %add3A_68 : i32
      %dma_start3A_70 = arith.constant 4 : i32
      %dma_start3A_71 = arith.constant 0 : i32
      %dma_start3A_72 = arith.constant 0 : i32
      %dma_start3A_73 = tpu.memref_slice %arg6[%dma_start3A_70, %dma_start3A_71, %dma_start3A_72] : memref<8x125x16xf32, #tpu.memory_space<vmem>> -> memref<1x125x16xf32, #tpu.memory_space<vmem>>
      %dma_start3A_74 = tpu.memref_squeeze %dma_start3A_73 : memref<1x125x16xf32, #tpu.memory_space<vmem>> -> memref<125x16xf32, #tpu.memory_space<vmem>>
      %dma_start3A_75 = arith.constant 0 : i32
      %dma_start3A_76 = tpu.memref_slice %arg5[%add3A_69, %dma_start3A_75] : memref<80x125xi32, #tpu.memory_space<vmem>> -> memref<1x125xi32, #tpu.memory_space<vmem>>
      %dma_start3A_77 = tpu.memref_squeeze %dma_start3A_76 : memref<1x125xi32, #tpu.memory_space<vmem>> -> memref<125xi32, #tpu.memory_space<vmem>>
      %dma_start3A_78 = arith.constant 0 : i32
      %dma_start3A_79 = arith.constant 0 : i32
      %dma_start3A_80 = tpu.memref_slice %arg2[%dma_start3A_78, %dma_start3A_79] : memref<10000x16xf32, #tpu.memory_space<hbm>> -> memref<10000x16xf32, #tpu.memory_space<hbm>>
      tpu.enqueue_indirect_dma source(%dma_start3A_80 : memref<10000x16xf32, #tpu.memory_space<hbm>>) target(%dma_start3A_74 : memref<125x16xf32, #tpu.memory_space<vmem>>) offsets(%dma_start3A_77 : memref<125xi32, #tpu.memory_space<vmem>>) semaphore(%arg7 : memref<!tpu.dma_semaphore, #tpu.memory_space<semaphore_mem>>)
      %mul3A_81 = arith.constant 8 : i32
      %mul3A_82 = arith.muli %scan3A_6, %mul3A_81 : i32
      %add3A_83 = arith.constant 5 : i32
      %add3A_84 = arith.addi %mul3A_82, %add3A_83 : i32
      %dma_start3A_85 = arith.constant 5 : i32
      %dma_start3A_86 = arith.constant 0 : i32
      %dma_start3A_87 = arith.constant 0 : i32
      %dma_start3A_88 = tpu.memref_slice %arg6[%dma_start3A_85, %dma_start3A_86, %dma_start3A_87] : memref<8x125x16xf32, #tpu.memory_space<vmem>> -> memref<1x125x16xf32, #tpu.memory_space<vmem>>
      %dma_start3A_89 = tpu.memref_squeeze %dma_start3A_88 : memref<1x125x16xf32, #tpu.memory_space<vmem>> -> memref<125x16xf32, #tpu.memory_space<vmem>>
      %dma_start3A_90 = arith.constant 0 : i32
      %dma_start3A_91 = tpu.memref_slice %arg5[%add3A_84, %dma_start3A_90] : memref<80x125xi32, #tpu.memory_space<vmem>> -> memref<1x125xi32, #tpu.memory_space<vmem>>
      %dma_start3A_92 = tpu.memref_squeeze %dma_start3A_91 : memref<1x125xi32, #tpu.memory_space<vmem>> -> memref<125xi32, #tpu.memory_space<vmem>>
      %dma_start3A_93 = arith.constant 0 : i32
      %dma_start3A_94 = arith.constant 0 : i32
      %dma_start3A_95 = tpu.memref_slice %arg2[%dma_start3A_93, %dma_start3A_94] : memref<10000x16xf32, #tpu.memory_space<hbm>> -> memref<10000x16xf32, #tpu.memory_space<hbm>>
      tpu.enqueue_indirect_dma source(%dma_start3A_95 : memref<10000x16xf32, #tpu.memory_space<hbm>>) target(%dma_start3A_89 : memref<125x16xf32, #tpu.memory_space<vmem>>) offsets(%dma_start3A_92 : memref<125xi32, #tpu.memory_space<vmem>>) semaphore(%arg7 : memref<!tpu.dma_semaphore, #tpu.memory_space<semaphore_mem>>)
      %mul3A_96 = arith.constant 8 : i32
      %mul3A_97 = arith.muli %scan3A_6, %mul3A_96 : i32
      %add3A_98 = arith.constant 6 : i32
      %add3A_99 = arith.addi %mul3A_97, %add3A_98 : i32
      %dma_start3A_100 = arith.constant 6 : i32
      %dma_start3A_101 = arith.constant 0 : i32
      %dma_start3A_102 = arith.constant 0 : i32
      %dma_start3A_103 = tpu.memref_slice %arg6[%dma_start3A_100, %dma_start3A_101, %dma_start3A_102] : memref<8x125x16xf32, #tpu.memory_space<vmem>> -> memref<1x125x16xf32, #tpu.memory_space<vmem>>
      %dma_start3A_104 = tpu.memref_squeeze %dma_start3A_103 : memref<1x125x16xf32, #tpu.memory_space<vmem>> -> memref<125x16xf32, #tpu.memory_space<vmem>>
      %dma_start3A_105 = arith.constant 0 : i32
      %dma_start3A_106 = tpu.memref_slice %arg5[%add3A_99, %dma_start3A_105] : memref<80x125xi32, #tpu.memory_space<vmem>> -> memref<1x125xi32, #tpu.memory_space<vmem>>
      %dma_start3A_107 = tpu.memref_squeeze %dma_start3A_106 : memref<1x125xi32, #tpu.memory_space<vmem>> -> memref<125xi32, #tpu.memory_space<vmem>>
      %dma_start3A_108 = arith.constant 0 : i32
      %dma_start3A_109 = arith.constant 0 : i32
      %dma_start3A_110 = tpu.memref_slice %arg2[%dma_start3A_108, %dma_start3A_109] : memref<10000x16xf32, #tpu.memory_space<hbm>> -> memref<10000x16xf32, #tpu.memory_space<hbm>>
      tpu.enqueue_indirect_dma source(%dma_start3A_110 : memref<10000x16xf32, #tpu.memory_space<hbm>>) target(%dma_start3A_104 : memref<125x16xf32, #tpu.memory_space<vmem>>) offsets(%dma_start3A_107 : memref<125xi32, #tpu.memory_space<vmem>>) semaphore(%arg7 : memref<!tpu.dma_semaphore, #tpu.memory_space<semaphore_mem>>)
      %mul3A_111 = arith.constant 8 : i32
      %mul3A_112 = arith.muli %scan3A_6, %mul3A_111 : i32
      %add3A_113 = arith.constant 7 : i32
      %add3A_114 = arith.addi %mul3A_112, %add3A_113 : i32
      %dma_start3A_115 = arith.constant 7 : i32
      %dma_start3A_116 = arith.constant 0 : i32
      %dma_start3A_117 = arith.constant 0 : i32
      %dma_start3A_118 = tpu.memref_slice %arg6[%dma_start3A_115, %dma_start3A_116, %dma_start3A_117] : memref<8x125x16xf32, #tpu.memory_space<vmem>> -> memref<1x125x16xf32, #tpu.memory_space<vmem>>
      %dma_start3A_119 = tpu.memref_squeeze %dma_start3A_118 : memref<1x125x16xf32, #tpu.memory_space<vmem>> -> memref<125x16xf32, #tpu.memory_space<vmem>>
      %dma_start3A_120 = arith.constant 0 : i32
      %dma_start3A_121 = tpu.memref_slice %arg5[%add3A_114, %dma_start3A_120] : memref<80x125xi32, #tpu.memory_space<vmem>> -> memref<1x125xi32, #tpu.memory_space<vmem>>
      %dma_start3A_122 = tpu.memref_squeeze %dma_start3A_121 : memref<1x125xi32, #tpu.memory_space<vmem>> -> memref<125xi32, #tpu.memory_space<vmem>>
      %dma_start3A_123 = arith.constant 0 : i32
      %dma_start3A_124 = arith.constant 0 : i32
      %dma_start3A_125 = tpu.memref_slice %arg2[%dma_start3A_123, %dma_start3A_124] : memref<10000x16xf32, #tpu.memory_space<hbm>> -> memref<10000x16xf32, #tpu.memory_space<hbm>>
      tpu.enqueue_indirect_dma source(%dma_start3A_125 : memref<10000x16xf32, #tpu.memory_space<hbm>>) target(%dma_start3A_119 : memref<125x16xf32, #tpu.memory_space<vmem>>) offsets(%dma_start3A_122 : memref<125xi32, #tpu.memory_space<vmem>>) semaphore(%arg7 : memref<!tpu.dma_semaphore, #tpu.memory_space<semaphore_mem>>)
      %mul3A_126 = arith.constant 8 : i32
      %mul3A_127 = arith.muli %scan3A_6, %mul3A_126 : i32
      %add3A_128 = arith.constant 0 : i32
      %add3A_129 = arith.addi %mul3A_127, %add3A_128 : i32
      %dma_wait3A = arith.constant 0 : i32
      %dma_wait3A_130 = arith.constant 0 : i32
      %dma_wait3A_131 = arith.constant 0 : i32
      %dma_wait3A_132 = tpu.memref_slice %arg6[%dma_wait3A, %dma_wait3A_130, %dma_wait3A_131] : memref<8x125x16xf32, #tpu.memory_space<vmem>> -> memref<1x125x16xf32, #tpu.memory_space<vmem>>
      %dma_wait3A_133 = tpu.memref_squeeze %dma_wait3A_132 : memref<1x125x16xf32, #tpu.memory_space<vmem>> -> memref<125x16xf32, #tpu.memory_space<vmem>>
      %dma_wait3A_134 = arith.constant 0 : i32
      %dma_wait3A_135 = tpu.memref_slice %arg5[%add3A_129, %dma_wait3A_134] : memref<80x125xi32, #tpu.memory_space<vmem>> -> memref<1x125xi32, #tpu.memory_space<vmem>>
      %dma_wait3A_136 = tpu.memref_squeeze %dma_wait3A_135 : memref<1x125xi32, #tpu.memory_space<vmem>> -> memref<125xi32, #tpu.memory_space<vmem>>
      %dma_wait3A_137 = arith.constant 0 : i32
      %dma_wait3A_138 = arith.constant 0 : i32
      %dma_wait3A_139 = tpu.memref_slice %arg2[%dma_wait3A_137, %dma_wait3A_138] : memref<10000x16xf32, #tpu.memory_space<hbm>> -> memref<10000x16xf32, #tpu.memory_space<hbm>>
      tpu.wait_indirect_dma semaphore(%arg7 : memref<!tpu.dma_semaphore, #tpu.memory_space<semaphore_mem>>) src(%dma_wait3A_139 : memref<10000x16xf32, #tpu.memory_space<hbm>>) dst(%dma_wait3A_133 : memref<125x16xf32, #tpu.memory_space<vmem>>)
      %dma_start3A_140 = arith.constant 0 : i32
      %dma_start3A_141 = arith.constant 0 : i32
      %dma_start3A_142 = arith.constant 0 : i32
      %dma_start3A_143 = tpu.memref_slice %arg6[%dma_start3A_140, %dma_start3A_141, %dma_start3A_142] : memref<8x125x16xf32, #tpu.memory_space<vmem>> -> memref<1x125x16xf32, #tpu.memory_space<vmem>>
      %dma_start3A_144 = tpu.memref_squeeze %dma_start3A_143 : memref<1x125x16xf32, #tpu.memory_space<vmem>> -> memref<125x16xf32, #tpu.memory_space<vmem>>
      %dma_start3A_145 = arith.constant 0 : i32
      %dma_start3A_146 = arith.constant 0 : i32
      %dma_start3A_147 = tpu.memref_slice %arg4[%add3A, %add3A_129, %dma_start3A_145, %dma_start3A_146] : memref<32x80x125x16xf32, #tpu.memory_space<hbm>> -> memref<1x1x125x16xf32, #tpu.memory_space<hbm>>
      %dma_start3A_148 = tpu.memref_squeeze %dma_start3A_147 : memref<1x1x125x16xf32, #tpu.memory_space<hbm>> -> memref<125x16xf32, #tpu.memory_space<hbm>>
      %dma_start3A_149 = arith.constant 0 : i32
      %dma_start3A_150 = arith.constant 0 : i32
      %dma_start3A_151 = tpu.memref_slice %arg4[%add3A, %add3A_129, %dma_start3A_149, %dma_start3A_150] : memref<32x80x125x16xf32, #tpu.memory_space<hbm>> -> memref<1x1x125x16xf32, #tpu.memory_space<hbm>>
      %dma_start3A_152 = tpu.memref_squeeze %dma_start3A_151 : memref<1x1x125x16xf32, #tpu.memory_space<hbm>> -> memref<125x16xf32, #tpu.memory_space<hbm>>
      %dma_start3A_153 = arith.constant 0 : i32
      %dma_start3A_154 = arith.constant 0 : i32
      %dma_start3A_155 = tpu.memref_slice %arg6[%dma_start3A_140, %dma_start3A_153, %dma_start3A_154] : memref<8x125x16xf32, #tpu.memory_space<vmem>> -> memref<1x125x16xf32, #tpu.memory_space<vmem>>
      %dma_start3A_156 = tpu.memref_squeeze %dma_start3A_155 : memref<1x125x16xf32, #tpu.memory_space<vmem>> -> memref<125x16xf32, #tpu.memory_space<vmem>>
      tpu.enqueue_dma source(%dma_start3A_156 : memref<125x16xf32, #tpu.memory_space<vmem>>) target(%dma_start3A_152 : memref<125x16xf32, #tpu.memory_space<hbm>>) target_semaphore(%arg8 : memref<!tpu.dma_semaphore, #tpu.memory_space<semaphore_mem>>)
      %mul3A_157 = arith.constant 8 : i32
      %mul3A_158 = arith.muli %scan3A_6, %mul3A_157 : i32
      %add3A_159 = arith.constant 1 : i32
      %add3A_160 = arith.addi %mul3A_158, %add3A_159 : i32
      %dma_wait3A_161 = arith.constant 1 : i32
      %dma_wait3A_162 = arith.constant 0 : i32
      %dma_wait3A_163 = arith.constant 0 : i32
      %dma_wait3A_164 = tpu.memref_slice %arg6[%dma_wait3A_161, %dma_wait3A_162, %dma_wait3A_163] : memref<8x125x16xf32, #tpu.memory_space<vmem>> -> memref<1x125x16xf32, #tpu.memory_space<vmem>>
      %dma_wait3A_165 = tpu.memref_squeeze %dma_wait3A_164 : memref<1x125x16xf32, #tpu.memory_space<vmem>> -> memref<125x16xf32, #tpu.memory_space<vmem>>
      %dma_wait3A_166 = arith.constant 0 : i32
      %dma_wait3A_167 = tpu.memref_slice %arg5[%add3A_160, %dma_wait3A_166] : memref<80x125xi32, #tpu.memory_space<vmem>> -> memref<1x125xi32, #tpu.memory_space<vmem>>
      %dma_wait3A_168 = tpu.memref_squeeze %dma_wait3A_167 : memref<1x125xi32, #tpu.memory_space<vmem>> -> memref<125xi32, #tpu.memory_space<vmem>>
      %dma_wait3A_169 = arith.constant 0 : i32
      %dma_wait3A_170 = arith.constant 0 : i32
      %dma_wait3A_171 = tpu.memref_slice %arg2[%dma_wait3A_169, %dma_wait3A_170] : memref<10000x16xf32, #tpu.memory_space<hbm>> -> memref<10000x16xf32, #tpu.memory_space<hbm>>
      tpu.wait_indirect_dma semaphore(%arg7 : memref<!tpu.dma_semaphore, #tpu.memory_space<semaphore_mem>>) src(%dma_wait3A_171 : memref<10000x16xf32, #tpu.memory_space<hbm>>) dst(%dma_wait3A_165 : memref<125x16xf32, #tpu.memory_space<vmem>>)
      %dma_start3A_172 = arith.constant 1 : i32
      %dma_start3A_173 = arith.constant 0 : i32
      %dma_start3A_174 = arith.constant 0 : i32
      %dma_start3A_175 = tpu.memref_slice %arg6[%dma_start3A_172, %dma_start3A_173, %dma_start3A_174] : memref<8x125x16xf32, #tpu.memory_space<vmem>> -> memref<1x125x16xf32, #tpu.memory_space<vmem>>
      %dma_start3A_176 = tpu.memref_squeeze %dma_start3A_175 : memref<1x125x16xf32, #tpu.memory_space<vmem>> -> memref<125x16xf32, #tpu.memory_space<vmem>>
      %dma_start3A_177 = arith.constant 0 : i32
      %dma_start3A_178 = arith.constant 0 : i32
      %dma_start3A_179 = tpu.memref_slice %arg4[%add3A, %add3A_160, %dma_start3A_177, %dma_start3A_178] : memref<32x80x125x16xf32, #tpu.memory_space<hbm>> -> memref<1x1x125x16xf32, #tpu.memory_space<hbm>>
      %dma_start3A_180 = tpu.memref_squeeze %dma_start3A_179 : memref<1x1x125x16xf32, #tpu.memory_space<hbm>> -> memref<125x16xf32, #tpu.memory_space<hbm>>
      %dma_start3A_181 = arith.constant 0 : i32
      %dma_start3A_182 = arith.constant 0 : i32
      %dma_start3A_183 = tpu.memref_slice %arg4[%add3A, %add3A_160, %dma_start3A_181, %dma_start3A_182] : memref<32x80x125x16xf32, #tpu.memory_space<hbm>> -> memref<1x1x125x16xf32, #tpu.memory_space<hbm>>
      %dma_start3A_184 = tpu.memref_squeeze %dma_start3A_183 : memref<1x1x125x16xf32, #tpu.memory_space<hbm>> -> memref<125x16xf32, #tpu.memory_space<hbm>>
      %dma_start3A_185 = arith.constant 0 : i32
      %dma_start3A_186 = arith.constant 0 : i32
      %dma_start3A_187 = tpu.memref_slice %arg6[%dma_start3A_172, %dma_start3A_185, %dma_start3A_186] : memref<8x125x16xf32, #tpu.memory_space<vmem>> -> memref<1x125x16xf32, #tpu.memory_space<vmem>>
      %dma_start3A_188 = tpu.memref_squeeze %dma_start3A_187 : memref<1x125x16xf32, #tpu.memory_space<vmem>> -> memref<125x16xf32, #tpu.memory_space<vmem>>
      tpu.enqueue_dma source(%dma_start3A_188 : memref<125x16xf32, #tpu.memory_space<vmem>>) target(%dma_start3A_184 : memref<125x16xf32, #tpu.memory_space<hbm>>) target_semaphore(%arg8 : memref<!tpu.dma_semaphore, #tpu.memory_space<semaphore_mem>>)
      %mul3A_189 = arith.constant 8 : i32
      %mul3A_190 = arith.muli %scan3A_6, %mul3A_189 : i32
      %add3A_191 = arith.constant 2 : i32
      %add3A_192 = arith.addi %mul3A_190, %add3A_191 : i32
      %dma_wait3A_193 = arith.constant 2 : i32
      %dma_wait3A_194 = arith.constant 0 : i32
      %dma_wait3A_195 = arith.constant 0 : i32
      %dma_wait3A_196 = tpu.memref_slice %arg6[%dma_wait3A_193, %dma_wait3A_194, %dma_wait3A_195] : memref<8x125x16xf32, #tpu.memory_space<vmem>> -> memref<1x125x16xf32, #tpu.memory_space<vmem>>
      %dma_wait3A_197 = tpu.memref_squeeze %dma_wait3A_196 : memref<1x125x16xf32, #tpu.memory_space<vmem>> -> memref<125x16xf32, #tpu.memory_space<vmem>>
      %dma_wait3A_198 = arith.constant 0 : i32
      %dma_wait3A_199 = tpu.memref_slice %arg5[%add3A_192, %dma_wait3A_198] : memref<80x125xi32, #tpu.memory_space<vmem>> -> memref<1x125xi32, #tpu.memory_space<vmem>>
      %dma_wait3A_200 = tpu.memref_squeeze %dma_wait3A_199 : memref<1x125xi32, #tpu.memory_space<vmem>> -> memref<125xi32, #tpu.memory_space<vmem>>
      %dma_wait3A_201 = arith.constant 0 : i32
      %dma_wait3A_202 = arith.constant 0 : i32
      %dma_wait3A_203 = tpu.memref_slice %arg2[%dma_wait3A_201, %dma_wait3A_202] : memref<10000x16xf32, #tpu.memory_space<hbm>> -> memref<10000x16xf32, #tpu.memory_space<hbm>>
      tpu.wait_indirect_dma semaphore(%arg7 : memref<!tpu.dma_semaphore, #tpu.memory_space<semaphore_mem>>) src(%dma_wait3A_203 : memref<10000x16xf32, #tpu.memory_space<hbm>>) dst(%dma_wait3A_197 : memref<125x16xf32, #tpu.memory_space<vmem>>)
      %dma_start3A_204 = arith.constant 2 : i32
      %dma_start3A_205 = arith.constant 0 : i32
      %dma_start3A_206 = arith.constant 0 : i32
      %dma_start3A_207 = tpu.memref_slice %arg6[%dma_start3A_204, %dma_start3A_205, %dma_start3A_206] : memref<8x125x16xf32, #tpu.memory_space<vmem>> -> memref<1x125x16xf32, #tpu.memory_space<vmem>>
      %dma_start3A_208 = tpu.memref_squeeze %dma_start3A_207 : memref<1x125x16xf32, #tpu.memory_space<vmem>> -> memref<125x16xf32, #tpu.memory_space<vmem>>
      %dma_start3A_209 = arith.constant 0 : i32
      %dma_start3A_210 = arith.constant 0 : i32
      %dma_start3A_211 = tpu.memref_slice %arg4[%add3A, %add3A_192, %dma_start3A_209, %dma_start3A_210] : memref<32x80x125x16xf32, #tpu.memory_space<hbm>> -> memref<1x1x125x16xf32, #tpu.memory_space<hbm>>
      %dma_start3A_212 = tpu.memref_squeeze %dma_start3A_211 : memref<1x1x125x16xf32, #tpu.memory_space<hbm>> -> memref<125x16xf32, #tpu.memory_space<hbm>>
      %dma_start3A_213 = arith.constant 0 : i32
      %dma_start3A_214 = arith.constant 0 : i32
      %dma_start3A_215 = tpu.memref_slice %arg4[%add3A, %add3A_192, %dma_start3A_213, %dma_start3A_214] : memref<32x80x125x16xf32, #tpu.memory_space<hbm>> -> memref<1x1x125x16xf32, #tpu.memory_space<hbm>>
      %dma_start3A_216 = tpu.memref_squeeze %dma_start3A_215 : memref<1x1x125x16xf32, #tpu.memory_space<hbm>> -> memref<125x16xf32, #tpu.memory_space<hbm>>
      %dma_start3A_217 = arith.constant 0 : i32
      %dma_start3A_218 = arith.constant 0 : i32
      %dma_start3A_219 = tpu.memref_slice %arg6[%dma_start3A_204, %dma_start3A_217, %dma_start3A_218] : memref<8x125x16xf32, #tpu.memory_space<vmem>> -> memref<1x125x16xf32, #tpu.memory_space<vmem>>
      %dma_start3A_220 = tpu.memref_squeeze %dma_start3A_219 : memref<1x125x16xf32, #tpu.memory_space<vmem>> -> memref<125x16xf32, #tpu.memory_space<vmem>>
      tpu.enqueue_dma source(%dma_start3A_220 : memref<125x16xf32, #tpu.memory_space<vmem>>) target(%dma_start3A_216 : memref<125x16xf32, #tpu.memory_space<hbm>>) target_semaphore(%arg8 : memref<!tpu.dma_semaphore, #tpu.memory_space<semaphore_mem>>)
      %mul3A_221 = arith.constant 8 : i32
      %mul3A_222 = arith.muli %scan3A_6, %mul3A_221 : i32
      %add3A_223 = arith.constant 3 : i32
      %add3A_224 = arith.addi %mul3A_222, %add3A_223 : i32
      %dma_wait3A_225 = arith.constant 3 : i32
      %dma_wait3A_226 = arith.constant 0 : i32
      %dma_wait3A_227 = arith.constant 0 : i32
      %dma_wait3A_228 = tpu.memref_slice %arg6[%dma_wait3A_225, %dma_wait3A_226, %dma_wait3A_227] : memref<8x125x16xf32, #tpu.memory_space<vmem>> -> memref<1x125x16xf32, #tpu.memory_space<vmem>>
      %dma_wait3A_229 = tpu.memref_squeeze %dma_wait3A_228 : memref<1x125x16xf32, #tpu.memory_space<vmem>> -> memref<125x16xf32, #tpu.memory_space<vmem>>
      %dma_wait3A_230 = arith.constant 0 : i32
      %dma_wait3A_231 = tpu.memref_slice %arg5[%add3A_224, %dma_wait3A_230] : memref<80x125xi32, #tpu.memory_space<vmem>> -> memref<1x125xi32, #tpu.memory_space<vmem>>
      %dma_wait3A_232 = tpu.memref_squeeze %dma_wait3A_231 : memref<1x125xi32, #tpu.memory_space<vmem>> -> memref<125xi32, #tpu.memory_space<vmem>>
      %dma_wait3A_233 = arith.constant 0 : i32
      %dma_wait3A_234 = arith.constant 0 : i32
      %dma_wait3A_235 = tpu.memref_slice %arg2[%dma_wait3A_233, %dma_wait3A_234] : memref<10000x16xf32, #tpu.memory_space<hbm>> -> memref<10000x16xf32, #tpu.memory_space<hbm>>
      tpu.wait_indirect_dma semaphore(%arg7 : memref<!tpu.dma_semaphore, #tpu.memory_space<semaphore_mem>>) src(%dma_wait3A_235 : memref<10000x16xf32, #tpu.memory_space<hbm>>) dst(%dma_wait3A_229 : memref<125x16xf32, #tpu.memory_space<vmem>>)
      %dma_start3A_236 = arith.constant 3 : i32
      %dma_start3A_237 = arith.constant 0 : i32
      %dma_start3A_238 = arith.constant 0 : i32
      %dma_start3A_239 = tpu.memref_slice %arg6[%dma_start3A_236, %dma_start3A_237, %dma_start3A_238] : memref<8x125x16xf32, #tpu.memory_space<vmem>> -> memref<1x125x16xf32, #tpu.memory_space<vmem>>
      %dma_start3A_240 = tpu.memref_squeeze %dma_start3A_239 : memref<1x125x16xf32, #tpu.memory_space<vmem>> -> memref<125x16xf32, #tpu.memory_space<vmem>>
      %dma_start3A_241 = arith.constant 0 : i32
      %dma_start3A_242 = arith.constant 0 : i32
      %dma_start3A_243 = tpu.memref_slice %arg4[%add3A, %add3A_224, %dma_start3A_241, %dma_start3A_242] : memref<32x80x125x16xf32, #tpu.memory_space<hbm>> -> memref<1x1x125x16xf32, #tpu.memory_space<hbm>>
      %dma_start3A_244 = tpu.memref_squeeze %dma_start3A_243 : memref<1x1x125x16xf32, #tpu.memory_space<hbm>> -> memref<125x16xf32, #tpu.memory_space<hbm>>
      %dma_start3A_245 = arith.constant 0 : i32
      %dma_start3A_246 = arith.constant 0 : i32
      %dma_start3A_247 = tpu.memref_slice %arg4[%add3A, %add3A_224, %dma_start3A_245, %dma_start3A_246] : memref<32x80x125x16xf32, #tpu.memory_space<hbm>> -> memref<1x1x125x16xf32, #tpu.memory_space<hbm>>
      %dma_start3A_248 = tpu.memref_squeeze %dma_start3A_247 : memref<1x1x125x16xf32, #tpu.memory_space<hbm>> -> memref<125x16xf32, #tpu.memory_space<hbm>>
      %dma_start3A_249 = arith.constant 0 : i32
      %dma_start3A_250 = arith.constant 0 : i32
      %dma_start3A_251 = tpu.memref_slice %arg6[%dma_start3A_236, %dma_start3A_249, %dma_start3A_250] : memref<8x125x16xf32, #tpu.memory_space<vmem>> -> memref<1x125x16xf32, #tpu.memory_space<vmem>>
      %dma_start3A_252 = tpu.memref_squeeze %dma_start3A_251 : memref<1x125x16xf32, #tpu.memory_space<vmem>> -> memref<125x16xf32, #tpu.memory_space<vmem>>
      tpu.enqueue_dma source(%dma_start3A_252 : memref<125x16xf32, #tpu.memory_space<vmem>>) target(%dma_start3A_248 : memref<125x16xf32, #tpu.memory_space<hbm>>) target_semaphore(%arg8 : memref<!tpu.dma_semaphore, #tpu.memory_space<semaphore_mem>>)
      %mul3A_253 = arith.constant 8 : i32
      %mul3A_254 = arith.muli %scan3A_6, %mul3A_253 : i32
      %add3A_255 = arith.constant 4 : i32
      %add3A_256 = arith.addi %mul3A_254, %add3A_255 : i32
      %dma_wait3A_257 = arith.constant 4 : i32
      %dma_wait3A_258 = arith.constant 0 : i32
      %dma_wait3A_259 = arith.constant 0 : i32
      %dma_wait3A_260 = tpu.memref_slice %arg6[%dma_wait3A_257, %dma_wait3A_258, %dma_wait3A_259] : memref<8x125x16xf32, #tpu.memory_space<vmem>> -> memref<1x125x16xf32, #tpu.memory_space<vmem>>
      %dma_wait3A_261 = tpu.memref_squeeze %dma_wait3A_260 : memref<1x125x16xf32, #tpu.memory_space<vmem>> -> memref<125x16xf32, #tpu.memory_space<vmem>>
      %dma_wait3A_262 = arith.constant 0 : i32
      %dma_wait3A_263 = tpu.memref_slice %arg5[%add3A_256, %dma_wait3A_262] : memref<80x125xi32, #tpu.memory_space<vmem>> -> memref<1x125xi32, #tpu.memory_space<vmem>>
      %dma_wait3A_264 = tpu.memref_squeeze %dma_wait3A_263 : memref<1x125xi32, #tpu.memory_space<vmem>> -> memref<125xi32, #tpu.memory_space<vmem>>
      %dma_wait3A_265 = arith.constant 0 : i32
      %dma_wait3A_266 = arith.constant 0 : i32
      %dma_wait3A_267 = tpu.memref_slice %arg2[%dma_wait3A_265, %dma_wait3A_266] : memref<10000x16xf32, #tpu.memory_space<hbm>> -> memref<10000x16xf32, #tpu.memory_space<hbm>>
      tpu.wait_indirect_dma semaphore(%arg7 : memref<!tpu.dma_semaphore, #tpu.memory_space<semaphore_mem>>) src(%dma_wait3A_267 : memref<10000x16xf32, #tpu.memory_space<hbm>>) dst(%dma_wait3A_261 : memref<125x16xf32, #tpu.memory_space<vmem>>)
      %dma_start3A_268 = arith.constant 4 : i32
      %dma_start3A_269 = arith.constant 0 : i32
      %dma_start3A_270 = arith.constant 0 : i32
      %dma_start3A_271 = tpu.memref_slice %arg6[%dma_start3A_268, %dma_start3A_269, %dma_start3A_270] : memref<8x125x16xf32, #tpu.memory_space<vmem>> -> memref<1x125x16xf32, #tpu.memory_space<vmem>>
      %dma_start3A_272 = tpu.memref_squeeze %dma_start3A_271 : memref<1x125x16xf32, #tpu.memory_space<vmem>> -> memref<125x16xf32, #tpu.memory_space<vmem>>
      %dma_start3A_273 = arith.constant 0 : i32
      %dma_start3A_274 = arith.constant 0 : i32
      %dma_start3A_275 = tpu.memref_slice %arg4[%add3A, %add3A_256, %dma_start3A_273, %dma_start3A_274] : memref<32x80x125x16xf32, #tpu.memory_space<hbm>> -> memref<1x1x125x16xf32, #tpu.memory_space<hbm>>
      %dma_start3A_276 = tpu.memref_squeeze %dma_start3A_275 : memref<1x1x125x16xf32, #tpu.memory_space<hbm>> -> memref<125x16xf32, #tpu.memory_space<hbm>>
      %dma_start3A_277 = arith.constant 0 : i32
      %dma_start3A_278 = arith.constant 0 : i32
      %dma_start3A_279 = tpu.memref_slice %arg4[%add3A, %add3A_256, %dma_start3A_277, %dma_start3A_278] : memref<32x80x125x16xf32, #tpu.memory_space<hbm>> -> memref<1x1x125x16xf32, #tpu.memory_space<hbm>>
      %dma_start3A_280 = tpu.memref_squeeze %dma_start3A_279 : memref<1x1x125x16xf32, #tpu.memory_space<hbm>> -> memref<125x16xf32, #tpu.memory_space<hbm>>
      %dma_start3A_281 = arith.constant 0 : i32
      %dma_start3A_282 = arith.constant 0 : i32
      %dma_start3A_283 = tpu.memref_slice %arg6[%dma_start3A_268, %dma_start3A_281, %dma_start3A_282] : memref<8x125x16xf32, #tpu.memory_space<vmem>> -> memref<1x125x16xf32, #tpu.memory_space<vmem>>
      %dma_start3A_284 = tpu.memref_squeeze %dma_start3A_283 : memref<1x125x16xf32, #tpu.memory_space<vmem>> -> memref<125x16xf32, #tpu.memory_space<vmem>>
      tpu.enqueue_dma source(%dma_start3A_284 : memref<125x16xf32, #tpu.memory_space<vmem>>) target(%dma_start3A_280 : memref<125x16xf32, #tpu.memory_space<hbm>>) target_semaphore(%arg8 : memref<!tpu.dma_semaphore, #tpu.memory_space<semaphore_mem>>)
      %mul3A_285 = arith.constant 8 : i32
      %mul3A_286 = arith.muli %scan3A_6, %mul3A_285 : i32
      %add3A_287 = arith.constant 5 : i32
      %add3A_288 = arith.addi %mul3A_286, %add3A_287 : i32
      %dma_wait3A_289 = arith.constant 5 : i32
      %dma_wait3A_290 = arith.constant 0 : i32
      %dma_wait3A_291 = arith.constant 0 : i32
      %dma_wait3A_292 = tpu.memref_slice %arg6[%dma_wait3A_289, %dma_wait3A_290, %dma_wait3A_291] : memref<8x125x16xf32, #tpu.memory_space<vmem>> -> memref<1x125x16xf32, #tpu.memory_space<vmem>>
      %dma_wait3A_293 = tpu.memref_squeeze %dma_wait3A_292 : memref<1x125x16xf32, #tpu.memory_space<vmem>> -> memref<125x16xf32, #tpu.memory_space<vmem>>
      %dma_wait3A_294 = arith.constant 0 : i32
      %dma_wait3A_295 = tpu.memref_slice %arg5[%add3A_288, %dma_wait3A_294] : memref<80x125xi32, #tpu.memory_space<vmem>> -> memref<1x125xi32, #tpu.memory_space<vmem>>
      %dma_wait3A_296 = tpu.memref_squeeze %dma_wait3A_295 : memref<1x125xi32, #tpu.memory_space<vmem>> -> memref<125xi32, #tpu.memory_space<vmem>>
      %dma_wait3A_297 = arith.constant 0 : i32
      %dma_wait3A_298 = arith.constant 0 : i32
      %dma_wait3A_299 = tpu.memref_slice %arg2[%dma_wait3A_297, %dma_wait3A_298] : memref<10000x16xf32, #tpu.memory_space<hbm>> -> memref<10000x16xf32, #tpu.memory_space<hbm>>
      tpu.wait_indirect_dma semaphore(%arg7 : memref<!tpu.dma_semaphore, #tpu.memory_space<semaphore_mem>>) src(%dma_wait3A_299 : memref<10000x16xf32, #tpu.memory_space<hbm>>) dst(%dma_wait3A_293 : memref<125x16xf32, #tpu.memory_space<vmem>>)
      %dma_start3A_300 = arith.constant 5 : i32
      %dma_start3A_301 = arith.constant 0 : i32
      %dma_start3A_302 = arith.constant 0 : i32
      %dma_start3A_303 = tpu.memref_slice %arg6[%dma_start3A_300, %dma_start3A_301, %dma_start3A_302] : memref<8x125x16xf32, #tpu.memory_space<vmem>> -> memref<1x125x16xf32, #tpu.memory_space<vmem>>
      %dma_start3A_304 = tpu.memref_squeeze %dma_start3A_303 : memref<1x125x16xf32, #tpu.memory_space<vmem>> -> memref<125x16xf32, #tpu.memory_space<vmem>>
      %dma_start3A_305 = arith.constant 0 : i32
      %dma_start3A_306 = arith.constant 0 : i32
      %dma_start3A_307 = tpu.memref_slice %arg4[%add3A, %add3A_288, %dma_start3A_305, %dma_start3A_306] : memref<32x80x125x16xf32, #tpu.memory_space<hbm>> -> memref<1x1x125x16xf32, #tpu.memory_space<hbm>>
      %dma_start3A_308 = tpu.memref_squeeze %dma_start3A_307 : memref<1x1x125x16xf32, #tpu.memory_space<hbm>> -> memref<125x16xf32, #tpu.memory_space<hbm>>
      %dma_start3A_309 = arith.constant 0 : i32
      %dma_start3A_310 = arith.constant 0 : i32
      %dma_start3A_311 = tpu.memref_slice %arg4[%add3A, %add3A_288, %dma_start3A_309, %dma_start3A_310] : memref<32x80x125x16xf32, #tpu.memory_space<hbm>> -> memref<1x1x125x16xf32, #tpu.memory_space<hbm>>
      %dma_start3A_312 = tpu.memref_squeeze %dma_start3A_311 : memref<1x1x125x16xf32, #tpu.memory_space<hbm>> -> memref<125x16xf32, #tpu.memory_space<hbm>>
      %dma_start3A_313 = arith.constant 0 : i32
      %dma_start3A_314 = arith.constant 0 : i32
      %dma_start3A_315 = tpu.memref_slice %arg6[%dma_start3A_300, %dma_start3A_313, %dma_start3A_314] : memref<8x125x16xf32, #tpu.memory_space<vmem>> -> memref<1x125x16xf32, #tpu.memory_space<vmem>>
      %dma_start3A_316 = tpu.memref_squeeze %dma_start3A_315 : memref<1x125x16xf32, #tpu.memory_space<vmem>> -> memref<125x16xf32, #tpu.memory_space<vmem>>
      tpu.enqueue_dma source(%dma_start3A_316 : memref<125x16xf32, #tpu.memory_space<vmem>>) target(%dma_start3A_312 : memref<125x16xf32, #tpu.memory_space<hbm>>) target_semaphore(%arg8 : memref<!tpu.dma_semaphore, #tpu.memory_space<semaphore_mem>>)
      %mul3A_317 = arith.constant 8 : i32
      %mul3A_318 = arith.muli %scan3A_6, %mul3A_317 : i32
      %add3A_319 = arith.constant 6 : i32
      %add3A_320 = arith.addi %mul3A_318, %add3A_319 : i32
      %dma_wait3A_321 = arith.constant 6 : i32
      %dma_wait3A_322 = arith.constant 0 : i32
      %dma_wait3A_323 = arith.constant 0 : i32
      %dma_wait3A_324 = tpu.memref_slice %arg6[%dma_wait3A_321, %dma_wait3A_322, %dma_wait3A_323] : memref<8x125x16xf32, #tpu.memory_space<vmem>> -> memref<1x125x16xf32, #tpu.memory_space<vmem>>
      %dma_wait3A_325 = tpu.memref_squeeze %dma_wait3A_324 : memref<1x125x16xf32, #tpu.memory_space<vmem>> -> memref<125x16xf32, #tpu.memory_space<vmem>>
      %dma_wait3A_326 = arith.constant 0 : i32
      %dma_wait3A_327 = tpu.memref_slice %arg5[%add3A_320, %dma_wait3A_326] : memref<80x125xi32, #tpu.memory_space<vmem>> -> memref<1x125xi32, #tpu.memory_space<vmem>>
      %dma_wait3A_328 = tpu.memref_squeeze %dma_wait3A_327 : memref<1x125xi32, #tpu.memory_space<vmem>> -> memref<125xi32, #tpu.memory_space<vmem>>
      %dma_wait3A_329 = arith.constant 0 : i32
      %dma_wait3A_330 = arith.constant 0 : i32
      %dma_wait3A_331 = tpu.memref_slice %arg2[%dma_wait3A_329, %dma_wait3A_330] : memref<10000x16xf32, #tpu.memory_space<hbm>> -> memref<10000x16xf32, #tpu.memory_space<hbm>>
      tpu.wait_indirect_dma semaphore(%arg7 : memref<!tpu.dma_semaphore, #tpu.memory_space<semaphore_mem>>) src(%dma_wait3A_331 : memref<10000x16xf32, #tpu.memory_space<hbm>>) dst(%dma_wait3A_325 : memref<125x16xf32, #tpu.memory_space<vmem>>)
      %dma_start3A_332 = arith.constant 6 : i32
      %dma_start3A_333 = arith.constant 0 : i32
      %dma_start3A_334 = arith.constant 0 : i32
      %dma_start3A_335 = tpu.memref_slice %arg6[%dma_start3A_332, %dma_start3A_333, %dma_start3A_334] : memref<8x125x16xf32, #tpu.memory_space<vmem>> -> memref<1x125x16xf32, #tpu.memory_space<vmem>>
      %dma_start3A_336 = tpu.memref_squeeze %dma_start3A_335 : memref<1x125x16xf32, #tpu.memory_space<vmem>> -> memref<125x16xf32, #tpu.memory_space<vmem>>
      %dma_start3A_337 = arith.constant 0 : i32
      %dma_start3A_338 = arith.constant 0 : i32
      %dma_start3A_339 = tpu.memref_slice %arg4[%add3A, %add3A_320, %dma_start3A_337, %dma_start3A_338] : memref<32x80x125x16xf32, #tpu.memory_space<hbm>> -> memref<1x1x125x16xf32, #tpu.memory_space<hbm>>
      %dma_start3A_340 = tpu.memref_squeeze %dma_start3A_339 : memref<1x1x125x16xf32, #tpu.memory_space<hbm>> -> memref<125x16xf32, #tpu.memory_space<hbm>>
      %dma_start3A_341 = arith.constant 0 : i32
      %dma_start3A_342 = arith.constant 0 : i32
      %dma_start3A_343 = tpu.memref_slice %arg4[%add3A, %add3A_320, %dma_start3A_341, %dma_start3A_342] : memref<32x80x125x16xf32, #tpu.memory_space<hbm>> -> memref<1x1x125x16xf32, #tpu.memory_space<hbm>>
      %dma_start3A_344 = tpu.memref_squeeze %dma_start3A_343 : memref<1x1x125x16xf32, #tpu.memory_space<hbm>> -> memref<125x16xf32, #tpu.memory_space<hbm>>
      %dma_start3A_345 = arith.constant 0 : i32
      %dma_start3A_346 = arith.constant 0 : i32
      %dma_start3A_347 = tpu.memref_slice %arg6[%dma_start3A_332, %dma_start3A_345, %dma_start3A_346] : memref<8x125x16xf32, #tpu.memory_space<vmem>> -> memref<1x125x16xf32, #tpu.memory_space<vmem>>
      %dma_start3A_348 = tpu.memref_squeeze %dma_start3A_347 : memref<1x125x16xf32, #tpu.memory_space<vmem>> -> memref<125x16xf32, #tpu.memory_space<vmem>>
      tpu.enqueue_dma source(%dma_start3A_348 : memref<125x16xf32, #tpu.memory_space<vmem>>) target(%dma_start3A_344 : memref<125x16xf32, #tpu.memory_space<hbm>>) target_semaphore(%arg8 : memref<!tpu.dma_semaphore, #tpu.memory_space<semaphore_mem>>)
      %mul3A_349 = arith.constant 8 : i32
      %mul3A_350 = arith.muli %scan3A_6, %mul3A_349 : i32
      %add3A_351 = arith.constant 7 : i32
      %add3A_352 = arith.addi %mul3A_350, %add3A_351 : i32
      %dma_wait3A_353 = arith.constant 7 : i32
      %dma_wait3A_354 = arith.constant 0 : i32
      %dma_wait3A_355 = arith.constant 0 : i32
      %dma_wait3A_356 = tpu.memref_slice %arg6[%dma_wait3A_353, %dma_wait3A_354, %dma_wait3A_355] : memref<8x125x16xf32, #tpu.memory_space<vmem>> -> memref<1x125x16xf32, #tpu.memory_space<vmem>>
      %dma_wait3A_357 = tpu.memref_squeeze %dma_wait3A_356 : memref<1x125x16xf32, #tpu.memory_space<vmem>> -> memref<125x16xf32, #tpu.memory_space<vmem>>
      %dma_wait3A_358 = arith.constant 0 : i32
      %dma_wait3A_359 = tpu.memref_slice %arg5[%add3A_352, %dma_wait3A_358] : memref<80x125xi32, #tpu.memory_space<vmem>> -> memref<1x125xi32, #tpu.memory_space<vmem>>
      %dma_wait3A_360 = tpu.memref_squeeze %dma_wait3A_359 : memref<1x125xi32, #tpu.memory_space<vmem>> -> memref<125xi32, #tpu.memory_space<vmem>>
      %dma_wait3A_361 = arith.constant 0 : i32
      %dma_wait3A_362 = arith.constant 0 : i32
      %dma_wait3A_363 = tpu.memref_slice %arg2[%dma_wait3A_361, %dma_wait3A_362] : memref<10000x16xf32, #tpu.memory_space<hbm>> -> memref<10000x16xf32, #tpu.memory_space<hbm>>
      tpu.wait_indirect_dma semaphore(%arg7 : memref<!tpu.dma_semaphore, #tpu.memory_space<semaphore_mem>>) src(%dma_wait3A_363 : memref<10000x16xf32, #tpu.memory_space<hbm>>) dst(%dma_wait3A_357 : memref<125x16xf32, #tpu.memory_space<vmem>>)
      %dma_start3A_364 = arith.constant 7 : i32
      %dma_start3A_365 = arith.constant 0 : i32
      %dma_start3A_366 = arith.constant 0 : i32
      %dma_start3A_367 = tpu.memref_slice %arg6[%dma_start3A_364, %dma_start3A_365, %dma_start3A_366] : memref<8x125x16xf32, #tpu.memory_space<vmem>> -> memref<1x125x16xf32, #tpu.memory_space<vmem>>
      %dma_start3A_368 = tpu.memref_squeeze %dma_start3A_367 : memref<1x125x16xf32, #tpu.memory_space<vmem>> -> memref<125x16xf32, #tpu.memory_space<vmem>>
      %dma_start3A_369 = arith.constant 0 : i32
      %dma_start3A_370 = arith.constant 0 : i32
      %dma_start3A_371 = tpu.memref_slice %arg4[%add3A, %add3A_352, %dma_start3A_369, %dma_start3A_370] : memref<32x80x125x16xf32, #tpu.memory_space<hbm>> -> memref<1x1x125x16xf32, #tpu.memory_space<hbm>>
      %dma_start3A_372 = tpu.memref_squeeze %dma_start3A_371 : memref<1x1x125x16xf32, #tpu.memory_space<hbm>> -> memref<125x16xf32, #tpu.memory_space<hbm>>
      %dma_start3A_373 = arith.constant 0 : i32
      %dma_start3A_374 = arith.constant 0 : i32
      %dma_start3A_375 = tpu.memref_slice %arg4[%add3A, %add3A_352, %dma_start3A_373, %dma_start3A_374] : memref<32x80x125x16xf32, #tpu.memory_space<hbm>> -> memref<1x1x125x16xf32, #tpu.memory_space<hbm>>
      %dma_start3A_376 = tpu.memref_squeeze %dma_start3A_375 : memref<1x1x125x16xf32, #tpu.memory_space<hbm>> -> memref<125x16xf32, #tpu.memory_space<hbm>>
      %dma_start3A_377 = arith.constant 0 : i32
      %dma_start3A_378 = arith.constant 0 : i32
      %dma_start3A_379 = tpu.memref_slice %arg6[%dma_start3A_364, %dma_start3A_377, %dma_start3A_378] : memref<8x125x16xf32, #tpu.memory_space<vmem>> -> memref<1x125x16xf32, #tpu.memory_space<vmem>>
      %dma_start3A_380 = tpu.memref_squeeze %dma_start3A_379 : memref<1x125x16xf32, #tpu.memory_space<vmem>> -> memref<125x16xf32, #tpu.memory_space<vmem>>
      tpu.enqueue_dma source(%dma_start3A_380 : memref<125x16xf32, #tpu.memory_space<vmem>>) target(%dma_start3A_376 : memref<125x16xf32, #tpu.memory_space<hbm>>) target_semaphore(%arg8 : memref<!tpu.dma_semaphore, #tpu.memory_space<semaphore_mem>>)
      %mul3A_381 = arith.constant 8 : i32
      %mul3A_382 = arith.muli %scan3A_6, %mul3A_381 : i32
      %add3A_383 = arith.constant 0 : i32
      %add3A_384 = arith.addi %mul3A_382, %add3A_383 : i32
      %dma_wait3A_385 = arith.constant 0 : i32
      %dma_wait3A_386 = arith.constant 0 : i32
      %dma_wait3A_387 = arith.constant 0 : i32
      %dma_wait3A_388 = tpu.memref_slice %arg6[%dma_wait3A_385, %dma_wait3A_386, %dma_wait3A_387] : memref<8x125x16xf32, #tpu.memory_space<vmem>> -> memref<1x125x16xf32, #tpu.memory_space<vmem>>
      %dma_wait3A_389 = tpu.memref_squeeze %dma_wait3A_388 : memref<1x125x16xf32, #tpu.memory_space<vmem>> -> memref<125x16xf32, #tpu.memory_space<vmem>>
      %dma_wait3A_390 = arith.constant 0 : i32
      %dma_wait3A_391 = arith.constant 0 : i32
      %dma_wait3A_392 = tpu.memref_slice %arg4[%add3A, %add3A_384, %dma_wait3A_390, %dma_wait3A_391] : memref<32x80x125x16xf32, #tpu.memory_space<hbm>> -> memref<1x1x125x16xf32, #tpu.memory_space<hbm>>
      %dma_wait3A_393 = tpu.memref_squeeze %dma_wait3A_392 : memref<1x1x125x16xf32, #tpu.memory_space<hbm>> -> memref<125x16xf32, #tpu.memory_space<hbm>>
      %dma_wait3A_394 = arith.constant 0 : i32
      %dma_wait3A_395 = arith.constant 0 : i32
      %dma_wait3A_396 = tpu.memref_slice %arg4[%add3A, %add3A_384, %dma_wait3A_394, %dma_wait3A_395] : memref<32x80x125x16xf32, #tpu.memory_space<hbm>> -> memref<1x1x125x16xf32, #tpu.memory_space<hbm>>
      %dma_wait3A_397 = tpu.memref_squeeze %dma_wait3A_396 : memref<1x1x125x16xf32, #tpu.memory_space<hbm>> -> memref<125x16xf32, #tpu.memory_space<hbm>>
      %dma_wait3A_398 = arith.constant 0 : i32
      %dma_wait3A_399 = arith.constant 0 : i32
      %dma_wait3A_400 = tpu.memref_slice %arg6[%dma_wait3A_385, %dma_wait3A_398, %dma_wait3A_399] : memref<8x125x16xf32, #tpu.memory_space<vmem>> -> memref<1x125x16xf32, #tpu.memory_space<vmem>>
      %dma_wait3A_401 = tpu.memref_squeeze %dma_wait3A_400 : memref<1x125x16xf32, #tpu.memory_space<vmem>> -> memref<125x16xf32, #tpu.memory_space<vmem>>
      tpu.wait_dma2 semaphore(%arg8 : memref<!tpu.dma_semaphore, #tpu.memory_space<semaphore_mem>>) src(%dma_wait3A_401 : memref<125x16xf32, #tpu.memory_space<vmem>>) dst(%dma_wait3A_397 : memref<125x16xf32, #tpu.memory_space<hbm>>)
      %mul3A_402 = arith.constant 8 : i32
      %mul3A_403 = arith.muli %scan3A_6, %mul3A_402 : i32
      %add3A_404 = arith.constant 1 : i32
      %add3A_405 = arith.addi %mul3A_403, %add3A_404 : i32
      %dma_wait3A_406 = arith.constant 1 : i32
      %dma_wait3A_407 = arith.constant 0 : i32
      %dma_wait3A_408 = arith.constant 0 : i32
      %dma_wait3A_409 = tpu.memref_slice %arg6[%dma_wait3A_406, %dma_wait3A_407, %dma_wait3A_408] : memref<8x125x16xf32, #tpu.memory_space<vmem>> -> memref<1x125x16xf32, #tpu.memory_space<vmem>>
      %dma_wait3A_410 = tpu.memref_squeeze %dma_wait3A_409 : memref<1x125x16xf32, #tpu.memory_space<vmem>> -> memref<125x16xf32, #tpu.memory_space<vmem>>
      %dma_wait3A_411 = arith.constant 0 : i32
      %dma_wait3A_412 = arith.constant 0 : i32
      %dma_wait3A_413 = tpu.memref_slice %arg4[%add3A, %add3A_405, %dma_wait3A_411, %dma_wait3A_412] : memref<32x80x125x16xf32, #tpu.memory_space<hbm>> -> memref<1x1x125x16xf32, #tpu.memory_space<hbm>>
      %dma_wait3A_414 = tpu.memref_squeeze %dma_wait3A_413 : memref<1x1x125x16xf32, #tpu.memory_space<hbm>> -> memref<125x16xf32, #tpu.memory_space<hbm>>
      %dma_wait3A_415 = arith.constant 0 : i32
      %dma_wait3A_416 = arith.constant 0 : i32
      %dma_wait3A_417 = tpu.memref_slice %arg4[%add3A, %add3A_405, %dma_wait3A_415, %dma_wait3A_416] : memref<32x80x125x16xf32, #tpu.memory_space<hbm>> -> memref<1x1x125x16xf32, #tpu.memory_space<hbm>>
      %dma_wait3A_418 = tpu.memref_squeeze %dma_wait3A_417 : memref<1x1x125x16xf32, #tpu.memory_space<hbm>> -> memref<125x16xf32, #tpu.memory_space<hbm>>
      %dma_wait3A_419 = arith.constant 0 : i32
      %dma_wait3A_420 = arith.constant 0 : i32
      %dma_wait3A_421 = tpu.memref_slice %arg6[%dma_wait3A_406, %dma_wait3A_419, %dma_wait3A_420] : memref<8x125x16xf32, #tpu.memory_space<vmem>> -> memref<1x125x16xf32, #tpu.memory_space<vmem>>
      %dma_wait3A_422 = tpu.memref_squeeze %dma_wait3A_421 : memref<1x125x16xf32, #tpu.memory_space<vmem>> -> memref<125x16xf32, #tpu.memory_space<vmem>>
      tpu.wait_dma2 semaphore(%arg8 : memref<!tpu.dma_semaphore, #tpu.memory_space<semaphore_mem>>) src(%dma_wait3A_422 : memref<125x16xf32, #tpu.memory_space<vmem>>) dst(%dma_wait3A_418 : memref<125x16xf32, #tpu.memory_space<hbm>>)
      %mul3A_423 = arith.constant 8 : i32
      %mul3A_424 = arith.muli %scan3A_6, %mul3A_423 : i32
      %add3A_425 = arith.constant 2 : i32
      %add3A_426 = arith.addi %mul3A_424, %add3A_425 : i32
      %dma_wait3A_427 = arith.constant 2 : i32
      %dma_wait3A_428 = arith.constant 0 : i32
      %dma_wait3A_429 = arith.constant 0 : i32
      %dma_wait3A_430 = tpu.memref_slice %arg6[%dma_wait3A_427, %dma_wait3A_428, %dma_wait3A_429] : memref<8x125x16xf32, #tpu.memory_space<vmem>> -> memref<1x125x16xf32, #tpu.memory_space<vmem>>
      %dma_wait3A_431 = tpu.memref_squeeze %dma_wait3A_430 : memref<1x125x16xf32, #tpu.memory_space<vmem>> -> memref<125x16xf32, #tpu.memory_space<vmem>>
      %dma_wait3A_432 = arith.constant 0 : i32
      %dma_wait3A_433 = arith.constant 0 : i32
      %dma_wait3A_434 = tpu.memref_slice %arg4[%add3A, %add3A_426, %dma_wait3A_432, %dma_wait3A_433] : memref<32x80x125x16xf32, #tpu.memory_space<hbm>> -> memref<1x1x125x16xf32, #tpu.memory_space<hbm>>
      %dma_wait3A_435 = tpu.memref_squeeze %dma_wait3A_434 : memref<1x1x125x16xf32, #tpu.memory_space<hbm>> -> memref<125x16xf32, #tpu.memory_space<hbm>>
      %dma_wait3A_436 = arith.constant 0 : i32
      %dma_wait3A_437 = arith.constant 0 : i32
      %dma_wait3A_438 = tpu.memref_slice %arg4[%add3A, %add3A_426, %dma_wait3A_436, %dma_wait3A_437] : memref<32x80x125x16xf32, #tpu.memory_space<hbm>> -> memref<1x1x125x16xf32, #tpu.memory_space<hbm>>
      %dma_wait3A_439 = tpu.memref_squeeze %dma_wait3A_438 : memref<1x1x125x16xf32, #tpu.memory_space<hbm>> -> memref<125x16xf32, #tpu.memory_space<hbm>>
      %dma_wait3A_440 = arith.constant 0 : i32
      %dma_wait3A_441 = arith.constant 0 : i32
      %dma_wait3A_442 = tpu.memref_slice %arg6[%dma_wait3A_427, %dma_wait3A_440, %dma_wait3A_441] : memref<8x125x16xf32, #tpu.memory_space<vmem>> -> memref<1x125x16xf32, #tpu.memory_space<vmem>>
      %dma_wait3A_443 = tpu.memref_squeeze %dma_wait3A_442 : memref<1x125x16xf32, #tpu.memory_space<vmem>> -> memref<125x16xf32, #tpu.memory_space<vmem>>
      tpu.wait_dma2 semaphore(%arg8 : memref<!tpu.dma_semaphore, #tpu.memory_space<semaphore_mem>>) src(%dma_wait3A_443 : memref<125x16xf32, #tpu.memory_space<vmem>>) dst(%dma_wait3A_439 : memref<125x16xf32, #tpu.memory_space<hbm>>)
      %mul3A_444 = arith.constant 8 : i32
      %mul3A_445 = arith.muli %scan3A_6, %mul3A_444 : i32
      %add3A_446 = arith.constant 3 : i32
      %add3A_447 = arith.addi %mul3A_445, %add3A_446 : i32
      %dma_wait3A_448 = arith.constant 3 : i32
      %dma_wait3A_449 = arith.constant 0 : i32
      %dma_wait3A_450 = arith.constant 0 : i32
      %dma_wait3A_451 = tpu.memref_slice %arg6[%dma_wait3A_448, %dma_wait3A_449, %dma_wait3A_450] : memref<8x125x16xf32, #tpu.memory_space<vmem>> -> memref<1x125x16xf32, #tpu.memory_space<vmem>>
      %dma_wait3A_452 = tpu.memref_squeeze %dma_wait3A_451 : memref<1x125x16xf32, #tpu.memory_space<vmem>> -> memref<125x16xf32, #tpu.memory_space<vmem>>
      %dma_wait3A_453 = arith.constant 0 : i32
      %dma_wait3A_454 = arith.constant 0 : i32
      %dma_wait3A_455 = tpu.memref_slice %arg4[%add3A, %add3A_447, %dma_wait3A_453, %dma_wait3A_454] : memref<32x80x125x16xf32, #tpu.memory_space<hbm>> -> memref<1x1x125x16xf32, #tpu.memory_space<hbm>>
      %dma_wait3A_456 = tpu.memref_squeeze %dma_wait3A_455 : memref<1x1x125x16xf32, #tpu.memory_space<hbm>> -> memref<125x16xf32, #tpu.memory_space<hbm>>
      %dma_wait3A_457 = arith.constant 0 : i32
      %dma_wait3A_458 = arith.constant 0 : i32
      %dma_wait3A_459 = tpu.memref_slice %arg4[%add3A, %add3A_447, %dma_wait3A_457, %dma_wait3A_458] : memref<32x80x125x16xf32, #tpu.memory_space<hbm>> -> memref<1x1x125x16xf32, #tpu.memory_space<hbm>>
      %dma_wait3A_460 = tpu.memref_squeeze %dma_wait3A_459 : memref<1x1x125x16xf32, #tpu.memory_space<hbm>> -> memref<125x16xf32, #tpu.memory_space<hbm>>
      %dma_wait3A_461 = arith.constant 0 : i32
      %dma_wait3A_462 = arith.constant 0 : i32
      %dma_wait3A_463 = tpu.memref_slice %arg6[%dma_wait3A_448, %dma_wait3A_461, %dma_wait3A_462] : memref<8x125x16xf32, #tpu.memory_space<vmem>> -> memref<1x125x16xf32, #tpu.memory_space<vmem>>
      %dma_wait3A_464 = tpu.memref_squeeze %dma_wait3A_463 : memref<1x125x16xf32, #tpu.memory_space<vmem>> -> memref<125x16xf32, #tpu.memory_space<vmem>>
      tpu.wait_dma2 semaphore(%arg8 : memref<!tpu.dma_semaphore, #tpu.memory_space<semaphore_mem>>) src(%dma_wait3A_464 : memref<125x16xf32, #tpu.memory_space<vmem>>) dst(%dma_wait3A_460 : memref<125x16xf32, #tpu.memory_space<hbm>>)
      %mul3A_465 = arith.constant 8 : i32
      %mul3A_466 = arith.muli %scan3A_6, %mul3A_465 : i32
      %add3A_467 = arith.constant 4 : i32
      %add3A_468 = arith.addi %mul3A_466, %add3A_467 : i32
      %dma_wait3A_469 = arith.constant 4 : i32
      %dma_wait3A_470 = arith.constant 0 : i32
      %dma_wait3A_471 = arith.constant 0 : i32
      %dma_wait3A_472 = tpu.memref_slice %arg6[%dma_wait3A_469, %dma_wait3A_470, %dma_wait3A_471] : memref<8x125x16xf32, #tpu.memory_space<vmem>> -> memref<1x125x16xf32, #tpu.memory_space<vmem>>
      %dma_wait3A_473 = tpu.memref_squeeze %dma_wait3A_472 : memref<1x125x16xf32, #tpu.memory_space<vmem>> -> memref<125x16xf32, #tpu.memory_space<vmem>>
      %dma_wait3A_474 = arith.constant 0 : i32
      %dma_wait3A_475 = arith.constant 0 : i32
      %dma_wait3A_476 = tpu.memref_slice %arg4[%add3A, %add3A_468, %dma_wait3A_474, %dma_wait3A_475] : memref<32x80x125x16xf32, #tpu.memory_space<hbm>> -> memref<1x1x125x16xf32, #tpu.memory_space<hbm>>
      %dma_wait3A_477 = tpu.memref_squeeze %dma_wait3A_476 : memref<1x1x125x16xf32, #tpu.memory_space<hbm>> -> memref<125x16xf32, #tpu.memory_space<hbm>>
      %dma_wait3A_478 = arith.constant 0 : i32
      %dma_wait3A_479 = arith.constant 0 : i32
      %dma_wait3A_480 = tpu.memref_slice %arg4[%add3A, %add3A_468, %dma_wait3A_478, %dma_wait3A_479] : memref<32x80x125x16xf32, #tpu.memory_space<hbm>> -> memref<1x1x125x16xf32, #tpu.memory_space<hbm>>
      %dma_wait3A_481 = tpu.memref_squeeze %dma_wait3A_480 : memref<1x1x125x16xf32, #tpu.memory_space<hbm>> -> memref<125x16xf32, #tpu.memory_space<hbm>>
      %dma_wait3A_482 = arith.constant 0 : i32
      %dma_wait3A_483 = arith.constant 0 : i32
      %dma_wait3A_484 = tpu.memref_slice %arg6[%dma_wait3A_469, %dma_wait3A_482, %dma_wait3A_483] : memref<8x125x16xf32, #tpu.memory_space<vmem>> -> memref<1x125x16xf32, #tpu.memory_space<vmem>>
      %dma_wait3A_485 = tpu.memref_squeeze %dma_wait3A_484 : memref<1x125x16xf32, #tpu.memory_space<vmem>> -> memref<125x16xf32, #tpu.memory_space<vmem>>
      tpu.wait_dma2 semaphore(%arg8 : memref<!tpu.dma_semaphore, #tpu.memory_space<semaphore_mem>>) src(%dma_wait3A_485 : memref<125x16xf32, #tpu.memory_space<vmem>>) dst(%dma_wait3A_481 : memref<125x16xf32, #tpu.memory_space<hbm>>)
      %mul3A_486 = arith.constant 8 : i32
      %mul3A_487 = arith.muli %scan3A_6, %mul3A_486 : i32
      %add3A_488 = arith.constant 5 : i32
      %add3A_489 = arith.addi %mul3A_487, %add3A_488 : i32
      %dma_wait3A_490 = arith.constant 5 : i32
      %dma_wait3A_491 = arith.constant 0 : i32
      %dma_wait3A_492 = arith.constant 0 : i32
      %dma_wait3A_493 = tpu.memref_slice %arg6[%dma_wait3A_490, %dma_wait3A_491, %dma_wait3A_492] : memref<8x125x16xf32, #tpu.memory_space<vmem>> -> memref<1x125x16xf32, #tpu.memory_space<vmem>>
      %dma_wait3A_494 = tpu.memref_squeeze %dma_wait3A_493 : memref<1x125x16xf32, #tpu.memory_space<vmem>> -> memref<125x16xf32, #tpu.memory_space<vmem>>
      %dma_wait3A_495 = arith.constant 0 : i32
      %dma_wait3A_496 = arith.constant 0 : i32
      %dma_wait3A_497 = tpu.memref_slice %arg4[%add3A, %add3A_489, %dma_wait3A_495, %dma_wait3A_496] : memref<32x80x125x16xf32, #tpu.memory_space<hbm>> -> memref<1x1x125x16xf32, #tpu.memory_space<hbm>>
      %dma_wait3A_498 = tpu.memref_squeeze %dma_wait3A_497 : memref<1x1x125x16xf32, #tpu.memory_space<hbm>> -> memref<125x16xf32, #tpu.memory_space<hbm>>
      %dma_wait3A_499 = arith.constant 0 : i32
      %dma_wait3A_500 = arith.constant 0 : i32
      %dma_wait3A_501 = tpu.memref_slice %arg4[%add3A, %add3A_489, %dma_wait3A_499, %dma_wait3A_500] : memref<32x80x125x16xf32, #tpu.memory_space<hbm>> -> memref<1x1x125x16xf32, #tpu.memory_space<hbm>>
      %dma_wait3A_502 = tpu.memref_squeeze %dma_wait3A_501 : memref<1x1x125x16xf32, #tpu.memory_space<hbm>> -> memref<125x16xf32, #tpu.memory_space<hbm>>
      %dma_wait3A_503 = arith.constant 0 : i32
      %dma_wait3A_504 = arith.constant 0 : i32
      %dma_wait3A_505 = tpu.memref_slice %arg6[%dma_wait3A_490, %dma_wait3A_503, %dma_wait3A_504] : memref<8x125x16xf32, #tpu.memory_space<vmem>> -> memref<1x125x16xf32, #tpu.memory_space<vmem>>
      %dma_wait3A_506 = tpu.memref_squeeze %dma_wait3A_505 : memref<1x125x16xf32, #tpu.memory_space<vmem>> -> memref<125x16xf32, #tpu.memory_space<vmem>>
      tpu.wait_dma2 semaphore(%arg8 : memref<!tpu.dma_semaphore, #tpu.memory_space<semaphore_mem>>) src(%dma_wait3A_506 : memref<125x16xf32, #tpu.memory_space<vmem>>) dst(%dma_wait3A_502 : memref<125x16xf32, #tpu.memory_space<hbm>>)
      %mul3A_507 = arith.constant 8 : i32
      %mul3A_508 = arith.muli %scan3A_6, %mul3A_507 : i32
      %add3A_509 = arith.constant 6 : i32
      %add3A_510 = arith.addi %mul3A_508, %add3A_509 : i32
      %dma_wait3A_511 = arith.constant 6 : i32
      %dma_wait3A_512 = arith.constant 0 : i32
      %dma_wait3A_513 = arith.constant 0 : i32
      %dma_wait3A_514 = tpu.memref_slice %arg6[%dma_wait3A_511, %dma_wait3A_512, %dma_wait3A_513] : memref<8x125x16xf32, #tpu.memory_space<vmem>> -> memref<1x125x16xf32, #tpu.memory_space<vmem>>
      %dma_wait3A_515 = tpu.memref_squeeze %dma_wait3A_514 : memref<1x125x16xf32, #tpu.memory_space<vmem>> -> memref<125x16xf32, #tpu.memory_space<vmem>>
      %dma_wait3A_516 = arith.constant 0 : i32
      %dma_wait3A_517 = arith.constant 0 : i32
      %dma_wait3A_518 = tpu.memref_slice %arg4[%add3A, %add3A_510, %dma_wait3A_516, %dma_wait3A_517] : memref<32x80x125x16xf32, #tpu.memory_space<hbm>> -> memref<1x1x125x16xf32, #tpu.memory_space<hbm>>
      %dma_wait3A_519 = tpu.memref_squeeze %dma_wait3A_518 : memref<1x1x125x16xf32, #tpu.memory_space<hbm>> -> memref<125x16xf32, #tpu.memory_space<hbm>>
      %dma_wait3A_520 = arith.constant 0 : i32
      %dma_wait3A_521 = arith.constant 0 : i32
      %dma_wait3A_522 = tpu.memref_slice %arg4[%add3A, %add3A_510, %dma_wait3A_520, %dma_wait3A_521] : memref<32x80x125x16xf32, #tpu.memory_space<hbm>> -> memref<1x1x125x16xf32, #tpu.memory_space<hbm>>
      %dma_wait3A_523 = tpu.memref_squeeze %dma_wait3A_522 : memref<1x1x125x16xf32, #tpu.memory_space<hbm>> -> memref<125x16xf32, #tpu.memory_space<hbm>>
      %dma_wait3A_524 = arith.constant 0 : i32
      %dma_wait3A_525 = arith.constant 0 : i32
      %dma_wait3A_526 = tpu.memref_slice %arg6[%dma_wait3A_511, %dma_wait3A_524, %dma_wait3A_525] : memref<8x125x16xf32, #tpu.memory_space<vmem>> -> memref<1x125x16xf32, #tpu.memory_space<vmem>>
      %dma_wait3A_527 = tpu.memref_squeeze %dma_wait3A_526 : memref<1x125x16xf32, #tpu.memory_space<vmem>> -> memref<125x16xf32, #tpu.memory_space<vmem>>
      tpu.wait_dma2 semaphore(%arg8 : memref<!tpu.dma_semaphore, #tpu.memory_space<semaphore_mem>>) src(%dma_wait3A_527 : memref<125x16xf32, #tpu.memory_space<vmem>>) dst(%dma_wait3A_523 : memref<125x16xf32, #tpu.memory_space<hbm>>)
      %mul3A_528 = arith.constant 8 : i32
      %mul3A_529 = arith.muli %scan3A_6, %mul3A_528 : i32
      %add3A_530 = arith.constant 7 : i32
      %add3A_531 = arith.addi %mul3A_529, %add3A_530 : i32
      %dma_wait3A_532 = arith.constant 7 : i32
      %dma_wait3A_533 = arith.constant 0 : i32
      %dma_wait3A_534 = arith.constant 0 : i32
      %dma_wait3A_535 = tpu.memref_slice %arg6[%dma_wait3A_532, %dma_wait3A_533, %dma_wait3A_534] : memref<8x125x16xf32, #tpu.memory_space<vmem>> -> memref<1x125x16xf32, #tpu.memory_space<vmem>>
      %dma_wait3A_536 = tpu.memref_squeeze %dma_wait3A_535 : memref<1x125x16xf32, #tpu.memory_space<vmem>> -> memref<125x16xf32, #tpu.memory_space<vmem>>
      %dma_wait3A_537 = arith.constant 0 : i32
      %dma_wait3A_538 = arith.constant 0 : i32
      %dma_wait3A_539 = tpu.memref_slice %arg4[%add3A, %add3A_531, %dma_wait3A_537, %dma_wait3A_538] : memref<32x80x125x16xf32, #tpu.memory_space<hbm>> -> memref<1x1x125x16xf32, #tpu.memory_space<hbm>>
      %dma_wait3A_540 = tpu.memref_squeeze %dma_wait3A_539 : memref<1x1x125x16xf32, #tpu.memory_space<hbm>> -> memref<125x16xf32, #tpu.memory_space<hbm>>
      %dma_wait3A_541 = arith.constant 0 : i32
      %dma_wait3A_542 = arith.constant 0 : i32
      %dma_wait3A_543 = tpu.memref_slice %arg4[%add3A, %add3A_531, %dma_wait3A_541, %dma_wait3A_542] : memref<32x80x125x16xf32, #tpu.memory_space<hbm>> -> memref<1x1x125x16xf32, #tpu.memory_space<hbm>>
      %dma_wait3A_544 = tpu.memref_squeeze %dma_wait3A_543 : memref<1x1x125x16xf32, #tpu.memory_space<hbm>> -> memref<125x16xf32, #tpu.memory_space<hbm>>
      %dma_wait3A_545 = arith.constant 0 : i32
      %dma_wait3A_546 = arith.constant 0 : i32
      %dma_wait3A_547 = tpu.memref_slice %arg6[%dma_wait3A_532, %dma_wait3A_545, %dma_wait3A_546] : memref<8x125x16xf32, #tpu.memory_space<vmem>> -> memref<1x125x16xf32, #tpu.memory_space<vmem>>
      %dma_wait3A_548 = tpu.memref_squeeze %dma_wait3A_547 : memref<1x125x16xf32, #tpu.memory_space<vmem>> -> memref<125x16xf32, #tpu.memory_space<vmem>>
      tpu.wait_dma2 semaphore(%arg8 : memref<!tpu.dma_semaphore, #tpu.memory_space<semaphore_mem>>) src(%dma_wait3A_548 : memref<125x16xf32, #tpu.memory_space<vmem>>) dst(%dma_wait3A_544 : memref<125x16xf32, #tpu.memory_space<hbm>>)
    }
    %scan3A_5 = arith.constant 10 : i32
    return
  }
}

#map = affine_map<(d0, d1) -> (0, 0)>
#map1 = affine_map<(d0, d1) -> (0, 0, 0)>
#map2 = affine_map<(d0, d1) -> (0, 0, 0, 0)>
module attributes {stable_mosaic.version = 14 : i64} {
  func.func @gk(%arg0: i32, %arg1: i32, %arg2: memref<10000x16xf32, #tpu.memory_space<hbm>>, %arg3: memref<32x80x125xi32, #tpu.memory_space<hbm>>, %arg4: memref<32x80x125x16xf32, #tpu.memory_space<hbm>>, %arg5: memref<80x125xi32, #tpu.memory_space<vmem>>, %arg6: memref<8x125x16xf32, #tpu.memory_space<vmem>>, %arg7: memref<!tpu.dma_semaphore, #tpu.memory_space<semaphore_mem>>, %arg8: memref<!tpu.dma_semaphore, #tpu.memory_space<semaphore_mem>>) attributes {dimension_semantics = [#tpu.dimension_semantics<core_parallel>, #tpu.dimension_semantics<subcore_parallel>], iteration_bounds = array<i64: 2, 16>, scalar_prefetch = 0 : i64, scratch_operands = 4 : i64, tpu.core_type = #tpu.core_type<sc_vector_subcore>, window_params = [{transform_indices = #map}, {transform_indices = #map1}, {transform_indices = #map2}]} {
    %mul3A = arith.constant 16 : i32
    %mul3A_0 = arith.muli %arg0, %mul3A : i32
    %add3A = arith.addi %mul3A_0, %arg1 : i32
    "tpu.region"() ({
      %run_scoped3A = tpu.sem_alloc : memref<!tpu.dma_semaphore, #tpu.memory_space<semaphore_mem>>
      %dma_start3A = arith.constant 0 : i32
      %dma_start3A_6 = arith.constant 0 : i32
      %dma_start3A_7 = tpu.memref_slice %arg3[%add3A, %dma_start3A, %dma_start3A_6] : memref<32x80x125xi32, #tpu.memory_space<hbm>> -> memref<1x80x125xi32, #tpu.memory_space<hbm>>
      %dma_start3A_8 = tpu.memref_squeeze %dma_start3A_7 : memref<1x80x125xi32, #tpu.memory_space<hbm>> -> memref<80x125xi32, #tpu.memory_space<hbm>>
      %dma_start3A_9 = arith.constant 0 : i32
      %dma_start3A_10 = arith.constant 0 : i32
      %dma_start3A_11 = tpu.memref_slice %arg3[%add3A, %dma_start3A_9, %dma_start3A_10] : memref<32x80x125xi32, #tpu.memory_space<hbm>> -> memref<1x80x125xi32, #tpu.memory_space<hbm>>
      %dma_start3A_12 = tpu.memref_squeeze %dma_start3A_11 : memref<1x80x125xi32, #tpu.memory_space<hbm>> -> memref<80x125xi32, #tpu.memory_space<hbm>>
      tpu.enqueue_dma source(%dma_start3A_12 : memref<80x125xi32, #tpu.memory_space<hbm>>) target(%arg5 : memref<80x125xi32, #tpu.memory_space<vmem>>) target_semaphore(%run_scoped3A : memref<!tpu.dma_semaphore, #tpu.memory_space<semaphore_mem>>)
      %dma_wait3A = arith.constant 0 : i32
      %dma_wait3A_13 = arith.constant 0 : i32
      %dma_wait3A_14 = tpu.memref_slice %arg3[%add3A, %dma_wait3A, %dma_wait3A_13] : memref<32x80x125xi32, #tpu.memory_space<hbm>> -> memref<1x80x125xi32, #tpu.memory_space<hbm>>
      %dma_wait3A_15 = tpu.memref_squeeze %dma_wait3A_14 : memref<1x80x125xi32, #tpu.memory_space<hbm>> -> memref<80x125xi32, #tpu.memory_space<hbm>>
      %dma_wait3A_16 = arith.constant 0 : i32
      %dma_wait3A_17 = arith.constant 0 : i32
      %dma_wait3A_18 = tpu.memref_slice %arg3[%add3A, %dma_wait3A_16, %dma_wait3A_17] : memref<32x80x125xi32, #tpu.memory_space<hbm>> -> memref<1x80x125xi32, #tpu.memory_space<hbm>>
      %dma_wait3A_19 = tpu.memref_squeeze %dma_wait3A_18 : memref<1x80x125xi32, #tpu.memory_space<hbm>> -> memref<80x125xi32, #tpu.memory_space<hbm>>
      tpu.wait_dma2 semaphore(%run_scoped3A : memref<!tpu.dma_semaphore, #tpu.memory_space<semaphore_mem>>) src(%dma_wait3A_19 : memref<80x125xi32, #tpu.memory_space<hbm>>) dst(%arg5 : memref<80x125xi32, #tpu.memory_space<vmem>>)
      tpu.yield
    }) : () -> ()
    %scan3A = arith.constant 0 : i32
    %scan3A_1 = arith.constant 0 : i32
    %scan3A_2 = arith.constant 10 : i32
    %scan3A_3 = arith.addi %scan3A_1, %scan3A_2 : i32
    %scan3A_4 = arith.constant 1 : i32
    scf.for %scan3A_6 = %scan3A_1 to %scan3A_3 step %scan3A_4  : i32 {
      %mul3A_7 = arith.constant 8 : i32
      %mul3A_8 = arith.muli %scan3A_6, %mul3A_7 : i32
      %add3A_9 = arith.constant 0 : i32
      %add3A_10 = arith.addi %mul3A_8, %add3A_9 : i32
      %dma_start3A = arith.constant 0 : i32
      %dma_start3A_11 = arith.constant 0 : i32
      %dma_start3A_12 = arith.constant 0 : i32
      %dma_start3A_13 = tpu.memref_slice %arg6[%dma_start3A, %dma_start3A_11, %dma_start3A_12] : memref<8x125x16xf32, #tpu.memory_space<vmem>> -> memref<1x125x16xf32, #tpu.memory_space<vmem>>
      %dma_start3A_14 = tpu.memref_squeeze %dma_start3A_13 : memref<1x125x16xf32, #tpu.memory_space<vmem>> -> memref<125x16xf32, #tpu.memory_space<vmem>>
      %dma_start3A_15 = arith.constant 0 : i32
      %dma_start3A_16 = tpu.memref_slice %arg5[%add3A_10, %dma_start3A_15] : memref<80x125xi32, #tpu.memory_space<vmem>> -> memref<1x125xi32, #tpu.memory_space<vmem>>
      %dma_start3A_17 = tpu.memref_squeeze %dma_start3A_16 : memref<1x125xi32, #tpu.memory_space<vmem>> -> memref<125xi32, #tpu.memory_space<vmem>>
      %dma_start3A_18 = arith.constant 0 : i32
      %dma_start3A_19 = arith.constant 0 : i32
      %dma_start3A_20 = tpu.memref_slice %arg2[%dma_start3A_18, %dma_start3A_19] : memref<10000x16xf32, #tpu.memory_space<hbm>> -> memref<10000x16xf32, #tpu.memory_space<hbm>>
      tpu.enqueue_indirect_dma source(%dma_start3A_20 : memref<10000x16xf32, #tpu.memory_space<hbm>>) target(%dma_start3A_14 : memref<125x16xf32, #tpu.memory_space<vmem>>) offsets(%dma_start3A_17 : memref<125xi32, #tpu.memory_space<vmem>>) semaphore(%arg7 : memref<!tpu.dma_semaphore, #tpu.memory_space<semaphore_mem>>)
      %mul3A_21 = arith.constant 8 : i32
      %mul3A_22 = arith.muli %scan3A_6, %mul3A_21 : i32
      %add3A_23 = arith.constant 1 : i32
      %add3A_24 = arith.addi %mul3A_22, %add3A_23 : i32
      %dma_start3A_25 = arith.constant 1 : i32
      %dma_start3A_26 = arith.constant 0 : i32
      %dma_start3A_27 = arith.constant 0 : i32
      %dma_start3A_28 = tpu.memref_slice %arg6[%dma_start3A_25, %dma_start3A_26, %dma_start3A_27] : memref<8x125x16xf32, #tpu.memory_space<vmem>> -> memref<1x125x16xf32, #tpu.memory_space<vmem>>
      %dma_start3A_29 = tpu.memref_squeeze %dma_start3A_28 : memref<1x125x16xf32, #tpu.memory_space<vmem>> -> memref<125x16xf32, #tpu.memory_space<vmem>>
      %dma_start3A_30 = arith.constant 0 : i32
      %dma_start3A_31 = tpu.memref_slice %arg5[%add3A_24, %dma_start3A_30] : memref<80x125xi32, #tpu.memory_space<vmem>> -> memref<1x125xi32, #tpu.memory_space<vmem>>
      %dma_start3A_32 = tpu.memref_squeeze %dma_start3A_31 : memref<1x125xi32, #tpu.memory_space<vmem>> -> memref<125xi32, #tpu.memory_space<vmem>>
      %dma_start3A_33 = arith.constant 0 : i32
      %dma_start3A_34 = arith.constant 0 : i32
      %dma_start3A_35 = tpu.memref_slice %arg2[%dma_start3A_33, %dma_start3A_34] : memref<10000x16xf32, #tpu.memory_space<hbm>> -> memref<10000x16xf32, #tpu.memory_space<hbm>>
      tpu.enqueue_indirect_dma source(%dma_start3A_35 : memref<10000x16xf32, #tpu.memory_space<hbm>>) target(%dma_start3A_29 : memref<125x16xf32, #tpu.memory_space<vmem>>) offsets(%dma_start3A_32 : memref<125xi32, #tpu.memory_space<vmem>>) semaphore(%arg7 : memref<!tpu.dma_semaphore, #tpu.memory_space<semaphore_mem>>)
      %mul3A_36 = arith.constant 8 : i32
      %mul3A_37 = arith.muli %scan3A_6, %mul3A_36 : i32
      %add3A_38 = arith.constant 2 : i32
      %add3A_39 = arith.addi %mul3A_37, %add3A_38 : i32
      %dma_start3A_40 = arith.constant 2 : i32
      %dma_start3A_41 = arith.constant 0 : i32
      %dma_start3A_42 = arith.constant 0 : i32
      %dma_start3A_43 = tpu.memref_slice %arg6[%dma_start3A_40, %dma_start3A_41, %dma_start3A_42] : memref<8x125x16xf32, #tpu.memory_space<vmem>> -> memref<1x125x16xf32, #tpu.memory_space<vmem>>
      %dma_start3A_44 = tpu.memref_squeeze %dma_start3A_43 : memref<1x125x16xf32, #tpu.memory_space<vmem>> -> memref<125x16xf32, #tpu.memory_space<vmem>>
      %dma_start3A_45 = arith.constant 0 : i32
      %dma_start3A_46 = tpu.memref_slice %arg5[%add3A_39, %dma_start3A_45] : memref<80x125xi32, #tpu.memory_space<vmem>> -> memref<1x125xi32, #tpu.memory_space<vmem>>
      %dma_start3A_47 = tpu.memref_squeeze %dma_start3A_46 : memref<1x125xi32, #tpu.memory_space<vmem>> -> memref<125xi32, #tpu.memory_space<vmem>>
      %dma_start3A_48 = arith.constant 0 : i32
      %dma_start3A_49 = arith.constant 0 : i32
      %dma_start3A_50 = tpu.memref_slice %arg2[%dma_start3A_48, %dma_start3A_49] : memref<10000x16xf32, #tpu.memory_space<hbm>> -> memref<10000x16xf32, #tpu.memory_space<hbm>>
      tpu.enqueue_indirect_dma source(%dma_start3A_50 : memref<10000x16xf32, #tpu.memory_space<hbm>>) target(%dma_start3A_44 : memref<125x16xf32, #tpu.memory_space<vmem>>) offsets(%dma_start3A_47 : memref<125xi32, #tpu.memory_space<vmem>>) semaphore(%arg7 : memref<!tpu.dma_semaphore, #tpu.memory_space<semaphore_mem>>)
      %mul3A_51 = arith.constant 8 : i32
      %mul3A_52 = arith.muli %scan3A_6, %mul3A_51 : i32
      %add3A_53 = arith.constant 3 : i32
      %add3A_54 = arith.addi %mul3A_52, %add3A_53 : i32
      %dma_start3A_55 = arith.constant 3 : i32
      %dma_start3A_56 = arith.constant 0 : i32
      %dma_start3A_57 = arith.constant 0 : i32
      %dma_start3A_58 = tpu.memref_slice %arg6[%dma_start3A_55, %dma_start3A_56, %dma_start3A_57] : memref<8x125x16xf32, #tpu.memory_space<vmem>> -> memref<1x125x16xf32, #tpu.memory_space<vmem>>
      %dma_start3A_59 = tpu.memref_squeeze %dma_start3A_58 : memref<1x125x16xf32, #tpu.memory_space<vmem>> -> memref<125x16xf32, #tpu.memory_space<vmem>>
      %dma_start3A_60 = arith.constant 0 : i32
      %dma_start3A_61 = tpu.memref_slice %arg5[%add3A_54, %dma_start3A_60] : memref<80x125xi32, #tpu.memory_space<vmem>> -> memref<1x125xi32, #tpu.memory_space<vmem>>
      %dma_start3A_62 = tpu.memref_squeeze %dma_start3A_61 : memref<1x125xi32, #tpu.memory_space<vmem>> -> memref<125xi32, #tpu.memory_space<vmem>>
      %dma_start3A_63 = arith.constant 0 : i32
      %dma_start3A_64 = arith.constant 0 : i32
      %dma_start3A_65 = tpu.memref_slice %arg2[%dma_start3A_63, %dma_start3A_64] : memref<10000x16xf32, #tpu.memory_space<hbm>> -> memref<10000x16xf32, #tpu.memory_space<hbm>>
      tpu.enqueue_indirect_dma source(%dma_start3A_65 : memref<10000x16xf32, #tpu.memory_space<hbm>>) target(%dma_start3A_59 : memref<125x16xf32, #tpu.memory_space<vmem>>) offsets(%dma_start3A_62 : memref<125xi32, #tpu.memory_space<vmem>>) semaphore(%arg7 : memref<!tpu.dma_semaphore, #tpu.memory_space<semaphore_mem>>)
      %mul3A_66 = arith.constant 8 : i32
      %mul3A_67 = arith.muli %scan3A_6, %mul3A_66 : i32
      %add3A_68 = arith.constant 4 : i32
      %add3A_69 = arith.addi %mul3A_67, %add3A_68 : i32
      %dma_start3A_70 = arith.constant 4 : i32
      %dma_start3A_71 = arith.constant 0 : i32
      %dma_start3A_72 = arith.constant 0 : i32
      %dma_start3A_73 = tpu.memref_slice %arg6[%dma_start3A_70, %dma_start3A_71, %dma_start3A_72] : memref<8x125x16xf32, #tpu.memory_space<vmem>> -> memref<1x125x16xf32, #tpu.memory_space<vmem>>
      %dma_start3A_74 = tpu.memref_squeeze %dma_start3A_73 : memref<1x125x16xf32, #tpu.memory_space<vmem>> -> memref<125x16xf32, #tpu.memory_space<vmem>>
      %dma_start3A_75 = arith.constant 0 : i32
      %dma_start3A_76 = tpu.memref_slice %arg5[%add3A_69, %dma_start3A_75] : memref<80x125xi32, #tpu.memory_space<vmem>> -> memref<1x125xi32, #tpu.memory_space<vmem>>
      %dma_start3A_77 = tpu.memref_squeeze %dma_start3A_76 : memref<1x125xi32, #tpu.memory_space<vmem>> -> memref<125xi32, #tpu.memory_space<vmem>>
      %dma_start3A_78 = arith.constant 0 : i32
      %dma_start3A_79 = arith.constant 0 : i32
      %dma_start3A_80 = tpu.memref_slice %arg2[%dma_start3A_78, %dma_start3A_79] : memref<10000x16xf32, #tpu.memory_space<hbm>> -> memref<10000x16xf32, #tpu.memory_space<hbm>>
      tpu.enqueue_indirect_dma source(%dma_start3A_80 : memref<10000x16xf32, #tpu.memory_space<hbm>>) target(%dma_start3A_74 : memref<125x16xf32, #tpu.memory_space<vmem>>) offsets(%dma_start3A_77 : memref<125xi32, #tpu.memory_space<vmem>>) semaphore(%arg7 : memref<!tpu.dma_semaphore, #tpu.memory_space<semaphore_mem>>)
      %mul3A_81 = arith.constant 8 : i32
      %mul3A_82 = arith.muli %scan3A_6, %mul3A_81 : i32
      %add3A_83 = arith.constant 5 : i32
      %add3A_84 = arith.addi %mul3A_82, %add3A_83 : i32
      %dma_start3A_85 = arith.constant 5 : i32
      %dma_start3A_86 = arith.constant 0 : i32
      %dma_start3A_87 = arith.constant 0 : i32
      %dma_start3A_88 = tpu.memref_slice %arg6[%dma_start3A_85, %dma_start3A_86, %dma_start3A_87] : memref<8x125x16xf32, #tpu.memory_space<vmem>> -> memref<1x125x16xf32, #tpu.memory_space<vmem>>
      %dma_start3A_89 = tpu.memref_squeeze %dma_start3A_88 : memref<1x125x16xf32, #tpu.memory_space<vmem>> -> memref<125x16xf32, #tpu.memory_space<vmem>>
      %dma_start3A_90 = arith.constant 0 : i32
      %dma_start3A_91 = tpu.memref_slice %arg5[%add3A_84, %dma_start3A_90] : memref<80x125xi32, #tpu.memory_space<vmem>> -> memref<1x125xi32, #tpu.memory_space<vmem>>
      %dma_start3A_92 = tpu.memref_squeeze %dma_start3A_91 : memref<1x125xi32, #tpu.memory_space<vmem>> -> memref<125xi32, #tpu.memory_space<vmem>>
      %dma_start3A_93 = arith.constant 0 : i32
      %dma_start3A_94 = arith.constant 0 : i32
      %dma_start3A_95 = tpu.memref_slice %arg2[%dma_start3A_93, %dma_start3A_94] : memref<10000x16xf32, #tpu.memory_space<hbm>> -> memref<10000x16xf32, #tpu.memory_space<hbm>>
      tpu.enqueue_indirect_dma source(%dma_start3A_95 : memref<10000x16xf32, #tpu.memory_space<hbm>>) target(%dma_start3A_89 : memref<125x16xf32, #tpu.memory_space<vmem>>) offsets(%dma_start3A_92 : memref<125xi32, #tpu.memory_space<vmem>>) semaphore(%arg7 : memref<!tpu.dma_semaphore, #tpu.memory_space<semaphore_mem>>)
      %mul3A_96 = arith.constant 8 : i32
      %mul3A_97 = arith.muli %scan3A_6, %mul3A_96 : i32
      %add3A_98 = arith.constant 6 : i32
      %add3A_99 = arith.addi %mul3A_97, %add3A_98 : i32
      %dma_start3A_100 = arith.constant 6 : i32
      %dma_start3A_101 = arith.constant 0 : i32
      %dma_start3A_102 = arith.constant 0 : i32
      %dma_start3A_103 = tpu.memref_slice %arg6[%dma_start3A_100, %dma_start3A_101, %dma_start3A_102] : memref<8x125x16xf32, #tpu.memory_space<vmem>> -> memref<1x125x16xf32, #tpu.memory_space<vmem>>
      %dma_start3A_104 = tpu.memref_squeeze %dma_start3A_103 : memref<1x125x16xf32, #tpu.memory_space<vmem>> -> memref<125x16xf32, #tpu.memory_space<vmem>>
      %dma_start3A_105 = arith.constant 0 : i32
      %dma_start3A_106 = tpu.memref_slice %arg5[%add3A_99, %dma_start3A_105] : memref<80x125xi32, #tpu.memory_space<vmem>> -> memref<1x125xi32, #tpu.memory_space<vmem>>
      %dma_start3A_107 = tpu.memref_squeeze %dma_start3A_106 : memref<1x125xi32, #tpu.memory_space<vmem>> -> memref<125xi32, #tpu.memory_space<vmem>>
      %dma_start3A_108 = arith.constant 0 : i32
      %dma_start3A_109 = arith.constant 0 : i32
      %dma_start3A_110 = tpu.memref_slice %arg2[%dma_start3A_108, %dma_start3A_109] : memref<10000x16xf32, #tpu.memory_space<hbm>> -> memref<10000x16xf32, #tpu.memory_space<hbm>>
      tpu.enqueue_indirect_dma source(%dma_start3A_110 : memref<10000x16xf32, #tpu.memory_space<hbm>>) target(%dma_start3A_104 : memref<125x16xf32, #tpu.memory_space<vmem>>) offsets(%dma_start3A_107 : memref<125xi32, #tpu.memory_space<vmem>>) semaphore(%arg7 : memref<!tpu.dma_semaphore, #tpu.memory_space<semaphore_mem>>)
      %mul3A_111 = arith.constant 8 : i32
      %mul3A_112 = arith.muli %scan3A_6, %mul3A_111 : i32
      %add3A_113 = arith.constant 7 : i32
      %add3A_114 = arith.addi %mul3A_112, %add3A_113 : i32
      %dma_start3A_115 = arith.constant 7 : i32
      %dma_start3A_116 = arith.constant 0 : i32
      %dma_start3A_117 = arith.constant 0 : i32
      %dma_start3A_118 = tpu.memref_slice %arg6[%dma_start3A_115, %dma_start3A_116, %dma_start3A_117] : memref<8x125x16xf32, #tpu.memory_space<vmem>> -> memref<1x125x16xf32, #tpu.memory_space<vmem>>
      %dma_start3A_119 = tpu.memref_squeeze %dma_start3A_118 : memref<1x125x16xf32, #tpu.memory_space<vmem>> -> memref<125x16xf32, #tpu.memory_space<vmem>>
      %dma_start3A_120 = arith.constant 0 : i32
      %dma_start3A_121 = tpu.memref_slice %arg5[%add3A_114, %dma_start3A_120] : memref<80x125xi32, #tpu.memory_space<vmem>> -> memref<1x125xi32, #tpu.memory_space<vmem>>
      %dma_start3A_122 = tpu.memref_squeeze %dma_start3A_121 : memref<1x125xi32, #tpu.memory_space<vmem>> -> memref<125xi32, #tpu.memory_space<vmem>>
      %dma_start3A_123 = arith.constant 0 : i32
      %dma_start3A_124 = arith.constant 0 : i32
      %dma_start3A_125 = tpu.memref_slice %arg2[%dma_start3A_123, %dma_start3A_124] : memref<10000x16xf32, #tpu.memory_space<hbm>> -> memref<10000x16xf32, #tpu.memory_space<hbm>>
      tpu.enqueue_indirect_dma source(%dma_start3A_125 : memref<10000x16xf32, #tpu.memory_space<hbm>>) target(%dma_start3A_119 : memref<125x16xf32, #tpu.memory_space<vmem>>) offsets(%dma_start3A_122 : memref<125xi32, #tpu.memory_space<vmem>>) semaphore(%arg7 : memref<!tpu.dma_semaphore, #tpu.memory_space<semaphore_mem>>)
      %mul3A_126 = arith.constant 8 : i32
      %mul3A_127 = arith.muli %scan3A_6, %mul3A_126 : i32
      %add3A_128 = arith.constant 0 : i32
      %add3A_129 = arith.addi %mul3A_127, %add3A_128 : i32
      %dma_wait3A = arith.constant 0 : i32
      %dma_wait3A_130 = arith.constant 0 : i32
      %dma_wait3A_131 = arith.constant 0 : i32
      %dma_wait3A_132 = tpu.memref_slice %arg6[%dma_wait3A, %dma_wait3A_130, %dma_wait3A_131] : memref<8x125x16xf32, #tpu.memory_space<vmem>> -> memref<1x125x16xf32, #tpu.memory_space<vmem>>
      %dma_wait3A_133 = tpu.memref_squeeze %dma_wait3A_132 : memref<1x125x16xf32, #tpu.memory_space<vmem>> -> memref<125x16xf32, #tpu.memory_space<vmem>>
      %dma_wait3A_134 = arith.constant 0 : i32
      %dma_wait3A_135 = tpu.memref_slice %arg5[%add3A_129, %dma_wait3A_134] : memref<80x125xi32, #tpu.memory_space<vmem>> -> memref<1x125xi32, #tpu.memory_space<vmem>>
      %dma_wait3A_136 = tpu.memref_squeeze %dma_wait3A_135 : memref<1x125xi32, #tpu.memory_space<vmem>> -> memref<125xi32, #tpu.memory_space<vmem>>
      %dma_wait3A_137 = arith.constant 0 : i32
      %dma_wait3A_138 = arith.constant 0 : i32
      %dma_wait3A_139 = tpu.memref_slice %arg2[%dma_wait3A_137, %dma_wait3A_138] : memref<10000x16xf32, #tpu.memory_space<hbm>> -> memref<10000x16xf32, #tpu.memory_space<hbm>>
      tpu.wait_indirect_dma semaphore(%arg7 : memref<!tpu.dma_semaphore, #tpu.memory_space<semaphore_mem>>) src(%dma_wait3A_139 : memref<10000x16xf32, #tpu.memory_space<hbm>>) dst(%dma_wait3A_133 : memref<125x16xf32, #tpu.memory_space<vmem>>)
      %dma_start3A_140 = arith.constant 0 : i32
      %dma_start3A_141 = arith.constant 0 : i32
      %dma_start3A_142 = arith.constant 0 : i32
      %dma_start3A_143 = tpu.memref_slice %arg6[%dma_start3A_140, %dma_start3A_141, %dma_start3A_142] : memref<8x125x16xf32, #tpu.memory_space<vmem>> -> memref<1x125x16xf32, #tpu.memory_space<vmem>>
      %dma_start3A_144 = tpu.memref_squeeze %dma_start3A_143 : memref<1x125x16xf32, #tpu.memory_space<vmem>> -> memref<125x16xf32, #tpu.memory_space<vmem>>
      %dma_start3A_145 = arith.constant 0 : i32
      %dma_start3A_146 = arith.constant 0 : i32
      %dma_start3A_147 = tpu.memref_slice %arg4[%add3A, %add3A_129, %dma_start3A_145, %dma_start3A_146] : memref<32x80x125x16xf32, #tpu.memory_space<hbm>> -> memref<1x1x125x16xf32, #tpu.memory_space<hbm>>
      %dma_start3A_148 = tpu.memref_squeeze %dma_start3A_147 : memref<1x1x125x16xf32, #tpu.memory_space<hbm>> -> memref<125x16xf32, #tpu.memory_space<hbm>>
      %dma_start3A_149 = arith.constant 0 : i32
      %dma_start3A_150 = arith.constant 0 : i32
      %dma_start3A_151 = tpu.memref_slice %arg4[%add3A, %add3A_129, %dma_start3A_149, %dma_start3A_150] : memref<32x80x125x16xf32, #tpu.memory_space<hbm>> -> memref<1x1x125x16xf32, #tpu.memory_space<hbm>>
      %dma_start3A_152 = tpu.memref_squeeze %dma_start3A_151 : memref<1x1x125x16xf32, #tpu.memory_space<hbm>> -> memref<125x16xf32, #tpu.memory_space<hbm>>
      %dma_start3A_153 = arith.constant 0 : i32
      %dma_start3A_154 = arith.constant 0 : i32
      %dma_start3A_155 = tpu.memref_slice %arg6[%dma_start3A_140, %dma_start3A_153, %dma_start3A_154] : memref<8x125x16xf32, #tpu.memory_space<vmem>> -> memref<1x125x16xf32, #tpu.memory_space<vmem>>
      %dma_start3A_156 = tpu.memref_squeeze %dma_start3A_155 : memref<1x125x16xf32, #tpu.memory_space<vmem>> -> memref<125x16xf32, #tpu.memory_space<vmem>>
      tpu.enqueue_dma source(%dma_start3A_156 : memref<125x16xf32, #tpu.memory_space<vmem>>) target(%dma_start3A_152 : memref<125x16xf32, #tpu.memory_space<hbm>>) target_semaphore(%arg8 : memref<!tpu.dma_semaphore, #tpu.memory_space<semaphore_mem>>)
      %mul3A_157 = arith.constant 8 : i32
      %mul3A_158 = arith.muli %scan3A_6, %mul3A_157 : i32
      %add3A_159 = arith.constant 1 : i32
      %add3A_160 = arith.addi %mul3A_158, %add3A_159 : i32
      %dma_wait3A_161 = arith.constant 1 : i32
      %dma_wait3A_162 = arith.constant 0 : i32
      %dma_wait3A_163 = arith.constant 0 : i32
      %dma_wait3A_164 = tpu.memref_slice %arg6[%dma_wait3A_161, %dma_wait3A_162, %dma_wait3A_163] : memref<8x125x16xf32, #tpu.memory_space<vmem>> -> memref<1x125x16xf32, #tpu.memory_space<vmem>>
      %dma_wait3A_165 = tpu.memref_squeeze %dma_wait3A_164 : memref<1x125x16xf32, #tpu.memory_space<vmem>> -> memref<125x16xf32, #tpu.memory_space<vmem>>
      %dma_wait3A_166 = arith.constant 0 : i32
      %dma_wait3A_167 = tpu.memref_slice %arg5[%add3A_160, %dma_wait3A_166] : memref<80x125xi32, #tpu.memory_space<vmem>> -> memref<1x125xi32, #tpu.memory_space<vmem>>
      %dma_wait3A_168 = tpu.memref_squeeze %dma_wait3A_167 : memref<1x125xi32, #tpu.memory_space<vmem>> -> memref<125xi32, #tpu.memory_space<vmem>>
      %dma_wait3A_169 = arith.constant 0 : i32
      %dma_wait3A_170 = arith.constant 0 : i32
      %dma_wait3A_171 = tpu.memref_slice %arg2[%dma_wait3A_169, %dma_wait3A_170] : memref<10000x16xf32, #tpu.memory_space<hbm>> -> memref<10000x16xf32, #tpu.memory_space<hbm>>
      tpu.wait_indirect_dma semaphore(%arg7 : memref<!tpu.dma_semaphore, #tpu.memory_space<semaphore_mem>>) src(%dma_wait3A_171 : memref<10000x16xf32, #tpu.memory_space<hbm>>) dst(%dma_wait3A_165 : memref<125x16xf32, #tpu.memory_space<vmem>>)
      %dma_start3A_172 = arith.constant 1 : i32
      %dma_start3A_173 = arith.constant 0 : i32
      %dma_start3A_174 = arith.constant 0 : i32
      %dma_start3A_175 = tpu.memref_slice %arg6[%dma_start3A_172, %dma_start3A_173, %dma_start3A_174] : memref<8x125x16xf32, #tpu.memory_space<vmem>> -> memref<1x125x16xf32, #tpu.memory_space<vmem>>
      %dma_start3A_176 = tpu.memref_squeeze %dma_start3A_175 : memref<1x125x16xf32, #tpu.memory_space<vmem>> -> memref<125x16xf32, #tpu.memory_space<vmem>>
      %dma_start3A_177 = arith.constant 0 : i32
      %dma_start3A_178 = arith.constant 0 : i32
      %dma_start3A_179 = tpu.memref_slice %arg4[%add3A, %add3A_160, %dma_start3A_177, %dma_start3A_178] : memref<32x80x125x16xf32, #tpu.memory_space<hbm>> -> memref<1x1x125x16xf32, #tpu.memory_space<hbm>>
      %dma_start3A_180 = tpu.memref_squeeze %dma_start3A_179 : memref<1x1x125x16xf32, #tpu.memory_space<hbm>> -> memref<125x16xf32, #tpu.memory_space<hbm>>
      %dma_start3A_181 = arith.constant 0 : i32
      %dma_start3A_182 = arith.constant 0 : i32
      %dma_start3A_183 = tpu.memref_slice %arg4[%add3A, %add3A_160, %dma_start3A_181, %dma_start3A_182] : memref<32x80x125x16xf32, #tpu.memory_space<hbm>> -> memref<1x1x125x16xf32, #tpu.memory_space<hbm>>
      %dma_start3A_184 = tpu.memref_squeeze %dma_start3A_183 : memref<1x1x125x16xf32, #tpu.memory_space<hbm>> -> memref<125x16xf32, #tpu.memory_space<hbm>>
      %dma_start3A_185 = arith.constant 0 : i32
      %dma_start3A_186 = arith.constant 0 : i32
      %dma_start3A_187 = tpu.memref_slice %arg6[%dma_start3A_172, %dma_start3A_185, %dma_start3A_186] : memref<8x125x16xf32, #tpu.memory_space<vmem>> -> memref<1x125x16xf32, #tpu.memory_space<vmem>>
      %dma_start3A_188 = tpu.memref_squeeze %dma_start3A_187 : memref<1x125x16xf32, #tpu.memory_space<vmem>> -> memref<125x16xf32, #tpu.memory_space<vmem>>
      tpu.enqueue_dma source(%dma_start3A_188 : memref<125x16xf32, #tpu.memory_space<vmem>>) target(%dma_start3A_184 : memref<125x16xf32, #tpu.memory_space<hbm>>) target_semaphore(%arg8 : memref<!tpu.dma_semaphore, #tpu.memory_space<semaphore_mem>>)
      %mul3A_189 = arith.constant 8 : i32
      %mul3A_190 = arith.muli %scan3A_6, %mul3A_189 : i32
      %add3A_191 = arith.constant 2 : i32
      %add3A_192 = arith.addi %mul3A_190, %add3A_191 : i32
      %dma_wait3A_193 = arith.constant 2 : i32
      %dma_wait3A_194 = arith.constant 0 : i32
      %dma_wait3A_195 = arith.constant 0 : i32
      %dma_wait3A_196 = tpu.memref_slice %arg6[%dma_wait3A_193, %dma_wait3A_194, %dma_wait3A_195] : memref<8x125x16xf32, #tpu.memory_space<vmem>> -> memref<1x125x16xf32, #tpu.memory_space<vmem>>
      %dma_wait3A_197 = tpu.memref_squeeze %dma_wait3A_196 : memref<1x125x16xf32, #tpu.memory_space<vmem>> -> memref<125x16xf32, #tpu.memory_space<vmem>>
      %dma_wait3A_198 = arith.constant 0 : i32
      %dma_wait3A_199 = tpu.memref_slice %arg5[%add3A_192, %dma_wait3A_198] : memref<80x125xi32, #tpu.memory_space<vmem>> -> memref<1x125xi32, #tpu.memory_space<vmem>>
      %dma_wait3A_200 = tpu.memref_squeeze %dma_wait3A_199 : memref<1x125xi32, #tpu.memory_space<vmem>> -> memref<125xi32, #tpu.memory_space<vmem>>
      %dma_wait3A_201 = arith.constant 0 : i32
      %dma_wait3A_202 = arith.constant 0 : i32
      %dma_wait3A_203 = tpu.memref_slice %arg2[%dma_wait3A_201, %dma_wait3A_202] : memref<10000x16xf32, #tpu.memory_space<hbm>> -> memref<10000x16xf32, #tpu.memory_space<hbm>>
      tpu.wait_indirect_dma semaphore(%arg7 : memref<!tpu.dma_semaphore, #tpu.memory_space<semaphore_mem>>) src(%dma_wait3A_203 : memref<10000x16xf32, #tpu.memory_space<hbm>>) dst(%dma_wait3A_197 : memref<125x16xf32, #tpu.memory_space<vmem>>)
      %dma_start3A_204 = arith.constant 2 : i32
      %dma_start3A_205 = arith.constant 0 : i32
      %dma_start3A_206 = arith.constant 0 : i32
      %dma_start3A_207 = tpu.memref_slice %arg6[%dma_start3A_204, %dma_start3A_205, %dma_start3A_206] : memref<8x125x16xf32, #tpu.memory_space<vmem>> -> memref<1x125x16xf32, #tpu.memory_space<vmem>>
      %dma_start3A_208 = tpu.memref_squeeze %dma_start3A_207 : memref<1x125x16xf32, #tpu.memory_space<vmem>> -> memref<125x16xf32, #tpu.memory_space<vmem>>
      %dma_start3A_209 = arith.constant 0 : i32
      %dma_start3A_210 = arith.constant 0 : i32
      %dma_start3A_211 = tpu.memref_slice %arg4[%add3A, %add3A_192, %dma_start3A_209, %dma_start3A_210] : memref<32x80x125x16xf32, #tpu.memory_space<hbm>> -> memref<1x1x125x16xf32, #tpu.memory_space<hbm>>
      %dma_start3A_212 = tpu.memref_squeeze %dma_start3A_211 : memref<1x1x125x16xf32, #tpu.memory_space<hbm>> -> memref<125x16xf32, #tpu.memory_space<hbm>>
      %dma_start3A_213 = arith.constant 0 : i32
      %dma_start3A_214 = arith.constant 0 : i32
      %dma_start3A_215 = tpu.memref_slice %arg4[%add3A, %add3A_192, %dma_start3A_213, %dma_start3A_214] : memref<32x80x125x16xf32, #tpu.memory_space<hbm>> -> memref<1x1x125x16xf32, #tpu.memory_space<hbm>>
      %dma_start3A_216 = tpu.memref_squeeze %dma_start3A_215 : memref<1x1x125x16xf32, #tpu.memory_space<hbm>> -> memref<125x16xf32, #tpu.memory_space<hbm>>
      %dma_start3A_217 = arith.constant 0 : i32
      %dma_start3A_218 = arith.constant 0 : i32
      %dma_start3A_219 = tpu.memref_slice %arg6[%dma_start3A_204, %dma_start3A_217, %dma_start3A_218] : memref<8x125x16xf32, #tpu.memory_space<vmem>> -> memref<1x125x16xf32, #tpu.memory_space<vmem>>
      %dma_start3A_220 = tpu.memref_squeeze %dma_start3A_219 : memref<1x125x16xf32, #tpu.memory_space<vmem>> -> memref<125x16xf32, #tpu.memory_space<vmem>>
      tpu.enqueue_dma source(%dma_start3A_220 : memref<125x16xf32, #tpu.memory_space<vmem>>) target(%dma_start3A_216 : memref<125x16xf32, #tpu.memory_space<hbm>>) target_semaphore(%arg8 : memref<!tpu.dma_semaphore, #tpu.memory_space<semaphore_mem>>)
      %mul3A_221 = arith.constant 8 : i32
      %mul3A_222 = arith.muli %scan3A_6, %mul3A_221 : i32
      %add3A_223 = arith.constant 3 : i32
      %add3A_224 = arith.addi %mul3A_222, %add3A_223 : i32
      %dma_wait3A_225 = arith.constant 3 : i32
      %dma_wait3A_226 = arith.constant 0 : i32
      %dma_wait3A_227 = arith.constant 0 : i32
      %dma_wait3A_228 = tpu.memref_slice %arg6[%dma_wait3A_225, %dma_wait3A_226, %dma_wait3A_227] : memref<8x125x16xf32, #tpu.memory_space<vmem>> -> memref<1x125x16xf32, #tpu.memory_space<vmem>>
      %dma_wait3A_229 = tpu.memref_squeeze %dma_wait3A_228 : memref<1x125x16xf32, #tpu.memory_space<vmem>> -> memref<125x16xf32, #tpu.memory_space<vmem>>
      %dma_wait3A_230 = arith.constant 0 : i32
      %dma_wait3A_231 = tpu.memref_slice %arg5[%add3A_224, %dma_wait3A_230] : memref<80x125xi32, #tpu.memory_space<vmem>> -> memref<1x125xi32, #tpu.memory_space<vmem>>
      %dma_wait3A_232 = tpu.memref_squeeze %dma_wait3A_231 : memref<1x125xi32, #tpu.memory_space<vmem>> -> memref<125xi32, #tpu.memory_space<vmem>>
      %dma_wait3A_233 = arith.constant 0 : i32
      %dma_wait3A_234 = arith.constant 0 : i32
      %dma_wait3A_235 = tpu.memref_slice %arg2[%dma_wait3A_233, %dma_wait3A_234] : memref<10000x16xf32, #tpu.memory_space<hbm>> -> memref<10000x16xf32, #tpu.memory_space<hbm>>
      tpu.wait_indirect_dma semaphore(%arg7 : memref<!tpu.dma_semaphore, #tpu.memory_space<semaphore_mem>>) src(%dma_wait3A_235 : memref<10000x16xf32, #tpu.memory_space<hbm>>) dst(%dma_wait3A_229 : memref<125x16xf32, #tpu.memory_space<vmem>>)
      %dma_start3A_236 = arith.constant 3 : i32
      %dma_start3A_237 = arith.constant 0 : i32
      %dma_start3A_238 = arith.constant 0 : i32
      %dma_start3A_239 = tpu.memref_slice %arg6[%dma_start3A_236, %dma_start3A_237, %dma_start3A_238] : memref<8x125x16xf32, #tpu.memory_space<vmem>> -> memref<1x125x16xf32, #tpu.memory_space<vmem>>
      %dma_start3A_240 = tpu.memref_squeeze %dma_start3A_239 : memref<1x125x16xf32, #tpu.memory_space<vmem>> -> memref<125x16xf32, #tpu.memory_space<vmem>>
      %dma_start3A_241 = arith.constant 0 : i32
      %dma_start3A_242 = arith.constant 0 : i32
      %dma_start3A_243 = tpu.memref_slice %arg4[%add3A, %add3A_224, %dma_start3A_241, %dma_start3A_242] : memref<32x80x125x16xf32, #tpu.memory_space<hbm>> -> memref<1x1x125x16xf32, #tpu.memory_space<hbm>>
      %dma_start3A_244 = tpu.memref_squeeze %dma_start3A_243 : memref<1x1x125x16xf32, #tpu.memory_space<hbm>> -> memref<125x16xf32, #tpu.memory_space<hbm>>
      %dma_start3A_245 = arith.constant 0 : i32
      %dma_start3A_246 = arith.constant 0 : i32
      %dma_start3A_247 = tpu.memref_slice %arg4[%add3A, %add3A_224, %dma_start3A_245, %dma_start3A_246] : memref<32x80x125x16xf32, #tpu.memory_space<hbm>> -> memref<1x1x125x16xf32, #tpu.memory_space<hbm>>
      %dma_start3A_248 = tpu.memref_squeeze %dma_start3A_247 : memref<1x1x125x16xf32, #tpu.memory_space<hbm>> -> memref<125x16xf32, #tpu.memory_space<hbm>>
      %dma_start3A_249 = arith.constant 0 : i32
      %dma_start3A_250 = arith.constant 0 : i32
      %dma_start3A_251 = tpu.memref_slice %arg6[%dma_start3A_236, %dma_start3A_249, %dma_start3A_250] : memref<8x125x16xf32, #tpu.memory_space<vmem>> -> memref<1x125x16xf32, #tpu.memory_space<vmem>>
      %dma_start3A_252 = tpu.memref_squeeze %dma_start3A_251 : memref<1x125x16xf32, #tpu.memory_space<vmem>> -> memref<125x16xf32, #tpu.memory_space<vmem>>
      tpu.enqueue_dma source(%dma_start3A_252 : memref<125x16xf32, #tpu.memory_space<vmem>>) target(%dma_start3A_248 : memref<125x16xf32, #tpu.memory_space<hbm>>) target_semaphore(%arg8 : memref<!tpu.dma_semaphore, #tpu.memory_space<semaphore_mem>>)
      %mul3A_253 = arith.constant 8 : i32
      %mul3A_254 = arith.muli %scan3A_6, %mul3A_253 : i32
      %add3A_255 = arith.constant 4 : i32
      %add3A_256 = arith.addi %mul3A_254, %add3A_255 : i32
      %dma_wait3A_257 = arith.constant 4 : i32
      %dma_wait3A_258 = arith.constant 0 : i32
      %dma_wait3A_259 = arith.constant 0 : i32
      %dma_wait3A_260 = tpu.memref_slice %arg6[%dma_wait3A_257, %dma_wait3A_258, %dma_wait3A_259] : memref<8x125x16xf32, #tpu.memory_space<vmem>> -> memref<1x125x16xf32, #tpu.memory_space<vmem>>
      %dma_wait3A_261 = tpu.memref_squeeze %dma_wait3A_260 : memref<1x125x16xf32, #tpu.memory_space<vmem>> -> memref<125x16xf32, #tpu.memory_space<vmem>>
      %dma_wait3A_262 = arith.constant 0 : i32
      %dma_wait3A_263 = tpu.memref_slice %arg5[%add3A_256, %dma_wait3A_262] : memref<80x125xi32, #tpu.memory_space<vmem>> -> memref<1x125xi32, #tpu.memory_space<vmem>>
      %dma_wait3A_264 = tpu.memref_squeeze %dma_wait3A_263 : memref<1x125xi32, #tpu.memory_space<vmem>> -> memref<125xi32, #tpu.memory_space<vmem>>
      %dma_wait3A_265 = arith.constant 0 : i32
      %dma_wait3A_266 = arith.constant 0 : i32
      %dma_wait3A_267 = tpu.memref_slice %arg2[%dma_wait3A_265, %dma_wait3A_266] : memref<10000x16xf32, #tpu.memory_space<hbm>> -> memref<10000x16xf32, #tpu.memory_space<hbm>>
      tpu.wait_indirect_dma semaphore(%arg7 : memref<!tpu.dma_semaphore, #tpu.memory_space<semaphore_mem>>) src(%dma_wait3A_267 : memref<10000x16xf32, #tpu.memory_space<hbm>>) dst(%dma_wait3A_261 : memref<125x16xf32, #tpu.memory_space<vmem>>)
      %dma_start3A_268 = arith.constant 4 : i32
      %dma_start3A_269 = arith.constant 0 : i32
      %dma_start3A_270 = arith.constant 0 : i32
      %dma_start3A_271 = tpu.memref_slice %arg6[%dma_start3A_268, %dma_start3A_269, %dma_start3A_270] : memref<8x125x16xf32, #tpu.memory_space<vmem>> -> memref<1x125x16xf32, #tpu.memory_space<vmem>>
      %dma_start3A_272 = tpu.memref_squeeze %dma_start3A_271 : memref<1x125x16xf32, #tpu.memory_space<vmem>> -> memref<125x16xf32, #tpu.memory_space<vmem>>
      %dma_start3A_273 = arith.constant 0 : i32
      %dma_start3A_274 = arith.constant 0 : i32
      %dma_start3A_275 = tpu.memref_slice %arg4[%add3A, %add3A_256, %dma_start3A_273, %dma_start3A_274] : memref<32x80x125x16xf32, #tpu.memory_space<hbm>> -> memref<1x1x125x16xf32, #tpu.memory_space<hbm>>
      %dma_start3A_276 = tpu.memref_squeeze %dma_start3A_275 : memref<1x1x125x16xf32, #tpu.memory_space<hbm>> -> memref<125x16xf32, #tpu.memory_space<hbm>>
      %dma_start3A_277 = arith.constant 0 : i32
      %dma_start3A_278 = arith.constant 0 : i32
      %dma_start3A_279 = tpu.memref_slice %arg4[%add3A, %add3A_256, %dma_start3A_277, %dma_start3A_278] : memref<32x80x125x16xf32, #tpu.memory_space<hbm>> -> memref<1x1x125x16xf32, #tpu.memory_space<hbm>>
      %dma_start3A_280 = tpu.memref_squeeze %dma_start3A_279 : memref<1x1x125x16xf32, #tpu.memory_space<hbm>> -> memref<125x16xf32, #tpu.memory_space<hbm>>
      %dma_start3A_281 = arith.constant 0 : i32
      %dma_start3A_282 = arith.constant 0 : i32
      %dma_start3A_283 = tpu.memref_slice %arg6[%dma_start3A_268, %dma_start3A_281, %dma_start3A_282] : memref<8x125x16xf32, #tpu.memory_space<vmem>> -> memref<1x125x16xf32, #tpu.memory_space<vmem>>
      %dma_start3A_284 = tpu.memref_squeeze %dma_start3A_283 : memref<1x125x16xf32, #tpu.memory_space<vmem>> -> memref<125x16xf32, #tpu.memory_space<vmem>>
      tpu.enqueue_dma source(%dma_start3A_284 : memref<125x16xf32, #tpu.memory_space<vmem>>) target(%dma_start3A_280 : memref<125x16xf32, #tpu.memory_space<hbm>>) target_semaphore(%arg8 : memref<!tpu.dma_semaphore, #tpu.memory_space<semaphore_mem>>)
      %mul3A_285 = arith.constant 8 : i32
      %mul3A_286 = arith.muli %scan3A_6, %mul3A_285 : i32
      %add3A_287 = arith.constant 5 : i32
      %add3A_288 = arith.addi %mul3A_286, %add3A_287 : i32
      %dma_wait3A_289 = arith.constant 5 : i32
      %dma_wait3A_290 = arith.constant 0 : i32
      %dma_wait3A_291 = arith.constant 0 : i32
      %dma_wait3A_292 = tpu.memref_slice %arg6[%dma_wait3A_289, %dma_wait3A_290, %dma_wait3A_291] : memref<8x125x16xf32, #tpu.memory_space<vmem>> -> memref<1x125x16xf32, #tpu.memory_space<vmem>>
      %dma_wait3A_293 = tpu.memref_squeeze %dma_wait3A_292 : memref<1x125x16xf32, #tpu.memory_space<vmem>> -> memref<125x16xf32, #tpu.memory_space<vmem>>
      %dma_wait3A_294 = arith.constant 0 : i32
      %dma_wait3A_295 = tpu.memref_slice %arg5[%add3A_288, %dma_wait3A_294] : memref<80x125xi32, #tpu.memory_space<vmem>> -> memref<1x125xi32, #tpu.memory_space<vmem>>
      %dma_wait3A_296 = tpu.memref_squeeze %dma_wait3A_295 : memref<1x125xi32, #tpu.memory_space<vmem>> -> memref<125xi32, #tpu.memory_space<vmem>>
      %dma_wait3A_297 = arith.constant 0 : i32
      %dma_wait3A_298 = arith.constant 0 : i32
      %dma_wait3A_299 = tpu.memref_slice %arg2[%dma_wait3A_297, %dma_wait3A_298] : memref<10000x16xf32, #tpu.memory_space<hbm>> -> memref<10000x16xf32, #tpu.memory_space<hbm>>
      tpu.wait_indirect_dma semaphore(%arg7 : memref<!tpu.dma_semaphore, #tpu.memory_space<semaphore_mem>>) src(%dma_wait3A_299 : memref<10000x16xf32, #tpu.memory_space<hbm>>) dst(%dma_wait3A_293 : memref<125x16xf32, #tpu.memory_space<vmem>>)
      %dma_start3A_300 = arith.constant 5 : i32
      %dma_start3A_301 = arith.constant 0 : i32
      %dma_start3A_302 = arith.constant 0 : i32
      %dma_start3A_303 = tpu.memref_slice %arg6[%dma_start3A_300, %dma_start3A_301, %dma_start3A_302] : memref<8x125x16xf32, #tpu.memory_space<vmem>> -> memref<1x125x16xf32, #tpu.memory_space<vmem>>
      %dma_start3A_304 = tpu.memref_squeeze %dma_start3A_303 : memref<1x125x16xf32, #tpu.memory_space<vmem>> -> memref<125x16xf32, #tpu.memory_space<vmem>>
      %dma_start3A_305 = arith.constant 0 : i32
      %dma_start3A_306 = arith.constant 0 : i32
      %dma_start3A_307 = tpu.memref_slice %arg4[%add3A, %add3A_288, %dma_start3A_305, %dma_start3A_306] : memref<32x80x125x16xf32, #tpu.memory_space<hbm>> -> memref<1x1x125x16xf32, #tpu.memory_space<hbm>>
      %dma_start3A_308 = tpu.memref_squeeze %dma_start3A_307 : memref<1x1x125x16xf32, #tpu.memory_space<hbm>> -> memref<125x16xf32, #tpu.memory_space<hbm>>
      %dma_start3A_309 = arith.constant 0 : i32
      %dma_start3A_310 = arith.constant 0 : i32
      %dma_start3A_311 = tpu.memref_slice %arg4[%add3A, %add3A_288, %dma_start3A_309, %dma_start3A_310] : memref<32x80x125x16xf32, #tpu.memory_space<hbm>> -> memref<1x1x125x16xf32, #tpu.memory_space<hbm>>
      %dma_start3A_312 = tpu.memref_squeeze %dma_start3A_311 : memref<1x1x125x16xf32, #tpu.memory_space<hbm>> -> memref<125x16xf32, #tpu.memory_space<hbm>>
      %dma_start3A_313 = arith.constant 0 : i32
      %dma_start3A_314 = arith.constant 0 : i32
      %dma_start3A_315 = tpu.memref_slice %arg6[%dma_start3A_300, %dma_start3A_313, %dma_start3A_314] : memref<8x125x16xf32, #tpu.memory_space<vmem>> -> memref<1x125x16xf32, #tpu.memory_space<vmem>>
      %dma_start3A_316 = tpu.memref_squeeze %dma_start3A_315 : memref<1x125x16xf32, #tpu.memory_space<vmem>> -> memref<125x16xf32, #tpu.memory_space<vmem>>
      tpu.enqueue_dma source(%dma_start3A_316 : memref<125x16xf32, #tpu.memory_space<vmem>>) target(%dma_start3A_312 : memref<125x16xf32, #tpu.memory_space<hbm>>) target_semaphore(%arg8 : memref<!tpu.dma_semaphore, #tpu.memory_space<semaphore_mem>>)
      %mul3A_317 = arith.constant 8 : i32
      %mul3A_318 = arith.muli %scan3A_6, %mul3A_317 : i32
      %add3A_319 = arith.constant 6 : i32
      %add3A_320 = arith.addi %mul3A_318, %add3A_319 : i32
      %dma_wait3A_321 = arith.constant 6 : i32
      %dma_wait3A_322 = arith.constant 0 : i32
      %dma_wait3A_323 = arith.constant 0 : i32
      %dma_wait3A_324 = tpu.memref_slice %arg6[%dma_wait3A_321, %dma_wait3A_322, %dma_wait3A_323] : memref<8x125x16xf32, #tpu.memory_space<vmem>> -> memref<1x125x16xf32, #tpu.memory_space<vmem>>
      %dma_wait3A_325 = tpu.memref_squeeze %dma_wait3A_324 : memref<1x125x16xf32, #tpu.memory_space<vmem>> -> memref<125x16xf32, #tpu.memory_space<vmem>>
      %dma_wait3A_326 = arith.constant 0 : i32
      %dma_wait3A_327 = tpu.memref_slice %arg5[%add3A_320, %dma_wait3A_326] : memref<80x125xi32, #tpu.memory_space<vmem>> -> memref<1x125xi32, #tpu.memory_space<vmem>>
      %dma_wait3A_328 = tpu.memref_squeeze %dma_wait3A_327 : memref<1x125xi32, #tpu.memory_space<vmem>> -> memref<125xi32, #tpu.memory_space<vmem>>
      %dma_wait3A_329 = arith.constant 0 : i32
      %dma_wait3A_330 = arith.constant 0 : i32
      %dma_wait3A_331 = tpu.memref_slice %arg2[%dma_wait3A_329, %dma_wait3A_330] : memref<10000x16xf32, #tpu.memory_space<hbm>> -> memref<10000x16xf32, #tpu.memory_space<hbm>>
      tpu.wait_indirect_dma semaphore(%arg7 : memref<!tpu.dma_semaphore, #tpu.memory_space<semaphore_mem>>) src(%dma_wait3A_331 : memref<10000x16xf32, #tpu.memory_space<hbm>>) dst(%dma_wait3A_325 : memref<125x16xf32, #tpu.memory_space<vmem>>)
      %dma_start3A_332 = arith.constant 6 : i32
      %dma_start3A_333 = arith.constant 0 : i32
      %dma_start3A_334 = arith.constant 0 : i32
      %dma_start3A_335 = tpu.memref_slice %arg6[%dma_start3A_332, %dma_start3A_333, %dma_start3A_334] : memref<8x125x16xf32, #tpu.memory_space<vmem>> -> memref<1x125x16xf32, #tpu.memory_space<vmem>>
      %dma_start3A_336 = tpu.memref_squeeze %dma_start3A_335 : memref<1x125x16xf32, #tpu.memory_space<vmem>> -> memref<125x16xf32, #tpu.memory_space<vmem>>
      %dma_start3A_337 = arith.constant 0 : i32
      %dma_start3A_338 = arith.constant 0 : i32
      %dma_start3A_339 = tpu.memref_slice %arg4[%add3A, %add3A_320, %dma_start3A_337, %dma_start3A_338] : memref<32x80x125x16xf32, #tpu.memory_space<hbm>> -> memref<1x1x125x16xf32, #tpu.memory_space<hbm>>
      %dma_start3A_340 = tpu.memref_squeeze %dma_start3A_339 : memref<1x1x125x16xf32, #tpu.memory_space<hbm>> -> memref<125x16xf32, #tpu.memory_space<hbm>>
      %dma_start3A_341 = arith.constant 0 : i32
      %dma_start3A_342 = arith.constant 0 : i32
      %dma_start3A_343 = tpu.memref_slice %arg4[%add3A, %add3A_320, %dma_start3A_341, %dma_start3A_342] : memref<32x80x125x16xf32, #tpu.memory_space<hbm>> -> memref<1x1x125x16xf32, #tpu.memory_space<hbm>>
      %dma_start3A_344 = tpu.memref_squeeze %dma_start3A_343 : memref<1x1x125x16xf32, #tpu.memory_space<hbm>> -> memref<125x16xf32, #tpu.memory_space<hbm>>
      %dma_start3A_345 = arith.constant 0 : i32
      %dma_start3A_346 = arith.constant 0 : i32
      %dma_start3A_347 = tpu.memref_slice %arg6[%dma_start3A_332, %dma_start3A_345, %dma_start3A_346] : memref<8x125x16xf32, #tpu.memory_space<vmem>> -> memref<1x125x16xf32, #tpu.memory_space<vmem>>
      %dma_start3A_348 = tpu.memref_squeeze %dma_start3A_347 : memref<1x125x16xf32, #tpu.memory_space<vmem>> -> memref<125x16xf32, #tpu.memory_space<vmem>>
      tpu.enqueue_dma source(%dma_start3A_348 : memref<125x16xf32, #tpu.memory_space<vmem>>) target(%dma_start3A_344 : memref<125x16xf32, #tpu.memory_space<hbm>>) target_semaphore(%arg8 : memref<!tpu.dma_semaphore, #tpu.memory_space<semaphore_mem>>)
      %mul3A_349 = arith.constant 8 : i32
      %mul3A_350 = arith.muli %scan3A_6, %mul3A_349 : i32
      %add3A_351 = arith.constant 7 : i32
      %add3A_352 = arith.addi %mul3A_350, %add3A_351 : i32
      %dma_wait3A_353 = arith.constant 7 : i32
      %dma_wait3A_354 = arith.constant 0 : i32
      %dma_wait3A_355 = arith.constant 0 : i32
      %dma_wait3A_356 = tpu.memref_slice %arg6[%dma_wait3A_353, %dma_wait3A_354, %dma_wait3A_355] : memref<8x125x16xf32, #tpu.memory_space<vmem>> -> memref<1x125x16xf32, #tpu.memory_space<vmem>>
      %dma_wait3A_357 = tpu.memref_squeeze %dma_wait3A_356 : memref<1x125x16xf32, #tpu.memory_space<vmem>> -> memref<125x16xf32, #tpu.memory_space<vmem>>
      %dma_wait3A_358 = arith.constant 0 : i32
      %dma_wait3A_359 = tpu.memref_slice %arg5[%add3A_352, %dma_wait3A_358] : memref<80x125xi32, #tpu.memory_space<vmem>> -> memref<1x125xi32, #tpu.memory_space<vmem>>
      %dma_wait3A_360 = tpu.memref_squeeze %dma_wait3A_359 : memref<1x125xi32, #tpu.memory_space<vmem>> -> memref<125xi32, #tpu.memory_space<vmem>>
      %dma_wait3A_361 = arith.constant 0 : i32
      %dma_wait3A_362 = arith.constant 0 : i32
      %dma_wait3A_363 = tpu.memref_slice %arg2[%dma_wait3A_361, %dma_wait3A_362] : memref<10000x16xf32, #tpu.memory_space<hbm>> -> memref<10000x16xf32, #tpu.memory_space<hbm>>
      tpu.wait_indirect_dma semaphore(%arg7 : memref<!tpu.dma_semaphore, #tpu.memory_space<semaphore_mem>>) src(%dma_wait3A_363 : memref<10000x16xf32, #tpu.memory_space<hbm>>) dst(%dma_wait3A_357 : memref<125x16xf32, #tpu.memory_space<vmem>>)
      %dma_start3A_364 = arith.constant 7 : i32
      %dma_start3A_365 = arith.constant 0 : i32
      %dma_start3A_366 = arith.constant 0 : i32
      %dma_start3A_367 = tpu.memref_slice %arg6[%dma_start3A_364, %dma_start3A_365, %dma_start3A_366] : memref<8x125x16xf32, #tpu.memory_space<vmem>> -> memref<1x125x16xf32, #tpu.memory_space<vmem>>
      %dma_start3A_368 = tpu.memref_squeeze %dma_start3A_367 : memref<1x125x16xf32, #tpu.memory_space<vmem>> -> memref<125x16xf32, #tpu.memory_space<vmem>>
      %dma_start3A_369 = arith.constant 0 : i32
      %dma_start3A_370 = arith.constant 0 : i32
      %dma_start3A_371 = tpu.memref_slice %arg4[%add3A, %add3A_352, %dma_start3A_369, %dma_start3A_370] : memref<32x80x125x16xf32, #tpu.memory_space<hbm>> -> memref<1x1x125x16xf32, #tpu.memory_space<hbm>>
      %dma_start3A_372 = tpu.memref_squeeze %dma_start3A_371 : memref<1x1x125x16xf32, #tpu.memory_space<hbm>> -> memref<125x16xf32, #tpu.memory_space<hbm>>
      %dma_start3A_373 = arith.constant 0 : i32
      %dma_start3A_374 = arith.constant 0 : i32
      %dma_start3A_375 = tpu.memref_slice %arg4[%add3A, %add3A_352, %dma_start3A_373, %dma_start3A_374] : memref<32x80x125x16xf32, #tpu.memory_space<hbm>> -> memref<1x1x125x16xf32, #tpu.memory_space<hbm>>
      %dma_start3A_376 = tpu.memref_squeeze %dma_start3A_375 : memref<1x1x125x16xf32, #tpu.memory_space<hbm>> -> memref<125x16xf32, #tpu.memory_space<hbm>>
      %dma_start3A_377 = arith.constant 0 : i32
      %dma_start3A_378 = arith.constant 0 : i32
      %dma_start3A_379 = tpu.memref_slice %arg6[%dma_start3A_364, %dma_start3A_377, %dma_start3A_378] : memref<8x125x16xf32, #tpu.memory_space<vmem>> -> memref<1x125x16xf32, #tpu.memory_space<vmem>>
      %dma_start3A_380 = tpu.memref_squeeze %dma_start3A_379 : memref<1x125x16xf32, #tpu.memory_space<vmem>> -> memref<125x16xf32, #tpu.memory_space<vmem>>
      tpu.enqueue_dma source(%dma_start3A_380 : memref<125x16xf32, #tpu.memory_space<vmem>>) target(%dma_start3A_376 : memref<125x16xf32, #tpu.memory_space<hbm>>) target_semaphore(%arg8 : memref<!tpu.dma_semaphore, #tpu.memory_space<semaphore_mem>>)
      %mul3A_381 = arith.constant 8 : i32
      %mul3A_382 = arith.muli %scan3A_6, %mul3A_381 : i32
      %add3A_383 = arith.constant 0 : i32
      %add3A_384 = arith.addi %mul3A_382, %add3A_383 : i32
      %dma_wait3A_385 = arith.constant 0 : i32
      %dma_wait3A_386 = arith.constant 0 : i32
      %dma_wait3A_387 = arith.constant 0 : i32
      %dma_wait3A_388 = tpu.memref_slice %arg6[%dma_wait3A_385, %dma_wait3A_386, %dma_wait3A_387] : memref<8x125x16xf32, #tpu.memory_space<vmem>> -> memref<1x125x16xf32, #tpu.memory_space<vmem>>
      %dma_wait3A_389 = tpu.memref_squeeze %dma_wait3A_388 : memref<1x125x16xf32, #tpu.memory_space<vmem>> -> memref<125x16xf32, #tpu.memory_space<vmem>>
      %dma_wait3A_390 = arith.constant 0 : i32
      %dma_wait3A_391 = arith.constant 0 : i32
      %dma_wait3A_392 = tpu.memref_slice %arg4[%add3A, %add3A_384, %dma_wait3A_390, %dma_wait3A_391] : memref<32x80x125x16xf32, #tpu.memory_space<hbm>> -> memref<1x1x125x16xf32, #tpu.memory_space<hbm>>
      %dma_wait3A_393 = tpu.memref_squeeze %dma_wait3A_392 : memref<1x1x125x16xf32, #tpu.memory_space<hbm>> -> memref<125x16xf32, #tpu.memory_space<hbm>>
      %dma_wait3A_394 = arith.constant 0 : i32
      %dma_wait3A_395 = arith.constant 0 : i32
      %dma_wait3A_396 = tpu.memref_slice %arg4[%add3A, %add3A_384, %dma_wait3A_394, %dma_wait3A_395] : memref<32x80x125x16xf32, #tpu.memory_space<hbm>> -> memref<1x1x125x16xf32, #tpu.memory_space<hbm>>
      %dma_wait3A_397 = tpu.memref_squeeze %dma_wait3A_396 : memref<1x1x125x16xf32, #tpu.memory_space<hbm>> -> memref<125x16xf32, #tpu.memory_space<hbm>>
      %dma_wait3A_398 = arith.constant 0 : i32
      %dma_wait3A_399 = arith.constant 0 : i32
      %dma_wait3A_400 = tpu.memref_slice %arg6[%dma_wait3A_385, %dma_wait3A_398, %dma_wait3A_399] : memref<8x125x16xf32, #tpu.memory_space<vmem>> -> memref<1x125x16xf32, #tpu.memory_space<vmem>>
      %dma_wait3A_401 = tpu.memref_squeeze %dma_wait3A_400 : memref<1x125x16xf32, #tpu.memory_space<vmem>> -> memref<125x16xf32, #tpu.memory_space<vmem>>
      tpu.wait_dma2 semaphore(%arg8 : memref<!tpu.dma_semaphore, #tpu.memory_space<semaphore_mem>>) src(%dma_wait3A_401 : memref<125x16xf32, #tpu.memory_space<vmem>>) dst(%dma_wait3A_397 : memref<125x16xf32, #tpu.memory_space<hbm>>)
      %mul3A_402 = arith.constant 8 : i32
      %mul3A_403 = arith.muli %scan3A_6, %mul3A_402 : i32
      %add3A_404 = arith.constant 1 : i32
      %add3A_405 = arith.addi %mul3A_403, %add3A_404 : i32
      %dma_wait3A_406 = arith.constant 1 : i32
      %dma_wait3A_407 = arith.constant 0 : i32
      %dma_wait3A_408 = arith.constant 0 : i32
      %dma_wait3A_409 = tpu.memref_slice %arg6[%dma_wait3A_406, %dma_wait3A_407, %dma_wait3A_408] : memref<8x125x16xf32, #tpu.memory_space<vmem>> -> memref<1x125x16xf32, #tpu.memory_space<vmem>>
      %dma_wait3A_410 = tpu.memref_squeeze %dma_wait3A_409 : memref<1x125x16xf32, #tpu.memory_space<vmem>> -> memref<125x16xf32, #tpu.memory_space<vmem>>
      %dma_wait3A_411 = arith.constant 0 : i32
      %dma_wait3A_412 = arith.constant 0 : i32
      %dma_wait3A_413 = tpu.memref_slice %arg4[%add3A, %add3A_405, %dma_wait3A_411, %dma_wait3A_412] : memref<32x80x125x16xf32, #tpu.memory_space<hbm>> -> memref<1x1x125x16xf32, #tpu.memory_space<hbm>>
      %dma_wait3A_414 = tpu.memref_squeeze %dma_wait3A_413 : memref<1x1x125x16xf32, #tpu.memory_space<hbm>> -> memref<125x16xf32, #tpu.memory_space<hbm>>
      %dma_wait3A_415 = arith.constant 0 : i32
      %dma_wait3A_416 = arith.constant 0 : i32
      %dma_wait3A_417 = tpu.memref_slice %arg4[%add3A, %add3A_405, %dma_wait3A_415, %dma_wait3A_416] : memref<32x80x125x16xf32, #tpu.memory_space<hbm>> -> memref<1x1x125x16xf32, #tpu.memory_space<hbm>>
      %dma_wait3A_418 = tpu.memref_squeeze %dma_wait3A_417 : memref<1x1x125x16xf32, #tpu.memory_space<hbm>> -> memref<125x16xf32, #tpu.memory_space<hbm>>
      %dma_wait3A_419 = arith.constant 0 : i32
      %dma_wait3A_420 = arith.constant 0 : i32
      %dma_wait3A_421 = tpu.memref_slice %arg6[%dma_wait3A_406, %dma_wait3A_419, %dma_wait3A_420] : memref<8x125x16xf32, #tpu.memory_space<vmem>> -> memref<1x125x16xf32, #tpu.memory_space<vmem>>
      %dma_wait3A_422 = tpu.memref_squeeze %dma_wait3A_421 : memref<1x125x16xf32, #tpu.memory_space<vmem>> -> memref<125x16xf32, #tpu.memory_space<vmem>>
      tpu.wait_dma2 semaphore(%arg8 : memref<!tpu.dma_semaphore, #tpu.memory_space<semaphore_mem>>) src(%dma_wait3A_422 : memref<125x16xf32, #tpu.memory_space<vmem>>) dst(%dma_wait3A_418 : memref<125x16xf32, #tpu.memory_space<hbm>>)
      %mul3A_423 = arith.constant 8 : i32
      %mul3A_424 = arith.muli %scan3A_6, %mul3A_423 : i32
      %add3A_425 = arith.constant 2 : i32
      %add3A_426 = arith.addi %mul3A_424, %add3A_425 : i32
      %dma_wait3A_427 = arith.constant 2 : i32
      %dma_wait3A_428 = arith.constant 0 : i32
      %dma_wait3A_429 = arith.constant 0 : i32
      %dma_wait3A_430 = tpu.memref_slice %arg6[%dma_wait3A_427, %dma_wait3A_428, %dma_wait3A_429] : memref<8x125x16xf32, #tpu.memory_space<vmem>> -> memref<1x125x16xf32, #tpu.memory_space<vmem>>
      %dma_wait3A_431 = tpu.memref_squeeze %dma_wait3A_430 : memref<1x125x16xf32, #tpu.memory_space<vmem>> -> memref<125x16xf32, #tpu.memory_space<vmem>>
      %dma_wait3A_432 = arith.constant 0 : i32
      %dma_wait3A_433 = arith.constant 0 : i32
      %dma_wait3A_434 = tpu.memref_slice %arg4[%add3A, %add3A_426, %dma_wait3A_432, %dma_wait3A_433] : memref<32x80x125x16xf32, #tpu.memory_space<hbm>> -> memref<1x1x125x16xf32, #tpu.memory_space<hbm>>
      %dma_wait3A_435 = tpu.memref_squeeze %dma_wait3A_434 : memref<1x1x125x16xf32, #tpu.memory_space<hbm>> -> memref<125x16xf32, #tpu.memory_space<hbm>>
      %dma_wait3A_436 = arith.constant 0 : i32
      %dma_wait3A_437 = arith.constant 0 : i32
      %dma_wait3A_438 = tpu.memref_slice %arg4[%add3A, %add3A_426, %dma_wait3A_436, %dma_wait3A_437] : memref<32x80x125x16xf32, #tpu.memory_space<hbm>> -> memref<1x1x125x16xf32, #tpu.memory_space<hbm>>
      %dma_wait3A_439 = tpu.memref_squeeze %dma_wait3A_438 : memref<1x1x125x16xf32, #tpu.memory_space<hbm>> -> memref<125x16xf32, #tpu.memory_space<hbm>>
      %dma_wait3A_440 = arith.constant 0 : i32
      %dma_wait3A_441 = arith.constant 0 : i32
      %dma_wait3A_442 = tpu.memref_slice %arg6[%dma_wait3A_427, %dma_wait3A_440, %dma_wait3A_441] : memref<8x125x16xf32, #tpu.memory_space<vmem>> -> memref<1x125x16xf32, #tpu.memory_space<vmem>>
      %dma_wait3A_443 = tpu.memref_squeeze %dma_wait3A_442 : memref<1x125x16xf32, #tpu.memory_space<vmem>> -> memref<125x16xf32, #tpu.memory_space<vmem>>
      tpu.wait_dma2 semaphore(%arg8 : memref<!tpu.dma_semaphore, #tpu.memory_space<semaphore_mem>>) src(%dma_wait3A_443 : memref<125x16xf32, #tpu.memory_space<vmem>>) dst(%dma_wait3A_439 : memref<125x16xf32, #tpu.memory_space<hbm>>)
      %mul3A_444 = arith.constant 8 : i32
      %mul3A_445 = arith.muli %scan3A_6, %mul3A_444 : i32
      %add3A_446 = arith.constant 3 : i32
      %add3A_447 = arith.addi %mul3A_445, %add3A_446 : i32
      %dma_wait3A_448 = arith.constant 3 : i32
      %dma_wait3A_449 = arith.constant 0 : i32
      %dma_wait3A_450 = arith.constant 0 : i32
      %dma_wait3A_451 = tpu.memref_slice %arg6[%dma_wait3A_448, %dma_wait3A_449, %dma_wait3A_450] : memref<8x125x16xf32, #tpu.memory_space<vmem>> -> memref<1x125x16xf32, #tpu.memory_space<vmem>>
      %dma_wait3A_452 = tpu.memref_squeeze %dma_wait3A_451 : memref<1x125x16xf32, #tpu.memory_space<vmem>> -> memref<125x16xf32, #tpu.memory_space<vmem>>
      %dma_wait3A_453 = arith.constant 0 : i32
      %dma_wait3A_454 = arith.constant 0 : i32
      %dma_wait3A_455 = tpu.memref_slice %arg4[%add3A, %add3A_447, %dma_wait3A_453, %dma_wait3A_454] : memref<32x80x125x16xf32, #tpu.memory_space<hbm>> -> memref<1x1x125x16xf32, #tpu.memory_space<hbm>>
      %dma_wait3A_456 = tpu.memref_squeeze %dma_wait3A_455 : memref<1x1x125x16xf32, #tpu.memory_space<hbm>> -> memref<125x16xf32, #tpu.memory_space<hbm>>
      %dma_wait3A_457 = arith.constant 0 : i32
      %dma_wait3A_458 = arith.constant 0 : i32
      %dma_wait3A_459 = tpu.memref_slice %arg4[%add3A, %add3A_447, %dma_wait3A_457, %dma_wait3A_458] : memref<32x80x125x16xf32, #tpu.memory_space<hbm>> -> memref<1x1x125x16xf32, #tpu.memory_space<hbm>>
      %dma_wait3A_460 = tpu.memref_squeeze %dma_wait3A_459 : memref<1x1x125x16xf32, #tpu.memory_space<hbm>> -> memref<125x16xf32, #tpu.memory_space<hbm>>
      %dma_wait3A_461 = arith.constant 0 : i32
      %dma_wait3A_462 = arith.constant 0 : i32
      %dma_wait3A_463 = tpu.memref_slice %arg6[%dma_wait3A_448, %dma_wait3A_461, %dma_wait3A_462] : memref<8x125x16xf32, #tpu.memory_space<vmem>> -> memref<1x125x16xf32, #tpu.memory_space<vmem>>
      %dma_wait3A_464 = tpu.memref_squeeze %dma_wait3A_463 : memref<1x125x16xf32, #tpu.memory_space<vmem>> -> memref<125x16xf32, #tpu.memory_space<vmem>>
      tpu.wait_dma2 semaphore(%arg8 : memref<!tpu.dma_semaphore, #tpu.memory_space<semaphore_mem>>) src(%dma_wait3A_464 : memref<125x16xf32, #tpu.memory_space<vmem>>) dst(%dma_wait3A_460 : memref<125x16xf32, #tpu.memory_space<hbm>>)
      %mul3A_465 = arith.constant 8 : i32
      %mul3A_466 = arith.muli %scan3A_6, %mul3A_465 : i32
      %add3A_467 = arith.constant 4 : i32
      %add3A_468 = arith.addi %mul3A_466, %add3A_467 : i32
      %dma_wait3A_469 = arith.constant 4 : i32
      %dma_wait3A_470 = arith.constant 0 : i32
      %dma_wait3A_471 = arith.constant 0 : i32
      %dma_wait3A_472 = tpu.memref_slice %arg6[%dma_wait3A_469, %dma_wait3A_470, %dma_wait3A_471] : memref<8x125x16xf32, #tpu.memory_space<vmem>> -> memref<1x125x16xf32, #tpu.memory_space<vmem>>
      %dma_wait3A_473 = tpu.memref_squeeze %dma_wait3A_472 : memref<1x125x16xf32, #tpu.memory_space<vmem>> -> memref<125x16xf32, #tpu.memory_space<vmem>>
      %dma_wait3A_474 = arith.constant 0 : i32
      %dma_wait3A_475 = arith.constant 0 : i32
      %dma_wait3A_476 = tpu.memref_slice %arg4[%add3A, %add3A_468, %dma_wait3A_474, %dma_wait3A_475] : memref<32x80x125x16xf32, #tpu.memory_space<hbm>> -> memref<1x1x125x16xf32, #tpu.memory_space<hbm>>
      %dma_wait3A_477 = tpu.memref_squeeze %dma_wait3A_476 : memref<1x1x125x16xf32, #tpu.memory_space<hbm>> -> memref<125x16xf32, #tpu.memory_space<hbm>>
      %dma_wait3A_478 = arith.constant 0 : i32
      %dma_wait3A_479 = arith.constant 0 : i32
      %dma_wait3A_480 = tpu.memref_slice %arg4[%add3A, %add3A_468, %dma_wait3A_478, %dma_wait3A_479] : memref<32x80x125x16xf32, #tpu.memory_space<hbm>> -> memref<1x1x125x16xf32, #tpu.memory_space<hbm>>
      %dma_wait3A_481 = tpu.memref_squeeze %dma_wait3A_480 : memref<1x1x125x16xf32, #tpu.memory_space<hbm>> -> memref<125x16xf32, #tpu.memory_space<hbm>>
      %dma_wait3A_482 = arith.constant 0 : i32
      %dma_wait3A_483 = arith.constant 0 : i32
      %dma_wait3A_484 = tpu.memref_slice %arg6[%dma_wait3A_469, %dma_wait3A_482, %dma_wait3A_483] : memref<8x125x16xf32, #tpu.memory_space<vmem>> -> memref<1x125x16xf32, #tpu.memory_space<vmem>>
      %dma_wait3A_485 = tpu.memref_squeeze %dma_wait3A_484 : memref<1x125x16xf32, #tpu.memory_space<vmem>> -> memref<125x16xf32, #tpu.memory_space<vmem>>
      tpu.wait_dma2 semaphore(%arg8 : memref<!tpu.dma_semaphore, #tpu.memory_space<semaphore_mem>>) src(%dma_wait3A_485 : memref<125x16xf32, #tpu.memory_space<vmem>>) dst(%dma_wait3A_481 : memref<125x16xf32, #tpu.memory_space<hbm>>)
      %mul3A_486 = arith.constant 8 : i32
      %mul3A_487 = arith.muli %scan3A_6, %mul3A_486 : i32
      %add3A_488 = arith.constant 5 : i32
      %add3A_489 = arith.addi %mul3A_487, %add3A_488 : i32
      %dma_wait3A_490 = arith.constant 5 : i32
      %dma_wait3A_491 = arith.constant 0 : i32
      %dma_wait3A_492 = arith.constant 0 : i32
      %dma_wait3A_493 = tpu.memref_slice %arg6[%dma_wait3A_490, %dma_wait3A_491, %dma_wait3A_492] : memref<8x125x16xf32, #tpu.memory_space<vmem>> -> memref<1x125x16xf32, #tpu.memory_space<vmem>>
      %dma_wait3A_494 = tpu.memref_squeeze %dma_wait3A_493 : memref<1x125x16xf32, #tpu.memory_space<vmem>> -> memref<125x16xf32, #tpu.memory_space<vmem>>
      %dma_wait3A_495 = arith.constant 0 : i32
      %dma_wait3A_496 = arith.constant 0 : i32
      %dma_wait3A_497 = tpu.memref_slice %arg4[%add3A, %add3A_489, %dma_wait3A_495, %dma_wait3A_496] : memref<32x80x125x16xf32, #tpu.memory_space<hbm>> -> memref<1x1x125x16xf32, #tpu.memory_space<hbm>>
      %dma_wait3A_498 = tpu.memref_squeeze %dma_wait3A_497 : memref<1x1x125x16xf32, #tpu.memory_space<hbm>> -> memref<125x16xf32, #tpu.memory_space<hbm>>
      %dma_wait3A_499 = arith.constant 0 : i32
      %dma_wait3A_500 = arith.constant 0 : i32
      %dma_wait3A_501 = tpu.memref_slice %arg4[%add3A, %add3A_489, %dma_wait3A_499, %dma_wait3A_500] : memref<32x80x125x16xf32, #tpu.memory_space<hbm>> -> memref<1x1x125x16xf32, #tpu.memory_space<hbm>>
      %dma_wait3A_502 = tpu.memref_squeeze %dma_wait3A_501 : memref<1x1x125x16xf32, #tpu.memory_space<hbm>> -> memref<125x16xf32, #tpu.memory_space<hbm>>
      %dma_wait3A_503 = arith.constant 0 : i32
      %dma_wait3A_504 = arith.constant 0 : i32
      %dma_wait3A_505 = tpu.memref_slice %arg6[%dma_wait3A_490, %dma_wait3A_503, %dma_wait3A_504] : memref<8x125x16xf32, #tpu.memory_space<vmem>> -> memref<1x125x16xf32, #tpu.memory_space<vmem>>
      %dma_wait3A_506 = tpu.memref_squeeze %dma_wait3A_505 : memref<1x125x16xf32, #tpu.memory_space<vmem>> -> memref<125x16xf32, #tpu.memory_space<vmem>>
      tpu.wait_dma2 semaphore(%arg8 : memref<!tpu.dma_semaphore, #tpu.memory_space<semaphore_mem>>) src(%dma_wait3A_506 : memref<125x16xf32, #tpu.memory_space<vmem>>) dst(%dma_wait3A_502 : memref<125x16xf32, #tpu.memory_space<hbm>>)
      %mul3A_507 = arith.constant 8 : i32
      %mul3A_508 = arith.muli %scan3A_6, %mul3A_507 : i32
      %add3A_509 = arith.constant 6 : i32
      %add3A_510 = arith.addi %mul3A_508, %add3A_509 : i32
      %dma_wait3A_511 = arith.constant 6 : i32
      %dma_wait3A_512 = arith.constant 0 : i32
      %dma_wait3A_513 = arith.constant 0 : i32
      %dma_wait3A_514 = tpu.memref_slice %arg6[%dma_wait3A_511, %dma_wait3A_512, %dma_wait3A_513] : memref<8x125x16xf32, #tpu.memory_space<vmem>> -> memref<1x125x16xf32, #tpu.memory_space<vmem>>
      %dma_wait3A_515 = tpu.memref_squeeze %dma_wait3A_514 : memref<1x125x16xf32, #tpu.memory_space<vmem>> -> memref<125x16xf32, #tpu.memory_space<vmem>>
      %dma_wait3A_516 = arith.constant 0 : i32
      %dma_wait3A_517 = arith.constant 0 : i32
      %dma_wait3A_518 = tpu.memref_slice %arg4[%add3A, %add3A_510, %dma_wait3A_516, %dma_wait3A_517] : memref<32x80x125x16xf32, #tpu.memory_space<hbm>> -> memref<1x1x125x16xf32, #tpu.memory_space<hbm>>
      %dma_wait3A_519 = tpu.memref_squeeze %dma_wait3A_518 : memref<1x1x125x16xf32, #tpu.memory_space<hbm>> -> memref<125x16xf32, #tpu.memory_space<hbm>>
      %dma_wait3A_520 = arith.constant 0 : i32
      %dma_wait3A_521 = arith.constant 0 : i32
      %dma_wait3A_522 = tpu.memref_slice %arg4[%add3A, %add3A_510, %dma_wait3A_520, %dma_wait3A_521] : memref<32x80x125x16xf32, #tpu.memory_space<hbm>> -> memref<1x1x125x16xf32, #tpu.memory_space<hbm>>
      %dma_wait3A_523 = tpu.memref_squeeze %dma_wait3A_522 : memref<1x1x125x16xf32, #tpu.memory_space<hbm>> -> memref<125x16xf32, #tpu.memory_space<hbm>>
      %dma_wait3A_524 = arith.constant 0 : i32
      %dma_wait3A_525 = arith.constant 0 : i32
      %dma_wait3A_526 = tpu.memref_slice %arg6[%dma_wait3A_511, %dma_wait3A_524, %dma_wait3A_525] : memref<8x125x16xf32, #tpu.memory_space<vmem>> -> memref<1x125x16xf32, #tpu.memory_space<vmem>>
      %dma_wait3A_527 = tpu.memref_squeeze %dma_wait3A_526 : memref<1x125x16xf32, #tpu.memory_space<vmem>> -> memref<125x16xf32, #tpu.memory_space<vmem>>
      tpu.wait_dma2 semaphore(%arg8 : memref<!tpu.dma_semaphore, #tpu.memory_space<semaphore_mem>>) src(%dma_wait3A_527 : memref<125x16xf32, #tpu.memory_space<vmem>>) dst(%dma_wait3A_523 : memref<125x16xf32, #tpu.memory_space<hbm>>)
      %mul3A_528 = arith.constant 8 : i32
      %mul3A_529 = arith.muli %scan3A_6, %mul3A_528 : i32
      %add3A_530 = arith.constant 7 : i32
      %add3A_531 = arith.addi %mul3A_529, %add3A_530 : i32
      %dma_wait3A_532 = arith.constant 7 : i32
      %dma_wait3A_533 = arith.constant 0 : i32
      %dma_wait3A_534 = arith.constant 0 : i32
      %dma_wait3A_535 = tpu.memref_slice %arg6[%dma_wait3A_532, %dma_wait3A_533, %dma_wait3A_534] : memref<8x125x16xf32, #tpu.memory_space<vmem>> -> memref<1x125x16xf32, #tpu.memory_space<vmem>>
      %dma_wait3A_536 = tpu.memref_squeeze %dma_wait3A_535 : memref<1x125x16xf32, #tpu.memory_space<vmem>> -> memref<125x16xf32, #tpu.memory_space<vmem>>
      %dma_wait3A_537 = arith.constant 0 : i32
      %dma_wait3A_538 = arith.constant 0 : i32
      %dma_wait3A_539 = tpu.memref_slice %arg4[%add3A, %add3A_531, %dma_wait3A_537, %dma_wait3A_538] : memref<32x80x125x16xf32, #tpu.memory_space<hbm>> -> memref<1x1x125x16xf32, #tpu.memory_space<hbm>>
      %dma_wait3A_540 = tpu.memref_squeeze %dma_wait3A_539 : memref<1x1x125x16xf32, #tpu.memory_space<hbm>> -> memref<125x16xf32, #tpu.memory_space<hbm>>
      %dma_wait3A_541 = arith.constant 0 : i32
      %dma_wait3A_542 = arith.constant 0 : i32
      %dma_wait3A_543 = tpu.memref_slice %arg4[%add3A, %add3A_531, %dma_wait3A_541, %dma_wait3A_542] : memref<32x80x125x16xf32, #tpu.memory_space<hbm>> -> memref<1x1x125x16xf32, #tpu.memory_space<hbm>>
      %dma_wait3A_544 = tpu.memref_squeeze %dma_wait3A_543 : memref<1x1x125x16xf32, #tpu.memory_space<hbm>> -> memref<125x16xf32, #tpu.memory_space<hbm>>
      %dma_wait3A_545 = arith.constant 0 : i32
      %dma_wait3A_546 = arith.constant 0 : i32
      %dma_wait3A_547 = tpu.memref_slice %arg6[%dma_wait3A_532, %dma_wait3A_545, %dma_wait3A_546] : memref<8x125x16xf32, #tpu.memory_space<vmem>> -> memref<1x125x16xf32, #tpu.memory_space<vmem>>
      %dma_wait3A_548 = tpu.memref_squeeze %dma_wait3A_547 : memref<1x125x16xf32, #tpu.memory_space<vmem>> -> memref<125x16xf32, #tpu.memory_space<vmem>>
      tpu.wait_dma2 semaphore(%arg8 : memref<!tpu.dma_semaphore, #tpu.memory_space<semaphore_mem>>) src(%dma_wait3A_548 : memref<125x16xf32, #tpu.memory_space<vmem>>) dst(%dma_wait3A_544 : memref<125x16xf32, #tpu.memory_space<hbm>>)
    }
    %scan3A_5 = arith.constant 10 : i32
    return
  }
}

#map = affine_map<(d0, d1) -> (0, 0, 0, 0)>
#map1 = affine_map<(d0, d1) -> (0, 0, 0)>
#map2 = affine_map<(d0, d1) -> (0, 0)>
module attributes {stable_mosaic.version = 14 : i64} {
  func.func @sk(%arg0: i32, %arg1: i32, %arg2: memref<32x80x125x16xf32, #tpu.memory_space<hbm>>, %arg3: memref<32x80x125xi32, #tpu.memory_space<hbm>>, %arg4: memref<625x16xf32, #tpu.memory_space<hbm>>, %arg5: memref<2x10000x16xf32, #tpu.memory_space<hbm>>, %arg6: memref<80x125xi32, #tpu.memory_space<vmem>>, %arg7: memref<8x125x16xf32, #tpu.memory_space<vmem>>, %arg8: memref<10000x16xf32, #tpu.memory_space<vmem_shared>>, %arg9: memref<!tpu.dma_semaphore, #tpu.memory_space<semaphore_mem>>, %arg10: memref<!tpu.dma_semaphore, #tpu.memory_space<semaphore_mem>>) attributes {dimension_semantics = [#tpu.dimension_semantics<core_parallel>, #tpu.dimension_semantics<subcore_parallel>], iteration_bounds = array<i64: 2, 16>, scalar_prefetch = 0 : i64, scratch_operands = 5 : i64, tpu.core_type = #tpu.core_type<sc_vector_subcore>, window_params = [{transform_indices = #map}, {transform_indices = #map1}, {transform_indices = #map2}, {transform_indices = #map1}]} {
    %mul3A = arith.constant 16 : i32
    %mul3A_0 = arith.muli %arg0, %mul3A : i32
    %add3A = arith.addi %mul3A_0, %arg1 : i32
    %mul3A_1 = arith.constant 625 : i32
    %mul3A_2 = arith.muli %arg1, %mul3A_1 : i32
    "tpu.region"() ({
      %run_scoped3A = tpu.sem_alloc : memref<!tpu.dma_semaphore, #tpu.memory_space<semaphore_mem>>
      %dma_start3A = arith.constant 0 : i32
      %dma_start3A_13 = tpu.memref_slice %arg8[%mul3A_2, %dma_start3A] : memref<10000x16xf32, #tpu.memory_space<vmem_shared>> -> memref<625x16xf32, #tpu.memory_space<vmem_shared>>
      tpu.enqueue_dma source(%arg4 : memref<625x16xf32, #tpu.memory_space<hbm>>) target(%dma_start3A_13 : memref<625x16xf32, #tpu.memory_space<vmem_shared>>) target_semaphore(%run_scoped3A : memref<!tpu.dma_semaphore, #tpu.memory_space<semaphore_mem>>)
      %dma_wait3A = arith.constant 0 : i32
      %dma_wait3A_14 = tpu.memref_slice %arg8[%mul3A_2, %dma_wait3A] : memref<10000x16xf32, #tpu.memory_space<vmem_shared>> -> memref<625x16xf32, #tpu.memory_space<vmem_shared>>
      tpu.wait_dma2 semaphore(%run_scoped3A : memref<!tpu.dma_semaphore, #tpu.memory_space<semaphore_mem>>) src(%arg4 : memref<625x16xf32, #tpu.memory_space<hbm>>) dst(%dma_wait3A_14 : memref<625x16xf32, #tpu.memory_space<vmem_shared>>)
      tpu.yield
    }) : () -> ()
    "tpu.region"() ({
      %run_scoped3A = tpu.sem_alloc : memref<!tpu.dma_semaphore, #tpu.memory_space<semaphore_mem>>
      %dma_start3A = arith.constant 0 : i32
      %dma_start3A_13 = arith.constant 0 : i32
      %dma_start3A_14 = tpu.memref_slice %arg3[%add3A, %dma_start3A, %dma_start3A_13] : memref<32x80x125xi32, #tpu.memory_space<hbm>> -> memref<1x80x125xi32, #tpu.memory_space<hbm>>
      %dma_start3A_15 = tpu.memref_squeeze %dma_start3A_14 : memref<1x80x125xi32, #tpu.memory_space<hbm>> -> memref<80x125xi32, #tpu.memory_space<hbm>>
      %dma_start3A_16 = arith.constant 0 : i32
      %dma_start3A_17 = arith.constant 0 : i32
      %dma_start3A_18 = tpu.memref_slice %arg3[%add3A, %dma_start3A_16, %dma_start3A_17] : memref<32x80x125xi32, #tpu.memory_space<hbm>> -> memref<1x80x125xi32, #tpu.memory_space<hbm>>
      %dma_start3A_19 = tpu.memref_squeeze %dma_start3A_18 : memref<1x80x125xi32, #tpu.memory_space<hbm>> -> memref<80x125xi32, #tpu.memory_space<hbm>>
      tpu.enqueue_dma source(%dma_start3A_19 : memref<80x125xi32, #tpu.memory_space<hbm>>) target(%arg6 : memref<80x125xi32, #tpu.memory_space<vmem>>) target_semaphore(%run_scoped3A : memref<!tpu.dma_semaphore, #tpu.memory_space<semaphore_mem>>)
      %dma_wait3A = arith.constant 0 : i32
      %dma_wait3A_20 = arith.constant 0 : i32
      %dma_wait3A_21 = tpu.memref_slice %arg3[%add3A, %dma_wait3A, %dma_wait3A_20] : memref<32x80x125xi32, #tpu.memory_space<hbm>> -> memref<1x80x125xi32, #tpu.memory_space<hbm>>
      %dma_wait3A_22 = tpu.memref_squeeze %dma_wait3A_21 : memref<1x80x125xi32, #tpu.memory_space<hbm>> -> memref<80x125xi32, #tpu.memory_space<hbm>>
      %dma_wait3A_23 = arith.constant 0 : i32
      %dma_wait3A_24 = arith.constant 0 : i32
      %dma_wait3A_25 = tpu.memref_slice %arg3[%add3A, %dma_wait3A_23, %dma_wait3A_24] : memref<32x80x125xi32, #tpu.memory_space<hbm>> -> memref<1x80x125xi32, #tpu.memory_space<hbm>>
      %dma_wait3A_26 = tpu.memref_squeeze %dma_wait3A_25 : memref<1x80x125xi32, #tpu.memory_space<hbm>> -> memref<80x125xi32, #tpu.memory_space<hbm>>
      tpu.wait_dma2 semaphore(%run_scoped3A : memref<!tpu.dma_semaphore, #tpu.memory_space<semaphore_mem>>) src(%dma_wait3A_26 : memref<80x125xi32, #tpu.memory_space<hbm>>) dst(%arg6 : memref<80x125xi32, #tpu.memory_space<vmem>>)
      tpu.yield
    }) : () -> ()
    %barrier3A = arith.constant 0 : index
    tpu.barrier barrier_id(%barrier3A)
    %scan3A = arith.constant 0 : i32
    %scan3A_3 = arith.constant 0 : i32
    %scan3A_4 = arith.constant 10 : i32
    %scan3A_5 = arith.addi %scan3A_3, %scan3A_4 : i32
    %scan3A_6 = arith.constant 1 : i32
    scf.for %scan3A_13 = %scan3A_3 to %scan3A_5 step %scan3A_6  : i32 {
      %mul3A_14 = arith.constant 8 : i32
      %mul3A_15 = arith.muli %scan3A_13, %mul3A_14 : i32
      %add3A_16 = arith.constant 0 : i32
      %add3A_17 = arith.addi %mul3A_15, %add3A_16 : i32
      %dma_start3A = arith.constant 0 : i32
      %dma_start3A_18 = arith.constant 0 : i32
      %dma_start3A_19 = arith.constant 0 : i32
      %dma_start3A_20 = tpu.memref_slice %arg7[%dma_start3A, %dma_start3A_18, %dma_start3A_19] : memref<8x125x16xf32, #tpu.memory_space<vmem>> -> memref<1x125x16xf32, #tpu.memory_space<vmem>>
      %dma_start3A_21 = tpu.memref_squeeze %dma_start3A_20 : memref<1x125x16xf32, #tpu.memory_space<vmem>> -> memref<125x16xf32, #tpu.memory_space<vmem>>
      %dma_start3A_22 = arith.constant 0 : i32
      %dma_start3A_23 = arith.constant 0 : i32
      %dma_start3A_24 = tpu.memref_slice %arg2[%add3A, %add3A_17, %dma_start3A_22, %dma_start3A_23] : memref<32x80x125x16xf32, #tpu.memory_space<hbm>> -> memref<1x1x125x16xf32, #tpu.memory_space<hbm>>
      %dma_start3A_25 = tpu.memref_squeeze %dma_start3A_24 : memref<1x1x125x16xf32, #tpu.memory_space<hbm>> -> memref<125x16xf32, #tpu.memory_space<hbm>>
      %dma_start3A_26 = arith.constant 0 : i32
      %dma_start3A_27 = arith.constant 0 : i32
      %dma_start3A_28 = tpu.memref_slice %arg7[%dma_start3A, %dma_start3A_26, %dma_start3A_27] : memref<8x125x16xf32, #tpu.memory_space<vmem>> -> memref<1x125x16xf32, #tpu.memory_space<vmem>>
      %dma_start3A_29 = tpu.memref_squeeze %dma_start3A_28 : memref<1x125x16xf32, #tpu.memory_space<vmem>> -> memref<125x16xf32, #tpu.memory_space<vmem>>
      %dma_start3A_30 = arith.constant 0 : i32
      %dma_start3A_31 = arith.constant 0 : i32
      %dma_start3A_32 = tpu.memref_slice %arg2[%add3A, %add3A_17, %dma_start3A_30, %dma_start3A_31] : memref<32x80x125x16xf32, #tpu.memory_space<hbm>> -> memref<1x1x125x16xf32, #tpu.memory_space<hbm>>
      %dma_start3A_33 = tpu.memref_squeeze %dma_start3A_32 : memref<1x1x125x16xf32, #tpu.memory_space<hbm>> -> memref<125x16xf32, #tpu.memory_space<hbm>>
      tpu.enqueue_dma source(%dma_start3A_33 : memref<125x16xf32, #tpu.memory_space<hbm>>) target(%dma_start3A_29 : memref<125x16xf32, #tpu.memory_space<vmem>>) target_semaphore(%arg9 : memref<!tpu.dma_semaphore, #tpu.memory_space<semaphore_mem>>)
      %mul3A_34 = arith.constant 8 : i32
      %mul3A_35 = arith.muli %scan3A_13, %mul3A_34 : i32
      %add3A_36 = arith.constant 1 : i32
      %add3A_37 = arith.addi %mul3A_35, %add3A_36 : i32
      %dma_start3A_38 = arith.constant 1 : i32
      %dma_start3A_39 = arith.constant 0 : i32
      %dma_start3A_40 = arith.constant 0 : i32
      %dma_start3A_41 = tpu.memref_slice %arg7[%dma_start3A_38, %dma_start3A_39, %dma_start3A_40] : memref<8x125x16xf32, #tpu.memory_space<vmem>> -> memref<1x125x16xf32, #tpu.memory_space<vmem>>
      %dma_start3A_42 = tpu.memref_squeeze %dma_start3A_41 : memref<1x125x16xf32, #tpu.memory_space<vmem>> -> memref<125x16xf32, #tpu.memory_space<vmem>>
      %dma_start3A_43 = arith.constant 0 : i32
      %dma_start3A_44 = arith.constant 0 : i32
      %dma_start3A_45 = tpu.memref_slice %arg2[%add3A, %add3A_37, %dma_start3A_43, %dma_start3A_44] : memref<32x80x125x16xf32, #tpu.memory_space<hbm>> -> memref<1x1x125x16xf32, #tpu.memory_space<hbm>>
      %dma_start3A_46 = tpu.memref_squeeze %dma_start3A_45 : memref<1x1x125x16xf32, #tpu.memory_space<hbm>> -> memref<125x16xf32, #tpu.memory_space<hbm>>
      %dma_start3A_47 = arith.constant 0 : i32
      %dma_start3A_48 = arith.constant 0 : i32
      %dma_start3A_49 = tpu.memref_slice %arg7[%dma_start3A_38, %dma_start3A_47, %dma_start3A_48] : memref<8x125x16xf32, #tpu.memory_space<vmem>> -> memref<1x125x16xf32, #tpu.memory_space<vmem>>
      %dma_start3A_50 = tpu.memref_squeeze %dma_start3A_49 : memref<1x125x16xf32, #tpu.memory_space<vmem>> -> memref<125x16xf32, #tpu.memory_space<vmem>>
      %dma_start3A_51 = arith.constant 0 : i32
      %dma_start3A_52 = arith.constant 0 : i32
      %dma_start3A_53 = tpu.memref_slice %arg2[%add3A, %add3A_37, %dma_start3A_51, %dma_start3A_52] : memref<32x80x125x16xf32, #tpu.memory_space<hbm>> -> memref<1x1x125x16xf32, #tpu.memory_space<hbm>>
      %dma_start3A_54 = tpu.memref_squeeze %dma_start3A_53 : memref<1x1x125x16xf32, #tpu.memory_space<hbm>> -> memref<125x16xf32, #tpu.memory_space<hbm>>
      tpu.enqueue_dma source(%dma_start3A_54 : memref<125x16xf32, #tpu.memory_space<hbm>>) target(%dma_start3A_50 : memref<125x16xf32, #tpu.memory_space<vmem>>) target_semaphore(%arg9 : memref<!tpu.dma_semaphore, #tpu.memory_space<semaphore_mem>>)
      %mul3A_55 = arith.constant 8 : i32
      %mul3A_56 = arith.muli %scan3A_13, %mul3A_55 : i32
      %add3A_57 = arith.constant 2 : i32
      %add3A_58 = arith.addi %mul3A_56, %add3A_57 : i32
      %dma_start3A_59 = arith.constant 2 : i32
      %dma_start3A_60 = arith.constant 0 : i32
      %dma_start3A_61 = arith.constant 0 : i32
      %dma_start3A_62 = tpu.memref_slice %arg7[%dma_start3A_59, %dma_start3A_60, %dma_start3A_61] : memref<8x125x16xf32, #tpu.memory_space<vmem>> -> memref<1x125x16xf32, #tpu.memory_space<vmem>>
      %dma_start3A_63 = tpu.memref_squeeze %dma_start3A_62 : memref<1x125x16xf32, #tpu.memory_space<vmem>> -> memref<125x16xf32, #tpu.memory_space<vmem>>
      %dma_start3A_64 = arith.constant 0 : i32
      %dma_start3A_65 = arith.constant 0 : i32
      %dma_start3A_66 = tpu.memref_slice %arg2[%add3A, %add3A_58, %dma_start3A_64, %dma_start3A_65] : memref<32x80x125x16xf32, #tpu.memory_space<hbm>> -> memref<1x1x125x16xf32, #tpu.memory_space<hbm>>
      %dma_start3A_67 = tpu.memref_squeeze %dma_start3A_66 : memref<1x1x125x16xf32, #tpu.memory_space<hbm>> -> memref<125x16xf32, #tpu.memory_space<hbm>>
      %dma_start3A_68 = arith.constant 0 : i32
      %dma_start3A_69 = arith.constant 0 : i32
      %dma_start3A_70 = tpu.memref_slice %arg7[%dma_start3A_59, %dma_start3A_68, %dma_start3A_69] : memref<8x125x16xf32, #tpu.memory_space<vmem>> -> memref<1x125x16xf32, #tpu.memory_space<vmem>>
      %dma_start3A_71 = tpu.memref_squeeze %dma_start3A_70 : memref<1x125x16xf32, #tpu.memory_space<vmem>> -> memref<125x16xf32, #tpu.memory_space<vmem>>
      %dma_start3A_72 = arith.constant 0 : i32
      %dma_start3A_73 = arith.constant 0 : i32
      %dma_start3A_74 = tpu.memref_slice %arg2[%add3A, %add3A_58, %dma_start3A_72, %dma_start3A_73] : memref<32x80x125x16xf32, #tpu.memory_space<hbm>> -> memref<1x1x125x16xf32, #tpu.memory_space<hbm>>
      %dma_start3A_75 = tpu.memref_squeeze %dma_start3A_74 : memref<1x1x125x16xf32, #tpu.memory_space<hbm>> -> memref<125x16xf32, #tpu.memory_space<hbm>>
      tpu.enqueue_dma source(%dma_start3A_75 : memref<125x16xf32, #tpu.memory_space<hbm>>) target(%dma_start3A_71 : memref<125x16xf32, #tpu.memory_space<vmem>>) target_semaphore(%arg9 : memref<!tpu.dma_semaphore, #tpu.memory_space<semaphore_mem>>)
      %mul3A_76 = arith.constant 8 : i32
      %mul3A_77 = arith.muli %scan3A_13, %mul3A_76 : i32
      %add3A_78 = arith.constant 3 : i32
      %add3A_79 = arith.addi %mul3A_77, %add3A_78 : i32
      %dma_start3A_80 = arith.constant 3 : i32
      %dma_start3A_81 = arith.constant 0 : i32
      %dma_start3A_82 = arith.constant 0 : i32
      %dma_start3A_83 = tpu.memref_slice %arg7[%dma_start3A_80, %dma_start3A_81, %dma_start3A_82] : memref<8x125x16xf32, #tpu.memory_space<vmem>> -> memref<1x125x16xf32, #tpu.memory_space<vmem>>
      %dma_start3A_84 = tpu.memref_squeeze %dma_start3A_83 : memref<1x125x16xf32, #tpu.memory_space<vmem>> -> memref<125x16xf32, #tpu.memory_space<vmem>>
      %dma_start3A_85 = arith.constant 0 : i32
      %dma_start3A_86 = arith.constant 0 : i32
      %dma_start3A_87 = tpu.memref_slice %arg2[%add3A, %add3A_79, %dma_start3A_85, %dma_start3A_86] : memref<32x80x125x16xf32, #tpu.memory_space<hbm>> -> memref<1x1x125x16xf32, #tpu.memory_space<hbm>>
      %dma_start3A_88 = tpu.memref_squeeze %dma_start3A_87 : memref<1x1x125x16xf32, #tpu.memory_space<hbm>> -> memref<125x16xf32, #tpu.memory_space<hbm>>
      %dma_start3A_89 = arith.constant 0 : i32
      %dma_start3A_90 = arith.constant 0 : i32
      %dma_start3A_91 = tpu.memref_slice %arg7[%dma_start3A_80, %dma_start3A_89, %dma_start3A_90] : memref<8x125x16xf32, #tpu.memory_space<vmem>> -> memref<1x125x16xf32, #tpu.memory_space<vmem>>
      %dma_start3A_92 = tpu.memref_squeeze %dma_start3A_91 : memref<1x125x16xf32, #tpu.memory_space<vmem>> -> memref<125x16xf32, #tpu.memory_space<vmem>>
      %dma_start3A_93 = arith.constant 0 : i32
      %dma_start3A_94 = arith.constant 0 : i32
      %dma_start3A_95 = tpu.memref_slice %arg2[%add3A, %add3A_79, %dma_start3A_93, %dma_start3A_94] : memref<32x80x125x16xf32, #tpu.memory_space<hbm>> -> memref<1x1x125x16xf32, #tpu.memory_space<hbm>>
      %dma_start3A_96 = tpu.memref_squeeze %dma_start3A_95 : memref<1x1x125x16xf32, #tpu.memory_space<hbm>> -> memref<125x16xf32, #tpu.memory_space<hbm>>
      tpu.enqueue_dma source(%dma_start3A_96 : memref<125x16xf32, #tpu.memory_space<hbm>>) target(%dma_start3A_92 : memref<125x16xf32, #tpu.memory_space<vmem>>) target_semaphore(%arg9 : memref<!tpu.dma_semaphore, #tpu.memory_space<semaphore_mem>>)
      %mul3A_97 = arith.constant 8 : i32
      %mul3A_98 = arith.muli %scan3A_13, %mul3A_97 : i32
      %add3A_99 = arith.constant 4 : i32
      %add3A_100 = arith.addi %mul3A_98, %add3A_99 : i32
      %dma_start3A_101 = arith.constant 4 : i32
      %dma_start3A_102 = arith.constant 0 : i32
      %dma_start3A_103 = arith.constant 0 : i32
      %dma_start3A_104 = tpu.memref_slice %arg7[%dma_start3A_101, %dma_start3A_102, %dma_start3A_103] : memref<8x125x16xf32, #tpu.memory_space<vmem>> -> memref<1x125x16xf32, #tpu.memory_space<vmem>>
      %dma_start3A_105 = tpu.memref_squeeze %dma_start3A_104 : memref<1x125x16xf32, #tpu.memory_space<vmem>> -> memref<125x16xf32, #tpu.memory_space<vmem>>
      %dma_start3A_106 = arith.constant 0 : i32
      %dma_start3A_107 = arith.constant 0 : i32
      %dma_start3A_108 = tpu.memref_slice %arg2[%add3A, %add3A_100, %dma_start3A_106, %dma_start3A_107] : memref<32x80x125x16xf32, #tpu.memory_space<hbm>> -> memref<1x1x125x16xf32, #tpu.memory_space<hbm>>
      %dma_start3A_109 = tpu.memref_squeeze %dma_start3A_108 : memref<1x1x125x16xf32, #tpu.memory_space<hbm>> -> memref<125x16xf32, #tpu.memory_space<hbm>>
      %dma_start3A_110 = arith.constant 0 : i32
      %dma_start3A_111 = arith.constant 0 : i32
      %dma_start3A_112 = tpu.memref_slice %arg7[%dma_start3A_101, %dma_start3A_110, %dma_start3A_111] : memref<8x125x16xf32, #tpu.memory_space<vmem>> -> memref<1x125x16xf32, #tpu.memory_space<vmem>>
      %dma_start3A_113 = tpu.memref_squeeze %dma_start3A_112 : memref<1x125x16xf32, #tpu.memory_space<vmem>> -> memref<125x16xf32, #tpu.memory_space<vmem>>
      %dma_start3A_114 = arith.constant 0 : i32
      %dma_start3A_115 = arith.constant 0 : i32
      %dma_start3A_116 = tpu.memref_slice %arg2[%add3A, %add3A_100, %dma_start3A_114, %dma_start3A_115] : memref<32x80x125x16xf32, #tpu.memory_space<hbm>> -> memref<1x1x125x16xf32, #tpu.memory_space<hbm>>
      %dma_start3A_117 = tpu.memref_squeeze %dma_start3A_116 : memref<1x1x125x16xf32, #tpu.memory_space<hbm>> -> memref<125x16xf32, #tpu.memory_space<hbm>>
      tpu.enqueue_dma source(%dma_start3A_117 : memref<125x16xf32, #tpu.memory_space<hbm>>) target(%dma_start3A_113 : memref<125x16xf32, #tpu.memory_space<vmem>>) target_semaphore(%arg9 : memref<!tpu.dma_semaphore, #tpu.memory_space<semaphore_mem>>)
      %mul3A_118 = arith.constant 8 : i32
      %mul3A_119 = arith.muli %scan3A_13, %mul3A_118 : i32
      %add3A_120 = arith.constant 5 : i32
      %add3A_121 = arith.addi %mul3A_119, %add3A_120 : i32
      %dma_start3A_122 = arith.constant 5 : i32
      %dma_start3A_123 = arith.constant 0 : i32
      %dma_start3A_124 = arith.constant 0 : i32
      %dma_start3A_125 = tpu.memref_slice %arg7[%dma_start3A_122, %dma_start3A_123, %dma_start3A_124] : memref<8x125x16xf32, #tpu.memory_space<vmem>> -> memref<1x125x16xf32, #tpu.memory_space<vmem>>
      %dma_start3A_126 = tpu.memref_squeeze %dma_start3A_125 : memref<1x125x16xf32, #tpu.memory_space<vmem>> -> memref<125x16xf32, #tpu.memory_space<vmem>>
      %dma_start3A_127 = arith.constant 0 : i32
      %dma_start3A_128 = arith.constant 0 : i32
      %dma_start3A_129 = tpu.memref_slice %arg2[%add3A, %add3A_121, %dma_start3A_127, %dma_start3A_128] : memref<32x80x125x16xf32, #tpu.memory_space<hbm>> -> memref<1x1x125x16xf32, #tpu.memory_space<hbm>>
      %dma_start3A_130 = tpu.memref_squeeze %dma_start3A_129 : memref<1x1x125x16xf32, #tpu.memory_space<hbm>> -> memref<125x16xf32, #tpu.memory_space<hbm>>
      %dma_start3A_131 = arith.constant 0 : i32
      %dma_start3A_132 = arith.constant 0 : i32
      %dma_start3A_133 = tpu.memref_slice %arg7[%dma_start3A_122, %dma_start3A_131, %dma_start3A_132] : memref<8x125x16xf32, #tpu.memory_space<vmem>> -> memref<1x125x16xf32, #tpu.memory_space<vmem>>
      %dma_start3A_134 = tpu.memref_squeeze %dma_start3A_133 : memref<1x125x16xf32, #tpu.memory_space<vmem>> -> memref<125x16xf32, #tpu.memory_space<vmem>>
      %dma_start3A_135 = arith.constant 0 : i32
      %dma_start3A_136 = arith.constant 0 : i32
      %dma_start3A_137 = tpu.memref_slice %arg2[%add3A, %add3A_121, %dma_start3A_135, %dma_start3A_136] : memref<32x80x125x16xf32, #tpu.memory_space<hbm>> -> memref<1x1x125x16xf32, #tpu.memory_space<hbm>>
      %dma_start3A_138 = tpu.memref_squeeze %dma_start3A_137 : memref<1x1x125x16xf32, #tpu.memory_space<hbm>> -> memref<125x16xf32, #tpu.memory_space<hbm>>
      tpu.enqueue_dma source(%dma_start3A_138 : memref<125x16xf32, #tpu.memory_space<hbm>>) target(%dma_start3A_134 : memref<125x16xf32, #tpu.memory_space<vmem>>) target_semaphore(%arg9 : memref<!tpu.dma_semaphore, #tpu.memory_space<semaphore_mem>>)
      %mul3A_139 = arith.constant 8 : i32
      %mul3A_140 = arith.muli %scan3A_13, %mul3A_139 : i32
      %add3A_141 = arith.constant 6 : i32
      %add3A_142 = arith.addi %mul3A_140, %add3A_141 : i32
      %dma_start3A_143 = arith.constant 6 : i32
      %dma_start3A_144 = arith.constant 0 : i32
      %dma_start3A_145 = arith.constant 0 : i32
      %dma_start3A_146 = tpu.memref_slice %arg7[%dma_start3A_143, %dma_start3A_144, %dma_start3A_145] : memref<8x125x16xf32, #tpu.memory_space<vmem>> -> memref<1x125x16xf32, #tpu.memory_space<vmem>>
      %dma_start3A_147 = tpu.memref_squeeze %dma_start3A_146 : memref<1x125x16xf32, #tpu.memory_space<vmem>> -> memref<125x16xf32, #tpu.memory_space<vmem>>
      %dma_start3A_148 = arith.constant 0 : i32
      %dma_start3A_149 = arith.constant 0 : i32
      %dma_start3A_150 = tpu.memref_slice %arg2[%add3A, %add3A_142, %dma_start3A_148, %dma_start3A_149] : memref<32x80x125x16xf32, #tpu.memory_space<hbm>> -> memref<1x1x125x16xf32, #tpu.memory_space<hbm>>
      %dma_start3A_151 = tpu.memref_squeeze %dma_start3A_150 : memref<1x1x125x16xf32, #tpu.memory_space<hbm>> -> memref<125x16xf32, #tpu.memory_space<hbm>>
      %dma_start3A_152 = arith.constant 0 : i32
      %dma_start3A_153 = arith.constant 0 : i32
      %dma_start3A_154 = tpu.memref_slice %arg7[%dma_start3A_143, %dma_start3A_152, %dma_start3A_153] : memref<8x125x16xf32, #tpu.memory_space<vmem>> -> memref<1x125x16xf32, #tpu.memory_space<vmem>>
      %dma_start3A_155 = tpu.memref_squeeze %dma_start3A_154 : memref<1x125x16xf32, #tpu.memory_space<vmem>> -> memref<125x16xf32, #tpu.memory_space<vmem>>
      %dma_start3A_156 = arith.constant 0 : i32
      %dma_start3A_157 = arith.constant 0 : i32
      %dma_start3A_158 = tpu.memref_slice %arg2[%add3A, %add3A_142, %dma_start3A_156, %dma_start3A_157] : memref<32x80x125x16xf32, #tpu.memory_space<hbm>> -> memref<1x1x125x16xf32, #tpu.memory_space<hbm>>
      %dma_start3A_159 = tpu.memref_squeeze %dma_start3A_158 : memref<1x1x125x16xf32, #tpu.memory_space<hbm>> -> memref<125x16xf32, #tpu.memory_space<hbm>>
      tpu.enqueue_dma source(%dma_start3A_159 : memref<125x16xf32, #tpu.memory_space<hbm>>) target(%dma_start3A_155 : memref<125x16xf32, #tpu.memory_space<vmem>>) target_semaphore(%arg9 : memref<!tpu.dma_semaphore, #tpu.memory_space<semaphore_mem>>)
      %mul3A_160 = arith.constant 8 : i32
      %mul3A_161 = arith.muli %scan3A_13, %mul3A_160 : i32
      %add3A_162 = arith.constant 7 : i32
      %add3A_163 = arith.addi %mul3A_161, %add3A_162 : i32
      %dma_start3A_164 = arith.constant 7 : i32
      %dma_start3A_165 = arith.constant 0 : i32
      %dma_start3A_166 = arith.constant 0 : i32
      %dma_start3A_167 = tpu.memref_slice %arg7[%dma_start3A_164, %dma_start3A_165, %dma_start3A_166] : memref<8x125x16xf32, #tpu.memory_space<vmem>> -> memref<1x125x16xf32, #tpu.memory_space<vmem>>
      %dma_start3A_168 = tpu.memref_squeeze %dma_start3A_167 : memref<1x125x16xf32, #tpu.memory_space<vmem>> -> memref<125x16xf32, #tpu.memory_space<vmem>>
      %dma_start3A_169 = arith.constant 0 : i32
      %dma_start3A_170 = arith.constant 0 : i32
      %dma_start3A_171 = tpu.memref_slice %arg2[%add3A, %add3A_163, %dma_start3A_169, %dma_start3A_170] : memref<32x80x125x16xf32, #tpu.memory_space<hbm>> -> memref<1x1x125x16xf32, #tpu.memory_space<hbm>>
      %dma_start3A_172 = tpu.memref_squeeze %dma_start3A_171 : memref<1x1x125x16xf32, #tpu.memory_space<hbm>> -> memref<125x16xf32, #tpu.memory_space<hbm>>
      %dma_start3A_173 = arith.constant 0 : i32
      %dma_start3A_174 = arith.constant 0 : i32
      %dma_start3A_175 = tpu.memref_slice %arg7[%dma_start3A_164, %dma_start3A_173, %dma_start3A_174] : memref<8x125x16xf32, #tpu.memory_space<vmem>> -> memref<1x125x16xf32, #tpu.memory_space<vmem>>
      %dma_start3A_176 = tpu.memref_squeeze %dma_start3A_175 : memref<1x125x16xf32, #tpu.memory_space<vmem>> -> memref<125x16xf32, #tpu.memory_space<vmem>>
      %dma_start3A_177 = arith.constant 0 : i32
      %dma_start3A_178 = arith.constant 0 : i32
      %dma_start3A_179 = tpu.memref_slice %arg2[%add3A, %add3A_163, %dma_start3A_177, %dma_start3A_178] : memref<32x80x125x16xf32, #tpu.memory_space<hbm>> -> memref<1x1x125x16xf32, #tpu.memory_space<hbm>>
      %dma_start3A_180 = tpu.memref_squeeze %dma_start3A_179 : memref<1x1x125x16xf32, #tpu.memory_space<hbm>> -> memref<125x16xf32, #tpu.memory_space<hbm>>
      tpu.enqueue_dma source(%dma_start3A_180 : memref<125x16xf32, #tpu.memory_space<hbm>>) target(%dma_start3A_176 : memref<125x16xf32, #tpu.memory_space<vmem>>) target_semaphore(%arg9 : memref<!tpu.dma_semaphore, #tpu.memory_space<semaphore_mem>>)
      %mul3A_181 = arith.constant 8 : i32
      %mul3A_182 = arith.muli %scan3A_13, %mul3A_181 : i32
      %add3A_183 = arith.constant 0 : i32
      %add3A_184 = arith.addi %mul3A_182, %add3A_183 : i32
      %dma_wait3A = arith.constant 0 : i32
      %dma_wait3A_185 = arith.constant 0 : i32
      %dma_wait3A_186 = arith.constant 0 : i32
      %dma_wait3A_187 = tpu.memref_slice %arg7[%dma_wait3A, %dma_wait3A_185, %dma_wait3A_186] : memref<8x125x16xf32, #tpu.memory_space<vmem>> -> memref<1x125x16xf32, #tpu.memory_space<vmem>>
      %dma_wait3A_188 = tpu.memref_squeeze %dma_wait3A_187 : memref<1x125x16xf32, #tpu.memory_space<vmem>> -> memref<125x16xf32, #tpu.memory_space<vmem>>
      %dma_wait3A_189 = arith.constant 0 : i32
      %dma_wait3A_190 = arith.constant 0 : i32
      %dma_wait3A_191 = tpu.memref_slice %arg2[%add3A, %add3A_184, %dma_wait3A_189, %dma_wait3A_190] : memref<32x80x125x16xf32, #tpu.memory_space<hbm>> -> memref<1x1x125x16xf32, #tpu.memory_space<hbm>>
      %dma_wait3A_192 = tpu.memref_squeeze %dma_wait3A_191 : memref<1x1x125x16xf32, #tpu.memory_space<hbm>> -> memref<125x16xf32, #tpu.memory_space<hbm>>
      %dma_wait3A_193 = arith.constant 0 : i32
      %dma_wait3A_194 = arith.constant 0 : i32
      %dma_wait3A_195 = tpu.memref_slice %arg7[%dma_wait3A, %dma_wait3A_193, %dma_wait3A_194] : memref<8x125x16xf32, #tpu.memory_space<vmem>> -> memref<1x125x16xf32, #tpu.memory_space<vmem>>
      %dma_wait3A_196 = tpu.memref_squeeze %dma_wait3A_195 : memref<1x125x16xf32, #tpu.memory_space<vmem>> -> memref<125x16xf32, #tpu.memory_space<vmem>>
      %dma_wait3A_197 = arith.constant 0 : i32
      %dma_wait3A_198 = arith.constant 0 : i32
      %dma_wait3A_199 = tpu.memref_slice %arg2[%add3A, %add3A_184, %dma_wait3A_197, %dma_wait3A_198] : memref<32x80x125x16xf32, #tpu.memory_space<hbm>> -> memref<1x1x125x16xf32, #tpu.memory_space<hbm>>
      %dma_wait3A_200 = tpu.memref_squeeze %dma_wait3A_199 : memref<1x1x125x16xf32, #tpu.memory_space<hbm>> -> memref<125x16xf32, #tpu.memory_space<hbm>>
      tpu.wait_dma2 semaphore(%arg9 : memref<!tpu.dma_semaphore, #tpu.memory_space<semaphore_mem>>) src(%dma_wait3A_200 : memref<125x16xf32, #tpu.memory_space<hbm>>) dst(%dma_wait3A_196 : memref<125x16xf32, #tpu.memory_space<vmem>>)
      %dma_start3A_201 = arith.constant 0 : i32
      %dma_start3A_202 = arith.constant 0 : i32
      %dma_start3A_203 = arith.constant 0 : i32
      %dma_start3A_204 = tpu.memref_slice %arg7[%dma_start3A_201, %dma_start3A_202, %dma_start3A_203] : memref<8x125x16xf32, #tpu.memory_space<vmem>> -> memref<1x125x16xf32, #tpu.memory_space<vmem>>
      %dma_start3A_205 = tpu.memref_squeeze %dma_start3A_204 : memref<1x125x16xf32, #tpu.memory_space<vmem>> -> memref<125x16xf32, #tpu.memory_space<vmem>>
      %dma_start3A_206 = arith.constant 0 : i32
      %dma_start3A_207 = tpu.memref_slice %arg6[%add3A_184, %dma_start3A_206] : memref<80x125xi32, #tpu.memory_space<vmem>> -> memref<1x125xi32, #tpu.memory_space<vmem>>
      %dma_start3A_208 = tpu.memref_squeeze %dma_start3A_207 : memref<1x125xi32, #tpu.memory_space<vmem>> -> memref<125xi32, #tpu.memory_space<vmem>>
      %dma_start3A_209 = arith.constant 0 : i32
      %dma_start3A_210 = arith.constant 0 : i32
      %dma_start3A_211 = tpu.memref_slice %arg8[%dma_start3A_209, %dma_start3A_210] : memref<10000x16xf32, #tpu.memory_space<vmem_shared>> -> memref<10000x16xf32, #tpu.memory_space<vmem_shared>>
      tpu.enqueue_indirect_dma source(%dma_start3A_205 : memref<125x16xf32, #tpu.memory_space<vmem>>) target(%dma_start3A_211 : memref<10000x16xf32, #tpu.memory_space<vmem_shared>>) offsets(%dma_start3A_208 : memref<125xi32, #tpu.memory_space<vmem>>) semaphore(%arg10 : memref<!tpu.dma_semaphore, #tpu.memory_space<semaphore_mem>>) {add = true}
      %mul3A_212 = arith.constant 8 : i32
      %mul3A_213 = arith.muli %scan3A_13, %mul3A_212 : i32
      %add3A_214 = arith.constant 1 : i32
      %add3A_215 = arith.addi %mul3A_213, %add3A_214 : i32
      %dma_wait3A_216 = arith.constant 1 : i32
      %dma_wait3A_217 = arith.constant 0 : i32
      %dma_wait3A_218 = arith.constant 0 : i32
      %dma_wait3A_219 = tpu.memref_slice %arg7[%dma_wait3A_216, %dma_wait3A_217, %dma_wait3A_218] : memref<8x125x16xf32, #tpu.memory_space<vmem>> -> memref<1x125x16xf32, #tpu.memory_space<vmem>>
      %dma_wait3A_220 = tpu.memref_squeeze %dma_wait3A_219 : memref<1x125x16xf32, #tpu.memory_space<vmem>> -> memref<125x16xf32, #tpu.memory_space<vmem>>
      %dma_wait3A_221 = arith.constant 0 : i32
      %dma_wait3A_222 = arith.constant 0 : i32
      %dma_wait3A_223 = tpu.memref_slice %arg2[%add3A, %add3A_215, %dma_wait3A_221, %dma_wait3A_222] : memref<32x80x125x16xf32, #tpu.memory_space<hbm>> -> memref<1x1x125x16xf32, #tpu.memory_space<hbm>>
      %dma_wait3A_224 = tpu.memref_squeeze %dma_wait3A_223 : memref<1x1x125x16xf32, #tpu.memory_space<hbm>> -> memref<125x16xf32, #tpu.memory_space<hbm>>
      %dma_wait3A_225 = arith.constant 0 : i32
      %dma_wait3A_226 = arith.constant 0 : i32
      %dma_wait3A_227 = tpu.memref_slice %arg7[%dma_wait3A_216, %dma_wait3A_225, %dma_wait3A_226] : memref<8x125x16xf32, #tpu.memory_space<vmem>> -> memref<1x125x16xf32, #tpu.memory_space<vmem>>
      %dma_wait3A_228 = tpu.memref_squeeze %dma_wait3A_227 : memref<1x125x16xf32, #tpu.memory_space<vmem>> -> memref<125x16xf32, #tpu.memory_space<vmem>>
      %dma_wait3A_229 = arith.constant 0 : i32
      %dma_wait3A_230 = arith.constant 0 : i32
      %dma_wait3A_231 = tpu.memref_slice %arg2[%add3A, %add3A_215, %dma_wait3A_229, %dma_wait3A_230] : memref<32x80x125x16xf32, #tpu.memory_space<hbm>> -> memref<1x1x125x16xf32, #tpu.memory_space<hbm>>
      %dma_wait3A_232 = tpu.memref_squeeze %dma_wait3A_231 : memref<1x1x125x16xf32, #tpu.memory_space<hbm>> -> memref<125x16xf32, #tpu.memory_space<hbm>>
      tpu.wait_dma2 semaphore(%arg9 : memref<!tpu.dma_semaphore, #tpu.memory_space<semaphore_mem>>) src(%dma_wait3A_232 : memref<125x16xf32, #tpu.memory_space<hbm>>) dst(%dma_wait3A_228 : memref<125x16xf32, #tpu.memory_space<vmem>>)
      %dma_start3A_233 = arith.constant 1 : i32
      %dma_start3A_234 = arith.constant 0 : i32
      %dma_start3A_235 = arith.constant 0 : i32
      %dma_start3A_236 = tpu.memref_slice %arg7[%dma_start3A_233, %dma_start3A_234, %dma_start3A_235] : memref<8x125x16xf32, #tpu.memory_space<vmem>> -> memref<1x125x16xf32, #tpu.memory_space<vmem>>
      %dma_start3A_237 = tpu.memref_squeeze %dma_start3A_236 : memref<1x125x16xf32, #tpu.memory_space<vmem>> -> memref<125x16xf32, #tpu.memory_space<vmem>>
      %dma_start3A_238 = arith.constant 0 : i32
      %dma_start3A_239 = tpu.memref_slice %arg6[%add3A_215, %dma_start3A_238] : memref<80x125xi32, #tpu.memory_space<vmem>> -> memref<1x125xi32, #tpu.memory_space<vmem>>
      %dma_start3A_240 = tpu.memref_squeeze %dma_start3A_239 : memref<1x125xi32, #tpu.memory_space<vmem>> -> memref<125xi32, #tpu.memory_space<vmem>>
      %dma_start3A_241 = arith.constant 0 : i32
      %dma_start3A_242 = arith.constant 0 : i32
      %dma_start3A_243 = tpu.memref_slice %arg8[%dma_start3A_241, %dma_start3A_242] : memref<10000x16xf32, #tpu.memory_space<vmem_shared>> -> memref<10000x16xf32, #tpu.memory_space<vmem_shared>>
      tpu.enqueue_indirect_dma source(%dma_start3A_237 : memref<125x16xf32, #tpu.memory_space<vmem>>) target(%dma_start3A_243 : memref<10000x16xf32, #tpu.memory_space<vmem_shared>>) offsets(%dma_start3A_240 : memref<125xi32, #tpu.memory_space<vmem>>) semaphore(%arg10 : memref<!tpu.dma_semaphore, #tpu.memory_space<semaphore_mem>>) {add = true}
      %mul3A_244 = arith.constant 8 : i32
      %mul3A_245 = arith.muli %scan3A_13, %mul3A_244 : i32
      %add3A_246 = arith.constant 2 : i32
      %add3A_247 = arith.addi %mul3A_245, %add3A_246 : i32
      %dma_wait3A_248 = arith.constant 2 : i32
      %dma_wait3A_249 = arith.constant 0 : i32
      %dma_wait3A_250 = arith.constant 0 : i32
      %dma_wait3A_251 = tpu.memref_slice %arg7[%dma_wait3A_248, %dma_wait3A_249, %dma_wait3A_250] : memref<8x125x16xf32, #tpu.memory_space<vmem>> -> memref<1x125x16xf32, #tpu.memory_space<vmem>>
      %dma_wait3A_252 = tpu.memref_squeeze %dma_wait3A_251 : memref<1x125x16xf32, #tpu.memory_space<vmem>> -> memref<125x16xf32, #tpu.memory_space<vmem>>
      %dma_wait3A_253 = arith.constant 0 : i32
      %dma_wait3A_254 = arith.constant 0 : i32
      %dma_wait3A_255 = tpu.memref_slice %arg2[%add3A, %add3A_247, %dma_wait3A_253, %dma_wait3A_254] : memref<32x80x125x16xf32, #tpu.memory_space<hbm>> -> memref<1x1x125x16xf32, #tpu.memory_space<hbm>>
      %dma_wait3A_256 = tpu.memref_squeeze %dma_wait3A_255 : memref<1x1x125x16xf32, #tpu.memory_space<hbm>> -> memref<125x16xf32, #tpu.memory_space<hbm>>
      %dma_wait3A_257 = arith.constant 0 : i32
      %dma_wait3A_258 = arith.constant 0 : i32
      %dma_wait3A_259 = tpu.memref_slice %arg7[%dma_wait3A_248, %dma_wait3A_257, %dma_wait3A_258] : memref<8x125x16xf32, #tpu.memory_space<vmem>> -> memref<1x125x16xf32, #tpu.memory_space<vmem>>
      %dma_wait3A_260 = tpu.memref_squeeze %dma_wait3A_259 : memref<1x125x16xf32, #tpu.memory_space<vmem>> -> memref<125x16xf32, #tpu.memory_space<vmem>>
      %dma_wait3A_261 = arith.constant 0 : i32
      %dma_wait3A_262 = arith.constant 0 : i32
      %dma_wait3A_263 = tpu.memref_slice %arg2[%add3A, %add3A_247, %dma_wait3A_261, %dma_wait3A_262] : memref<32x80x125x16xf32, #tpu.memory_space<hbm>> -> memref<1x1x125x16xf32, #tpu.memory_space<hbm>>
      %dma_wait3A_264 = tpu.memref_squeeze %dma_wait3A_263 : memref<1x1x125x16xf32, #tpu.memory_space<hbm>> -> memref<125x16xf32, #tpu.memory_space<hbm>>
      tpu.wait_dma2 semaphore(%arg9 : memref<!tpu.dma_semaphore, #tpu.memory_space<semaphore_mem>>) src(%dma_wait3A_264 : memref<125x16xf32, #tpu.memory_space<hbm>>) dst(%dma_wait3A_260 : memref<125x16xf32, #tpu.memory_space<vmem>>)
      %dma_start3A_265 = arith.constant 2 : i32
      %dma_start3A_266 = arith.constant 0 : i32
      %dma_start3A_267 = arith.constant 0 : i32
      %dma_start3A_268 = tpu.memref_slice %arg7[%dma_start3A_265, %dma_start3A_266, %dma_start3A_267] : memref<8x125x16xf32, #tpu.memory_space<vmem>> -> memref<1x125x16xf32, #tpu.memory_space<vmem>>
      %dma_start3A_269 = tpu.memref_squeeze %dma_start3A_268 : memref<1x125x16xf32, #tpu.memory_space<vmem>> -> memref<125x16xf32, #tpu.memory_space<vmem>>
      %dma_start3A_270 = arith.constant 0 : i32
      %dma_start3A_271 = tpu.memref_slice %arg6[%add3A_247, %dma_start3A_270] : memref<80x125xi32, #tpu.memory_space<vmem>> -> memref<1x125xi32, #tpu.memory_space<vmem>>
      %dma_start3A_272 = tpu.memref_squeeze %dma_start3A_271 : memref<1x125xi32, #tpu.memory_space<vmem>> -> memref<125xi32, #tpu.memory_space<vmem>>
      %dma_start3A_273 = arith.constant 0 : i32
      %dma_start3A_274 = arith.constant 0 : i32
      %dma_start3A_275 = tpu.memref_slice %arg8[%dma_start3A_273, %dma_start3A_274] : memref<10000x16xf32, #tpu.memory_space<vmem_shared>> -> memref<10000x16xf32, #tpu.memory_space<vmem_shared>>
      tpu.enqueue_indirect_dma source(%dma_start3A_269 : memref<125x16xf32, #tpu.memory_space<vmem>>) target(%dma_start3A_275 : memref<10000x16xf32, #tpu.memory_space<vmem_shared>>) offsets(%dma_start3A_272 : memref<125xi32, #tpu.memory_space<vmem>>) semaphore(%arg10 : memref<!tpu.dma_semaphore, #tpu.memory_space<semaphore_mem>>) {add = true}
      %mul3A_276 = arith.constant 8 : i32
      %mul3A_277 = arith.muli %scan3A_13, %mul3A_276 : i32
      %add3A_278 = arith.constant 3 : i32
      %add3A_279 = arith.addi %mul3A_277, %add3A_278 : i32
      %dma_wait3A_280 = arith.constant 3 : i32
      %dma_wait3A_281 = arith.constant 0 : i32
      %dma_wait3A_282 = arith.constant 0 : i32
      %dma_wait3A_283 = tpu.memref_slice %arg7[%dma_wait3A_280, %dma_wait3A_281, %dma_wait3A_282] : memref<8x125x16xf32, #tpu.memory_space<vmem>> -> memref<1x125x16xf32, #tpu.memory_space<vmem>>
      %dma_wait3A_284 = tpu.memref_squeeze %dma_wait3A_283 : memref<1x125x16xf32, #tpu.memory_space<vmem>> -> memref<125x16xf32, #tpu.memory_space<vmem>>
      %dma_wait3A_285 = arith.constant 0 : i32
      %dma_wait3A_286 = arith.constant 0 : i32
      %dma_wait3A_287 = tpu.memref_slice %arg2[%add3A, %add3A_279, %dma_wait3A_285, %dma_wait3A_286] : memref<32x80x125x16xf32, #tpu.memory_space<hbm>> -> memref<1x1x125x16xf32, #tpu.memory_space<hbm>>
      %dma_wait3A_288 = tpu.memref_squeeze %dma_wait3A_287 : memref<1x1x125x16xf32, #tpu.memory_space<hbm>> -> memref<125x16xf32, #tpu.memory_space<hbm>>
      %dma_wait3A_289 = arith.constant 0 : i32
      %dma_wait3A_290 = arith.constant 0 : i32
      %dma_wait3A_291 = tpu.memref_slice %arg7[%dma_wait3A_280, %dma_wait3A_289, %dma_wait3A_290] : memref<8x125x16xf32, #tpu.memory_space<vmem>> -> memref<1x125x16xf32, #tpu.memory_space<vmem>>
      %dma_wait3A_292 = tpu.memref_squeeze %dma_wait3A_291 : memref<1x125x16xf32, #tpu.memory_space<vmem>> -> memref<125x16xf32, #tpu.memory_space<vmem>>
      %dma_wait3A_293 = arith.constant 0 : i32
      %dma_wait3A_294 = arith.constant 0 : i32
      %dma_wait3A_295 = tpu.memref_slice %arg2[%add3A, %add3A_279, %dma_wait3A_293, %dma_wait3A_294] : memref<32x80x125x16xf32, #tpu.memory_space<hbm>> -> memref<1x1x125x16xf32, #tpu.memory_space<hbm>>
      %dma_wait3A_296 = tpu.memref_squeeze %dma_wait3A_295 : memref<1x1x125x16xf32, #tpu.memory_space<hbm>> -> memref<125x16xf32, #tpu.memory_space<hbm>>
      tpu.wait_dma2 semaphore(%arg9 : memref<!tpu.dma_semaphore, #tpu.memory_space<semaphore_mem>>) src(%dma_wait3A_296 : memref<125x16xf32, #tpu.memory_space<hbm>>) dst(%dma_wait3A_292 : memref<125x16xf32, #tpu.memory_space<vmem>>)
      %dma_start3A_297 = arith.constant 3 : i32
      %dma_start3A_298 = arith.constant 0 : i32
      %dma_start3A_299 = arith.constant 0 : i32
      %dma_start3A_300 = tpu.memref_slice %arg7[%dma_start3A_297, %dma_start3A_298, %dma_start3A_299] : memref<8x125x16xf32, #tpu.memory_space<vmem>> -> memref<1x125x16xf32, #tpu.memory_space<vmem>>
      %dma_start3A_301 = tpu.memref_squeeze %dma_start3A_300 : memref<1x125x16xf32, #tpu.memory_space<vmem>> -> memref<125x16xf32, #tpu.memory_space<vmem>>
      %dma_start3A_302 = arith.constant 0 : i32
      %dma_start3A_303 = tpu.memref_slice %arg6[%add3A_279, %dma_start3A_302] : memref<80x125xi32, #tpu.memory_space<vmem>> -> memref<1x125xi32, #tpu.memory_space<vmem>>
      %dma_start3A_304 = tpu.memref_squeeze %dma_start3A_303 : memref<1x125xi32, #tpu.memory_space<vmem>> -> memref<125xi32, #tpu.memory_space<vmem>>
      %dma_start3A_305 = arith.constant 0 : i32
      %dma_start3A_306 = arith.constant 0 : i32
      %dma_start3A_307 = tpu.memref_slice %arg8[%dma_start3A_305, %dma_start3A_306] : memref<10000x16xf32, #tpu.memory_space<vmem_shared>> -> memref<10000x16xf32, #tpu.memory_space<vmem_shared>>
      tpu.enqueue_indirect_dma source(%dma_start3A_301 : memref<125x16xf32, #tpu.memory_space<vmem>>) target(%dma_start3A_307 : memref<10000x16xf32, #tpu.memory_space<vmem_shared>>) offsets(%dma_start3A_304 : memref<125xi32, #tpu.memory_space<vmem>>) semaphore(%arg10 : memref<!tpu.dma_semaphore, #tpu.memory_space<semaphore_mem>>) {add = true}
      %mul3A_308 = arith.constant 8 : i32
      %mul3A_309 = arith.muli %scan3A_13, %mul3A_308 : i32
      %add3A_310 = arith.constant 4 : i32
      %add3A_311 = arith.addi %mul3A_309, %add3A_310 : i32
      %dma_wait3A_312 = arith.constant 4 : i32
      %dma_wait3A_313 = arith.constant 0 : i32
      %dma_wait3A_314 = arith.constant 0 : i32
      %dma_wait3A_315 = tpu.memref_slice %arg7[%dma_wait3A_312, %dma_wait3A_313, %dma_wait3A_314] : memref<8x125x16xf32, #tpu.memory_space<vmem>> -> memref<1x125x16xf32, #tpu.memory_space<vmem>>
      %dma_wait3A_316 = tpu.memref_squeeze %dma_wait3A_315 : memref<1x125x16xf32, #tpu.memory_space<vmem>> -> memref<125x16xf32, #tpu.memory_space<vmem>>
      %dma_wait3A_317 = arith.constant 0 : i32
      %dma_wait3A_318 = arith.constant 0 : i32
      %dma_wait3A_319 = tpu.memref_slice %arg2[%add3A, %add3A_311, %dma_wait3A_317, %dma_wait3A_318] : memref<32x80x125x16xf32, #tpu.memory_space<hbm>> -> memref<1x1x125x16xf32, #tpu.memory_space<hbm>>
      %dma_wait3A_320 = tpu.memref_squeeze %dma_wait3A_319 : memref<1x1x125x16xf32, #tpu.memory_space<hbm>> -> memref<125x16xf32, #tpu.memory_space<hbm>>
      %dma_wait3A_321 = arith.constant 0 : i32
      %dma_wait3A_322 = arith.constant 0 : i32
      %dma_wait3A_323 = tpu.memref_slice %arg7[%dma_wait3A_312, %dma_wait3A_321, %dma_wait3A_322] : memref<8x125x16xf32, #tpu.memory_space<vmem>> -> memref<1x125x16xf32, #tpu.memory_space<vmem>>
      %dma_wait3A_324 = tpu.memref_squeeze %dma_wait3A_323 : memref<1x125x16xf32, #tpu.memory_space<vmem>> -> memref<125x16xf32, #tpu.memory_space<vmem>>
      %dma_wait3A_325 = arith.constant 0 : i32
      %dma_wait3A_326 = arith.constant 0 : i32
      %dma_wait3A_327 = tpu.memref_slice %arg2[%add3A, %add3A_311, %dma_wait3A_325, %dma_wait3A_326] : memref<32x80x125x16xf32, #tpu.memory_space<hbm>> -> memref<1x1x125x16xf32, #tpu.memory_space<hbm>>
      %dma_wait3A_328 = tpu.memref_squeeze %dma_wait3A_327 : memref<1x1x125x16xf32, #tpu.memory_space<hbm>> -> memref<125x16xf32, #tpu.memory_space<hbm>>
      tpu.wait_dma2 semaphore(%arg9 : memref<!tpu.dma_semaphore, #tpu.memory_space<semaphore_mem>>) src(%dma_wait3A_328 : memref<125x16xf32, #tpu.memory_space<hbm>>) dst(%dma_wait3A_324 : memref<125x16xf32, #tpu.memory_space<vmem>>)
      %dma_start3A_329 = arith.constant 4 : i32
      %dma_start3A_330 = arith.constant 0 : i32
      %dma_start3A_331 = arith.constant 0 : i32
      %dma_start3A_332 = tpu.memref_slice %arg7[%dma_start3A_329, %dma_start3A_330, %dma_start3A_331] : memref<8x125x16xf32, #tpu.memory_space<vmem>> -> memref<1x125x16xf32, #tpu.memory_space<vmem>>
      %dma_start3A_333 = tpu.memref_squeeze %dma_start3A_332 : memref<1x125x16xf32, #tpu.memory_space<vmem>> -> memref<125x16xf32, #tpu.memory_space<vmem>>
      %dma_start3A_334 = arith.constant 0 : i32
      %dma_start3A_335 = tpu.memref_slice %arg6[%add3A_311, %dma_start3A_334] : memref<80x125xi32, #tpu.memory_space<vmem>> -> memref<1x125xi32, #tpu.memory_space<vmem>>
      %dma_start3A_336 = tpu.memref_squeeze %dma_start3A_335 : memref<1x125xi32, #tpu.memory_space<vmem>> -> memref<125xi32, #tpu.memory_space<vmem>>
      %dma_start3A_337 = arith.constant 0 : i32
      %dma_start3A_338 = arith.constant 0 : i32
      %dma_start3A_339 = tpu.memref_slice %arg8[%dma_start3A_337, %dma_start3A_338] : memref<10000x16xf32, #tpu.memory_space<vmem_shared>> -> memref<10000x16xf32, #tpu.memory_space<vmem_shared>>
      tpu.enqueue_indirect_dma source(%dma_start3A_333 : memref<125x16xf32, #tpu.memory_space<vmem>>) target(%dma_start3A_339 : memref<10000x16xf32, #tpu.memory_space<vmem_shared>>) offsets(%dma_start3A_336 : memref<125xi32, #tpu.memory_space<vmem>>) semaphore(%arg10 : memref<!tpu.dma_semaphore, #tpu.memory_space<semaphore_mem>>) {add = true}
      %mul3A_340 = arith.constant 8 : i32
      %mul3A_341 = arith.muli %scan3A_13, %mul3A_340 : i32
      %add3A_342 = arith.constant 5 : i32
      %add3A_343 = arith.addi %mul3A_341, %add3A_342 : i32
      %dma_wait3A_344 = arith.constant 5 : i32
      %dma_wait3A_345 = arith.constant 0 : i32
      %dma_wait3A_346 = arith.constant 0 : i32
      %dma_wait3A_347 = tpu.memref_slice %arg7[%dma_wait3A_344, %dma_wait3A_345, %dma_wait3A_346] : memref<8x125x16xf32, #tpu.memory_space<vmem>> -> memref<1x125x16xf32, #tpu.memory_space<vmem>>
      %dma_wait3A_348 = tpu.memref_squeeze %dma_wait3A_347 : memref<1x125x16xf32, #tpu.memory_space<vmem>> -> memref<125x16xf32, #tpu.memory_space<vmem>>
      %dma_wait3A_349 = arith.constant 0 : i32
      %dma_wait3A_350 = arith.constant 0 : i32
      %dma_wait3A_351 = tpu.memref_slice %arg2[%add3A, %add3A_343, %dma_wait3A_349, %dma_wait3A_350] : memref<32x80x125x16xf32, #tpu.memory_space<hbm>> -> memref<1x1x125x16xf32, #tpu.memory_space<hbm>>
      %dma_wait3A_352 = tpu.memref_squeeze %dma_wait3A_351 : memref<1x1x125x16xf32, #tpu.memory_space<hbm>> -> memref<125x16xf32, #tpu.memory_space<hbm>>
      %dma_wait3A_353 = arith.constant 0 : i32
      %dma_wait3A_354 = arith.constant 0 : i32
      %dma_wait3A_355 = tpu.memref_slice %arg7[%dma_wait3A_344, %dma_wait3A_353, %dma_wait3A_354] : memref<8x125x16xf32, #tpu.memory_space<vmem>> -> memref<1x125x16xf32, #tpu.memory_space<vmem>>
      %dma_wait3A_356 = tpu.memref_squeeze %dma_wait3A_355 : memref<1x125x16xf32, #tpu.memory_space<vmem>> -> memref<125x16xf32, #tpu.memory_space<vmem>>
      %dma_wait3A_357 = arith.constant 0 : i32
      %dma_wait3A_358 = arith.constant 0 : i32
      %dma_wait3A_359 = tpu.memref_slice %arg2[%add3A, %add3A_343, %dma_wait3A_357, %dma_wait3A_358] : memref<32x80x125x16xf32, #tpu.memory_space<hbm>> -> memref<1x1x125x16xf32, #tpu.memory_space<hbm>>
      %dma_wait3A_360 = tpu.memref_squeeze %dma_wait3A_359 : memref<1x1x125x16xf32, #tpu.memory_space<hbm>> -> memref<125x16xf32, #tpu.memory_space<hbm>>
      tpu.wait_dma2 semaphore(%arg9 : memref<!tpu.dma_semaphore, #tpu.memory_space<semaphore_mem>>) src(%dma_wait3A_360 : memref<125x16xf32, #tpu.memory_space<hbm>>) dst(%dma_wait3A_356 : memref<125x16xf32, #tpu.memory_space<vmem>>)
      %dma_start3A_361 = arith.constant 5 : i32
      %dma_start3A_362 = arith.constant 0 : i32
      %dma_start3A_363 = arith.constant 0 : i32
      %dma_start3A_364 = tpu.memref_slice %arg7[%dma_start3A_361, %dma_start3A_362, %dma_start3A_363] : memref<8x125x16xf32, #tpu.memory_space<vmem>> -> memref<1x125x16xf32, #tpu.memory_space<vmem>>
      %dma_start3A_365 = tpu.memref_squeeze %dma_start3A_364 : memref<1x125x16xf32, #tpu.memory_space<vmem>> -> memref<125x16xf32, #tpu.memory_space<vmem>>
      %dma_start3A_366 = arith.constant 0 : i32
      %dma_start3A_367 = tpu.memref_slice %arg6[%add3A_343, %dma_start3A_366] : memref<80x125xi32, #tpu.memory_space<vmem>> -> memref<1x125xi32, #tpu.memory_space<vmem>>
      %dma_start3A_368 = tpu.memref_squeeze %dma_start3A_367 : memref<1x125xi32, #tpu.memory_space<vmem>> -> memref<125xi32, #tpu.memory_space<vmem>>
      %dma_start3A_369 = arith.constant 0 : i32
      %dma_start3A_370 = arith.constant 0 : i32
      %dma_start3A_371 = tpu.memref_slice %arg8[%dma_start3A_369, %dma_start3A_370] : memref<10000x16xf32, #tpu.memory_space<vmem_shared>> -> memref<10000x16xf32, #tpu.memory_space<vmem_shared>>
      tpu.enqueue_indirect_dma source(%dma_start3A_365 : memref<125x16xf32, #tpu.memory_space<vmem>>) target(%dma_start3A_371 : memref<10000x16xf32, #tpu.memory_space<vmem_shared>>) offsets(%dma_start3A_368 : memref<125xi32, #tpu.memory_space<vmem>>) semaphore(%arg10 : memref<!tpu.dma_semaphore, #tpu.memory_space<semaphore_mem>>) {add = true}
      %mul3A_372 = arith.constant 8 : i32
      %mul3A_373 = arith.muli %scan3A_13, %mul3A_372 : i32
      %add3A_374 = arith.constant 6 : i32
      %add3A_375 = arith.addi %mul3A_373, %add3A_374 : i32
      %dma_wait3A_376 = arith.constant 6 : i32
      %dma_wait3A_377 = arith.constant 0 : i32
      %dma_wait3A_378 = arith.constant 0 : i32
      %dma_wait3A_379 = tpu.memref_slice %arg7[%dma_wait3A_376, %dma_wait3A_377, %dma_wait3A_378] : memref<8x125x16xf32, #tpu.memory_space<vmem>> -> memref<1x125x16xf32, #tpu.memory_space<vmem>>
      %dma_wait3A_380 = tpu.memref_squeeze %dma_wait3A_379 : memref<1x125x16xf32, #tpu.memory_space<vmem>> -> memref<125x16xf32, #tpu.memory_space<vmem>>
      %dma_wait3A_381 = arith.constant 0 : i32
      %dma_wait3A_382 = arith.constant 0 : i32
      %dma_wait3A_383 = tpu.memref_slice %arg2[%add3A, %add3A_375, %dma_wait3A_381, %dma_wait3A_382] : memref<32x80x125x16xf32, #tpu.memory_space<hbm>> -> memref<1x1x125x16xf32, #tpu.memory_space<hbm>>
      %dma_wait3A_384 = tpu.memref_squeeze %dma_wait3A_383 : memref<1x1x125x16xf32, #tpu.memory_space<hbm>> -> memref<125x16xf32, #tpu.memory_space<hbm>>
      %dma_wait3A_385 = arith.constant 0 : i32
      %dma_wait3A_386 = arith.constant 0 : i32
      %dma_wait3A_387 = tpu.memref_slice %arg7[%dma_wait3A_376, %dma_wait3A_385, %dma_wait3A_386] : memref<8x125x16xf32, #tpu.memory_space<vmem>> -> memref<1x125x16xf32, #tpu.memory_space<vmem>>
      %dma_wait3A_388 = tpu.memref_squeeze %dma_wait3A_387 : memref<1x125x16xf32, #tpu.memory_space<vmem>> -> memref<125x16xf32, #tpu.memory_space<vmem>>
      %dma_wait3A_389 = arith.constant 0 : i32
      %dma_wait3A_390 = arith.constant 0 : i32
      %dma_wait3A_391 = tpu.memref_slice %arg2[%add3A, %add3A_375, %dma_wait3A_389, %dma_wait3A_390] : memref<32x80x125x16xf32, #tpu.memory_space<hbm>> -> memref<1x1x125x16xf32, #tpu.memory_space<hbm>>
      %dma_wait3A_392 = tpu.memref_squeeze %dma_wait3A_391 : memref<1x1x125x16xf32, #tpu.memory_space<hbm>> -> memref<125x16xf32, #tpu.memory_space<hbm>>
      tpu.wait_dma2 semaphore(%arg9 : memref<!tpu.dma_semaphore, #tpu.memory_space<semaphore_mem>>) src(%dma_wait3A_392 : memref<125x16xf32, #tpu.memory_space<hbm>>) dst(%dma_wait3A_388 : memref<125x16xf32, #tpu.memory_space<vmem>>)
      %dma_start3A_393 = arith.constant 6 : i32
      %dma_start3A_394 = arith.constant 0 : i32
      %dma_start3A_395 = arith.constant 0 : i32
      %dma_start3A_396 = tpu.memref_slice %arg7[%dma_start3A_393, %dma_start3A_394, %dma_start3A_395] : memref<8x125x16xf32, #tpu.memory_space<vmem>> -> memref<1x125x16xf32, #tpu.memory_space<vmem>>
      %dma_start3A_397 = tpu.memref_squeeze %dma_start3A_396 : memref<1x125x16xf32, #tpu.memory_space<vmem>> -> memref<125x16xf32, #tpu.memory_space<vmem>>
      %dma_start3A_398 = arith.constant 0 : i32
      %dma_start3A_399 = tpu.memref_slice %arg6[%add3A_375, %dma_start3A_398] : memref<80x125xi32, #tpu.memory_space<vmem>> -> memref<1x125xi32, #tpu.memory_space<vmem>>
      %dma_start3A_400 = tpu.memref_squeeze %dma_start3A_399 : memref<1x125xi32, #tpu.memory_space<vmem>> -> memref<125xi32, #tpu.memory_space<vmem>>
      %dma_start3A_401 = arith.constant 0 : i32
      %dma_start3A_402 = arith.constant 0 : i32
      %dma_start3A_403 = tpu.memref_slice %arg8[%dma_start3A_401, %dma_start3A_402] : memref<10000x16xf32, #tpu.memory_space<vmem_shared>> -> memref<10000x16xf32, #tpu.memory_space<vmem_shared>>
      tpu.enqueue_indirect_dma source(%dma_start3A_397 : memref<125x16xf32, #tpu.memory_space<vmem>>) target(%dma_start3A_403 : memref<10000x16xf32, #tpu.memory_space<vmem_shared>>) offsets(%dma_start3A_400 : memref<125xi32, #tpu.memory_space<vmem>>) semaphore(%arg10 : memref<!tpu.dma_semaphore, #tpu.memory_space<semaphore_mem>>) {add = true}
      %mul3A_404 = arith.constant 8 : i32
      %mul3A_405 = arith.muli %scan3A_13, %mul3A_404 : i32
      %add3A_406 = arith.constant 7 : i32
      %add3A_407 = arith.addi %mul3A_405, %add3A_406 : i32
      %dma_wait3A_408 = arith.constant 7 : i32
      %dma_wait3A_409 = arith.constant 0 : i32
      %dma_wait3A_410 = arith.constant 0 : i32
      %dma_wait3A_411 = tpu.memref_slice %arg7[%dma_wait3A_408, %dma_wait3A_409, %dma_wait3A_410] : memref<8x125x16xf32, #tpu.memory_space<vmem>> -> memref<1x125x16xf32, #tpu.memory_space<vmem>>
      %dma_wait3A_412 = tpu.memref_squeeze %dma_wait3A_411 : memref<1x125x16xf32, #tpu.memory_space<vmem>> -> memref<125x16xf32, #tpu.memory_space<vmem>>
      %dma_wait3A_413 = arith.constant 0 : i32
      %dma_wait3A_414 = arith.constant 0 : i32
      %dma_wait3A_415 = tpu.memref_slice %arg2[%add3A, %add3A_407, %dma_wait3A_413, %dma_wait3A_414] : memref<32x80x125x16xf32, #tpu.memory_space<hbm>> -> memref<1x1x125x16xf32, #tpu.memory_space<hbm>>
      %dma_wait3A_416 = tpu.memref_squeeze %dma_wait3A_415 : memref<1x1x125x16xf32, #tpu.memory_space<hbm>> -> memref<125x16xf32, #tpu.memory_space<hbm>>
      %dma_wait3A_417 = arith.constant 0 : i32
      %dma_wait3A_418 = arith.constant 0 : i32
      %dma_wait3A_419 = tpu.memref_slice %arg7[%dma_wait3A_408, %dma_wait3A_417, %dma_wait3A_418] : memref<8x125x16xf32, #tpu.memory_space<vmem>> -> memref<1x125x16xf32, #tpu.memory_space<vmem>>
      %dma_wait3A_420 = tpu.memref_squeeze %dma_wait3A_419 : memref<1x125x16xf32, #tpu.memory_space<vmem>> -> memref<125x16xf32, #tpu.memory_space<vmem>>
      %dma_wait3A_421 = arith.constant 0 : i32
      %dma_wait3A_422 = arith.constant 0 : i32
      %dma_wait3A_423 = tpu.memref_slice %arg2[%add3A, %add3A_407, %dma_wait3A_421, %dma_wait3A_422] : memref<32x80x125x16xf32, #tpu.memory_space<hbm>> -> memref<1x1x125x16xf32, #tpu.memory_space<hbm>>
      %dma_wait3A_424 = tpu.memref_squeeze %dma_wait3A_423 : memref<1x1x125x16xf32, #tpu.memory_space<hbm>> -> memref<125x16xf32, #tpu.memory_space<hbm>>
      tpu.wait_dma2 semaphore(%arg9 : memref<!tpu.dma_semaphore, #tpu.memory_space<semaphore_mem>>) src(%dma_wait3A_424 : memref<125x16xf32, #tpu.memory_space<hbm>>) dst(%dma_wait3A_420 : memref<125x16xf32, #tpu.memory_space<vmem>>)
      %dma_start3A_425 = arith.constant 7 : i32
      %dma_start3A_426 = arith.constant 0 : i32
      %dma_start3A_427 = arith.constant 0 : i32
      %dma_start3A_428 = tpu.memref_slice %arg7[%dma_start3A_425, %dma_start3A_426, %dma_start3A_427] : memref<8x125x16xf32, #tpu.memory_space<vmem>> -> memref<1x125x16xf32, #tpu.memory_space<vmem>>
      %dma_start3A_429 = tpu.memref_squeeze %dma_start3A_428 : memref<1x125x16xf32, #tpu.memory_space<vmem>> -> memref<125x16xf32, #tpu.memory_space<vmem>>
      %dma_start3A_430 = arith.constant 0 : i32
      %dma_start3A_431 = tpu.memref_slice %arg6[%add3A_407, %dma_start3A_430] : memref<80x125xi32, #tpu.memory_space<vmem>> -> memref<1x125xi32, #tpu.memory_space<vmem>>
      %dma_start3A_432 = tpu.memref_squeeze %dma_start3A_431 : memref<1x125xi32, #tpu.memory_space<vmem>> -> memref<125xi32, #tpu.memory_space<vmem>>
      %dma_start3A_433 = arith.constant 0 : i32
      %dma_start3A_434 = arith.constant 0 : i32
      %dma_start3A_435 = tpu.memref_slice %arg8[%dma_start3A_433, %dma_start3A_434] : memref<10000x16xf32, #tpu.memory_space<vmem_shared>> -> memref<10000x16xf32, #tpu.memory_space<vmem_shared>>
      tpu.enqueue_indirect_dma source(%dma_start3A_429 : memref<125x16xf32, #tpu.memory_space<vmem>>) target(%dma_start3A_435 : memref<10000x16xf32, #tpu.memory_space<vmem_shared>>) offsets(%dma_start3A_432 : memref<125xi32, #tpu.memory_space<vmem>>) semaphore(%arg10 : memref<!tpu.dma_semaphore, #tpu.memory_space<semaphore_mem>>) {add = true}
      %mul3A_436 = arith.constant 8 : i32
      %mul3A_437 = arith.muli %scan3A_13, %mul3A_436 : i32
      %add3A_438 = arith.constant 0 : i32
      %add3A_439 = arith.addi %mul3A_437, %add3A_438 : i32
      %dma_wait3A_440 = arith.constant 0 : i32
      %dma_wait3A_441 = arith.constant 0 : i32
      %dma_wait3A_442 = arith.constant 0 : i32
      %dma_wait3A_443 = tpu.memref_slice %arg7[%dma_wait3A_440, %dma_wait3A_441, %dma_wait3A_442] : memref<8x125x16xf32, #tpu.memory_space<vmem>> -> memref<1x125x16xf32, #tpu.memory_space<vmem>>
      %dma_wait3A_444 = tpu.memref_squeeze %dma_wait3A_443 : memref<1x125x16xf32, #tpu.memory_space<vmem>> -> memref<125x16xf32, #tpu.memory_space<vmem>>
      %dma_wait3A_445 = arith.constant 0 : i32
      %dma_wait3A_446 = tpu.memref_slice %arg6[%add3A_439, %dma_wait3A_445] : memref<80x125xi32, #tpu.memory_space<vmem>> -> memref<1x125xi32, #tpu.memory_space<vmem>>
      %dma_wait3A_447 = tpu.memref_squeeze %dma_wait3A_446 : memref<1x125xi32, #tpu.memory_space<vmem>> -> memref<125xi32, #tpu.memory_space<vmem>>
      %dma_wait3A_448 = arith.constant 0 : i32
      %dma_wait3A_449 = arith.constant 0 : i32
      %dma_wait3A_450 = tpu.memref_slice %arg8[%dma_wait3A_448, %dma_wait3A_449] : memref<10000x16xf32, #tpu.memory_space<vmem_shared>> -> memref<10000x16xf32, #tpu.memory_space<vmem_shared>>
      tpu.wait_indirect_dma semaphore(%arg10 : memref<!tpu.dma_semaphore, #tpu.memory_space<semaphore_mem>>) src(%dma_wait3A_444 : memref<125x16xf32, #tpu.memory_space<vmem>>) dst(%dma_wait3A_450 : memref<10000x16xf32, #tpu.memory_space<vmem_shared>>)
      %mul3A_451 = arith.constant 8 : i32
      %mul3A_452 = arith.muli %scan3A_13, %mul3A_451 : i32
      %add3A_453 = arith.constant 1 : i32
      %add3A_454 = arith.addi %mul3A_452, %add3A_453 : i32
      %dma_wait3A_455 = arith.constant 1 : i32
      %dma_wait3A_456 = arith.constant 0 : i32
      %dma_wait3A_457 = arith.constant 0 : i32
      %dma_wait3A_458 = tpu.memref_slice %arg7[%dma_wait3A_455, %dma_wait3A_456, %dma_wait3A_457] : memref<8x125x16xf32, #tpu.memory_space<vmem>> -> memref<1x125x16xf32, #tpu.memory_space<vmem>>
      %dma_wait3A_459 = tpu.memref_squeeze %dma_wait3A_458 : memref<1x125x16xf32, #tpu.memory_space<vmem>> -> memref<125x16xf32, #tpu.memory_space<vmem>>
      %dma_wait3A_460 = arith.constant 0 : i32
      %dma_wait3A_461 = tpu.memref_slice %arg6[%add3A_454, %dma_wait3A_460] : memref<80x125xi32, #tpu.memory_space<vmem>> -> memref<1x125xi32, #tpu.memory_space<vmem>>
      %dma_wait3A_462 = tpu.memref_squeeze %dma_wait3A_461 : memref<1x125xi32, #tpu.memory_space<vmem>> -> memref<125xi32, #tpu.memory_space<vmem>>
      %dma_wait3A_463 = arith.constant 0 : i32
      %dma_wait3A_464 = arith.constant 0 : i32
      %dma_wait3A_465 = tpu.memref_slice %arg8[%dma_wait3A_463, %dma_wait3A_464] : memref<10000x16xf32, #tpu.memory_space<vmem_shared>> -> memref<10000x16xf32, #tpu.memory_space<vmem_shared>>
      tpu.wait_indirect_dma semaphore(%arg10 : memref<!tpu.dma_semaphore, #tpu.memory_space<semaphore_mem>>) src(%dma_wait3A_459 : memref<125x16xf32, #tpu.memory_space<vmem>>) dst(%dma_wait3A_465 : memref<10000x16xf32, #tpu.memory_space<vmem_shared>>)
      %mul3A_466 = arith.constant 8 : i32
      %mul3A_467 = arith.muli %scan3A_13, %mul3A_466 : i32
      %add3A_468 = arith.constant 2 : i32
      %add3A_469 = arith.addi %mul3A_467, %add3A_468 : i32
      %dma_wait3A_470 = arith.constant 2 : i32
      %dma_wait3A_471 = arith.constant 0 : i32
      %dma_wait3A_472 = arith.constant 0 : i32
      %dma_wait3A_473 = tpu.memref_slice %arg7[%dma_wait3A_470, %dma_wait3A_471, %dma_wait3A_472] : memref<8x125x16xf32, #tpu.memory_space<vmem>> -> memref<1x125x16xf32, #tpu.memory_space<vmem>>
      %dma_wait3A_474 = tpu.memref_squeeze %dma_wait3A_473 : memref<1x125x16xf32, #tpu.memory_space<vmem>> -> memref<125x16xf32, #tpu.memory_space<vmem>>
      %dma_wait3A_475 = arith.constant 0 : i32
      %dma_wait3A_476 = tpu.memref_slice %arg6[%add3A_469, %dma_wait3A_475] : memref<80x125xi32, #tpu.memory_space<vmem>> -> memref<1x125xi32, #tpu.memory_space<vmem>>
      %dma_wait3A_477 = tpu.memref_squeeze %dma_wait3A_476 : memref<1x125xi32, #tpu.memory_space<vmem>> -> memref<125xi32, #tpu.memory_space<vmem>>
      %dma_wait3A_478 = arith.constant 0 : i32
      %dma_wait3A_479 = arith.constant 0 : i32
      %dma_wait3A_480 = tpu.memref_slice %arg8[%dma_wait3A_478, %dma_wait3A_479] : memref<10000x16xf32, #tpu.memory_space<vmem_shared>> -> memref<10000x16xf32, #tpu.memory_space<vmem_shared>>
      tpu.wait_indirect_dma semaphore(%arg10 : memref<!tpu.dma_semaphore, #tpu.memory_space<semaphore_mem>>) src(%dma_wait3A_474 : memref<125x16xf32, #tpu.memory_space<vmem>>) dst(%dma_wait3A_480 : memref<10000x16xf32, #tpu.memory_space<vmem_shared>>)
      %mul3A_481 = arith.constant 8 : i32
      %mul3A_482 = arith.muli %scan3A_13, %mul3A_481 : i32
      %add3A_483 = arith.constant 3 : i32
      %add3A_484 = arith.addi %mul3A_482, %add3A_483 : i32
      %dma_wait3A_485 = arith.constant 3 : i32
      %dma_wait3A_486 = arith.constant 0 : i32
      %dma_wait3A_487 = arith.constant 0 : i32
      %dma_wait3A_488 = tpu.memref_slice %arg7[%dma_wait3A_485, %dma_wait3A_486, %dma_wait3A_487] : memref<8x125x16xf32, #tpu.memory_space<vmem>> -> memref<1x125x16xf32, #tpu.memory_space<vmem>>
      %dma_wait3A_489 = tpu.memref_squeeze %dma_wait3A_488 : memref<1x125x16xf32, #tpu.memory_space<vmem>> -> memref<125x16xf32, #tpu.memory_space<vmem>>
      %dma_wait3A_490 = arith.constant 0 : i32
      %dma_wait3A_491 = tpu.memref_slice %arg6[%add3A_484, %dma_wait3A_490] : memref<80x125xi32, #tpu.memory_space<vmem>> -> memref<1x125xi32, #tpu.memory_space<vmem>>
      %dma_wait3A_492 = tpu.memref_squeeze %dma_wait3A_491 : memref<1x125xi32, #tpu.memory_space<vmem>> -> memref<125xi32, #tpu.memory_space<vmem>>
      %dma_wait3A_493 = arith.constant 0 : i32
      %dma_wait3A_494 = arith.constant 0 : i32
      %dma_wait3A_495 = tpu.memref_slice %arg8[%dma_wait3A_493, %dma_wait3A_494] : memref<10000x16xf32, #tpu.memory_space<vmem_shared>> -> memref<10000x16xf32, #tpu.memory_space<vmem_shared>>
      tpu.wait_indirect_dma semaphore(%arg10 : memref<!tpu.dma_semaphore, #tpu.memory_space<semaphore_mem>>) src(%dma_wait3A_489 : memref<125x16xf32, #tpu.memory_space<vmem>>) dst(%dma_wait3A_495 : memref<10000x16xf32, #tpu.memory_space<vmem_shared>>)
      %mul3A_496 = arith.constant 8 : i32
      %mul3A_497 = arith.muli %scan3A_13, %mul3A_496 : i32
      %add3A_498 = arith.constant 4 : i32
      %add3A_499 = arith.addi %mul3A_497, %add3A_498 : i32
      %dma_wait3A_500 = arith.constant 4 : i32
      %dma_wait3A_501 = arith.constant 0 : i32
      %dma_wait3A_502 = arith.constant 0 : i32
      %dma_wait3A_503 = tpu.memref_slice %arg7[%dma_wait3A_500, %dma_wait3A_501, %dma_wait3A_502] : memref<8x125x16xf32, #tpu.memory_space<vmem>> -> memref<1x125x16xf32, #tpu.memory_space<vmem>>
      %dma_wait3A_504 = tpu.memref_squeeze %dma_wait3A_503 : memref<1x125x16xf32, #tpu.memory_space<vmem>> -> memref<125x16xf32, #tpu.memory_space<vmem>>
      %dma_wait3A_505 = arith.constant 0 : i32
      %dma_wait3A_506 = tpu.memref_slice %arg6[%add3A_499, %dma_wait3A_505] : memref<80x125xi32, #tpu.memory_space<vmem>> -> memref<1x125xi32, #tpu.memory_space<vmem>>
      %dma_wait3A_507 = tpu.memref_squeeze %dma_wait3A_506 : memref<1x125xi32, #tpu.memory_space<vmem>> -> memref<125xi32, #tpu.memory_space<vmem>>
      %dma_wait3A_508 = arith.constant 0 : i32
      %dma_wait3A_509 = arith.constant 0 : i32
      %dma_wait3A_510 = tpu.memref_slice %arg8[%dma_wait3A_508, %dma_wait3A_509] : memref<10000x16xf32, #tpu.memory_space<vmem_shared>> -> memref<10000x16xf32, #tpu.memory_space<vmem_shared>>
      tpu.wait_indirect_dma semaphore(%arg10 : memref<!tpu.dma_semaphore, #tpu.memory_space<semaphore_mem>>) src(%dma_wait3A_504 : memref<125x16xf32, #tpu.memory_space<vmem>>) dst(%dma_wait3A_510 : memref<10000x16xf32, #tpu.memory_space<vmem_shared>>)
      %mul3A_511 = arith.constant 8 : i32
      %mul3A_512 = arith.muli %scan3A_13, %mul3A_511 : i32
      %add3A_513 = arith.constant 5 : i32
      %add3A_514 = arith.addi %mul3A_512, %add3A_513 : i32
      %dma_wait3A_515 = arith.constant 5 : i32
      %dma_wait3A_516 = arith.constant 0 : i32
      %dma_wait3A_517 = arith.constant 0 : i32
      %dma_wait3A_518 = tpu.memref_slice %arg7[%dma_wait3A_515, %dma_wait3A_516, %dma_wait3A_517] : memref<8x125x16xf32, #tpu.memory_space<vmem>> -> memref<1x125x16xf32, #tpu.memory_space<vmem>>
      %dma_wait3A_519 = tpu.memref_squeeze %dma_wait3A_518 : memref<1x125x16xf32, #tpu.memory_space<vmem>> -> memref<125x16xf32, #tpu.memory_space<vmem>>
      %dma_wait3A_520 = arith.constant 0 : i32
      %dma_wait3A_521 = tpu.memref_slice %arg6[%add3A_514, %dma_wait3A_520] : memref<80x125xi32, #tpu.memory_space<vmem>> -> memref<1x125xi32, #tpu.memory_space<vmem>>
      %dma_wait3A_522 = tpu.memref_squeeze %dma_wait3A_521 : memref<1x125xi32, #tpu.memory_space<vmem>> -> memref<125xi32, #tpu.memory_space<vmem>>
      %dma_wait3A_523 = arith.constant 0 : i32
      %dma_wait3A_524 = arith.constant 0 : i32
      %dma_wait3A_525 = tpu.memref_slice %arg8[%dma_wait3A_523, %dma_wait3A_524] : memref<10000x16xf32, #tpu.memory_space<vmem_shared>> -> memref<10000x16xf32, #tpu.memory_space<vmem_shared>>
      tpu.wait_indirect_dma semaphore(%arg10 : memref<!tpu.dma_semaphore, #tpu.memory_space<semaphore_mem>>) src(%dma_wait3A_519 : memref<125x16xf32, #tpu.memory_space<vmem>>) dst(%dma_wait3A_525 : memref<10000x16xf32, #tpu.memory_space<vmem_shared>>)
      %mul3A_526 = arith.constant 8 : i32
      %mul3A_527 = arith.muli %scan3A_13, %mul3A_526 : i32
      %add3A_528 = arith.constant 6 : i32
      %add3A_529 = arith.addi %mul3A_527, %add3A_528 : i32
      %dma_wait3A_530 = arith.constant 6 : i32
      %dma_wait3A_531 = arith.constant 0 : i32
      %dma_wait3A_532 = arith.constant 0 : i32
      %dma_wait3A_533 = tpu.memref_slice %arg7[%dma_wait3A_530, %dma_wait3A_531, %dma_wait3A_532] : memref<8x125x16xf32, #tpu.memory_space<vmem>> -> memref<1x125x16xf32, #tpu.memory_space<vmem>>
      %dma_wait3A_534 = tpu.memref_squeeze %dma_wait3A_533 : memref<1x125x16xf32, #tpu.memory_space<vmem>> -> memref<125x16xf32, #tpu.memory_space<vmem>>
      %dma_wait3A_535 = arith.constant 0 : i32
      %dma_wait3A_536 = tpu.memref_slice %arg6[%add3A_529, %dma_wait3A_535] : memref<80x125xi32, #tpu.memory_space<vmem>> -> memref<1x125xi32, #tpu.memory_space<vmem>>
      %dma_wait3A_537 = tpu.memref_squeeze %dma_wait3A_536 : memref<1x125xi32, #tpu.memory_space<vmem>> -> memref<125xi32, #tpu.memory_space<vmem>>
      %dma_wait3A_538 = arith.constant 0 : i32
      %dma_wait3A_539 = arith.constant 0 : i32
      %dma_wait3A_540 = tpu.memref_slice %arg8[%dma_wait3A_538, %dma_wait3A_539] : memref<10000x16xf32, #tpu.memory_space<vmem_shared>> -> memref<10000x16xf32, #tpu.memory_space<vmem_shared>>
      tpu.wait_indirect_dma semaphore(%arg10 : memref<!tpu.dma_semaphore, #tpu.memory_space<semaphore_mem>>) src(%dma_wait3A_534 : memref<125x16xf32, #tpu.memory_space<vmem>>) dst(%dma_wait3A_540 : memref<10000x16xf32, #tpu.memory_space<vmem_shared>>)
      %mul3A_541 = arith.constant 8 : i32
      %mul3A_542 = arith.muli %scan3A_13, %mul3A_541 : i32
      %add3A_543 = arith.constant 7 : i32
      %add3A_544 = arith.addi %mul3A_542, %add3A_543 : i32
      %dma_wait3A_545 = arith.constant 7 : i32
      %dma_wait3A_546 = arith.constant 0 : i32
      %dma_wait3A_547 = arith.constant 0 : i32
      %dma_wait3A_548 = tpu.memref_slice %arg7[%dma_wait3A_545, %dma_wait3A_546, %dma_wait3A_547] : memref<8x125x16xf32, #tpu.memory_space<vmem>> -> memref<1x125x16xf32, #tpu.memory_space<vmem>>
      %dma_wait3A_549 = tpu.memref_squeeze %dma_wait3A_548 : memref<1x125x16xf32, #tpu.memory_space<vmem>> -> memref<125x16xf32, #tpu.memory_space<vmem>>
      %dma_wait3A_550 = arith.constant 0 : i32
      %dma_wait3A_551 = tpu.memref_slice %arg6[%add3A_544, %dma_wait3A_550] : memref<80x125xi32, #tpu.memory_space<vmem>> -> memref<1x125xi32, #tpu.memory_space<vmem>>
      %dma_wait3A_552 = tpu.memref_squeeze %dma_wait3A_551 : memref<1x125xi32, #tpu.memory_space<vmem>> -> memref<125xi32, #tpu.memory_space<vmem>>
      %dma_wait3A_553 = arith.constant 0 : i32
      %dma_wait3A_554 = arith.constant 0 : i32
      %dma_wait3A_555 = tpu.memref_slice %arg8[%dma_wait3A_553, %dma_wait3A_554] : memref<10000x16xf32, #tpu.memory_space<vmem_shared>> -> memref<10000x16xf32, #tpu.memory_space<vmem_shared>>
      tpu.wait_indirect_dma semaphore(%arg10 : memref<!tpu.dma_semaphore, #tpu.memory_space<semaphore_mem>>) src(%dma_wait3A_549 : memref<125x16xf32, #tpu.memory_space<vmem>>) dst(%dma_wait3A_555 : memref<10000x16xf32, #tpu.memory_space<vmem_shared>>)
    }
    %scan3A_7 = arith.constant 10 : i32
    %barrier3A_8 = arith.constant 0 : index
    tpu.barrier barrier_id(%barrier3A_8)
    %mul3A_9 = arith.constant 625 : i32
    %mul3A_10 = arith.muli %arg1, %mul3A_9 : i32
    %mul3A_11 = arith.constant 625 : i32
    %mul3A_12 = arith.muli %arg1, %mul3A_11 : i32
    "tpu.region"() ({
      %run_scoped3A = tpu.sem_alloc : memref<!tpu.dma_semaphore, #tpu.memory_space<semaphore_mem>>
      %dma_start3A = arith.constant 0 : i32
      %dma_start3A_13 = tpu.memref_slice %arg5[%arg0, %mul3A_12, %dma_start3A] : memref<2x10000x16xf32, #tpu.memory_space<hbm>> -> memref<1x625x16xf32, #tpu.memory_space<hbm>>
      %dma_start3A_14 = tpu.memref_squeeze %dma_start3A_13 : memref<1x625x16xf32, #tpu.memory_space<hbm>> -> memref<625x16xf32, #tpu.memory_space<hbm>>
      %dma_start3A_15 = arith.constant 0 : i32
      %dma_start3A_16 = tpu.memref_slice %arg8[%mul3A_10, %dma_start3A_15] : memref<10000x16xf32, #tpu.memory_space<vmem_shared>> -> memref<625x16xf32, #tpu.memory_space<vmem_shared>>
      tpu.enqueue_dma source(%dma_start3A_16 : memref<625x16xf32, #tpu.memory_space<vmem_shared>>) target(%dma_start3A_14 : memref<625x16xf32, #tpu.memory_space<hbm>>) target_semaphore(%run_scoped3A : memref<!tpu.dma_semaphore, #tpu.memory_space<semaphore_mem>>)
      %dma_wait3A = arith.constant 0 : i32
      %dma_wait3A_17 = tpu.memref_slice %arg5[%arg0, %mul3A_12, %dma_wait3A] : memref<2x10000x16xf32, #tpu.memory_space<hbm>> -> memref<1x625x16xf32, #tpu.memory_space<hbm>>
      %dma_wait3A_18 = tpu.memref_squeeze %dma_wait3A_17 : memref<1x625x16xf32, #tpu.memory_space<hbm>> -> memref<625x16xf32, #tpu.memory_space<hbm>>
      %dma_wait3A_19 = arith.constant 0 : i32
      %dma_wait3A_20 = tpu.memref_slice %arg8[%mul3A_10, %dma_wait3A_19] : memref<10000x16xf32, #tpu.memory_space<vmem_shared>> -> memref<625x16xf32, #tpu.memory_space<vmem_shared>>
      tpu.wait_dma2 semaphore(%run_scoped3A : memref<!tpu.dma_semaphore, #tpu.memory_space<semaphore_mem>>) src(%dma_wait3A_20 : memref<625x16xf32, #tpu.memory_space<vmem_shared>>) dst(%dma_wait3A_18 : memref<625x16xf32, #tpu.memory_space<hbm>>)
      tpu.yield
    }) : () -> ()
    return
  }
}

#map = affine_map<(d0, d1) -> (0, 0, 0, 0)>
#map1 = affine_map<(d0, d1) -> (0, 0, 0)>
#map2 = affine_map<(d0, d1) -> (0, 0)>
module attributes {stable_mosaic.version = 14 : i64} {
  func.func @sk(%arg0: i32, %arg1: i32, %arg2: memref<32x80x125x16xf32, #tpu.memory_space<hbm>>, %arg3: memref<32x80x125xi32, #tpu.memory_space<hbm>>, %arg4: memref<625x16xf32, #tpu.memory_space<hbm>>, %arg5: memref<2x10000x16xf32, #tpu.memory_space<hbm>>, %arg6: memref<80x125xi32, #tpu.memory_space<vmem>>, %arg7: memref<8x125x16xf32, #tpu.memory_space<vmem>>, %arg8: memref<10000x16xf32, #tpu.memory_space<vmem_shared>>, %arg9: memref<!tpu.dma_semaphore, #tpu.memory_space<semaphore_mem>>, %arg10: memref<!tpu.dma_semaphore, #tpu.memory_space<semaphore_mem>>) attributes {dimension_semantics = [#tpu.dimension_semantics<core_parallel>, #tpu.dimension_semantics<subcore_parallel>], iteration_bounds = array<i64: 2, 16>, scalar_prefetch = 0 : i64, scratch_operands = 5 : i64, tpu.core_type = #tpu.core_type<sc_vector_subcore>, window_params = [{transform_indices = #map}, {transform_indices = #map1}, {transform_indices = #map2}, {transform_indices = #map1}]} {
    %mul3A = arith.constant 16 : i32
    %mul3A_0 = arith.muli %arg0, %mul3A : i32
    %add3A = arith.addi %mul3A_0, %arg1 : i32
    %mul3A_1 = arith.constant 625 : i32
    %mul3A_2 = arith.muli %arg1, %mul3A_1 : i32
    "tpu.region"() ({
      %run_scoped3A = tpu.sem_alloc : memref<!tpu.dma_semaphore, #tpu.memory_space<semaphore_mem>>
      %dma_start3A = arith.constant 0 : i32
      %dma_start3A_13 = tpu.memref_slice %arg8[%mul3A_2, %dma_start3A] : memref<10000x16xf32, #tpu.memory_space<vmem_shared>> -> memref<625x16xf32, #tpu.memory_space<vmem_shared>>
      tpu.enqueue_dma source(%arg4 : memref<625x16xf32, #tpu.memory_space<hbm>>) target(%dma_start3A_13 : memref<625x16xf32, #tpu.memory_space<vmem_shared>>) target_semaphore(%run_scoped3A : memref<!tpu.dma_semaphore, #tpu.memory_space<semaphore_mem>>)
      %dma_wait3A = arith.constant 0 : i32
      %dma_wait3A_14 = tpu.memref_slice %arg8[%mul3A_2, %dma_wait3A] : memref<10000x16xf32, #tpu.memory_space<vmem_shared>> -> memref<625x16xf32, #tpu.memory_space<vmem_shared>>
      tpu.wait_dma2 semaphore(%run_scoped3A : memref<!tpu.dma_semaphore, #tpu.memory_space<semaphore_mem>>) src(%arg4 : memref<625x16xf32, #tpu.memory_space<hbm>>) dst(%dma_wait3A_14 : memref<625x16xf32, #tpu.memory_space<vmem_shared>>)
      tpu.yield
    }) : () -> ()
    "tpu.region"() ({
      %run_scoped3A = tpu.sem_alloc : memref<!tpu.dma_semaphore, #tpu.memory_space<semaphore_mem>>
      %dma_start3A = arith.constant 0 : i32
      %dma_start3A_13 = arith.constant 0 : i32
      %dma_start3A_14 = tpu.memref_slice %arg3[%add3A, %dma_start3A, %dma_start3A_13] : memref<32x80x125xi32, #tpu.memory_space<hbm>> -> memref<1x80x125xi32, #tpu.memory_space<hbm>>
      %dma_start3A_15 = tpu.memref_squeeze %dma_start3A_14 : memref<1x80x125xi32, #tpu.memory_space<hbm>> -> memref<80x125xi32, #tpu.memory_space<hbm>>
      %dma_start3A_16 = arith.constant 0 : i32
      %dma_start3A_17 = arith.constant 0 : i32
      %dma_start3A_18 = tpu.memref_slice %arg3[%add3A, %dma_start3A_16, %dma_start3A_17] : memref<32x80x125xi32, #tpu.memory_space<hbm>> -> memref<1x80x125xi32, #tpu.memory_space<hbm>>
      %dma_start3A_19 = tpu.memref_squeeze %dma_start3A_18 : memref<1x80x125xi32, #tpu.memory_space<hbm>> -> memref<80x125xi32, #tpu.memory_space<hbm>>
      tpu.enqueue_dma source(%dma_start3A_19 : memref<80x125xi32, #tpu.memory_space<hbm>>) target(%arg6 : memref<80x125xi32, #tpu.memory_space<vmem>>) target_semaphore(%run_scoped3A : memref<!tpu.dma_semaphore, #tpu.memory_space<semaphore_mem>>)
      %dma_wait3A = arith.constant 0 : i32
      %dma_wait3A_20 = arith.constant 0 : i32
      %dma_wait3A_21 = tpu.memref_slice %arg3[%add3A, %dma_wait3A, %dma_wait3A_20] : memref<32x80x125xi32, #tpu.memory_space<hbm>> -> memref<1x80x125xi32, #tpu.memory_space<hbm>>
      %dma_wait3A_22 = tpu.memref_squeeze %dma_wait3A_21 : memref<1x80x125xi32, #tpu.memory_space<hbm>> -> memref<80x125xi32, #tpu.memory_space<hbm>>
      %dma_wait3A_23 = arith.constant 0 : i32
      %dma_wait3A_24 = arith.constant 0 : i32
      %dma_wait3A_25 = tpu.memref_slice %arg3[%add3A, %dma_wait3A_23, %dma_wait3A_24] : memref<32x80x125xi32, #tpu.memory_space<hbm>> -> memref<1x80x125xi32, #tpu.memory_space<hbm>>
      %dma_wait3A_26 = tpu.memref_squeeze %dma_wait3A_25 : memref<1x80x125xi32, #tpu.memory_space<hbm>> -> memref<80x125xi32, #tpu.memory_space<hbm>>
      tpu.wait_dma2 semaphore(%run_scoped3A : memref<!tpu.dma_semaphore, #tpu.memory_space<semaphore_mem>>) src(%dma_wait3A_26 : memref<80x125xi32, #tpu.memory_space<hbm>>) dst(%arg6 : memref<80x125xi32, #tpu.memory_space<vmem>>)
      tpu.yield
    }) : () -> ()
    %barrier3A = arith.constant 0 : index
    tpu.barrier barrier_id(%barrier3A)
    %scan3A = arith.constant 0 : i32
    %scan3A_3 = arith.constant 0 : i32
    %scan3A_4 = arith.constant 10 : i32
    %scan3A_5 = arith.addi %scan3A_3, %scan3A_4 : i32
    %scan3A_6 = arith.constant 1 : i32
    scf.for %scan3A_13 = %scan3A_3 to %scan3A_5 step %scan3A_6  : i32 {
      %mul3A_14 = arith.constant 8 : i32
      %mul3A_15 = arith.muli %scan3A_13, %mul3A_14 : i32
      %add3A_16 = arith.constant 0 : i32
      %add3A_17 = arith.addi %mul3A_15, %add3A_16 : i32
      %dma_start3A = arith.constant 0 : i32
      %dma_start3A_18 = arith.constant 0 : i32
      %dma_start3A_19 = arith.constant 0 : i32
      %dma_start3A_20 = tpu.memref_slice %arg7[%dma_start3A, %dma_start3A_18, %dma_start3A_19] : memref<8x125x16xf32, #tpu.memory_space<vmem>> -> memref<1x125x16xf32, #tpu.memory_space<vmem>>
      %dma_start3A_21 = tpu.memref_squeeze %dma_start3A_20 : memref<1x125x16xf32, #tpu.memory_space<vmem>> -> memref<125x16xf32, #tpu.memory_space<vmem>>
      %dma_start3A_22 = arith.constant 0 : i32
      %dma_start3A_23 = arith.constant 0 : i32
      %dma_start3A_24 = tpu.memref_slice %arg2[%add3A, %add3A_17, %dma_start3A_22, %dma_start3A_23] : memref<32x80x125x16xf32, #tpu.memory_space<hbm>> -> memref<1x1x125x16xf32, #tpu.memory_space<hbm>>
      %dma_start3A_25 = tpu.memref_squeeze %dma_start3A_24 : memref<1x1x125x16xf32, #tpu.memory_space<hbm>> -> memref<125x16xf32, #tpu.memory_space<hbm>>
      %dma_start3A_26 = arith.constant 0 : i32
      %dma_start3A_27 = arith.constant 0 : i32
      %dma_start3A_28 = tpu.memref_slice %arg7[%dma_start3A, %dma_start3A_26, %dma_start3A_27] : memref<8x125x16xf32, #tpu.memory_space<vmem>> -> memref<1x125x16xf32, #tpu.memory_space<vmem>>
      %dma_start3A_29 = tpu.memref_squeeze %dma_start3A_28 : memref<1x125x16xf32, #tpu.memory_space<vmem>> -> memref<125x16xf32, #tpu.memory_space<vmem>>
      %dma_start3A_30 = arith.constant 0 : i32
      %dma_start3A_31 = arith.constant 0 : i32
      %dma_start3A_32 = tpu.memref_slice %arg2[%add3A, %add3A_17, %dma_start3A_30, %dma_start3A_31] : memref<32x80x125x16xf32, #tpu.memory_space<hbm>> -> memref<1x1x125x16xf32, #tpu.memory_space<hbm>>
      %dma_start3A_33 = tpu.memref_squeeze %dma_start3A_32 : memref<1x1x125x16xf32, #tpu.memory_space<hbm>> -> memref<125x16xf32, #tpu.memory_space<hbm>>
      tpu.enqueue_dma source(%dma_start3A_33 : memref<125x16xf32, #tpu.memory_space<hbm>>) target(%dma_start3A_29 : memref<125x16xf32, #tpu.memory_space<vmem>>) target_semaphore(%arg9 : memref<!tpu.dma_semaphore, #tpu.memory_space<semaphore_mem>>)
      %mul3A_34 = arith.constant 8 : i32
      %mul3A_35 = arith.muli %scan3A_13, %mul3A_34 : i32
      %add3A_36 = arith.constant 1 : i32
      %add3A_37 = arith.addi %mul3A_35, %add3A_36 : i32
      %dma_start3A_38 = arith.constant 1 : i32
      %dma_start3A_39 = arith.constant 0 : i32
      %dma_start3A_40 = arith.constant 0 : i32
      %dma_start3A_41 = tpu.memref_slice %arg7[%dma_start3A_38, %dma_start3A_39, %dma_start3A_40] : memref<8x125x16xf32, #tpu.memory_space<vmem>> -> memref<1x125x16xf32, #tpu.memory_space<vmem>>
      %dma_start3A_42 = tpu.memref_squeeze %dma_start3A_41 : memref<1x125x16xf32, #tpu.memory_space<vmem>> -> memref<125x16xf32, #tpu.memory_space<vmem>>
      %dma_start3A_43 = arith.constant 0 : i32
      %dma_start3A_44 = arith.constant 0 : i32
      %dma_start3A_45 = tpu.memref_slice %arg2[%add3A, %add3A_37, %dma_start3A_43, %dma_start3A_44] : memref<32x80x125x16xf32, #tpu.memory_space<hbm>> -> memref<1x1x125x16xf32, #tpu.memory_space<hbm>>
      %dma_start3A_46 = tpu.memref_squeeze %dma_start3A_45 : memref<1x1x125x16xf32, #tpu.memory_space<hbm>> -> memref<125x16xf32, #tpu.memory_space<hbm>>
      %dma_start3A_47 = arith.constant 0 : i32
      %dma_start3A_48 = arith.constant 0 : i32
      %dma_start3A_49 = tpu.memref_slice %arg7[%dma_start3A_38, %dma_start3A_47, %dma_start3A_48] : memref<8x125x16xf32, #tpu.memory_space<vmem>> -> memref<1x125x16xf32, #tpu.memory_space<vmem>>
      %dma_start3A_50 = tpu.memref_squeeze %dma_start3A_49 : memref<1x125x16xf32, #tpu.memory_space<vmem>> -> memref<125x16xf32, #tpu.memory_space<vmem>>
      %dma_start3A_51 = arith.constant 0 : i32
      %dma_start3A_52 = arith.constant 0 : i32
      %dma_start3A_53 = tpu.memref_slice %arg2[%add3A, %add3A_37, %dma_start3A_51, %dma_start3A_52] : memref<32x80x125x16xf32, #tpu.memory_space<hbm>> -> memref<1x1x125x16xf32, #tpu.memory_space<hbm>>
      %dma_start3A_54 = tpu.memref_squeeze %dma_start3A_53 : memref<1x1x125x16xf32, #tpu.memory_space<hbm>> -> memref<125x16xf32, #tpu.memory_space<hbm>>
      tpu.enqueue_dma source(%dma_start3A_54 : memref<125x16xf32, #tpu.memory_space<hbm>>) target(%dma_start3A_50 : memref<125x16xf32, #tpu.memory_space<vmem>>) target_semaphore(%arg9 : memref<!tpu.dma_semaphore, #tpu.memory_space<semaphore_mem>>)
      %mul3A_55 = arith.constant 8 : i32
      %mul3A_56 = arith.muli %scan3A_13, %mul3A_55 : i32
      %add3A_57 = arith.constant 2 : i32
      %add3A_58 = arith.addi %mul3A_56, %add3A_57 : i32
      %dma_start3A_59 = arith.constant 2 : i32
      %dma_start3A_60 = arith.constant 0 : i32
      %dma_start3A_61 = arith.constant 0 : i32
      %dma_start3A_62 = tpu.memref_slice %arg7[%dma_start3A_59, %dma_start3A_60, %dma_start3A_61] : memref<8x125x16xf32, #tpu.memory_space<vmem>> -> memref<1x125x16xf32, #tpu.memory_space<vmem>>
      %dma_start3A_63 = tpu.memref_squeeze %dma_start3A_62 : memref<1x125x16xf32, #tpu.memory_space<vmem>> -> memref<125x16xf32, #tpu.memory_space<vmem>>
      %dma_start3A_64 = arith.constant 0 : i32
      %dma_start3A_65 = arith.constant 0 : i32
      %dma_start3A_66 = tpu.memref_slice %arg2[%add3A, %add3A_58, %dma_start3A_64, %dma_start3A_65] : memref<32x80x125x16xf32, #tpu.memory_space<hbm>> -> memref<1x1x125x16xf32, #tpu.memory_space<hbm>>
      %dma_start3A_67 = tpu.memref_squeeze %dma_start3A_66 : memref<1x1x125x16xf32, #tpu.memory_space<hbm>> -> memref<125x16xf32, #tpu.memory_space<hbm>>
      %dma_start3A_68 = arith.constant 0 : i32
      %dma_start3A_69 = arith.constant 0 : i32
      %dma_start3A_70 = tpu.memref_slice %arg7[%dma_start3A_59, %dma_start3A_68, %dma_start3A_69] : memref<8x125x16xf32, #tpu.memory_space<vmem>> -> memref<1x125x16xf32, #tpu.memory_space<vmem>>
      %dma_start3A_71 = tpu.memref_squeeze %dma_start3A_70 : memref<1x125x16xf32, #tpu.memory_space<vmem>> -> memref<125x16xf32, #tpu.memory_space<vmem>>
      %dma_start3A_72 = arith.constant 0 : i32
      %dma_start3A_73 = arith.constant 0 : i32
      %dma_start3A_74 = tpu.memref_slice %arg2[%add3A, %add3A_58, %dma_start3A_72, %dma_start3A_73] : memref<32x80x125x16xf32, #tpu.memory_space<hbm>> -> memref<1x1x125x16xf32, #tpu.memory_space<hbm>>
      %dma_start3A_75 = tpu.memref_squeeze %dma_start3A_74 : memref<1x1x125x16xf32, #tpu.memory_space<hbm>> -> memref<125x16xf32, #tpu.memory_space<hbm>>
      tpu.enqueue_dma source(%dma_start3A_75 : memref<125x16xf32, #tpu.memory_space<hbm>>) target(%dma_start3A_71 : memref<125x16xf32, #tpu.memory_space<vmem>>) target_semaphore(%arg9 : memref<!tpu.dma_semaphore, #tpu.memory_space<semaphore_mem>>)
      %mul3A_76 = arith.constant 8 : i32
      %mul3A_77 = arith.muli %scan3A_13, %mul3A_76 : i32
      %add3A_78 = arith.constant 3 : i32
      %add3A_79 = arith.addi %mul3A_77, %add3A_78 : i32
      %dma_start3A_80 = arith.constant 3 : i32
      %dma_start3A_81 = arith.constant 0 : i32
      %dma_start3A_82 = arith.constant 0 : i32
      %dma_start3A_83 = tpu.memref_slice %arg7[%dma_start3A_80, %dma_start3A_81, %dma_start3A_82] : memref<8x125x16xf32, #tpu.memory_space<vmem>> -> memref<1x125x16xf32, #tpu.memory_space<vmem>>
      %dma_start3A_84 = tpu.memref_squeeze %dma_start3A_83 : memref<1x125x16xf32, #tpu.memory_space<vmem>> -> memref<125x16xf32, #tpu.memory_space<vmem>>
      %dma_start3A_85 = arith.constant 0 : i32
      %dma_start3A_86 = arith.constant 0 : i32
      %dma_start3A_87 = tpu.memref_slice %arg2[%add3A, %add3A_79, %dma_start3A_85, %dma_start3A_86] : memref<32x80x125x16xf32, #tpu.memory_space<hbm>> -> memref<1x1x125x16xf32, #tpu.memory_space<hbm>>
      %dma_start3A_88 = tpu.memref_squeeze %dma_start3A_87 : memref<1x1x125x16xf32, #tpu.memory_space<hbm>> -> memref<125x16xf32, #tpu.memory_space<hbm>>
      %dma_start3A_89 = arith.constant 0 : i32
      %dma_start3A_90 = arith.constant 0 : i32
      %dma_start3A_91 = tpu.memref_slice %arg7[%dma_start3A_80, %dma_start3A_89, %dma_start3A_90] : memref<8x125x16xf32, #tpu.memory_space<vmem>> -> memref<1x125x16xf32, #tpu.memory_space<vmem>>
      %dma_start3A_92 = tpu.memref_squeeze %dma_start3A_91 : memref<1x125x16xf32, #tpu.memory_space<vmem>> -> memref<125x16xf32, #tpu.memory_space<vmem>>
      %dma_start3A_93 = arith.constant 0 : i32
      %dma_start3A_94 = arith.constant 0 : i32
      %dma_start3A_95 = tpu.memref_slice %arg2[%add3A, %add3A_79, %dma_start3A_93, %dma_start3A_94] : memref<32x80x125x16xf32, #tpu.memory_space<hbm>> -> memref<1x1x125x16xf32, #tpu.memory_space<hbm>>
      %dma_start3A_96 = tpu.memref_squeeze %dma_start3A_95 : memref<1x1x125x16xf32, #tpu.memory_space<hbm>> -> memref<125x16xf32, #tpu.memory_space<hbm>>
      tpu.enqueue_dma source(%dma_start3A_96 : memref<125x16xf32, #tpu.memory_space<hbm>>) target(%dma_start3A_92 : memref<125x16xf32, #tpu.memory_space<vmem>>) target_semaphore(%arg9 : memref<!tpu.dma_semaphore, #tpu.memory_space<semaphore_mem>>)
      %mul3A_97 = arith.constant 8 : i32
      %mul3A_98 = arith.muli %scan3A_13, %mul3A_97 : i32
      %add3A_99 = arith.constant 4 : i32
      %add3A_100 = arith.addi %mul3A_98, %add3A_99 : i32
      %dma_start3A_101 = arith.constant 4 : i32
      %dma_start3A_102 = arith.constant 0 : i32
      %dma_start3A_103 = arith.constant 0 : i32
      %dma_start3A_104 = tpu.memref_slice %arg7[%dma_start3A_101, %dma_start3A_102, %dma_start3A_103] : memref<8x125x16xf32, #tpu.memory_space<vmem>> -> memref<1x125x16xf32, #tpu.memory_space<vmem>>
      %dma_start3A_105 = tpu.memref_squeeze %dma_start3A_104 : memref<1x125x16xf32, #tpu.memory_space<vmem>> -> memref<125x16xf32, #tpu.memory_space<vmem>>
      %dma_start3A_106 = arith.constant 0 : i32
      %dma_start3A_107 = arith.constant 0 : i32
      %dma_start3A_108 = tpu.memref_slice %arg2[%add3A, %add3A_100, %dma_start3A_106, %dma_start3A_107] : memref<32x80x125x16xf32, #tpu.memory_space<hbm>> -> memref<1x1x125x16xf32, #tpu.memory_space<hbm>>
      %dma_start3A_109 = tpu.memref_squeeze %dma_start3A_108 : memref<1x1x125x16xf32, #tpu.memory_space<hbm>> -> memref<125x16xf32, #tpu.memory_space<hbm>>
      %dma_start3A_110 = arith.constant 0 : i32
      %dma_start3A_111 = arith.constant 0 : i32
      %dma_start3A_112 = tpu.memref_slice %arg7[%dma_start3A_101, %dma_start3A_110, %dma_start3A_111] : memref<8x125x16xf32, #tpu.memory_space<vmem>> -> memref<1x125x16xf32, #tpu.memory_space<vmem>>
      %dma_start3A_113 = tpu.memref_squeeze %dma_start3A_112 : memref<1x125x16xf32, #tpu.memory_space<vmem>> -> memref<125x16xf32, #tpu.memory_space<vmem>>
      %dma_start3A_114 = arith.constant 0 : i32
      %dma_start3A_115 = arith.constant 0 : i32
      %dma_start3A_116 = tpu.memref_slice %arg2[%add3A, %add3A_100, %dma_start3A_114, %dma_start3A_115] : memref<32x80x125x16xf32, #tpu.memory_space<hbm>> -> memref<1x1x125x16xf32, #tpu.memory_space<hbm>>
      %dma_start3A_117 = tpu.memref_squeeze %dma_start3A_116 : memref<1x1x125x16xf32, #tpu.memory_space<hbm>> -> memref<125x16xf32, #tpu.memory_space<hbm>>
      tpu.enqueue_dma source(%dma_start3A_117 : memref<125x16xf32, #tpu.memory_space<hbm>>) target(%dma_start3A_113 : memref<125x16xf32, #tpu.memory_space<vmem>>) target_semaphore(%arg9 : memref<!tpu.dma_semaphore, #tpu.memory_space<semaphore_mem>>)
      %mul3A_118 = arith.constant 8 : i32
      %mul3A_119 = arith.muli %scan3A_13, %mul3A_118 : i32
      %add3A_120 = arith.constant 5 : i32
      %add3A_121 = arith.addi %mul3A_119, %add3A_120 : i32
      %dma_start3A_122 = arith.constant 5 : i32
      %dma_start3A_123 = arith.constant 0 : i32
      %dma_start3A_124 = arith.constant 0 : i32
      %dma_start3A_125 = tpu.memref_slice %arg7[%dma_start3A_122, %dma_start3A_123, %dma_start3A_124] : memref<8x125x16xf32, #tpu.memory_space<vmem>> -> memref<1x125x16xf32, #tpu.memory_space<vmem>>
      %dma_start3A_126 = tpu.memref_squeeze %dma_start3A_125 : memref<1x125x16xf32, #tpu.memory_space<vmem>> -> memref<125x16xf32, #tpu.memory_space<vmem>>
      %dma_start3A_127 = arith.constant 0 : i32
      %dma_start3A_128 = arith.constant 0 : i32
      %dma_start3A_129 = tpu.memref_slice %arg2[%add3A, %add3A_121, %dma_start3A_127, %dma_start3A_128] : memref<32x80x125x16xf32, #tpu.memory_space<hbm>> -> memref<1x1x125x16xf32, #tpu.memory_space<hbm>>
      %dma_start3A_130 = tpu.memref_squeeze %dma_start3A_129 : memref<1x1x125x16xf32, #tpu.memory_space<hbm>> -> memref<125x16xf32, #tpu.memory_space<hbm>>
      %dma_start3A_131 = arith.constant 0 : i32
      %dma_start3A_132 = arith.constant 0 : i32
      %dma_start3A_133 = tpu.memref_slice %arg7[%dma_start3A_122, %dma_start3A_131, %dma_start3A_132] : memref<8x125x16xf32, #tpu.memory_space<vmem>> -> memref<1x125x16xf32, #tpu.memory_space<vmem>>
      %dma_start3A_134 = tpu.memref_squeeze %dma_start3A_133 : memref<1x125x16xf32, #tpu.memory_space<vmem>> -> memref<125x16xf32, #tpu.memory_space<vmem>>
      %dma_start3A_135 = arith.constant 0 : i32
      %dma_start3A_136 = arith.constant 0 : i32
      %dma_start3A_137 = tpu.memref_slice %arg2[%add3A, %add3A_121, %dma_start3A_135, %dma_start3A_136] : memref<32x80x125x16xf32, #tpu.memory_space<hbm>> -> memref<1x1x125x16xf32, #tpu.memory_space<hbm>>
      %dma_start3A_138 = tpu.memref_squeeze %dma_start3A_137 : memref<1x1x125x16xf32, #tpu.memory_space<hbm>> -> memref<125x16xf32, #tpu.memory_space<hbm>>
      tpu.enqueue_dma source(%dma_start3A_138 : memref<125x16xf32, #tpu.memory_space<hbm>>) target(%dma_start3A_134 : memref<125x16xf32, #tpu.memory_space<vmem>>) target_semaphore(%arg9 : memref<!tpu.dma_semaphore, #tpu.memory_space<semaphore_mem>>)
      %mul3A_139 = arith.constant 8 : i32
      %mul3A_140 = arith.muli %scan3A_13, %mul3A_139 : i32
      %add3A_141 = arith.constant 6 : i32
      %add3A_142 = arith.addi %mul3A_140, %add3A_141 : i32
      %dma_start3A_143 = arith.constant 6 : i32
      %dma_start3A_144 = arith.constant 0 : i32
      %dma_start3A_145 = arith.constant 0 : i32
      %dma_start3A_146 = tpu.memref_slice %arg7[%dma_start3A_143, %dma_start3A_144, %dma_start3A_145] : memref<8x125x16xf32, #tpu.memory_space<vmem>> -> memref<1x125x16xf32, #tpu.memory_space<vmem>>
      %dma_start3A_147 = tpu.memref_squeeze %dma_start3A_146 : memref<1x125x16xf32, #tpu.memory_space<vmem>> -> memref<125x16xf32, #tpu.memory_space<vmem>>
      %dma_start3A_148 = arith.constant 0 : i32
      %dma_start3A_149 = arith.constant 0 : i32
      %dma_start3A_150 = tpu.memref_slice %arg2[%add3A, %add3A_142, %dma_start3A_148, %dma_start3A_149] : memref<32x80x125x16xf32, #tpu.memory_space<hbm>> -> memref<1x1x125x16xf32, #tpu.memory_space<hbm>>
      %dma_start3A_151 = tpu.memref_squeeze %dma_start3A_150 : memref<1x1x125x16xf32, #tpu.memory_space<hbm>> -> memref<125x16xf32, #tpu.memory_space<hbm>>
      %dma_start3A_152 = arith.constant 0 : i32
      %dma_start3A_153 = arith.constant 0 : i32
      %dma_start3A_154 = tpu.memref_slice %arg7[%dma_start3A_143, %dma_start3A_152, %dma_start3A_153] : memref<8x125x16xf32, #tpu.memory_space<vmem>> -> memref<1x125x16xf32, #tpu.memory_space<vmem>>
      %dma_start3A_155 = tpu.memref_squeeze %dma_start3A_154 : memref<1x125x16xf32, #tpu.memory_space<vmem>> -> memref<125x16xf32, #tpu.memory_space<vmem>>
      %dma_start3A_156 = arith.constant 0 : i32
      %dma_start3A_157 = arith.constant 0 : i32
      %dma_start3A_158 = tpu.memref_slice %arg2[%add3A, %add3A_142, %dma_start3A_156, %dma_start3A_157] : memref<32x80x125x16xf32, #tpu.memory_space<hbm>> -> memref<1x1x125x16xf32, #tpu.memory_space<hbm>>
      %dma_start3A_159 = tpu.memref_squeeze %dma_start3A_158 : memref<1x1x125x16xf32, #tpu.memory_space<hbm>> -> memref<125x16xf32, #tpu.memory_space<hbm>>
      tpu.enqueue_dma source(%dma_start3A_159 : memref<125x16xf32, #tpu.memory_space<hbm>>) target(%dma_start3A_155 : memref<125x16xf32, #tpu.memory_space<vmem>>) target_semaphore(%arg9 : memref<!tpu.dma_semaphore, #tpu.memory_space<semaphore_mem>>)
      %mul3A_160 = arith.constant 8 : i32
      %mul3A_161 = arith.muli %scan3A_13, %mul3A_160 : i32
      %add3A_162 = arith.constant 7 : i32
      %add3A_163 = arith.addi %mul3A_161, %add3A_162 : i32
      %dma_start3A_164 = arith.constant 7 : i32
      %dma_start3A_165 = arith.constant 0 : i32
      %dma_start3A_166 = arith.constant 0 : i32
      %dma_start3A_167 = tpu.memref_slice %arg7[%dma_start3A_164, %dma_start3A_165, %dma_start3A_166] : memref<8x125x16xf32, #tpu.memory_space<vmem>> -> memref<1x125x16xf32, #tpu.memory_space<vmem>>
      %dma_start3A_168 = tpu.memref_squeeze %dma_start3A_167 : memref<1x125x16xf32, #tpu.memory_space<vmem>> -> memref<125x16xf32, #tpu.memory_space<vmem>>
      %dma_start3A_169 = arith.constant 0 : i32
      %dma_start3A_170 = arith.constant 0 : i32
      %dma_start3A_171 = tpu.memref_slice %arg2[%add3A, %add3A_163, %dma_start3A_169, %dma_start3A_170] : memref<32x80x125x16xf32, #tpu.memory_space<hbm>> -> memref<1x1x125x16xf32, #tpu.memory_space<hbm>>
      %dma_start3A_172 = tpu.memref_squeeze %dma_start3A_171 : memref<1x1x125x16xf32, #tpu.memory_space<hbm>> -> memref<125x16xf32, #tpu.memory_space<hbm>>
      %dma_start3A_173 = arith.constant 0 : i32
      %dma_start3A_174 = arith.constant 0 : i32
      %dma_start3A_175 = tpu.memref_slice %arg7[%dma_start3A_164, %dma_start3A_173, %dma_start3A_174] : memref<8x125x16xf32, #tpu.memory_space<vmem>> -> memref<1x125x16xf32, #tpu.memory_space<vmem>>
      %dma_start3A_176 = tpu.memref_squeeze %dma_start3A_175 : memref<1x125x16xf32, #tpu.memory_space<vmem>> -> memref<125x16xf32, #tpu.memory_space<vmem>>
      %dma_start3A_177 = arith.constant 0 : i32
      %dma_start3A_178 = arith.constant 0 : i32
      %dma_start3A_179 = tpu.memref_slice %arg2[%add3A, %add3A_163, %dma_start3A_177, %dma_start3A_178] : memref<32x80x125x16xf32, #tpu.memory_space<hbm>> -> memref<1x1x125x16xf32, #tpu.memory_space<hbm>>
      %dma_start3A_180 = tpu.memref_squeeze %dma_start3A_179 : memref<1x1x125x16xf32, #tpu.memory_space<hbm>> -> memref<125x16xf32, #tpu.memory_space<hbm>>
      tpu.enqueue_dma source(%dma_start3A_180 : memref<125x16xf32, #tpu.memory_space<hbm>>) target(%dma_start3A_176 : memref<125x16xf32, #tpu.memory_space<vmem>>) target_semaphore(%arg9 : memref<!tpu.dma_semaphore, #tpu.memory_space<semaphore_mem>>)
      %mul3A_181 = arith.constant 8 : i32
      %mul3A_182 = arith.muli %scan3A_13, %mul3A_181 : i32
      %add3A_183 = arith.constant 0 : i32
      %add3A_184 = arith.addi %mul3A_182, %add3A_183 : i32
      %dma_wait3A = arith.constant 0 : i32
      %dma_wait3A_185 = arith.constant 0 : i32
      %dma_wait3A_186 = arith.constant 0 : i32
      %dma_wait3A_187 = tpu.memref_slice %arg7[%dma_wait3A, %dma_wait3A_185, %dma_wait3A_186] : memref<8x125x16xf32, #tpu.memory_space<vmem>> -> memref<1x125x16xf32, #tpu.memory_space<vmem>>
      %dma_wait3A_188 = tpu.memref_squeeze %dma_wait3A_187 : memref<1x125x16xf32, #tpu.memory_space<vmem>> -> memref<125x16xf32, #tpu.memory_space<vmem>>
      %dma_wait3A_189 = arith.constant 0 : i32
      %dma_wait3A_190 = arith.constant 0 : i32
      %dma_wait3A_191 = tpu.memref_slice %arg2[%add3A, %add3A_184, %dma_wait3A_189, %dma_wait3A_190] : memref<32x80x125x16xf32, #tpu.memory_space<hbm>> -> memref<1x1x125x16xf32, #tpu.memory_space<hbm>>
      %dma_wait3A_192 = tpu.memref_squeeze %dma_wait3A_191 : memref<1x1x125x16xf32, #tpu.memory_space<hbm>> -> memref<125x16xf32, #tpu.memory_space<hbm>>
      %dma_wait3A_193 = arith.constant 0 : i32
      %dma_wait3A_194 = arith.constant 0 : i32
      %dma_wait3A_195 = tpu.memref_slice %arg7[%dma_wait3A, %dma_wait3A_193, %dma_wait3A_194] : memref<8x125x16xf32, #tpu.memory_space<vmem>> -> memref<1x125x16xf32, #tpu.memory_space<vmem>>
      %dma_wait3A_196 = tpu.memref_squeeze %dma_wait3A_195 : memref<1x125x16xf32, #tpu.memory_space<vmem>> -> memref<125x16xf32, #tpu.memory_space<vmem>>
      %dma_wait3A_197 = arith.constant 0 : i32
      %dma_wait3A_198 = arith.constant 0 : i32
      %dma_wait3A_199 = tpu.memref_slice %arg2[%add3A, %add3A_184, %dma_wait3A_197, %dma_wait3A_198] : memref<32x80x125x16xf32, #tpu.memory_space<hbm>> -> memref<1x1x125x16xf32, #tpu.memory_space<hbm>>
      %dma_wait3A_200 = tpu.memref_squeeze %dma_wait3A_199 : memref<1x1x125x16xf32, #tpu.memory_space<hbm>> -> memref<125x16xf32, #tpu.memory_space<hbm>>
      tpu.wait_dma2 semaphore(%arg9 : memref<!tpu.dma_semaphore, #tpu.memory_space<semaphore_mem>>) src(%dma_wait3A_200 : memref<125x16xf32, #tpu.memory_space<hbm>>) dst(%dma_wait3A_196 : memref<125x16xf32, #tpu.memory_space<vmem>>)
      %dma_start3A_201 = arith.constant 0 : i32
      %dma_start3A_202 = arith.constant 0 : i32
      %dma_start3A_203 = arith.constant 0 : i32
      %dma_start3A_204 = tpu.memref_slice %arg7[%dma_start3A_201, %dma_start3A_202, %dma_start3A_203] : memref<8x125x16xf32, #tpu.memory_space<vmem>> -> memref<1x125x16xf32, #tpu.memory_space<vmem>>
      %dma_start3A_205 = tpu.memref_squeeze %dma_start3A_204 : memref<1x125x16xf32, #tpu.memory_space<vmem>> -> memref<125x16xf32, #tpu.memory_space<vmem>>
      %dma_start3A_206 = arith.constant 0 : i32
      %dma_start3A_207 = tpu.memref_slice %arg6[%add3A_184, %dma_start3A_206] : memref<80x125xi32, #tpu.memory_space<vmem>> -> memref<1x125xi32, #tpu.memory_space<vmem>>
      %dma_start3A_208 = tpu.memref_squeeze %dma_start3A_207 : memref<1x125xi32, #tpu.memory_space<vmem>> -> memref<125xi32, #tpu.memory_space<vmem>>
      %dma_start3A_209 = arith.constant 0 : i32
      %dma_start3A_210 = arith.constant 0 : i32
      %dma_start3A_211 = tpu.memref_slice %arg8[%dma_start3A_209, %dma_start3A_210] : memref<10000x16xf32, #tpu.memory_space<vmem_shared>> -> memref<10000x16xf32, #tpu.memory_space<vmem_shared>>
      tpu.enqueue_indirect_dma source(%dma_start3A_205 : memref<125x16xf32, #tpu.memory_space<vmem>>) target(%dma_start3A_211 : memref<10000x16xf32, #tpu.memory_space<vmem_shared>>) offsets(%dma_start3A_208 : memref<125xi32, #tpu.memory_space<vmem>>) semaphore(%arg10 : memref<!tpu.dma_semaphore, #tpu.memory_space<semaphore_mem>>) {add = true}
      %mul3A_212 = arith.constant 8 : i32
      %mul3A_213 = arith.muli %scan3A_13, %mul3A_212 : i32
      %add3A_214 = arith.constant 1 : i32
      %add3A_215 = arith.addi %mul3A_213, %add3A_214 : i32
      %dma_wait3A_216 = arith.constant 1 : i32
      %dma_wait3A_217 = arith.constant 0 : i32
      %dma_wait3A_218 = arith.constant 0 : i32
      %dma_wait3A_219 = tpu.memref_slice %arg7[%dma_wait3A_216, %dma_wait3A_217, %dma_wait3A_218] : memref<8x125x16xf32, #tpu.memory_space<vmem>> -> memref<1x125x16xf32, #tpu.memory_space<vmem>>
      %dma_wait3A_220 = tpu.memref_squeeze %dma_wait3A_219 : memref<1x125x16xf32, #tpu.memory_space<vmem>> -> memref<125x16xf32, #tpu.memory_space<vmem>>
      %dma_wait3A_221 = arith.constant 0 : i32
      %dma_wait3A_222 = arith.constant 0 : i32
      %dma_wait3A_223 = tpu.memref_slice %arg2[%add3A, %add3A_215, %dma_wait3A_221, %dma_wait3A_222] : memref<32x80x125x16xf32, #tpu.memory_space<hbm>> -> memref<1x1x125x16xf32, #tpu.memory_space<hbm>>
      %dma_wait3A_224 = tpu.memref_squeeze %dma_wait3A_223 : memref<1x1x125x16xf32, #tpu.memory_space<hbm>> -> memref<125x16xf32, #tpu.memory_space<hbm>>
      %dma_wait3A_225 = arith.constant 0 : i32
      %dma_wait3A_226 = arith.constant 0 : i32
      %dma_wait3A_227 = tpu.memref_slice %arg7[%dma_wait3A_216, %dma_wait3A_225, %dma_wait3A_226] : memref<8x125x16xf32, #tpu.memory_space<vmem>> -> memref<1x125x16xf32, #tpu.memory_space<vmem>>
      %dma_wait3A_228 = tpu.memref_squeeze %dma_wait3A_227 : memref<1x125x16xf32, #tpu.memory_space<vmem>> -> memref<125x16xf32, #tpu.memory_space<vmem>>
      %dma_wait3A_229 = arith.constant 0 : i32
      %dma_wait3A_230 = arith.constant 0 : i32
      %dma_wait3A_231 = tpu.memref_slice %arg2[%add3A, %add3A_215, %dma_wait3A_229, %dma_wait3A_230] : memref<32x80x125x16xf32, #tpu.memory_space<hbm>> -> memref<1x1x125x16xf32, #tpu.memory_space<hbm>>
      %dma_wait3A_232 = tpu.memref_squeeze %dma_wait3A_231 : memref<1x1x125x16xf32, #tpu.memory_space<hbm>> -> memref<125x16xf32, #tpu.memory_space<hbm>>
      tpu.wait_dma2 semaphore(%arg9 : memref<!tpu.dma_semaphore, #tpu.memory_space<semaphore_mem>>) src(%dma_wait3A_232 : memref<125x16xf32, #tpu.memory_space<hbm>>) dst(%dma_wait3A_228 : memref<125x16xf32, #tpu.memory_space<vmem>>)
      %dma_start3A_233 = arith.constant 1 : i32
      %dma_start3A_234 = arith.constant 0 : i32
      %dma_start3A_235 = arith.constant 0 : i32
      %dma_start3A_236 = tpu.memref_slice %arg7[%dma_start3A_233, %dma_start3A_234, %dma_start3A_235] : memref<8x125x16xf32, #tpu.memory_space<vmem>> -> memref<1x125x16xf32, #tpu.memory_space<vmem>>
      %dma_start3A_237 = tpu.memref_squeeze %dma_start3A_236 : memref<1x125x16xf32, #tpu.memory_space<vmem>> -> memref<125x16xf32, #tpu.memory_space<vmem>>
      %dma_start3A_238 = arith.constant 0 : i32
      %dma_start3A_239 = tpu.memref_slice %arg6[%add3A_215, %dma_start3A_238] : memref<80x125xi32, #tpu.memory_space<vmem>> -> memref<1x125xi32, #tpu.memory_space<vmem>>
      %dma_start3A_240 = tpu.memref_squeeze %dma_start3A_239 : memref<1x125xi32, #tpu.memory_space<vmem>> -> memref<125xi32, #tpu.memory_space<vmem>>
      %dma_start3A_241 = arith.constant 0 : i32
      %dma_start3A_242 = arith.constant 0 : i32
      %dma_start3A_243 = tpu.memref_slice %arg8[%dma_start3A_241, %dma_start3A_242] : memref<10000x16xf32, #tpu.memory_space<vmem_shared>> -> memref<10000x16xf32, #tpu.memory_space<vmem_shared>>
      tpu.enqueue_indirect_dma source(%dma_start3A_237 : memref<125x16xf32, #tpu.memory_space<vmem>>) target(%dma_start3A_243 : memref<10000x16xf32, #tpu.memory_space<vmem_shared>>) offsets(%dma_start3A_240 : memref<125xi32, #tpu.memory_space<vmem>>) semaphore(%arg10 : memref<!tpu.dma_semaphore, #tpu.memory_space<semaphore_mem>>) {add = true}
      %mul3A_244 = arith.constant 8 : i32
      %mul3A_245 = arith.muli %scan3A_13, %mul3A_244 : i32
      %add3A_246 = arith.constant 2 : i32
      %add3A_247 = arith.addi %mul3A_245, %add3A_246 : i32
      %dma_wait3A_248 = arith.constant 2 : i32
      %dma_wait3A_249 = arith.constant 0 : i32
      %dma_wait3A_250 = arith.constant 0 : i32
      %dma_wait3A_251 = tpu.memref_slice %arg7[%dma_wait3A_248, %dma_wait3A_249, %dma_wait3A_250] : memref<8x125x16xf32, #tpu.memory_space<vmem>> -> memref<1x125x16xf32, #tpu.memory_space<vmem>>
      %dma_wait3A_252 = tpu.memref_squeeze %dma_wait3A_251 : memref<1x125x16xf32, #tpu.memory_space<vmem>> -> memref<125x16xf32, #tpu.memory_space<vmem>>
      %dma_wait3A_253 = arith.constant 0 : i32
      %dma_wait3A_254 = arith.constant 0 : i32
      %dma_wait3A_255 = tpu.memref_slice %arg2[%add3A, %add3A_247, %dma_wait3A_253, %dma_wait3A_254] : memref<32x80x125x16xf32, #tpu.memory_space<hbm>> -> memref<1x1x125x16xf32, #tpu.memory_space<hbm>>
      %dma_wait3A_256 = tpu.memref_squeeze %dma_wait3A_255 : memref<1x1x125x16xf32, #tpu.memory_space<hbm>> -> memref<125x16xf32, #tpu.memory_space<hbm>>
      %dma_wait3A_257 = arith.constant 0 : i32
      %dma_wait3A_258 = arith.constant 0 : i32
      %dma_wait3A_259 = tpu.memref_slice %arg7[%dma_wait3A_248, %dma_wait3A_257, %dma_wait3A_258] : memref<8x125x16xf32, #tpu.memory_space<vmem>> -> memref<1x125x16xf32, #tpu.memory_space<vmem>>
      %dma_wait3A_260 = tpu.memref_squeeze %dma_wait3A_259 : memref<1x125x16xf32, #tpu.memory_space<vmem>> -> memref<125x16xf32, #tpu.memory_space<vmem>>
      %dma_wait3A_261 = arith.constant 0 : i32
      %dma_wait3A_262 = arith.constant 0 : i32
      %dma_wait3A_263 = tpu.memref_slice %arg2[%add3A, %add3A_247, %dma_wait3A_261, %dma_wait3A_262] : memref<32x80x125x16xf32, #tpu.memory_space<hbm>> -> memref<1x1x125x16xf32, #tpu.memory_space<hbm>>
      %dma_wait3A_264 = tpu.memref_squeeze %dma_wait3A_263 : memref<1x1x125x16xf32, #tpu.memory_space<hbm>> -> memref<125x16xf32, #tpu.memory_space<hbm>>
      tpu.wait_dma2 semaphore(%arg9 : memref<!tpu.dma_semaphore, #tpu.memory_space<semaphore_mem>>) src(%dma_wait3A_264 : memref<125x16xf32, #tpu.memory_space<hbm>>) dst(%dma_wait3A_260 : memref<125x16xf32, #tpu.memory_space<vmem>>)
      %dma_start3A_265 = arith.constant 2 : i32
      %dma_start3A_266 = arith.constant 0 : i32
      %dma_start3A_267 = arith.constant 0 : i32
      %dma_start3A_268 = tpu.memref_slice %arg7[%dma_start3A_265, %dma_start3A_266, %dma_start3A_267] : memref<8x125x16xf32, #tpu.memory_space<vmem>> -> memref<1x125x16xf32, #tpu.memory_space<vmem>>
      %dma_start3A_269 = tpu.memref_squeeze %dma_start3A_268 : memref<1x125x16xf32, #tpu.memory_space<vmem>> -> memref<125x16xf32, #tpu.memory_space<vmem>>
      %dma_start3A_270 = arith.constant 0 : i32
      %dma_start3A_271 = tpu.memref_slice %arg6[%add3A_247, %dma_start3A_270] : memref<80x125xi32, #tpu.memory_space<vmem>> -> memref<1x125xi32, #tpu.memory_space<vmem>>
      %dma_start3A_272 = tpu.memref_squeeze %dma_start3A_271 : memref<1x125xi32, #tpu.memory_space<vmem>> -> memref<125xi32, #tpu.memory_space<vmem>>
      %dma_start3A_273 = arith.constant 0 : i32
      %dma_start3A_274 = arith.constant 0 : i32
      %dma_start3A_275 = tpu.memref_slice %arg8[%dma_start3A_273, %dma_start3A_274] : memref<10000x16xf32, #tpu.memory_space<vmem_shared>> -> memref<10000x16xf32, #tpu.memory_space<vmem_shared>>
      tpu.enqueue_indirect_dma source(%dma_start3A_269 : memref<125x16xf32, #tpu.memory_space<vmem>>) target(%dma_start3A_275 : memref<10000x16xf32, #tpu.memory_space<vmem_shared>>) offsets(%dma_start3A_272 : memref<125xi32, #tpu.memory_space<vmem>>) semaphore(%arg10 : memref<!tpu.dma_semaphore, #tpu.memory_space<semaphore_mem>>) {add = true}
      %mul3A_276 = arith.constant 8 : i32
      %mul3A_277 = arith.muli %scan3A_13, %mul3A_276 : i32
      %add3A_278 = arith.constant 3 : i32
      %add3A_279 = arith.addi %mul3A_277, %add3A_278 : i32
      %dma_wait3A_280 = arith.constant 3 : i32
      %dma_wait3A_281 = arith.constant 0 : i32
      %dma_wait3A_282 = arith.constant 0 : i32
      %dma_wait3A_283 = tpu.memref_slice %arg7[%dma_wait3A_280, %dma_wait3A_281, %dma_wait3A_282] : memref<8x125x16xf32, #tpu.memory_space<vmem>> -> memref<1x125x16xf32, #tpu.memory_space<vmem>>
      %dma_wait3A_284 = tpu.memref_squeeze %dma_wait3A_283 : memref<1x125x16xf32, #tpu.memory_space<vmem>> -> memref<125x16xf32, #tpu.memory_space<vmem>>
      %dma_wait3A_285 = arith.constant 0 : i32
      %dma_wait3A_286 = arith.constant 0 : i32
      %dma_wait3A_287 = tpu.memref_slice %arg2[%add3A, %add3A_279, %dma_wait3A_285, %dma_wait3A_286] : memref<32x80x125x16xf32, #tpu.memory_space<hbm>> -> memref<1x1x125x16xf32, #tpu.memory_space<hbm>>
      %dma_wait3A_288 = tpu.memref_squeeze %dma_wait3A_287 : memref<1x1x125x16xf32, #tpu.memory_space<hbm>> -> memref<125x16xf32, #tpu.memory_space<hbm>>
      %dma_wait3A_289 = arith.constant 0 : i32
      %dma_wait3A_290 = arith.constant 0 : i32
      %dma_wait3A_291 = tpu.memref_slice %arg7[%dma_wait3A_280, %dma_wait3A_289, %dma_wait3A_290] : memref<8x125x16xf32, #tpu.memory_space<vmem>> -> memref<1x125x16xf32, #tpu.memory_space<vmem>>
      %dma_wait3A_292 = tpu.memref_squeeze %dma_wait3A_291 : memref<1x125x16xf32, #tpu.memory_space<vmem>> -> memref<125x16xf32, #tpu.memory_space<vmem>>
      %dma_wait3A_293 = arith.constant 0 : i32
      %dma_wait3A_294 = arith.constant 0 : i32
      %dma_wait3A_295 = tpu.memref_slice %arg2[%add3A, %add3A_279, %dma_wait3A_293, %dma_wait3A_294] : memref<32x80x125x16xf32, #tpu.memory_space<hbm>> -> memref<1x1x125x16xf32, #tpu.memory_space<hbm>>
      %dma_wait3A_296 = tpu.memref_squeeze %dma_wait3A_295 : memref<1x1x125x16xf32, #tpu.memory_space<hbm>> -> memref<125x16xf32, #tpu.memory_space<hbm>>
      tpu.wait_dma2 semaphore(%arg9 : memref<!tpu.dma_semaphore, #tpu.memory_space<semaphore_mem>>) src(%dma_wait3A_296 : memref<125x16xf32, #tpu.memory_space<hbm>>) dst(%dma_wait3A_292 : memref<125x16xf32, #tpu.memory_space<vmem>>)
      %dma_start3A_297 = arith.constant 3 : i32
      %dma_start3A_298 = arith.constant 0 : i32
      %dma_start3A_299 = arith.constant 0 : i32
      %dma_start3A_300 = tpu.memref_slice %arg7[%dma_start3A_297, %dma_start3A_298, %dma_start3A_299] : memref<8x125x16xf32, #tpu.memory_space<vmem>> -> memref<1x125x16xf32, #tpu.memory_space<vmem>>
      %dma_start3A_301 = tpu.memref_squeeze %dma_start3A_300 : memref<1x125x16xf32, #tpu.memory_space<vmem>> -> memref<125x16xf32, #tpu.memory_space<vmem>>
      %dma_start3A_302 = arith.constant 0 : i32
      %dma_start3A_303 = tpu.memref_slice %arg6[%add3A_279, %dma_start3A_302] : memref<80x125xi32, #tpu.memory_space<vmem>> -> memref<1x125xi32, #tpu.memory_space<vmem>>
      %dma_start3A_304 = tpu.memref_squeeze %dma_start3A_303 : memref<1x125xi32, #tpu.memory_space<vmem>> -> memref<125xi32, #tpu.memory_space<vmem>>
      %dma_start3A_305 = arith.constant 0 : i32
      %dma_start3A_306 = arith.constant 0 : i32
      %dma_start3A_307 = tpu.memref_slice %arg8[%dma_start3A_305, %dma_start3A_306] : memref<10000x16xf32, #tpu.memory_space<vmem_shared>> -> memref<10000x16xf32, #tpu.memory_space<vmem_shared>>
      tpu.enqueue_indirect_dma source(%dma_start3A_301 : memref<125x16xf32, #tpu.memory_space<vmem>>) target(%dma_start3A_307 : memref<10000x16xf32, #tpu.memory_space<vmem_shared>>) offsets(%dma_start3A_304 : memref<125xi32, #tpu.memory_space<vmem>>) semaphore(%arg10 : memref<!tpu.dma_semaphore, #tpu.memory_space<semaphore_mem>>) {add = true}
      %mul3A_308 = arith.constant 8 : i32
      %mul3A_309 = arith.muli %scan3A_13, %mul3A_308 : i32
      %add3A_310 = arith.constant 4 : i32
      %add3A_311 = arith.addi %mul3A_309, %add3A_310 : i32
      %dma_wait3A_312 = arith.constant 4 : i32
      %dma_wait3A_313 = arith.constant 0 : i32
      %dma_wait3A_314 = arith.constant 0 : i32
      %dma_wait3A_315 = tpu.memref_slice %arg7[%dma_wait3A_312, %dma_wait3A_313, %dma_wait3A_314] : memref<8x125x16xf32, #tpu.memory_space<vmem>> -> memref<1x125x16xf32, #tpu.memory_space<vmem>>
      %dma_wait3A_316 = tpu.memref_squeeze %dma_wait3A_315 : memref<1x125x16xf32, #tpu.memory_space<vmem>> -> memref<125x16xf32, #tpu.memory_space<vmem>>
      %dma_wait3A_317 = arith.constant 0 : i32
      %dma_wait3A_318 = arith.constant 0 : i32
      %dma_wait3A_319 = tpu.memref_slice %arg2[%add3A, %add3A_311, %dma_wait3A_317, %dma_wait3A_318] : memref<32x80x125x16xf32, #tpu.memory_space<hbm>> -> memref<1x1x125x16xf32, #tpu.memory_space<hbm>>
      %dma_wait3A_320 = tpu.memref_squeeze %dma_wait3A_319 : memref<1x1x125x16xf32, #tpu.memory_space<hbm>> -> memref<125x16xf32, #tpu.memory_space<hbm>>
      %dma_wait3A_321 = arith.constant 0 : i32
      %dma_wait3A_322 = arith.constant 0 : i32
      %dma_wait3A_323 = tpu.memref_slice %arg7[%dma_wait3A_312, %dma_wait3A_321, %dma_wait3A_322] : memref<8x125x16xf32, #tpu.memory_space<vmem>> -> memref<1x125x16xf32, #tpu.memory_space<vmem>>
      %dma_wait3A_324 = tpu.memref_squeeze %dma_wait3A_323 : memref<1x125x16xf32, #tpu.memory_space<vmem>> -> memref<125x16xf32, #tpu.memory_space<vmem>>
      %dma_wait3A_325 = arith.constant 0 : i32
      %dma_wait3A_326 = arith.constant 0 : i32
      %dma_wait3A_327 = tpu.memref_slice %arg2[%add3A, %add3A_311, %dma_wait3A_325, %dma_wait3A_326] : memref<32x80x125x16xf32, #tpu.memory_space<hbm>> -> memref<1x1x125x16xf32, #tpu.memory_space<hbm>>
      %dma_wait3A_328 = tpu.memref_squeeze %dma_wait3A_327 : memref<1x1x125x16xf32, #tpu.memory_space<hbm>> -> memref<125x16xf32, #tpu.memory_space<hbm>>
      tpu.wait_dma2 semaphore(%arg9 : memref<!tpu.dma_semaphore, #tpu.memory_space<semaphore_mem>>) src(%dma_wait3A_328 : memref<125x16xf32, #tpu.memory_space<hbm>>) dst(%dma_wait3A_324 : memref<125x16xf32, #tpu.memory_space<vmem>>)
      %dma_start3A_329 = arith.constant 4 : i32
      %dma_start3A_330 = arith.constant 0 : i32
      %dma_start3A_331 = arith.constant 0 : i32
      %dma_start3A_332 = tpu.memref_slice %arg7[%dma_start3A_329, %dma_start3A_330, %dma_start3A_331] : memref<8x125x16xf32, #tpu.memory_space<vmem>> -> memref<1x125x16xf32, #tpu.memory_space<vmem>>
      %dma_start3A_333 = tpu.memref_squeeze %dma_start3A_332 : memref<1x125x16xf32, #tpu.memory_space<vmem>> -> memref<125x16xf32, #tpu.memory_space<vmem>>
      %dma_start3A_334 = arith.constant 0 : i32
      %dma_start3A_335 = tpu.memref_slice %arg6[%add3A_311, %dma_start3A_334] : memref<80x125xi32, #tpu.memory_space<vmem>> -> memref<1x125xi32, #tpu.memory_space<vmem>>
      %dma_start3A_336 = tpu.memref_squeeze %dma_start3A_335 : memref<1x125xi32, #tpu.memory_space<vmem>> -> memref<125xi32, #tpu.memory_space<vmem>>
      %dma_start3A_337 = arith.constant 0 : i32
      %dma_start3A_338 = arith.constant 0 : i32
      %dma_start3A_339 = tpu.memref_slice %arg8[%dma_start3A_337, %dma_start3A_338] : memref<10000x16xf32, #tpu.memory_space<vmem_shared>> -> memref<10000x16xf32, #tpu.memory_space<vmem_shared>>
      tpu.enqueue_indirect_dma source(%dma_start3A_333 : memref<125x16xf32, #tpu.memory_space<vmem>>) target(%dma_start3A_339 : memref<10000x16xf32, #tpu.memory_space<vmem_shared>>) offsets(%dma_start3A_336 : memref<125xi32, #tpu.memory_space<vmem>>) semaphore(%arg10 : memref<!tpu.dma_semaphore, #tpu.memory_space<semaphore_mem>>) {add = true}
      %mul3A_340 = arith.constant 8 : i32
      %mul3A_341 = arith.muli %scan3A_13, %mul3A_340 : i32
      %add3A_342 = arith.constant 5 : i32
      %add3A_343 = arith.addi %mul3A_341, %add3A_342 : i32
      %dma_wait3A_344 = arith.constant 5 : i32
      %dma_wait3A_345 = arith.constant 0 : i32
      %dma_wait3A_346 = arith.constant 0 : i32
      %dma_wait3A_347 = tpu.memref_slice %arg7[%dma_wait3A_344, %dma_wait3A_345, %dma_wait3A_346] : memref<8x125x16xf32, #tpu.memory_space<vmem>> -> memref<1x125x16xf32, #tpu.memory_space<vmem>>
      %dma_wait3A_348 = tpu.memref_squeeze %dma_wait3A_347 : memref<1x125x16xf32, #tpu.memory_space<vmem>> -> memref<125x16xf32, #tpu.memory_space<vmem>>
      %dma_wait3A_349 = arith.constant 0 : i32
      %dma_wait3A_350 = arith.constant 0 : i32
      %dma_wait3A_351 = tpu.memref_slice %arg2[%add3A, %add3A_343, %dma_wait3A_349, %dma_wait3A_350] : memref<32x80x125x16xf32, #tpu.memory_space<hbm>> -> memref<1x1x125x16xf32, #tpu.memory_space<hbm>>
      %dma_wait3A_352 = tpu.memref_squeeze %dma_wait3A_351 : memref<1x1x125x16xf32, #tpu.memory_space<hbm>> -> memref<125x16xf32, #tpu.memory_space<hbm>>
      %dma_wait3A_353 = arith.constant 0 : i32
      %dma_wait3A_354 = arith.constant 0 : i32
      %dma_wait3A_355 = tpu.memref_slice %arg7[%dma_wait3A_344, %dma_wait3A_353, %dma_wait3A_354] : memref<8x125x16xf32, #tpu.memory_space<vmem>> -> memref<1x125x16xf32, #tpu.memory_space<vmem>>
      %dma_wait3A_356 = tpu.memref_squeeze %dma_wait3A_355 : memref<1x125x16xf32, #tpu.memory_space<vmem>> -> memref<125x16xf32, #tpu.memory_space<vmem>>
      %dma_wait3A_357 = arith.constant 0 : i32
      %dma_wait3A_358 = arith.constant 0 : i32
      %dma_wait3A_359 = tpu.memref_slice %arg2[%add3A, %add3A_343, %dma_wait3A_357, %dma_wait3A_358] : memref<32x80x125x16xf32, #tpu.memory_space<hbm>> -> memref<1x1x125x16xf32, #tpu.memory_space<hbm>>
      %dma_wait3A_360 = tpu.memref_squeeze %dma_wait3A_359 : memref<1x1x125x16xf32, #tpu.memory_space<hbm>> -> memref<125x16xf32, #tpu.memory_space<hbm>>
      tpu.wait_dma2 semaphore(%arg9 : memref<!tpu.dma_semaphore, #tpu.memory_space<semaphore_mem>>) src(%dma_wait3A_360 : memref<125x16xf32, #tpu.memory_space<hbm>>) dst(%dma_wait3A_356 : memref<125x16xf32, #tpu.memory_space<vmem>>)
      %dma_start3A_361 = arith.constant 5 : i32
      %dma_start3A_362 = arith.constant 0 : i32
      %dma_start3A_363 = arith.constant 0 : i32
      %dma_start3A_364 = tpu.memref_slice %arg7[%dma_start3A_361, %dma_start3A_362, %dma_start3A_363] : memref<8x125x16xf32, #tpu.memory_space<vmem>> -> memref<1x125x16xf32, #tpu.memory_space<vmem>>
      %dma_start3A_365 = tpu.memref_squeeze %dma_start3A_364 : memref<1x125x16xf32, #tpu.memory_space<vmem>> -> memref<125x16xf32, #tpu.memory_space<vmem>>
      %dma_start3A_366 = arith.constant 0 : i32
      %dma_start3A_367 = tpu.memref_slice %arg6[%add3A_343, %dma_start3A_366] : memref<80x125xi32, #tpu.memory_space<vmem>> -> memref<1x125xi32, #tpu.memory_space<vmem>>
      %dma_start3A_368 = tpu.memref_squeeze %dma_start3A_367 : memref<1x125xi32, #tpu.memory_space<vmem>> -> memref<125xi32, #tpu.memory_space<vmem>>
      %dma_start3A_369 = arith.constant 0 : i32
      %dma_start3A_370 = arith.constant 0 : i32
      %dma_start3A_371 = tpu.memref_slice %arg8[%dma_start3A_369, %dma_start3A_370] : memref<10000x16xf32, #tpu.memory_space<vmem_shared>> -> memref<10000x16xf32, #tpu.memory_space<vmem_shared>>
      tpu.enqueue_indirect_dma source(%dma_start3A_365 : memref<125x16xf32, #tpu.memory_space<vmem>>) target(%dma_start3A_371 : memref<10000x16xf32, #tpu.memory_space<vmem_shared>>) offsets(%dma_start3A_368 : memref<125xi32, #tpu.memory_space<vmem>>) semaphore(%arg10 : memref<!tpu.dma_semaphore, #tpu.memory_space<semaphore_mem>>) {add = true}
      %mul3A_372 = arith.constant 8 : i32
      %mul3A_373 = arith.muli %scan3A_13, %mul3A_372 : i32
      %add3A_374 = arith.constant 6 : i32
      %add3A_375 = arith.addi %mul3A_373, %add3A_374 : i32
      %dma_wait3A_376 = arith.constant 6 : i32
      %dma_wait3A_377 = arith.constant 0 : i32
      %dma_wait3A_378 = arith.constant 0 : i32
      %dma_wait3A_379 = tpu.memref_slice %arg7[%dma_wait3A_376, %dma_wait3A_377, %dma_wait3A_378] : memref<8x125x16xf32, #tpu.memory_space<vmem>> -> memref<1x125x16xf32, #tpu.memory_space<vmem>>
      %dma_wait3A_380 = tpu.memref_squeeze %dma_wait3A_379 : memref<1x125x16xf32, #tpu.memory_space<vmem>> -> memref<125x16xf32, #tpu.memory_space<vmem>>
      %dma_wait3A_381 = arith.constant 0 : i32
      %dma_wait3A_382 = arith.constant 0 : i32
      %dma_wait3A_383 = tpu.memref_slice %arg2[%add3A, %add3A_375, %dma_wait3A_381, %dma_wait3A_382] : memref<32x80x125x16xf32, #tpu.memory_space<hbm>> -> memref<1x1x125x16xf32, #tpu.memory_space<hbm>>
      %dma_wait3A_384 = tpu.memref_squeeze %dma_wait3A_383 : memref<1x1x125x16xf32, #tpu.memory_space<hbm>> -> memref<125x16xf32, #tpu.memory_space<hbm>>
      %dma_wait3A_385 = arith.constant 0 : i32
      %dma_wait3A_386 = arith.constant 0 : i32
      %dma_wait3A_387 = tpu.memref_slice %arg7[%dma_wait3A_376, %dma_wait3A_385, %dma_wait3A_386] : memref<8x125x16xf32, #tpu.memory_space<vmem>> -> memref<1x125x16xf32, #tpu.memory_space<vmem>>
      %dma_wait3A_388 = tpu.memref_squeeze %dma_wait3A_387 : memref<1x125x16xf32, #tpu.memory_space<vmem>> -> memref<125x16xf32, #tpu.memory_space<vmem>>
      %dma_wait3A_389 = arith.constant 0 : i32
      %dma_wait3A_390 = arith.constant 0 : i32
      %dma_wait3A_391 = tpu.memref_slice %arg2[%add3A, %add3A_375, %dma_wait3A_389, %dma_wait3A_390] : memref<32x80x125x16xf32, #tpu.memory_space<hbm>> -> memref<1x1x125x16xf32, #tpu.memory_space<hbm>>
      %dma_wait3A_392 = tpu.memref_squeeze %dma_wait3A_391 : memref<1x1x125x16xf32, #tpu.memory_space<hbm>> -> memref<125x16xf32, #tpu.memory_space<hbm>>
      tpu.wait_dma2 semaphore(%arg9 : memref<!tpu.dma_semaphore, #tpu.memory_space<semaphore_mem>>) src(%dma_wait3A_392 : memref<125x16xf32, #tpu.memory_space<hbm>>) dst(%dma_wait3A_388 : memref<125x16xf32, #tpu.memory_space<vmem>>)
      %dma_start3A_393 = arith.constant 6 : i32
      %dma_start3A_394 = arith.constant 0 : i32
      %dma_start3A_395 = arith.constant 0 : i32
      %dma_start3A_396 = tpu.memref_slice %arg7[%dma_start3A_393, %dma_start3A_394, %dma_start3A_395] : memref<8x125x16xf32, #tpu.memory_space<vmem>> -> memref<1x125x16xf32, #tpu.memory_space<vmem>>
      %dma_start3A_397 = tpu.memref_squeeze %dma_start3A_396 : memref<1x125x16xf32, #tpu.memory_space<vmem>> -> memref<125x16xf32, #tpu.memory_space<vmem>>
      %dma_start3A_398 = arith.constant 0 : i32
      %dma_start3A_399 = tpu.memref_slice %arg6[%add3A_375, %dma_start3A_398] : memref<80x125xi32, #tpu.memory_space<vmem>> -> memref<1x125xi32, #tpu.memory_space<vmem>>
      %dma_start3A_400 = tpu.memref_squeeze %dma_start3A_399 : memref<1x125xi32, #tpu.memory_space<vmem>> -> memref<125xi32, #tpu.memory_space<vmem>>
      %dma_start3A_401 = arith.constant 0 : i32
      %dma_start3A_402 = arith.constant 0 : i32
      %dma_start3A_403 = tpu.memref_slice %arg8[%dma_start3A_401, %dma_start3A_402] : memref<10000x16xf32, #tpu.memory_space<vmem_shared>> -> memref<10000x16xf32, #tpu.memory_space<vmem_shared>>
      tpu.enqueue_indirect_dma source(%dma_start3A_397 : memref<125x16xf32, #tpu.memory_space<vmem>>) target(%dma_start3A_403 : memref<10000x16xf32, #tpu.memory_space<vmem_shared>>) offsets(%dma_start3A_400 : memref<125xi32, #tpu.memory_space<vmem>>) semaphore(%arg10 : memref<!tpu.dma_semaphore, #tpu.memory_space<semaphore_mem>>) {add = true}
      %mul3A_404 = arith.constant 8 : i32
      %mul3A_405 = arith.muli %scan3A_13, %mul3A_404 : i32
      %add3A_406 = arith.constant 7 : i32
      %add3A_407 = arith.addi %mul3A_405, %add3A_406 : i32
      %dma_wait3A_408 = arith.constant 7 : i32
      %dma_wait3A_409 = arith.constant 0 : i32
      %dma_wait3A_410 = arith.constant 0 : i32
      %dma_wait3A_411 = tpu.memref_slice %arg7[%dma_wait3A_408, %dma_wait3A_409, %dma_wait3A_410] : memref<8x125x16xf32, #tpu.memory_space<vmem>> -> memref<1x125x16xf32, #tpu.memory_space<vmem>>
      %dma_wait3A_412 = tpu.memref_squeeze %dma_wait3A_411 : memref<1x125x16xf32, #tpu.memory_space<vmem>> -> memref<125x16xf32, #tpu.memory_space<vmem>>
      %dma_wait3A_413 = arith.constant 0 : i32
      %dma_wait3A_414 = arith.constant 0 : i32
      %dma_wait3A_415 = tpu.memref_slice %arg2[%add3A, %add3A_407, %dma_wait3A_413, %dma_wait3A_414] : memref<32x80x125x16xf32, #tpu.memory_space<hbm>> -> memref<1x1x125x16xf32, #tpu.memory_space<hbm>>
      %dma_wait3A_416 = tpu.memref_squeeze %dma_wait3A_415 : memref<1x1x125x16xf32, #tpu.memory_space<hbm>> -> memref<125x16xf32, #tpu.memory_space<hbm>>
      %dma_wait3A_417 = arith.constant 0 : i32
      %dma_wait3A_418 = arith.constant 0 : i32
      %dma_wait3A_419 = tpu.memref_slice %arg7[%dma_wait3A_408, %dma_wait3A_417, %dma_wait3A_418] : memref<8x125x16xf32, #tpu.memory_space<vmem>> -> memref<1x125x16xf32, #tpu.memory_space<vmem>>
      %dma_wait3A_420 = tpu.memref_squeeze %dma_wait3A_419 : memref<1x125x16xf32, #tpu.memory_space<vmem>> -> memref<125x16xf32, #tpu.memory_space<vmem>>
      %dma_wait3A_421 = arith.constant 0 : i32
      %dma_wait3A_422 = arith.constant 0 : i32
      %dma_wait3A_423 = tpu.memref_slice %arg2[%add3A, %add3A_407, %dma_wait3A_421, %dma_wait3A_422] : memref<32x80x125x16xf32, #tpu.memory_space<hbm>> -> memref<1x1x125x16xf32, #tpu.memory_space<hbm>>
      %dma_wait3A_424 = tpu.memref_squeeze %dma_wait3A_423 : memref<1x1x125x16xf32, #tpu.memory_space<hbm>> -> memref<125x16xf32, #tpu.memory_space<hbm>>
      tpu.wait_dma2 semaphore(%arg9 : memref<!tpu.dma_semaphore, #tpu.memory_space<semaphore_mem>>) src(%dma_wait3A_424 : memref<125x16xf32, #tpu.memory_space<hbm>>) dst(%dma_wait3A_420 : memref<125x16xf32, #tpu.memory_space<vmem>>)
      %dma_start3A_425 = arith.constant 7 : i32
      %dma_start3A_426 = arith.constant 0 : i32
      %dma_start3A_427 = arith.constant 0 : i32
      %dma_start3A_428 = tpu.memref_slice %arg7[%dma_start3A_425, %dma_start3A_426, %dma_start3A_427] : memref<8x125x16xf32, #tpu.memory_space<vmem>> -> memref<1x125x16xf32, #tpu.memory_space<vmem>>
      %dma_start3A_429 = tpu.memref_squeeze %dma_start3A_428 : memref<1x125x16xf32, #tpu.memory_space<vmem>> -> memref<125x16xf32, #tpu.memory_space<vmem>>
      %dma_start3A_430 = arith.constant 0 : i32
      %dma_start3A_431 = tpu.memref_slice %arg6[%add3A_407, %dma_start3A_430] : memref<80x125xi32, #tpu.memory_space<vmem>> -> memref<1x125xi32, #tpu.memory_space<vmem>>
      %dma_start3A_432 = tpu.memref_squeeze %dma_start3A_431 : memref<1x125xi32, #tpu.memory_space<vmem>> -> memref<125xi32, #tpu.memory_space<vmem>>
      %dma_start3A_433 = arith.constant 0 : i32
      %dma_start3A_434 = arith.constant 0 : i32
      %dma_start3A_435 = tpu.memref_slice %arg8[%dma_start3A_433, %dma_start3A_434] : memref<10000x16xf32, #tpu.memory_space<vmem_shared>> -> memref<10000x16xf32, #tpu.memory_space<vmem_shared>>
      tpu.enqueue_indirect_dma source(%dma_start3A_429 : memref<125x16xf32, #tpu.memory_space<vmem>>) target(%dma_start3A_435 : memref<10000x16xf32, #tpu.memory_space<vmem_shared>>) offsets(%dma_start3A_432 : memref<125xi32, #tpu.memory_space<vmem>>) semaphore(%arg10 : memref<!tpu.dma_semaphore, #tpu.memory_space<semaphore_mem>>) {add = true}
      %mul3A_436 = arith.constant 8 : i32
      %mul3A_437 = arith.muli %scan3A_13, %mul3A_436 : i32
      %add3A_438 = arith.constant 0 : i32
      %add3A_439 = arith.addi %mul3A_437, %add3A_438 : i32
      %dma_wait3A_440 = arith.constant 0 : i32
      %dma_wait3A_441 = arith.constant 0 : i32
      %dma_wait3A_442 = arith.constant 0 : i32
      %dma_wait3A_443 = tpu.memref_slice %arg7[%dma_wait3A_440, %dma_wait3A_441, %dma_wait3A_442] : memref<8x125x16xf32, #tpu.memory_space<vmem>> -> memref<1x125x16xf32, #tpu.memory_space<vmem>>
      %dma_wait3A_444 = tpu.memref_squeeze %dma_wait3A_443 : memref<1x125x16xf32, #tpu.memory_space<vmem>> -> memref<125x16xf32, #tpu.memory_space<vmem>>
      %dma_wait3A_445 = arith.constant 0 : i32
      %dma_wait3A_446 = tpu.memref_slice %arg6[%add3A_439, %dma_wait3A_445] : memref<80x125xi32, #tpu.memory_space<vmem>> -> memref<1x125xi32, #tpu.memory_space<vmem>>
      %dma_wait3A_447 = tpu.memref_squeeze %dma_wait3A_446 : memref<1x125xi32, #tpu.memory_space<vmem>> -> memref<125xi32, #tpu.memory_space<vmem>>
      %dma_wait3A_448 = arith.constant 0 : i32
      %dma_wait3A_449 = arith.constant 0 : i32
      %dma_wait3A_450 = tpu.memref_slice %arg8[%dma_wait3A_448, %dma_wait3A_449] : memref<10000x16xf32, #tpu.memory_space<vmem_shared>> -> memref<10000x16xf32, #tpu.memory_space<vmem_shared>>
      tpu.wait_indirect_dma semaphore(%arg10 : memref<!tpu.dma_semaphore, #tpu.memory_space<semaphore_mem>>) src(%dma_wait3A_444 : memref<125x16xf32, #tpu.memory_space<vmem>>) dst(%dma_wait3A_450 : memref<10000x16xf32, #tpu.memory_space<vmem_shared>>)
      %mul3A_451 = arith.constant 8 : i32
      %mul3A_452 = arith.muli %scan3A_13, %mul3A_451 : i32
      %add3A_453 = arith.constant 1 : i32
      %add3A_454 = arith.addi %mul3A_452, %add3A_453 : i32
      %dma_wait3A_455 = arith.constant 1 : i32
      %dma_wait3A_456 = arith.constant 0 : i32
      %dma_wait3A_457 = arith.constant 0 : i32
      %dma_wait3A_458 = tpu.memref_slice %arg7[%dma_wait3A_455, %dma_wait3A_456, %dma_wait3A_457] : memref<8x125x16xf32, #tpu.memory_space<vmem>> -> memref<1x125x16xf32, #tpu.memory_space<vmem>>
      %dma_wait3A_459 = tpu.memref_squeeze %dma_wait3A_458 : memref<1x125x16xf32, #tpu.memory_space<vmem>> -> memref<125x16xf32, #tpu.memory_space<vmem>>
      %dma_wait3A_460 = arith.constant 0 : i32
      %dma_wait3A_461 = tpu.memref_slice %arg6[%add3A_454, %dma_wait3A_460] : memref<80x125xi32, #tpu.memory_space<vmem>> -> memref<1x125xi32, #tpu.memory_space<vmem>>
      %dma_wait3A_462 = tpu.memref_squeeze %dma_wait3A_461 : memref<1x125xi32, #tpu.memory_space<vmem>> -> memref<125xi32, #tpu.memory_space<vmem>>
      %dma_wait3A_463 = arith.constant 0 : i32
      %dma_wait3A_464 = arith.constant 0 : i32
      %dma_wait3A_465 = tpu.memref_slice %arg8[%dma_wait3A_463, %dma_wait3A_464] : memref<10000x16xf32, #tpu.memory_space<vmem_shared>> -> memref<10000x16xf32, #tpu.memory_space<vmem_shared>>
      tpu.wait_indirect_dma semaphore(%arg10 : memref<!tpu.dma_semaphore, #tpu.memory_space<semaphore_mem>>) src(%dma_wait3A_459 : memref<125x16xf32, #tpu.memory_space<vmem>>) dst(%dma_wait3A_465 : memref<10000x16xf32, #tpu.memory_space<vmem_shared>>)
      %mul3A_466 = arith.constant 8 : i32
      %mul3A_467 = arith.muli %scan3A_13, %mul3A_466 : i32
      %add3A_468 = arith.constant 2 : i32
      %add3A_469 = arith.addi %mul3A_467, %add3A_468 : i32
      %dma_wait3A_470 = arith.constant 2 : i32
      %dma_wait3A_471 = arith.constant 0 : i32
      %dma_wait3A_472 = arith.constant 0 : i32
      %dma_wait3A_473 = tpu.memref_slice %arg7[%dma_wait3A_470, %dma_wait3A_471, %dma_wait3A_472] : memref<8x125x16xf32, #tpu.memory_space<vmem>> -> memref<1x125x16xf32, #tpu.memory_space<vmem>>
      %dma_wait3A_474 = tpu.memref_squeeze %dma_wait3A_473 : memref<1x125x16xf32, #tpu.memory_space<vmem>> -> memref<125x16xf32, #tpu.memory_space<vmem>>
      %dma_wait3A_475 = arith.constant 0 : i32
      %dma_wait3A_476 = tpu.memref_slice %arg6[%add3A_469, %dma_wait3A_475] : memref<80x125xi32, #tpu.memory_space<vmem>> -> memref<1x125xi32, #tpu.memory_space<vmem>>
      %dma_wait3A_477 = tpu.memref_squeeze %dma_wait3A_476 : memref<1x125xi32, #tpu.memory_space<vmem>> -> memref<125xi32, #tpu.memory_space<vmem>>
      %dma_wait3A_478 = arith.constant 0 : i32
      %dma_wait3A_479 = arith.constant 0 : i32
      %dma_wait3A_480 = tpu.memref_slice %arg8[%dma_wait3A_478, %dma_wait3A_479] : memref<10000x16xf32, #tpu.memory_space<vmem_shared>> -> memref<10000x16xf32, #tpu.memory_space<vmem_shared>>
      tpu.wait_indirect_dma semaphore(%arg10 : memref<!tpu.dma_semaphore, #tpu.memory_space<semaphore_mem>>) src(%dma_wait3A_474 : memref<125x16xf32, #tpu.memory_space<vmem>>) dst(%dma_wait3A_480 : memref<10000x16xf32, #tpu.memory_space<vmem_shared>>)
      %mul3A_481 = arith.constant 8 : i32
      %mul3A_482 = arith.muli %scan3A_13, %mul3A_481 : i32
      %add3A_483 = arith.constant 3 : i32
      %add3A_484 = arith.addi %mul3A_482, %add3A_483 : i32
      %dma_wait3A_485 = arith.constant 3 : i32
      %dma_wait3A_486 = arith.constant 0 : i32
      %dma_wait3A_487 = arith.constant 0 : i32
      %dma_wait3A_488 = tpu.memref_slice %arg7[%dma_wait3A_485, %dma_wait3A_486, %dma_wait3A_487] : memref<8x125x16xf32, #tpu.memory_space<vmem>> -> memref<1x125x16xf32, #tpu.memory_space<vmem>>
      %dma_wait3A_489 = tpu.memref_squeeze %dma_wait3A_488 : memref<1x125x16xf32, #tpu.memory_space<vmem>> -> memref<125x16xf32, #tpu.memory_space<vmem>>
      %dma_wait3A_490 = arith.constant 0 : i32
      %dma_wait3A_491 = tpu.memref_slice %arg6[%add3A_484, %dma_wait3A_490] : memref<80x125xi32, #tpu.memory_space<vmem>> -> memref<1x125xi32, #tpu.memory_space<vmem>>
      %dma_wait3A_492 = tpu.memref_squeeze %dma_wait3A_491 : memref<1x125xi32, #tpu.memory_space<vmem>> -> memref<125xi32, #tpu.memory_space<vmem>>
      %dma_wait3A_493 = arith.constant 0 : i32
      %dma_wait3A_494 = arith.constant 0 : i32
      %dma_wait3A_495 = tpu.memref_slice %arg8[%dma_wait3A_493, %dma_wait3A_494] : memref<10000x16xf32, #tpu.memory_space<vmem_shared>> -> memref<10000x16xf32, #tpu.memory_space<vmem_shared>>
      tpu.wait_indirect_dma semaphore(%arg10 : memref<!tpu.dma_semaphore, #tpu.memory_space<semaphore_mem>>) src(%dma_wait3A_489 : memref<125x16xf32, #tpu.memory_space<vmem>>) dst(%dma_wait3A_495 : memref<10000x16xf32, #tpu.memory_space<vmem_shared>>)
      %mul3A_496 = arith.constant 8 : i32
      %mul3A_497 = arith.muli %scan3A_13, %mul3A_496 : i32
      %add3A_498 = arith.constant 4 : i32
      %add3A_499 = arith.addi %mul3A_497, %add3A_498 : i32
      %dma_wait3A_500 = arith.constant 4 : i32
      %dma_wait3A_501 = arith.constant 0 : i32
      %dma_wait3A_502 = arith.constant 0 : i32
      %dma_wait3A_503 = tpu.memref_slice %arg7[%dma_wait3A_500, %dma_wait3A_501, %dma_wait3A_502] : memref<8x125x16xf32, #tpu.memory_space<vmem>> -> memref<1x125x16xf32, #tpu.memory_space<vmem>>
      %dma_wait3A_504 = tpu.memref_squeeze %dma_wait3A_503 : memref<1x125x16xf32, #tpu.memory_space<vmem>> -> memref<125x16xf32, #tpu.memory_space<vmem>>
      %dma_wait3A_505 = arith.constant 0 : i32
      %dma_wait3A_506 = tpu.memref_slice %arg6[%add3A_499, %dma_wait3A_505] : memref<80x125xi32, #tpu.memory_space<vmem>> -> memref<1x125xi32, #tpu.memory_space<vmem>>
      %dma_wait3A_507 = tpu.memref_squeeze %dma_wait3A_506 : memref<1x125xi32, #tpu.memory_space<vmem>> -> memref<125xi32, #tpu.memory_space<vmem>>
      %dma_wait3A_508 = arith.constant 0 : i32
      %dma_wait3A_509 = arith.constant 0 : i32
      %dma_wait3A_510 = tpu.memref_slice %arg8[%dma_wait3A_508, %dma_wait3A_509] : memref<10000x16xf32, #tpu.memory_space<vmem_shared>> -> memref<10000x16xf32, #tpu.memory_space<vmem_shared>>
      tpu.wait_indirect_dma semaphore(%arg10 : memref<!tpu.dma_semaphore, #tpu.memory_space<semaphore_mem>>) src(%dma_wait3A_504 : memref<125x16xf32, #tpu.memory_space<vmem>>) dst(%dma_wait3A_510 : memref<10000x16xf32, #tpu.memory_space<vmem_shared>>)
      %mul3A_511 = arith.constant 8 : i32
      %mul3A_512 = arith.muli %scan3A_13, %mul3A_511 : i32
      %add3A_513 = arith.constant 5 : i32
      %add3A_514 = arith.addi %mul3A_512, %add3A_513 : i32
      %dma_wait3A_515 = arith.constant 5 : i32
      %dma_wait3A_516 = arith.constant 0 : i32
      %dma_wait3A_517 = arith.constant 0 : i32
      %dma_wait3A_518 = tpu.memref_slice %arg7[%dma_wait3A_515, %dma_wait3A_516, %dma_wait3A_517] : memref<8x125x16xf32, #tpu.memory_space<vmem>> -> memref<1x125x16xf32, #tpu.memory_space<vmem>>
      %dma_wait3A_519 = tpu.memref_squeeze %dma_wait3A_518 : memref<1x125x16xf32, #tpu.memory_space<vmem>> -> memref<125x16xf32, #tpu.memory_space<vmem>>
      %dma_wait3A_520 = arith.constant 0 : i32
      %dma_wait3A_521 = tpu.memref_slice %arg6[%add3A_514, %dma_wait3A_520] : memref<80x125xi32, #tpu.memory_space<vmem>> -> memref<1x125xi32, #tpu.memory_space<vmem>>
      %dma_wait3A_522 = tpu.memref_squeeze %dma_wait3A_521 : memref<1x125xi32, #tpu.memory_space<vmem>> -> memref<125xi32, #tpu.memory_space<vmem>>
      %dma_wait3A_523 = arith.constant 0 : i32
      %dma_wait3A_524 = arith.constant 0 : i32
      %dma_wait3A_525 = tpu.memref_slice %arg8[%dma_wait3A_523, %dma_wait3A_524] : memref<10000x16xf32, #tpu.memory_space<vmem_shared>> -> memref<10000x16xf32, #tpu.memory_space<vmem_shared>>
      tpu.wait_indirect_dma semaphore(%arg10 : memref<!tpu.dma_semaphore, #tpu.memory_space<semaphore_mem>>) src(%dma_wait3A_519 : memref<125x16xf32, #tpu.memory_space<vmem>>) dst(%dma_wait3A_525 : memref<10000x16xf32, #tpu.memory_space<vmem_shared>>)
      %mul3A_526 = arith.constant 8 : i32
      %mul3A_527 = arith.muli %scan3A_13, %mul3A_526 : i32
      %add3A_528 = arith.constant 6 : i32
      %add3A_529 = arith.addi %mul3A_527, %add3A_528 : i32
      %dma_wait3A_530 = arith.constant 6 : i32
      %dma_wait3A_531 = arith.constant 0 : i32
      %dma_wait3A_532 = arith.constant 0 : i32
      %dma_wait3A_533 = tpu.memref_slice %arg7[%dma_wait3A_530, %dma_wait3A_531, %dma_wait3A_532] : memref<8x125x16xf32, #tpu.memory_space<vmem>> -> memref<1x125x16xf32, #tpu.memory_space<vmem>>
      %dma_wait3A_534 = tpu.memref_squeeze %dma_wait3A_533 : memref<1x125x16xf32, #tpu.memory_space<vmem>> -> memref<125x16xf32, #tpu.memory_space<vmem>>
      %dma_wait3A_535 = arith.constant 0 : i32
      %dma_wait3A_536 = tpu.memref_slice %arg6[%add3A_529, %dma_wait3A_535] : memref<80x125xi32, #tpu.memory_space<vmem>> -> memref<1x125xi32, #tpu.memory_space<vmem>>
      %dma_wait3A_537 = tpu.memref_squeeze %dma_wait3A_536 : memref<1x125xi32, #tpu.memory_space<vmem>> -> memref<125xi32, #tpu.memory_space<vmem>>
      %dma_wait3A_538 = arith.constant 0 : i32
      %dma_wait3A_539 = arith.constant 0 : i32
      %dma_wait3A_540 = tpu.memref_slice %arg8[%dma_wait3A_538, %dma_wait3A_539] : memref<10000x16xf32, #tpu.memory_space<vmem_shared>> -> memref<10000x16xf32, #tpu.memory_space<vmem_shared>>
      tpu.wait_indirect_dma semaphore(%arg10 : memref<!tpu.dma_semaphore, #tpu.memory_space<semaphore_mem>>) src(%dma_wait3A_534 : memref<125x16xf32, #tpu.memory_space<vmem>>) dst(%dma_wait3A_540 : memref<10000x16xf32, #tpu.memory_space<vmem_shared>>)
      %mul3A_541 = arith.constant 8 : i32
      %mul3A_542 = arith.muli %scan3A_13, %mul3A_541 : i32
      %add3A_543 = arith.constant 7 : i32
      %add3A_544 = arith.addi %mul3A_542, %add3A_543 : i32
      %dma_wait3A_545 = arith.constant 7 : i32
      %dma_wait3A_546 = arith.constant 0 : i32
      %dma_wait3A_547 = arith.constant 0 : i32
      %dma_wait3A_548 = tpu.memref_slice %arg7[%dma_wait3A_545, %dma_wait3A_546, %dma_wait3A_547] : memref<8x125x16xf32, #tpu.memory_space<vmem>> -> memref<1x125x16xf32, #tpu.memory_space<vmem>>
      %dma_wait3A_549 = tpu.memref_squeeze %dma_wait3A_548 : memref<1x125x16xf32, #tpu.memory_space<vmem>> -> memref<125x16xf32, #tpu.memory_space<vmem>>
      %dma_wait3A_550 = arith.constant 0 : i32
      %dma_wait3A_551 = tpu.memref_slice %arg6[%add3A_544, %dma_wait3A_550] : memref<80x125xi32, #tpu.memory_space<vmem>> -> memref<1x125xi32, #tpu.memory_space<vmem>>
      %dma_wait3A_552 = tpu.memref_squeeze %dma_wait3A_551 : memref<1x125xi32, #tpu.memory_space<vmem>> -> memref<125xi32, #tpu.memory_space<vmem>>
      %dma_wait3A_553 = arith.constant 0 : i32
      %dma_wait3A_554 = arith.constant 0 : i32
      %dma_wait3A_555 = tpu.memref_slice %arg8[%dma_wait3A_553, %dma_wait3A_554] : memref<10000x16xf32, #tpu.memory_space<vmem_shared>> -> memref<10000x16xf32, #tpu.memory_space<vmem_shared>>
      tpu.wait_indirect_dma semaphore(%arg10 : memref<!tpu.dma_semaphore, #tpu.memory_space<semaphore_mem>>) src(%dma_wait3A_549 : memref<125x16xf32, #tpu.memory_space<vmem>>) dst(%dma_wait3A_555 : memref<10000x16xf32, #tpu.memory_space<vmem_shared>>)
    }
    %scan3A_7 = arith.constant 10 : i32
    %barrier3A_8 = arith.constant 0 : index
    tpu.barrier barrier_id(%barrier3A_8)
    %mul3A_9 = arith.constant 625 : i32
    %mul3A_10 = arith.muli %arg1, %mul3A_9 : i32
    %mul3A_11 = arith.constant 625 : i32
    %mul3A_12 = arith.muli %arg1, %mul3A_11 : i32
    "tpu.region"() ({
      %run_scoped3A = tpu.sem_alloc : memref<!tpu.dma_semaphore, #tpu.memory_space<semaphore_mem>>
      %dma_start3A = arith.constant 0 : i32
      %dma_start3A_13 = tpu.memref_slice %arg5[%arg0, %mul3A_12, %dma_start3A] : memref<2x10000x16xf32, #tpu.memory_space<hbm>> -> memref<1x625x16xf32, #tpu.memory_space<hbm>>
      %dma_start3A_14 = tpu.memref_squeeze %dma_start3A_13 : memref<1x625x16xf32, #tpu.memory_space<hbm>> -> memref<625x16xf32, #tpu.memory_space<hbm>>
      %dma_start3A_15 = arith.constant 0 : i32
      %dma_start3A_16 = tpu.memref_slice %arg8[%mul3A_10, %dma_start3A_15] : memref<10000x16xf32, #tpu.memory_space<vmem_shared>> -> memref<625x16xf32, #tpu.memory_space<vmem_shared>>
      tpu.enqueue_dma source(%dma_start3A_16 : memref<625x16xf32, #tpu.memory_space<vmem_shared>>) target(%dma_start3A_14 : memref<625x16xf32, #tpu.memory_space<hbm>>) target_semaphore(%run_scoped3A : memref<!tpu.dma_semaphore, #tpu.memory_space<semaphore_mem>>)
      %dma_wait3A = arith.constant 0 : i32
      %dma_wait3A_17 = tpu.memref_slice %arg5[%arg0, %mul3A_12, %dma_wait3A] : memref<2x10000x16xf32, #tpu.memory_space<hbm>> -> memref<1x625x16xf32, #tpu.memory_space<hbm>>
      %dma_wait3A_18 = tpu.memref_squeeze %dma_wait3A_17 : memref<1x625x16xf32, #tpu.memory_space<hbm>> -> memref<625x16xf32, #tpu.memory_space<hbm>>
      %dma_wait3A_19 = arith.constant 0 : i32
      %dma_wait3A_20 = tpu.memref_slice %arg8[%mul3A_10, %dma_wait3A_19] : memref<10000x16xf32, #tpu.memory_space<vmem_shared>> -> memref<625x16xf32, #tpu.memory_space<vmem_shared>>
      tpu.wait_dma2 semaphore(%run_scoped3A : memref<!tpu.dma_semaphore, #tpu.memory_space<semaphore_mem>>) src(%dma_wait3A_20 : memref<625x16xf32, #tpu.memory_space<vmem_shared>>) dst(%dma_wait3A_18 : memref<625x16xf32, #tpu.memory_space<hbm>>)
      tpu.yield
    }) : () -> ()
    return
  }
}

module attributes {stable_mosaic.version = 14 : i64} {
  func.func @_msg_body(%arg0: i32, %arg1: memref<1000x128xf32, #tpu.memory_space<vmem>>, %arg2: memref<1000x128xf32, #tpu.memory_space<vmem>>, %arg3: memref<128x512xf32, #tpu.memory_space<vmem>>, %arg4: memref<1x512xf32, #tpu.memory_space<vmem>>, %arg5: memref<512x2048xf32, #tpu.memory_space<vmem>>, %arg6: memref<1x2048xf32, #tpu.memory_space<vmem>>, %arg7: memref<128x2048xbf16, #tpu.memory_space<vmem>>, %arg8: memref<2048x128xf32, #tpu.memory_space<vmem>>, %arg9: memref<1000x128xf32, #tpu.memory_space<vmem>>) attributes {dimension_semantics = [#tpu.dimension_semantics<arbitrary>], iteration_bounds = array<i64: 40>, scalar_prefetch = 0 : i64, scratch_operands = 0 : i64, tpu.core_type = #tpu.core_type<tc>, window_params = [{transform_indices = @transform_0, window_bounds = array<i64: 1000, 128>}, {transform_indices = @transform_1, window_bounds = array<i64: 1000, 128>}, {pipeline_mode = #tpu.pipeline_mode<synchronous>, transform_indices = @transform_2, window_bounds = array<i64: 128, 512>}, {pipeline_mode = #tpu.pipeline_mode<synchronous>, transform_indices = @transform_3, window_bounds = array<i64: 1, 512>}, {pipeline_mode = #tpu.pipeline_mode<synchronous>, transform_indices = @transform_4, window_bounds = array<i64: 512, 2048>}, {pipeline_mode = #tpu.pipeline_mode<synchronous>, transform_indices = @transform_5, window_bounds = array<i64: 1, 2048>}, {pipeline_mode = #tpu.pipeline_mode<synchronous>, transform_indices = @transform_6, window_bounds = array<i64: 128, 2048>}, {pipeline_mode = #tpu.pipeline_mode<synchronous>, transform_indices = @transform_7, window_bounds = array<i64: 2048, 128>}, {transform_indices = @transform_8, window_bounds = array<i64: 1000, 128>}]} {
    %get3A = arith.constant 0 : index
    %get3A_0 = arith.constant 0 : index
    %get3A_1 = vector.load %arg1[%get3A, %get3A_0] : memref<1000x128xf32, #tpu.memory_space<vmem>>, vector<1000x128xf32>
    %get3A_2 = arith.constant 0 : index
    %get3A_3 = arith.constant 0 : index
    %get3A_4 = vector.load %arg3[%get3A_2, %get3A_3] : memref<128x512xf32, #tpu.memory_space<vmem>>, vector<128x512xf32>
    %dot_general3A = arith.constant dense<0.000000e+00> : vector<1000x512xf32>
    %dot_general3A_5 = tpu.matmul %get3A_1, %get3A_4, %dot_general3A {dimension_numbers = #tpu.dot_dimension_numbers<[1], [0], [0], [1], [0, 0, 1, 1], [], []>, transpose_lhs_hint = false} : vector<1000x128xf32>, vector<128x512xf32>, vector<1000x512xf32> -> vector<1000x512xf32>
    %get3A_6 = arith.constant 0 : index
    %get3A_7 = arith.constant 0 : index
    %get3A_8 = vector.load %arg4[%get3A_6, %get3A_7] : memref<1x512xf32, #tpu.memory_space<vmem>>, vector<1x512xf32>
    %add3A = vector.broadcast %get3A_8 : vector<1x512xf32> to vector<1000x512xf32>
    %add3A_9 = arith.addf %dot_general3A_5, %add3A : vector<1000x512xf32>
    %max3A = arith.constant 0.000000e+00 : f32
    %max3A_10 = vector.broadcast %max3A : f32 to vector<1000x512xf32>
    %max3A_11 = arith.maximumf %add3A_9, %max3A_10 : vector<1000x512xf32>
    %get3A_12 = arith.constant 0 : index
    %get3A_13 = arith.constant 0 : index
    %get3A_14 = vector.load %arg5[%get3A_12, %get3A_13] : memref<512x2048xf32, #tpu.memory_space<vmem>>, vector<512x2048xf32>
    %dot_general3A_15 = arith.constant dense<0.000000e+00> : vector<1000x2048xf32>
    %dot_general3A_16 = tpu.matmul %max3A_11, %get3A_14, %dot_general3A_15 {dimension_numbers = #tpu.dot_dimension_numbers<[1], [0], [0], [1], [0, 0, 1, 1], [], []>, transpose_lhs_hint = false} : vector<1000x512xf32>, vector<512x2048xf32>, vector<1000x2048xf32> -> vector<1000x2048xf32>
    %get3A_17 = arith.constant 0 : index
    %get3A_18 = arith.constant 0 : index
    %get3A_19 = vector.load %arg6[%get3A_17, %get3A_18] : memref<1x2048xf32, #tpu.memory_space<vmem>>, vector<1x2048xf32>
    %add3A_20 = vector.broadcast %get3A_19 : vector<1x2048xf32> to vector<1000x2048xf32>
    %add3A_21 = arith.addf %dot_general3A_16, %add3A_20 : vector<1000x2048xf32>
    %get3A_22 = arith.constant 0 : index
    %get3A_23 = arith.constant 0 : index
    %get3A_24 = vector.load %arg2[%get3A_22, %get3A_23] : memref<1000x128xf32, #tpu.memory_space<vmem>>, vector<1000x128xf32>
    %convert_element_type3A = arith.truncf %get3A_24 : vector<1000x128xf32> to vector<1000x128xbf16>
    %get3A_25 = arith.constant 0 : index
    %get3A_26 = arith.constant 0 : index
    %get3A_27 = vector.load %arg7[%get3A_25, %get3A_26] : memref<128x2048xbf16, #tpu.memory_space<vmem>>, vector<128x2048xbf16>
    %dot_general3A_28 = arith.constant dense<0.000000e+00> : vector<1000x2048xf32>
    %dot_general3A_29 = tpu.matmul %convert_element_type3A, %get3A_27, %dot_general3A_28 {dimension_numbers = #tpu.dot_dimension_numbers<[1], [0], [0], [1], [0, 0, 1, 1], [], []>, transpose_lhs_hint = false} : vector<1000x128xbf16>, vector<128x2048xbf16>, vector<1000x2048xf32> -> vector<1000x2048xf32>
    %mul3A = arith.mulf %dot_general3A_29, %add3A_21 : vector<1000x2048xf32>
    %get3A_30 = arith.constant 0 : index
    %get3A_31 = arith.constant 0 : index
    %get3A_32 = vector.load %arg8[%get3A_30, %get3A_31] : memref<2048x128xf32, #tpu.memory_space<vmem>>, vector<2048x128xf32>
    %dot_general3A_33 = arith.constant dense<0.000000e+00> : vector<1000x128xf32>
    %dot_general3A_34 = tpu.matmul %mul3A, %get3A_32, %dot_general3A_33 {dimension_numbers = #tpu.dot_dimension_numbers<[1], [0], [0], [1], [0, 0, 1, 1], [], []>, transpose_lhs_hint = false} : vector<1000x2048xf32>, vector<2048x128xf32>, vector<1000x128xf32> -> vector<1000x128xf32>
    %swap3A = arith.constant 0 : index
    %swap3A_35 = arith.constant 0 : index
    %swap3A_36 = vector.load %arg9[%swap3A, %swap3A_35] : memref<1000x128xf32, #tpu.memory_space<vmem>>, vector<1000x128xf32>
    tpu.vector_store %arg9[%swap3A, %swap3A_35], %dot_general3A_34 {strides = array<i32>} : memref<1000x128xf32, #tpu.memory_space<vmem>>, vector<1000x128xf32>,
    return
  }
  func.func @transform_0(%arg0: i32) -> (i32, i32) {
    %c0_i32 = arith.constant 0 : i32
    %c0_i32_0 = arith.constant 0 : i32
    return %arg0, %c0_i32 : i32, i32
  }
  func.func @transform_1(%arg0: i32) -> (i32, i32) {
    %c0_i32 = arith.constant 0 : i32
    %c0_i32_0 = arith.constant 0 : i32
    return %arg0, %c0_i32 : i32, i32
  }
  func.func @transform_2(%arg0: i32) -> (i32, i32) {
    %c0_i32 = arith.constant 0 : i32
    %c0_i32_0 = arith.constant 0 : i32
    %c0_i32_1 = arith.constant 0 : i32
    return %c0_i32, %c0_i32_0 : i32, i32
  }
  func.func @transform_3(%arg0: i32) -> (i32, i32) {
    %c0_i32 = arith.constant 0 : i32
    %c0_i32_0 = arith.constant 0 : i32
    %c0_i32_1 = arith.constant 0 : i32
    return %c0_i32, %c0_i32_0 : i32, i32
  }
  func.func @transform_4(%arg0: i32) -> (i32, i32) {
    %c0_i32 = arith.constant 0 : i32
    %c0_i32_0 = arith.constant 0 : i32
    %c0_i32_1 = arith.constant 0 : i32
    return %c0_i32, %c0_i32_0 : i32, i32
  }
  func.func @transform_5(%arg0: i32) -> (i32, i32) {
    %c0_i32 = arith.constant 0 : i32
    %c0_i32_0 = arith.constant 0 : i32
    %c0_i32_1 = arith.constant 0 : i32
    return %c0_i32, %c0_i32_0 : i32, i32
  }
  func.func @transform_6(%arg0: i32) -> (i32, i32) {
    %c0_i32 = arith.constant 0 : i32
    %c0_i32_0 = arith.constant 0 : i32
    %c0_i32_1 = arith.constant 0 : i32
    return %c0_i32, %c0_i32_0 : i32, i32
  }
  func.func @transform_7(%arg0: i32) -> (i32, i32) {
    %c0_i32 = arith.constant 0 : i32
    %c0_i32_0 = arith.constant 0 : i32
    %c0_i32_1 = arith.constant 0 : i32
    return %c0_i32, %c0_i32_0 : i32, i32
  }
  func.func @transform_8(%arg0: i32) -> (i32, i32) {
    %c0_i32 = arith.constant 0 : i32
    %c0_i32_0 = arith.constant 0 : i32
    return %arg0, %c0_i32 : i32, i32
  }
}

module attributes {stable_mosaic.version = 14 : i64} {
  func.func @_bn_body(%arg0: memref<2x10000x16xf32, #tpu.memory_space<vmem>>, %arg1: memref<1x16xf32, #tpu.memory_space<vmem>>, %arg2: memref<1x16xf32, #tpu.memory_space<vmem>>, %arg3: memref<10000x16xf32, #tpu.memory_space<vmem>>) attributes {dimension_semantics = [], scalar_prefetch = 0 : i64, scratch_operands = 0 : i64, tpu.core_type = #tpu.core_type<tc>} {
    %get3A = arith.constant 0 : index
    %get3A_0 = arith.constant 0 : index
    %get3A_1 = arith.constant 0 : index
    %get3A_2 = vector.load %arg0[%get3A, %get3A_0, %get3A_1] : memref<2x10000x16xf32, #tpu.memory_space<vmem>>, vector<1x10000x16xf32>
    %get3A_3 = vector.shape_cast %get3A_2 : vector<1x10000x16xf32> to vector<10000x16xf32>
    %get3A_4 = arith.constant 1 : index
    %get3A_5 = arith.constant 0 : index
    %get3A_6 = arith.constant 0 : index
    %get3A_7 = vector.load %arg0[%get3A_4, %get3A_5, %get3A_6] : memref<2x10000x16xf32, #tpu.memory_space<vmem>>, vector<1x10000x16xf32>
    %get3A_8 = vector.shape_cast %get3A_7 : vector<1x10000x16xf32> to vector<10000x16xf32>
    %add3A = arith.addf %get3A_3, %get3A_8 : vector<10000x16xf32>
    %max3A = arith.constant 0.000000e+00 : f32
    %max3A_9 = vector.broadcast %max3A : f32 to vector<10000x16xf32>
    %max3A_10 = arith.maximumf %add3A, %max3A_9 : vector<10000x16xf32>
    %broadcast_in_dim3A = arith.constant 1.000000e+00 : f32
    %broadcast_in_dim3A_11 = vector.broadcast %broadcast_in_dim3A : f32 to vector<1x10000xf32>
    %dot_general3A = arith.constant dense<0.000000e+00> : vector<1x16xf32>
    %dot_general3A_12 = tpu.matmul %broadcast_in_dim3A_11, %max3A_10, %dot_general3A {dimension_numbers = #tpu.dot_dimension_numbers<[1], [0], [0], [1], [0, 0, 1, 1], [], []>, transpose_lhs_hint = false} : vector<1x10000xf32>, vector<10000x16xf32>, vector<1x16xf32> -> vector<1x16xf32>
    %div3A = arith.constant 1.000000e+04 : f32
    %div3A_13 = vector.broadcast %div3A : f32 to vector<1x16xf32>
    %div3A_14 = arith.divf %dot_general3A_12, %div3A_13 : vector<1x16xf32>
    %mul3A = arith.mulf %max3A_10, %max3A_10 : vector<10000x16xf32>
    %dot_general3A_15 = arith.constant dense<0.000000e+00> : vector<1x16xf32>
    %dot_general3A_16 = tpu.matmul %broadcast_in_dim3A_11, %mul3A, %dot_general3A_15 {dimension_numbers = #tpu.dot_dimension_numbers<[1], [0], [0], [1], [0, 0, 1, 1], [], []>, transpose_lhs_hint = false} : vector<1x10000xf32>, vector<10000x16xf32>, vector<1x16xf32> -> vector<1x16xf32>
    %div3A_17 = arith.constant 1.000000e+04 : f32
    %div3A_18 = vector.broadcast %div3A_17 : f32 to vector<1x16xf32>
    %div3A_19 = arith.divf %dot_general3A_16, %div3A_18 : vector<1x16xf32>
    %mul3A_20 = arith.mulf %div3A_14, %div3A_14 : vector<1x16xf32>
    %sub3A = arith.subf %div3A_19, %mul3A_20 : vector<1x16xf32>
    %sub3A_21 = vector.broadcast %div3A_14 : vector<1x16xf32> to vector<10000x16xf32>
    %sub3A_22 = arith.subf %max3A_10, %sub3A_21 : vector<10000x16xf32>
    %add3A_23 = arith.constant 9.99999974E-6 : f32
    %add3A_24 = vector.broadcast %add3A_23 : f32 to vector<1x16xf32>
    %add3A_25 = arith.addf %sub3A, %add3A_24 : vector<1x16xf32>
    %rsqrt3A = math.rsqrt %add3A_25 : vector<1x16xf32>
    %mul3A_26 = vector.broadcast %rsqrt3A : vector<1x16xf32> to vector<10000x16xf32>
    %mul3A_27 = arith.mulf %sub3A_22, %mul3A_26 : vector<10000x16xf32>
    %get3A_28 = arith.constant 0 : index
    %get3A_29 = arith.constant 0 : index
    %get3A_30 = vector.load %arg1[%get3A_28, %get3A_29] : memref<1x16xf32, #tpu.memory_space<vmem>>, vector<1x16xf32>
    %mul3A_31 = vector.broadcast %get3A_30 : vector<1x16xf32> to vector<10000x16xf32>
    %mul3A_32 = arith.mulf %mul3A_27, %mul3A_31 : vector<10000x16xf32>
    %get3A_33 = arith.constant 0 : index
    %get3A_34 = arith.constant 0 : index
    %get3A_35 = vector.load %arg2[%get3A_33, %get3A_34] : memref<1x16xf32, #tpu.memory_space<vmem>>, vector<1x16xf32>
    %add3A_36 = vector.broadcast %get3A_35 : vector<1x16xf32> to vector<10000x16xf32>
    %add3A_37 = arith.addf %mul3A_32, %add3A_36 : vector<10000x16xf32>
    %swap3A = arith.constant 0 : index
    %swap3A_38 = arith.constant 0 : index
    %swap3A_39 = vector.load %arg3[%swap3A, %swap3A_38] : memref<10000x16xf32, #tpu.memory_space<vmem>>, vector<10000x16xf32>
    tpu.vector_store %arg3[%swap3A, %swap3A_38], %add3A_37 {strides = array<i32>} : memref<10000x16xf32, #tpu.memory_space<vmem>>, vector<10000x16xf32>,
    return
  }
}

module attributes {stable_mosaic.version = 14 : i64} {
  func.func @_final_body(%arg0: memref<2x10000x16xf32, #tpu.memory_space<vmem>>, %arg1: memref<1x16xf32, #tpu.memory_space<vmem>>, %arg2: memref<1x16xf32, #tpu.memory_space<vmem>>, %arg3: memref<10000x1xi32, #tpu.memory_space<vmem>>, %arg4: memref<1x10000xi32, #tpu.memory_space<vmem>>, %arg5: memref<1x10000xi32, #tpu.memory_space<vmem>>, %arg6: memref<256x16xf32, #tpu.memory_space<vmem>>, %arg7: memref<64x16xf32, #tpu.memory_space<vmem>>) attributes {dimension_semantics = [], scalar_prefetch = 0 : i64, scratch_operands = 0 : i64, tpu.core_type = #tpu.core_type<tc>} {
    %get3A = arith.constant 0 : index
    %get3A_0 = arith.constant 0 : index
    %get3A_1 = arith.constant 0 : index
    %get3A_2 = vector.load %arg0[%get3A, %get3A_0, %get3A_1] : memref<2x10000x16xf32, #tpu.memory_space<vmem>>, vector<1x10000x16xf32>
    %get3A_3 = vector.shape_cast %get3A_2 : vector<1x10000x16xf32> to vector<10000x16xf32>
    %get3A_4 = arith.constant 1 : index
    %get3A_5 = arith.constant 0 : index
    %get3A_6 = arith.constant 0 : index
    %get3A_7 = vector.load %arg0[%get3A_4, %get3A_5, %get3A_6] : memref<2x10000x16xf32, #tpu.memory_space<vmem>>, vector<1x10000x16xf32>
    %get3A_8 = vector.shape_cast %get3A_7 : vector<1x10000x16xf32> to vector<10000x16xf32>
    %add3A = arith.addf %get3A_3, %get3A_8 : vector<10000x16xf32>
    %max3A = arith.constant 0.000000e+00 : f32
    %max3A_9 = vector.broadcast %max3A : f32 to vector<10000x16xf32>
    %max3A_10 = arith.maximumf %add3A, %max3A_9 : vector<10000x16xf32>
    %broadcast_in_dim3A = arith.constant 1.000000e+00 : f32
    %broadcast_in_dim3A_11 = vector.broadcast %broadcast_in_dim3A : f32 to vector<1x10000xf32>
    %dot_general3A = arith.constant dense<0.000000e+00> : vector<1x16xf32>
    %dot_general3A_12 = tpu.matmul %broadcast_in_dim3A_11, %max3A_10, %dot_general3A {dimension_numbers = #tpu.dot_dimension_numbers<[1], [0], [0], [1], [0, 0, 1, 1], [], []>, transpose_lhs_hint = false} : vector<1x10000xf32>, vector<10000x16xf32>, vector<1x16xf32> -> vector<1x16xf32>
    %div3A = arith.constant 1.000000e+04 : f32
    %div3A_13 = vector.broadcast %div3A : f32 to vector<1x16xf32>
    %div3A_14 = arith.divf %dot_general3A_12, %div3A_13 : vector<1x16xf32>
    %mul3A = arith.mulf %max3A_10, %max3A_10 : vector<10000x16xf32>
    %dot_general3A_15 = arith.constant dense<0.000000e+00> : vector<1x16xf32>
    %dot_general3A_16 = tpu.matmul %broadcast_in_dim3A_11, %mul3A, %dot_general3A_15 {dimension_numbers = #tpu.dot_dimension_numbers<[1], [0], [0], [1], [0, 0, 1, 1], [], []>, transpose_lhs_hint = false} : vector<1x10000xf32>, vector<10000x16xf32>, vector<1x16xf32> -> vector<1x16xf32>
    %div3A_17 = arith.constant 1.000000e+04 : f32
    %div3A_18 = vector.broadcast %div3A_17 : f32 to vector<1x16xf32>
    %div3A_19 = arith.divf %dot_general3A_16, %div3A_18 : vector<1x16xf32>
    %mul3A_20 = arith.mulf %div3A_14, %div3A_14 : vector<1x16xf32>
    %sub3A = arith.subf %div3A_19, %mul3A_20 : vector<1x16xf32>
    %sub3A_21 = vector.broadcast %div3A_14 : vector<1x16xf32> to vector<10000x16xf32>
    %sub3A_22 = arith.subf %max3A_10, %sub3A_21 : vector<10000x16xf32>
    %add3A_23 = arith.constant 9.99999974E-6 : f32
    %add3A_24 = vector.broadcast %add3A_23 : f32 to vector<1x16xf32>
    %add3A_25 = arith.addf %sub3A, %add3A_24 : vector<1x16xf32>
    %rsqrt3A = math.rsqrt %add3A_25 : vector<1x16xf32>
    %mul3A_26 = vector.broadcast %rsqrt3A : vector<1x16xf32> to vector<10000x16xf32>
    %mul3A_27 = arith.mulf %sub3A_22, %mul3A_26 : vector<10000x16xf32>
    %get3A_28 = arith.constant 0 : index
    %get3A_29 = arith.constant 0 : index
    %get3A_30 = vector.load %arg1[%get3A_28, %get3A_29] : memref<1x16xf32, #tpu.memory_space<vmem>>, vector<1x16xf32>
    %mul3A_31 = vector.broadcast %get3A_30 : vector<1x16xf32> to vector<10000x16xf32>
    %mul3A_32 = arith.mulf %mul3A_27, %mul3A_31 : vector<10000x16xf32>
    %get3A_33 = arith.constant 0 : index
    %get3A_34 = arith.constant 0 : index
    %get3A_35 = vector.load %arg2[%get3A_33, %get3A_34] : memref<1x16xf32, #tpu.memory_space<vmem>>, vector<1x16xf32>
    %add3A_36 = vector.broadcast %get3A_35 : vector<1x16xf32> to vector<10000x16xf32>
    %add3A_37 = arith.addf %mul3A_32, %add3A_36 : vector<10000x16xf32>
    %get3A_38 = arith.constant 0 : index
    %get3A_39 = arith.constant 0 : index
    %get3A_40 = vector.load %arg3[%get3A_38, %get3A_39] : memref<10000x1xi32, #tpu.memory_space<vmem>>, vector<10000x1xi32>
    %get3A_41 = arith.constant 0 : index
    %get3A_42 = arith.constant 0 : index
    %get3A_43 = vector.load %arg4[%get3A_41, %get3A_42] : memref<1x10000xi32, #tpu.memory_space<vmem>>, vector<1x10000xi32>
    %get3A_44 = arith.constant 0 : index
    %get3A_45 = arith.constant 0 : index
    %get3A_46 = vector.load %arg5[%get3A_44, %get3A_45] : memref<1x10000xi32, #tpu.memory_space<vmem>>, vector<1x10000xi32>
    %iota3A = tpu.iota {dimensions = array<i32: 1>} : vector<1x256xi32>
    %eq3A = vector.broadcast %get3A_40 : vector<10000x1xi32> to vector<10000x256xi32>
    %eq3A_47 = vector.broadcast %iota3A : vector<1x256xi32> to vector<10000x256xi32>
    %eq3A_48 = arith.cmpi eq, %eq3A, %eq3A_47 : vector<10000x256xi32>
    %convert_element_type3A = arith.extui %eq3A_48 : vector<10000x256xi1> to vector<10000x256xi32>
    %convert_element_type3A_49 = arith.sitofp %convert_element_type3A : vector<10000x256xi32> to vector<10000x256xf32>
    %iota3A_50 = tpu.iota {dimensions = array<i32: 0>} : vector<256x1xi32>
    %eq3A_51 = vector.broadcast %get3A_43 : vector<1x10000xi32> to vector<256x10000xi32>
    %eq3A_52 = vector.broadcast %iota3A_50 : vector<256x1xi32> to vector<256x10000xi32>
    %eq3A_53 = arith.cmpi eq, %eq3A_51, %eq3A_52 : vector<256x10000xi32>
    %convert_element_type3A_54 = arith.extui %eq3A_53 : vector<256x10000xi1> to vector<256x10000xi32>
    %convert_element_type3A_55 = arith.sitofp %convert_element_type3A_54 : vector<256x10000xi32> to vector<256x10000xf32>
    %iota3A_56 = tpu.iota {dimensions = array<i32: 0>} : vector<64x1xi32>
    %eq3A_57 = vector.broadcast %get3A_46 : vector<1x10000xi32> to vector<64x10000xi32>
    %eq3A_58 = vector.broadcast %iota3A_56 : vector<64x1xi32> to vector<64x10000xi32>
    %eq3A_59 = arith.cmpi eq, %eq3A_57, %eq3A_58 : vector<64x10000xi32>
    %convert_element_type3A_60 = arith.extui %eq3A_59 : vector<64x10000xi1> to vector<64x10000xi32>
    %convert_element_type3A_61 = arith.sitofp %convert_element_type3A_60 : vector<64x10000xi32> to vector<64x10000xf32>
    %broadcast_in_dim3A_62 = arith.constant 1.000000e+00 : f32
    %broadcast_in_dim3A_63 = vector.broadcast %broadcast_in_dim3A_62 : f32 to vector<10000x1xf32>
    %dot_general3A_64 = arith.constant dense<0.000000e+00> : vector<256x1xf32>
    %dot_general3A_65 = tpu.matmul %convert_element_type3A_55, %broadcast_in_dim3A_63, %dot_general3A_64 {dimension_numbers = #tpu.dot_dimension_numbers<[1], [0], [0], [1], [0, 0, 1, 1], [], []>, transpose_lhs_hint = false} : vector<256x10000xf32>, vector<10000x1xf32>, vector<256x1xf32> -> vector<256x1xf32>
    %dot_general3A_66 = arith.constant dense<0.000000e+00> : vector<10000x1xf32>
    %dot_general3A_67 = tpu.matmul %convert_element_type3A_49, %dot_general3A_65, %dot_general3A_66 {dimension_numbers = #tpu.dot_dimension_numbers<[1], [0], [0], [1], [0, 0, 1, 1], [], []>, transpose_lhs_hint = false} : vector<10000x256xf32>, vector<256x1xf32>, vector<10000x1xf32> -> vector<10000x1xf32>
    %div3A_68 = vector.broadcast %dot_general3A_67 : vector<10000x1xf32> to vector<10000x16xf32>
    %div3A_69 = arith.divf %add3A_37, %div3A_68 : vector<10000x16xf32>
    %convert_element_type3A_70 = arith.truncf %div3A_69 : vector<10000x16xf32> to vector<10000x16xbf16>
    %convert_element_type3A_71 = arith.extf %convert_element_type3A_70 : vector<10000x16xbf16> to vector<10000x16xf32>
    %sub3A_72 = arith.subf %div3A_69, %convert_element_type3A_71 : vector<10000x16xf32>
    %dot_general3A_73 = arith.constant dense<0.000000e+00> : vector<256x16xf32>
    %dot_general3A_74 = tpu.matmul %convert_element_type3A_55, %convert_element_type3A_71, %dot_general3A_73 {dimension_numbers = #tpu.dot_dimension_numbers<[1], [0], [0], [1], [0, 0, 1, 1], [], []>, transpose_lhs_hint = false} : vector<256x10000xf32>, vector<10000x16xf32>, vector<256x16xf32> -> vector<256x16xf32>
    %dot_general3A_75 = arith.constant dense<0.000000e+00> : vector<256x16xf32>
    %dot_general3A_76 = tpu.matmul %convert_element_type3A_55, %sub3A_72, %dot_general3A_75 {dimension_numbers = #tpu.dot_dimension_numbers<[1], [0], [0], [1], [0, 0, 1, 1], [], []>, transpose_lhs_hint = false} : vector<256x10000xf32>, vector<10000x16xf32>, vector<256x16xf32> -> vector<256x16xf32>
    %add3A_77 = arith.addf %dot_general3A_74, %dot_general3A_76 : vector<256x16xf32>
    %swap3A = arith.constant 0 : index
    %swap3A_78 = arith.constant 0 : index
    %swap3A_79 = vector.load %arg6[%swap3A, %swap3A_78] : memref<256x16xf32, #tpu.memory_space<vmem>>, vector<256x16xf32>
    tpu.vector_store %arg6[%swap3A, %swap3A_78], %add3A_77 {strides = array<i32>} : memref<256x16xf32, #tpu.memory_space<vmem>>, vector<256x16xf32>,
    %dot_general3A_80 = arith.constant dense<0.000000e+00> : vector<64x16xf32>
    %dot_general3A_81 = tpu.matmul %convert_element_type3A_61, %convert_element_type3A_71, %dot_general3A_80 {dimension_numbers = #tpu.dot_dimension_numbers<[1], [0], [0], [1], [0, 0, 1, 1], [], []>, transpose_lhs_hint = false} : vector<64x10000xf32>, vector<10000x16xf32>, vector<64x16xf32> -> vector<64x16xf32>
    %dot_general3A_82 = arith.constant dense<0.000000e+00> : vector<64x16xf32>
    %dot_general3A_83 = tpu.matmul %convert_element_type3A_61, %sub3A_72, %dot_general3A_82 {dimension_numbers = #tpu.dot_dimension_numbers<[1], [0], [0], [1], [0, 0, 1, 1], [], []>, transpose_lhs_hint = false} : vector<64x10000xf32>, vector<10000x16xf32>, vector<64x16xf32> -> vector<64x16xf32>
    %add3A_84 = arith.addf %dot_general3A_81, %dot_general3A_83 : vector<64x16xf32>
    %swap3A_85 = arith.constant 0 : index
    %swap3A_86 = arith.constant 0 : index
    %swap3A_87 = vector.load %arg7[%swap3A_85, %swap3A_86] : memref<64x16xf32, #tpu.memory_space<vmem>>, vector<64x16xf32>
    tpu.vector_store %arg7[%swap3A_85, %swap3A_86], %add3A_84 {strides = array<i32>} : memref<64x16xf32, #tpu.memory_space<vmem>>, vector<64x16xf32>,
    return
  }
}

</mosaic_0001>

<sc_bundles>
// kernel: kernel.10.cloned.1.call-start
scs
__scs_entry_jumppad:
0x0: {  	(pc) =	sbr.rel $0x88, $3  }
0x1: {  	(tag) =	ssettag $0x0;
	lr =	simm.s32 $0x1  }
0x2: {  	[smem:$0x3F90] =	sst lr;
	_ =	strace $0xD0000000  }
0x3: {  	_ = 	snop  }
0x4: {  	_ = 	snop  }
0x5: {  	_ = 	snop  }
0x6: {  	_ = 	snop  }
0x7: {  	_ = 	snop  }
__scs_overlays_trampoline_lowered:
0x8: {  	[smem:$0x3F9F] =	sst s0  }
0x9: {  	[smem:$0x3FA0] =	sst s1  }
0xa: {  	[smem:$0x3FA1] =	sst s2  }
0xb: {  	[smem:$0x3FA2] =	sst s3  }
0xc: {  	[smem:$0x3FA3] =	sst s4  }
0xd: {  	[smem:$0x3FA4] =	sst s5  }
0xe: {  	[smem:$0x3FA5] =	sst s6  }
0xf: {  	[smem:$0x3FA6] =	sst s7  }
0x10: {  	[smem:$0x3FA7] =	sst s8  }
0x11: {  	[smem:$0x3FA8] =	sst s9;
	s0 =	simm.s32 @!p0 $0x0  }
0x12: {  	s1 =	sld [smem:$0x3F8E];
	s0 =	simm.s32 @p0 $0x1  }
0x13: {  	[smem:$0x3FA9] =	sst s0;
	s0 =	simm.s32 @!p1 $0x0  }
0x14: {  	s2 =	sld [smem:$0x3F8D];
	s0 =	simm.s32 @p1 $0x1  }
0x15: {  	[smem:$0x3FAA] =	sst s0;
	s0 =	simm.s32 @!p2 $0x0  }
0x16: {  	s3 =	sld [smem:$0x3FDB];
	s0 =	simm.s32 @p2 $0x1  }
0x17: {  	s4 =	simm.s32 $0x1BF5;
	[smem:$0x3FAC] =	sst s0  }
0x18: {  	s0 =	sld [smem:$0x3F8F];
	_ =	swait.ge [sflag:s4], $0x0  }
0x19: {  	s7 =	sld [smem:$0x3F90]  }
0x1a: {  	s8 =	sadd.s32 $0xFFFFE003, lr  }
0x1b: {  	s9 =	sadd.s32 $0xFFFFFEF7, lr;
	s5 =	simm.s32 $0xFFFFFFFF;
	p2 =	slt.u32 s8, $0xFFFFF086  }
0x1c: {  	p1 =	slt.u32 s9, $0xF7A;
	s5 =	simm.s32 @!p2 $0x0  }
0x1d: {  	s5 =	simm.s32 @p1 $0x1;
	p0 =	seq.s32 s7, s2  }
0x1e: {  	s7 =	smul.u32 @!p0 $0xF7A, s2;
	p2 =	seq.s32 @!p0 s5, $0x0  }
0x1f: {  	s9 =	smul.u32 $0xF7A, s1;
	s8 =	simm.s32 @!p0 $0x1BF5;
	p2 =	por !p2, p0  }
0x20: {  	[sflag:s8] =	ssyncset.s32 @!p0 $0xFFFFF086;
	s6 =	sadd.s32 @!p0 s3, s7;
	s7 =	simm.s32 @!p0 $0x108  }
0x21: {  	s3 =	sadd.s32 s3, s9;
	s6 =	sadd.s32 @!p0 $0x88, s6;
	s7 =	simm.s32 @p2 $0x1082  }
0x22: {  	[simem:s7], [sflag:s8] =	dma.local @!p0 [hbm:s6], $0xF7A  }
0x23: {  	s9 =	sor.u32 $0xD0000000, s2;
	s6 =	simm.s32 $0x108;
	_ =	swait.ge @!p0 [sflag:s8], $0x0  }
0x24: {  	s3 =	sadd.s32 $0x88, s3;
	s6 =	simm.s32 @!p1 $0x1082;
	[sflag:s4] =	ssyncset.s32 $0xFFFFF086  }
0x25: {  	[simem:s6], [sflag:s4] =	dma.local [hbm:s3], $0xF7A  }
0x26: {  	[smem:$0x3F90] =	sst s1;
	(tag) =	ssettag s2;
	_ =	strace s9  }
0x27: {  	s1 =	sld [smem:$0x3FA0]  }
0x28: {  	s2 =	sld [smem:$0x3FA1]  }
0x29: {  	s4 =	sld [smem:$0x3FA3]  }
0x2a: {  	p0 =	seq.s32 s5, $0x0;
	s5 =	sld [smem:$0x3FA4]  }
0x2b: {  	s6 =	sld [smem:$0x3FA5]  }
0x2c: {  	s7 =	sld [smem:$0x3FA6]  }
0x2d: {  	s3 =	simm.s32 $0x108;
	s8 =	sld [smem:$0x3FA7]  }
0x2e: {  	s3 =	simm.s32 @!p0 $0x1082;
	s9 =	sld [smem:$0x3FA8]  }
0x2f: {  	lr =	sadd.s32 s0, s3;
	s0 =	sld [smem:$0x3F9F]  }
0x30: {  	s3 =	sld [smem:$0x3FA2]  }
0x31: {  	[smem:$0x3FAB] =	sst s10  }
0x32: {  	s10 =	sld [smem:$0x3FA9];
	_ =	sdelay $0x3  }
0x33: {  	p0 =	seq.s32 s10, $0x1;
	s10 =	sld [smem:$0x3FAB];
	_ =	sdelay $0x3  }
0x34: {  	[smem:$0x3FAB] =	sst s10  }
0x35: {  	s10 =	sld [smem:$0x3FAA];
	_ =	sdelay $0x3  }
0x36: {  	p1 =	seq.s32 s10, $0x1;
	s10 =	sld [smem:$0x3FAB];
	_ =	sdelay $0x3  }
0x37: {  	[smem:$0x3FAB] =	sst s10  }
0x38: {  	s10 =	sld [smem:$0x3FAC]  }
0x39: {  	_ = 	snop;
	(pc) =	sbr.ind lr, $3  }
0x3a: {  	_ = 	snop  }
0x3b: {  	_ = 	snop  }
0x3c: {  	p2 =	seq.s32 s10, $0x1;
	s10 =	sld [smem:$0x3FAB]  }
0x3d: {  	_ =	shalt  }
0x3e: {  	_ =	shalt  }
0x3f: {  	_ =	shalt  }
0x40: {  	_ =	shalt  }
0x41: {  	_ =	shalt  }
0x42: {  	_ =	shalt  }
0x43: {  	_ =	shalt  }
0x44: {  	_ =	shalt  }
0x45: {  	_ =	shalt  }
0x46: {  	_ =	shalt  }
0x47: {  	_ =	shalt  }
0x48: {  	_ =	shalt  }
0x49: {  	_ =	shalt  }
0x4a: {  	_ =	shalt  }
0x4b: {  	_ =	shalt  }
0x4c: {  	_ =	shalt  }
0x4d: {  	_ =	shalt  }
0x4e: {  	_ =	shalt  }
0x4f: {  	_ =	shalt  }
0x50: {  	_ =	shalt  }
0x51: {  	_ =	shalt  }
0x52: {  	_ =	shalt  }
0x53: {  	_ =	shalt  }
0x54: {  	_ =	shalt  }
0x55: {  	_ =	shalt  }
0x56: {  	_ =	shalt  }
0x57: {  	_ =	shalt  }
0x58: {  	_ =	shalt  }
0x59: {  	_ =	shalt  }
0x5a: {  	_ =	shalt  }
0x5b: {  	_ =	shalt  }
0x5c: {  	_ =	shalt  }
0x5d: {  	_ =	shalt  }
0x5e: {  	_ =	shalt  }
0x5f: {  	_ =	shalt  }
0x60: {  	_ =	shalt  }
0x61: {  	_ =	shalt  }
0x62: {  	_ =	shalt  }
0x63: {  	_ =	shalt  }
0x64: {  	_ =	shalt  }
0x65: {  	_ =	shalt  }
0x66: {  	_ =	shalt  }
0x67: {  	_ =	shalt  }
0x68: {  	_ =	shalt  }
0x69: {  	_ =	shalt  }
0x6a: {  	_ =	shalt  }
0x6b: {  	_ =	shalt  }
0x6c: {  	_ =	shalt  }
0x6d: {  	_ =	shalt  }
0x6e: {  	_ =	shalt  }
0x6f: {  	_ =	shalt  }
0x70: {  	_ =	shalt  }
0x71: {  	_ =	shalt  }
0x72: {  	_ =	shalt  }
0x73: {  	_ =	shalt  }
0x74: {  	_ =	shalt  }
0x75: {  	_ =	shalt  }
0x76: {  	_ =	shalt  }
0x77: {  	_ =	shalt  }
0x78: {  	_ =	shalt  }
0x79: {  	_ =	shalt  }
0x7a: {  	_ =	shalt  }
0x7b: {  	_ =	shalt  }
0x7c: {  	_ =	shalt  }
0x7d: {  	_ =	shalt  }
0x7e: {  	_ =	shalt  }
0x7f: {  	_ =	shalt  }
0x80: {  	_ =	shalt  }
0x81: {  	_ =	shalt  }
0x82: {  	_ =	shalt  }
0x83: {  	_ =	shalt  }
0x84: {  	_ =	shalt  }
0x85: {  	_ =	shalt  }
0x86: {  	_ =	shalt  }
0x87: {  	_ =	shalt  }
.Lfunc_end0:
.L_simem_size_0:
called_computation_lowered:
.L_overlay_start_0:
0x88: {  	s2 =	sld [smem:$0x3FD9]  }
0x89: {  	s3 =	sld [smem:$0x3FFE];
	_ =	sdelay $0x1  }
0x8a: {  	s1 =	srdreg.scid  }
0x8b: {  	s0 =	sand.u32 $0x1, s1  }
0x8c: {  	s16 =	sshll.u32 s0, $0xA;
	s2 =	sadd.s32 s3, s2  }
0x8d: {  	s2 =	sadd.s32 s2, s16  }
0x8e: {  	[smem:$0x3FB7] =	sst s2  }
0x8f: {  	_ = 	snop  }
0x90: {  	(tm) =	ssettm $0x1  }
0x91: {  	s17 =	sld [smem:$0x3FFB];
	_ =	sdelay $0x3  }
0x92: {  	_ =	strace s17  }
0x93: {  	s2 =	sld [smem:$0x3FFC];
	_ =	sdelay $0x3  }
0x94: {  	_ =	strace s2  }
0x95: {  	s2 =	sld [smem:$0x3FFD];
	_ =	sdelay $0x3  }
0x96: {  	_ =	strace s2  }
0x97: {  	_ =	strace $0x8FFFFFFF  }
0x98: {  	s18 =	sld [smem:$0x3FDB];
	_ =	sdelay $0x1  }
0x99: {  	s19 =	simm.s32 $_scs_section_size  }
0x9a: {  	s4 =	simm.s32 $_size__tile_overlayer_lowered;
	s5 =	simm.s32 $_tile_overlayer_lowered  }
0x9b: {  	s22 =	simm.s32 $0x1BFF;
	s21 =	sshll.u32 s5, $0x1;
	s2 =	sadd.s32 s19, s18  }
0x9c: {  	s6 =	simm.s32 $0x0;
	s20 =	sshll.u32 s4, $0x1;
	s4 =	sadd.s32 s21, s2  }
0x9d: {  	[timem:s6], [sflag:s22] =	dma.local [hbm:s4], s20  }
0x9e: {  	_ =	swait.ge [sflag:s22], s20  }
0x9f: {  	s3 =	ssub.s32 $0x0, s20;
	[sflag:s22] =	ssyncset.done $0x0  }
0xa0: {  	[sflag:s22] =	ssyncadd.s32 s3;
	_ =	sdelay $0x1  }
0xa1: {  	s23 =	simm.s32 $0x1B8B  }
0xa2: {  	_ =	swait.ge [sflag:s23], $0x1  }
0xa3: {  	[sflag:s23] =	ssyncset.done $0x0  }
0xa4: {  	s25 =	simm.s32 $0x1B8E;
	s24 =	sld [smem:$0x3FFE];
	[sflag:s23] =	ssyncadd.s32 $0xFFFFFFFF  }
0xa5: {  	s26 =	simm.s32 $execute0_lowered;
	[smem:$0x3FD2] =	sst s25  }
0xa6: {  	s4 =	sshll.u32 s26, $0x1;
	_ =	strace $0x80000046;
	[dreg:$0x1] =	wrdreg $0xFFFFFFFF  }
0xa7: {  	s28 =	simm.s32 $_size_execute0_lowered;
	s2 =	sadd.s32 s2, s4;
	[dreg:$0x0] =	wrdreg $0x0  }
0xa8: {  	s4 =	sshll.u32 s28, $0x1;
	[dreg:$0x2] =	wrdreg s2  }
0xa9: {  	[dreg:$0x3] =	wrdreg s4  }
0xaa: {  	[dreg:$0x4] =	wrdreg $0xC0  }
0xab: {  	_ =	task [dreg:s6], $0x5FFFF  }
0xac: {  	[dreg:$0x1] =	wrdreg $0xFFFFFFFF  }
0xad: {  	[dreg:$0x0] =	wrdreg $0x60  }
0xae: {  	[dreg:$0x2] =	wrdreg s24  }
0xaf: {  	[dreg:$0x3] =	wrdreg $0x9  }
0xb0: {  	_ =	task.clear_ibuf [dreg:s6], $0x4FFFF;
	_ =	strace $0x90000046  }
0xb1: {  	s29 =	simm.s32 $0x9;
	_ =	strace $0x80000048  }
0xb2: {  	_ =	swait.ge [sflag:s29], $0x1  }
0xb3: {  	[sflag:s29] =	ssyncadd.s32 $0xFFFFFFFF  }
0xb4: {  	_ =	strace $0x90000048  }
0xb5: {  	_ =	sfence  }
0xb6: {  	s30 =	sld [smem:$0x0];
	_ =	sdelay $0x2  }
0xb7: {  	s31 =	sshll.u32 s1, $0xD;
	s1 =	sshrl.u32 s1, $0x2  }
0xb8: {  	s3 =	sand.u32 $0x4000, s31;
	s1 =	sadd.s32 s1, s30  }
0xb9: {  	s0 =	sor.u32 s3, s0;
	s1 =	sshll.u32 s1, $0x11  }
0xba: {  	s0 =	sor.u32 s1, s0  }
0xbb: {  	s0 =	sadd.s32 $0x8F2B, s0  }
0xbc: {  	[sflag:s0] =	ssyncadd.remote.s32 $0x1  }
0xbd: {  	_ =	sfence.sel $0xFFFF  }
0xbe: {  	[dreg:$0x0] =	wrdreg $0xFFFFFFFF;
	(pc) =	sbr.abs _section_cstart, $3  }
0xbf: {  	[dreg:$0x1] =	wrdreg $0xFFFFFFFF  }
0xc0: {  	_ =	task.clear_ibuf [dreg:s6], $0x2FFFF;
	_ =	strace $0x9FFFFFFF  }
0xc1: {  	(tm) =	ssettm $0x7FFFFFFF  }
tec
execute0_lowered:
.L_overlay_start_1:
0x0: {  	(tag) =	ssettag $0x1  }
0x1: {  	s0 =	srdreg.scid  }
0x2: {  	s5 =	rddreg [dreg:$0x0];
	s2 =	simm.s32 $0x0;
	s11 =	simm.s32 $0x2FD0  }
0x3: {  	s12 =	simm.s32 $0x37A0;
	s13 =	simm.s32 $0x3F70;
	s14 =	simm.s32 $0x4740  }
0x4: {  	s15 =	simm.s32 $0x4F10;
	s4 =	sand.u32 $0x1, s0;
	s0 =	stileid.u32  }
0x5: {  	[smem:$0x7FF] =	sst s2;
	s9 =	sadd.s32 $0x13200, s5;
	s7 =	smul.u32 $0x271000, s4  }
0x6: {  	s1 =	sshll.u32 s4, $0x4;
	s8 =	smul.u32 $0x27100, s0;
	s4 =	ssub.s32 $0x2, s4  }
0x7: {  	s3 =	sor.u32 s0, s1;
	s1 =	rddreg [dreg:$0x1];
	_ =	strace $0x80000047  }
0x8: {  	s16 =	sshrl.u32 s4, $0x1;
	s6 =	smul.u32 $0x500, s3;
	s7 =	sadd.s32 s8, s7  }
0x9: {  	s3 =	sadd.s32 $0x4200, s5;
	s8 =	sshrl.u32 s7, $0x3;
	s10 =	sadd.s32 $0x36B0, s7  }
0xa: {  	s20 =	sadd.s32 $0x2EE0, s7;
	s22 =	sadd.s32 $0x2710, s7;
	s23 =	sadd.s32 $0x1F40, s7  }
0xb: {  	s28 =	sadd.s32 $0x1770, s7;
	s30 =	sadd.s32 $0xFA0, s7;
	s7 =	sadd.s32 $0x7D0, s7  }
0xc: {  	s6 =	sadd.s32 s6, s5;
	s5 =	ssub.s32 s4, s16;
	s17 =	sadd.s32 s8, s9  }
0xd: {  	s18 =	sshrl.u32 s10, $0x3;
	s21 =	sshrl.u32 s20, $0x3;
	s8 =	sshrl.u32 s22, $0x3  }
0xe: {  	s25 =	sshrl.u32 s23, $0x3;
	s29 =	sshrl.u32 s28, $0x3;
	s31 =	sshrl.u32 s30, $0x3  }
0xf: {  	s7 =	sshrl.u32 s7, $0x3;
	s10 =	simm.s32 $0x2800;
	s16 =	simm.s32 $0x56E0  }
0x10: {  	s20 =	simm.s32 $0x0;
	s4 =	sadd.s32 $0x9200, s6;
	[dreg:$0x2] =	wrdreg s17  }
0x11: {  	s19 =	sadd.s32 s18, s9;
	s6 =	sadd.s32 s21, s9;
	s24 =	sadd.s32 s8, s9  }
0x12: {  	s26 =	sadd.s32 s25, s9;
	s5 =	smax.u32 s5, $0x1;
	[dreg:$0x3] =	wrdreg s19  }
0x13: {  	s7 =	sadd.s32 s7, s9;
	s8 =	simm.s32 $0x3;
	[dreg:$0x4] =	wrdreg s6  }
0x14: {  	s17 =	simm.s32 $0x5EB0;
	s18 =	simm.s32 $0x1;
	[dreg:$0x5] =	wrdreg s24  }
0x15: {  	[dreg:$0x6] =	wrdreg s26;
	s6 =	sadd.s32 s29, s9;
	s19 =	simm.s32 $0x2  }
0x16: {  	[dreg:$0x7] =	wrdreg s6;
	s6 =	sadd.s32 s31, s9;
	s9 =	simm.s32 $0x7D  }
.LBB2_1:
0x17: {  	[tilespmem:s2], [sflag:$0x3] =	stream.linear.gather [hbm4b:s4+s2], $0x2800, $0x38;
	[tilespmem:$0x6680] =	vst v63  }
0x18: {  	_ =	swait.ge [sflag:s8], $0x2800  }
0x19: {  	[sflag:s8] =	ssyncset.done $0x0  }
0x1a: {  	[sflag:s8] =	ssyncadd.s32 $0xFFFFD800  }
0x1b: {  	[tilespmem:s10], [sflag:$0x1] =	stream.indirect.gather [hbm4b:s3+s9], $0x10, s2, s9, $0xb8;
	[tilespmem:$0x6680] =	vst v63  }
0x1c: {  	s21 =	simm.s32 $0x80  }
0x1d: {  	[tilespmem:s11], [sflag:$0x1] =	stream.indirect.gather [hbm4b:s3+s9], $0x10, s21, s9, $0xb8;
	[tilespmem:$0x6680] =	vst v63  }
0x1e: {  	s26 =	simm.s32 $0x100  }
0x1f: {  	[tilespmem:s12], [sflag:$0x1] =	stream.indirect.gather [hbm4b:s3+s9], $0x10, s26, s9, $0xb8;
	[tilespmem:$0x6680] =	vst v63  }
0x20: {  	s28 =	simm.s32 $0x180  }
0x21: {  	[tilespmem:s13], [sflag:$0x1] =	stream.indirect.gather [hbm4b:s3+s9], $0x10, s28, s9, $0xb8;
	[tilespmem:$0x6680] =	vst v63  }
0x22: {  	s29 =	simm.s32 $0x200  }
0x23: {  	[tilespmem:s14], [sflag:$0x1] =	stream.indirect.gather [hbm4b:s3+s9], $0x10, s29, s9, $0xb8;
	[tilespmem:$0x6680] =	vst v63  }
0x24: {  	s30 =	simm.s32 $0x280  }
0x25: {  	[tilespmem:s15], [sflag:$0x1] =	stream.indirect.gather [hbm4b:s3+s9], $0x10, s30, s9, $0xb8;
	[tilespmem:$0x6680] =	vst v63  }
0x26: {  	s31 =	simm.s32 $0x300  }
0x27: {  	[tilespmem:s16], [sflag:$0x1] =	stream.indirect.gather [hbm4b:s3+s9], $0x10, s31, s9, $0xb8;
	[tilespmem:$0x6680] =	vst v63  }
0x28: {  	s22 =	simm.s32 $0x380  }
0x29: {  	[tilespmem:s17], [sflag:$0x1] =	stream.indirect.gather [hbm4b:s3+s9], $0x10, s22, s9, $0xb8;
	[tilespmem:$0x6680] =	vst v63  }
0x2a: {  	_ =	swait.ge [sflag:s18], $0x7D0  }
0x2b: {  	s23 =	rddreg [dreg:$0x2];
	[sflag:s18] =	ssyncset.done $0x0  }
0x2c: {  	[sflag:s18] =	ssyncadd.s32 $0xFFFFF830;
	s21 =	sadd.s32 $0x0, s23  }
0x2d: {  	[hbm4b:s21+s2] =	stream.linear.scatter [tilespmem:s10], [sflag:$0x2], $0x7D0, $0x38;
	[tilespmem:$0x6680] =	vst v63  }
0x2e: {  	_ =	swait.ge [sflag:s18], $0x7D0  }
0x2f: {  	[sflag:s18] =	ssyncset.done $0x0  }
0x30: {  	s24 =	sadd.s32 $0x0, s7;
	[sflag:s18] =	ssyncadd.s32 $0xFFFFF830  }
0x31: {  	[hbm4b:s24+s2] =	stream.linear.scatter [tilespmem:s11], [sflag:$0x2], $0x7D0, $0x38;
	[tilespmem:$0x6680] =	vst v63  }
0x32: {  	_ =	swait.ge [sflag:s18], $0x7D0  }
0x33: {  	[sflag:s18] =	ssyncset.done $0x0  }
0x34: {  	s25 =	sadd.s32 $0x0, s6;
	[sflag:s18] =	ssyncadd.s32 $0xFFFFF830  }
0x35: {  	[hbm4b:s25+s2] =	stream.linear.scatter [tilespmem:s12], [sflag:$0x2], $0x7D0, $0x38;
	[tilespmem:$0x6680] =	vst v63  }
0x36: {  	_ =	swait.ge [sflag:s18], $0x7D0  }
0x37: {  	s26 =	rddreg [dreg:$0x7];
	[sflag:s18] =	ssyncset.done $0x0  }
0x38: {  	[sflag:s18] =	ssyncadd.s32 $0xFFFFF830;
	s21 =	sadd.s32 $0x0, s26  }
0x39: {  	[hbm4b:s21+s2] =	stream.linear.scatter [tilespmem:s13], [sflag:$0x2], $0x7D0, $0x38;
	[tilespmem:$0x6680] =	vst v63  }
0x3a: {  	_ =	swait.ge [sflag:s18], $0x7D0  }
0x3b: {  	s28 =	rddreg [dreg:$0x6];
	[sflag:s18] =	ssyncset.done $0x0  }
0x3c: {  	[sflag:s18] =	ssyncadd.s32 $0xFFFFF830;
	s21 =	sadd.s32 $0x0, s28  }
0x3d: {  	[hbm4b:s21+s2] =	stream.linear.scatter [tilespmem:s14], [sflag:$0x2], $0x7D0, $0x38;
	[tilespmem:$0x6680] =	vst v63  }
0x3e: {  	_ =	swait.ge [sflag:s18], $0x7D0  }
0x3f: {  	s29 =	rddreg [dreg:$0x5];
	[sflag:s18] =	ssyncset.done $0x0  }
0x40: {  	[sflag:s18] =	ssyncadd.s32 $0xFFFFF830;
	s21 =	sadd.s32 $0x0, s29  }
0x41: {  	[hbm4b:s21+s2] =	stream.linear.scatter [tilespmem:s15], [sflag:$0x2], $0x7D0, $0x38;
	[tilespmem:$0x6680] =	vst v63  }
0x42: {  	_ =	swait.ge [sflag:s18], $0x7D0  }
0x43: {  	s30 =	rddreg [dreg:$0x4];
	[sflag:s18] =	ssyncset.done $0x0  }
0x44: {  	[sflag:s18] =	ssyncadd.s32 $0xFFFFF830;
	s21 =	sadd.s32 $0x0, s30  }
0x45: {  	[hbm4b:s21+s2] =	stream.linear.scatter [tilespmem:s16], [sflag:$0x2], $0x7D0, $0x38;
	[tilespmem:$0x6680] =	vst v63  }
0x46: {  	_ =	swait.ge [sflag:s18], $0x7D0  }
0x47: {  	s31 =	rddreg [dreg:$0x3];
	[sflag:s18] =	ssyncset.done $0x0  }
0x48: {  	[sflag:s18] =	ssyncadd.s32 $0xFFFFF830;
	s21 =	sadd.s32 $0x0, s31  }
0x49: {  	[hbm4b:s21+s2] =	stream.linear.scatter [tilespmem:s17], [sflag:$0x2], $0x7D0, $0x38;
	[tilespmem:$0x6680] =	vst v63  }
0x4a: {  	_ =	swait.ge [sflag:s19], $0x7D0  }
0x4b: {  	[sflag:s19] =	ssyncset.done $0x0  }
0x4c: {  	[sflag:s19] =	ssyncadd.s32 $0xFFFFF830  }
0x4d: {  	_ =	swait.ge [sflag:s19], $0x7D0  }
0x4e: {  	[sflag:s19] =	ssyncset.done $0x0  }
0x4f: {  	[sflag:s19] =	ssyncadd.s32 $0xFFFFF830  }
0x50: {  	_ =	swait.ge [sflag:s19], $0x7D0  }
0x51: {  	[sflag:s19] =	ssyncset.done $0x0  }
0x52: {  	[sflag:s19] =	ssyncadd.s32 $0xFFFFF830  }
0x53: {  	_ =	swait.ge [sflag:s19], $0x7D0  }
0x54: {  	[sflag:s19] =	ssyncset.done $0x0  }
0x55: {  	[sflag:s19] =	ssyncadd.s32 $0xFFFFF830  }
0x56: {  	_ =	swait.ge [sflag:s19], $0x7D0  }
0x57: {  	[sflag:s19] =	ssyncset.done $0x0  }
0x58: {  	[sflag:s19] =	ssyncadd.s32 $0xFFFFF830  }
0x59: {  	_ =	swait.ge [sflag:s19], $0x7D0  }
0x5a: {  	[sflag:s19] =	ssyncset.done $0x0  }
0x5b: {  	[sflag:s19] =	ssyncadd.s32 $0xFFFFF830  }
0x5c: {  	_ =	swait.ge [sflag:s19], $0x7D0  }
0x5d: {  	[sflag:s19] =	ssyncset.done $0x0  }
0x5e: {  	[sflag:s19] =	ssyncadd.s32 $0xFFFFF830  }
0x5f: {  	_ =	swait.ge [sflag:s19], $0x7D0  }
0x60: {  	s22 =	simm.s32 $0x0;
	s21 =	simm.s32 $0x7D0;
	[sflag:s19] =	ssyncset.done $0x0  }
.LBB2_2:
0x61: {  	[sflag:s19] =	ssyncadd.s32 $0xFFFFF830;
	s22 =	sadd.s32 $0x400, s22  }
0x62: {  	[tilespmem:s10], [sflag:$0x1] =	stream.indirect.gather [hbm4b:s3+s9], $0x10, s22, s9, $0xb8;
	[tilespmem:$0x6680] =	vst v63  }
0x63: {  	s24 =	sadd.s32 $0x80, s22  }
0x64: {  	[tilespmem:s11], [sflag:$0x1] =	stream.indirect.gather [hbm4b:s3+s9], $0x10, s24, s9, $0xb8;
	[tilespmem:$0x6680] =	vst v63  }
0x65: {  	s30 =	sadd.s32 $0x100, s22  }
0x66: {  	[tilespmem:s12], [sflag:$0x1] =	stream.indirect.gather [hbm4b:s3+s9], $0x10, s30, s9, $0xb8;
	[tilespmem:$0x6680] =	vst v63  }
0x67: {  	s31 =	sadd.s32 $0x180, s22  }
0x68: {  	[tilespmem:s13], [sflag:$0x1] =	stream.indirect.gather [hbm4b:s3+s9], $0x10, s31, s9, $0xb8;
	[tilespmem:$0x6680] =	vst v63  }
0x69: {  	s25 =	sadd.s32 $0x200, s22  }
0x6a: {  	[tilespmem:s14], [sflag:$0x1] =	stream.indirect.gather [hbm4b:s3+s9], $0x10, s25, s9, $0xb8;
	[tilespmem:$0x6680] =	vst v63  }
0x6b: {  	s26 =	sadd.s32 $0x280, s22  }
0x6c: {  	[tilespmem:s15], [sflag:$0x1] =	stream.indirect.gather [hbm4b:s3+s9], $0x10, s26, s9, $0xb8;
	[tilespmem:$0x6680] =	vst v63  }
0x6d: {  	s28 =	sadd.s32 $0x300, s22  }
0x6e: {  	[tilespmem:s16], [sflag:$0x1] =	stream.indirect.gather [hbm4b:s3+s9], $0x10, s28, s9, $0xb8;
	[tilespmem:$0x6680] =	vst v63  }
0x6f: {  	s29 =	sadd.s32 $0x380, s22  }
0x70: {  	[tilespmem:s17], [sflag:$0x1] =	stream.indirect.gather [hbm4b:s3+s9], $0x10, s29, s9, $0xb8;
	[tilespmem:$0x6680] =	vst v63  }
0x71: {  	_ =	swait.ge [sflag:s18], $0x7D0  }
0x72: {  	s23 =	smov.u32 s21;
	s30 =	rddreg [dreg:$0x2];
	[sflag:s18] =	ssyncset.done $0x0  }
0x73: {  	[sflag:s18] =	ssyncadd.s32 $0xFFFFF830;
	s24 =	sadd.s32 s23, s30  }
0x74: {  	[hbm4b:s24+s2] =	stream.linear.scatter [tilespmem:s10], [sflag:$0x2], $0x7D0, $0x38;
	[tilespmem:$0x6680] =	vst v63  }
0x75: {  	_ =	swait.ge [sflag:s18], $0x7D0  }
0x76: {  	[sflag:s18] =	ssyncset.done $0x0  }
0x77: {  	s31 =	sadd.s32 s23, s7;
	[sflag:s18] =	ssyncadd.s32 $0xFFFFF830  }
0x78: {  	[hbm4b:s31+s2] =	stream.linear.scatter [tilespmem:s11], [sflag:$0x2], $0x7D0, $0x38;
	[tilespmem:$0x6680] =	vst v63  }
0x79: {  	_ =	swait.ge [sflag:s18], $0x7D0  }
0x7a: {  	[sflag:s18] =	ssyncset.done $0x0  }
0x7b: {  	s25 =	sadd.s32 s23, s6;
	[sflag:s18] =	ssyncadd.s32 $0xFFFFF830  }
0x7c: {  	[hbm4b:s25+s2] =	stream.linear.scatter [tilespmem:s12], [sflag:$0x2], $0x7D0, $0x38;
	[tilespmem:$0x6680] =	vst v63  }
0x7d: {  	_ =	swait.ge [sflag:s18], $0x7D0  }
0x7e: {  	s26 =	rddreg [dreg:$0x7];
	[sflag:s18] =	ssyncset.done $0x0  }
0x7f: {  	[sflag:s18] =	ssyncadd.s32 $0xFFFFF830;
	s24 =	sadd.s32 s23, s26  }
0x80: {  	[hbm4b:s24+s2] =	stream.linear.scatter [tilespmem:s13], [sflag:$0x2], $0x7D0, $0x38;
	[tilespmem:$0x6680] =	vst v63  }
0x81: {  	_ =	swait.ge [sflag:s18], $0x7D0  }
0x82: {  	s28 =	rddreg [dreg:$0x6];
	[sflag:s18] =	ssyncset.done $0x0  }
0x83: {  	[sflag:s18] =	ssyncadd.s32 $0xFFFFF830;
	s24 =	sadd.s32 s23, s28  }
0x84: {  	[hbm4b:s24+s2] =	stream.linear.scatter [tilespmem:s14], [sflag:$0x2], $0x7D0, $0x38;
	[tilespmem:$0x6680] =	vst v63  }
0x85: {  	_ =	swait.ge [sflag:s18], $0x7D0  }
0x86: {  	s29 =	rddreg [dreg:$0x5];
	[sflag:s18] =	ssyncset.done $0x0  }
0x87: {  	[sflag:s18] =	ssyncadd.s32 $0xFFFFF830;
	s24 =	sadd.s32 s23, s29  }
0x88: {  	[hbm4b:s24+s2] =	stream.linear.scatter [tilespmem:s15], [sflag:$0x2], $0x7D0, $0x38;
	[tilespmem:$0x6680] =	vst v63  }
0x89: {  	_ =	swait.ge [sflag:s18], $0x7D0  }
0x8a: {  	s30 =	rddreg [dreg:$0x4];
	[sflag:s18] =	ssyncset.done $0x0  }
0x8b: {  	[sflag:s18] =	ssyncadd.s32 $0xFFFFF830;
	s24 =	sadd.s32 s23, s30  }
0x8c: {  	[hbm4b:s24+s2] =	stream.linear.scatter [tilespmem:s16], [sflag:$0x2], $0x7D0, $0x38;
	[tilespmem:$0x6680] =	vst v63  }
0x8d: {  	_ =	swait.ge [sflag:s18], $0x7D0  }
0x8e: {  	s31 =	rddreg [dreg:$0x3];
	[sflag:s18] =	ssyncset.done $0x0  }
0x8f: {  	[sflag:s18] =	ssyncadd.s32 $0xFFFFF830;
	s23 =	sadd.s32 s23, s31  }
0x90: {  	[hbm4b:s23+s2] =	stream.linear.scatter [tilespmem:s17], [sflag:$0x2], $0x7D0, $0x38;
	[tilespmem:$0x6680] =	vst v63  }
0x91: {  	_ =	swait.ge [sflag:s19], $0x7D0  }
0x92: {  	[sflag:s19] =	ssyncset.done $0x0  }
0x93: {  	[sflag:s19] =	ssyncadd.s32 $0xFFFFF830  }
0x94: {  	_ =	swait.ge [sflag:s19], $0x7D0  }
0x95: {  	[sflag:s19] =	ssyncset.done $0x0  }
0x96: {  	[sflag:s19] =	ssyncadd.s32 $0xFFFFF830  }
0x97: {  	_ =	swait.ge [sflag:s19], $0x7D0  }
0x98: {  	[sflag:s19] =	ssyncset.done $0x0  }
0x99: {  	[sflag:s19] =	ssyncadd.s32 $0xFFFFF830  }
0x9a: {  	_ =	swait.ge [sflag:s19], $0x7D0  }
0x9b: {  	[sflag:s19] =	ssyncset.done $0x0  }
0x9c: {  	[sflag:s19] =	ssyncadd.s32 $0xFFFFF830  }
0x9d: {  	_ =	swait.ge [sflag:s19], $0x7D0  }
0x9e: {  	[sflag:s19] =	ssyncset.done $0x0  }
0x9f: {  	[sflag:s19] =	ssyncadd.s32 $0xFFFFF830  }
0xa0: {  	_ =	swait.ge [sflag:s19], $0x7D0  }
0xa1: {  	[sflag:s19] =	ssyncset.done $0x0  }
0xa2: {  	p0 =	sne.s32 s21, $0x4650;
	[sflag:s19] =	ssyncadd.s32 $0xFFFFF830  }
.Ltmp0:
0xa3: {  	_ =	swait.ge [sflag:s19], $0x7D0;
	(pc) =	sbr.rel @p0 .LBB2_2-.Ltmp0, $4  }
0xa4: {  	[sflag:s19] =	ssyncset.done $0x0  }
0xa5: {  	[sflag:s19] =	ssyncadd.s32 $0xFFFFF830  }
0xa6: {  	_ =	swait.ge [sflag:s19], $0x7D0  }
0xa7: {  	s21 =	sadd.s32 $0x7D0, s21;
	[sflag:s19] =	ssyncset.done $0x0  }
0xa8: {  	s20 =	sadd.s32 $0x1, s20  }
0xa9: {  	p0 =	sne.s32 s20, s5  }
.Ltmp1:
0xaa: {  	_ = 	snop;
	(pc) =	sbr.rel @p0 .LBB2_1-.Ltmp1, $2  }
0xab: {  	_ =	sdelay $0x2  }
0xac: {  	[sflag:s19] =	ssyncadd.s32 $0xFFFFF830  }
0xad: {  	_ =	sfence.sel $0x180000  }
0xae: {  	[bflag:$0x0] =	sbarrier.arrive $0xFFFF  }
0xaf: {  	p0 =	sne.s32 s0, $0x0;
	_ =	strace $0x90000047  }
0xb0: {  	s0 =	sadd.s32 @!p0 $0x100000, s1;
	[bflag:$0x2] =	sbarrier.arrive $0xFFFF  }
0xb1: {  	[sflag:s0] =	ssyncadd.tile.s32 @!p0 $0x1;
	_ =	shalt  }
.Lfunc_end2:
_tile_overlayer_lowered:
.L_overlay_start_2:
0xb2: {  	(tag) =	ssettag $0x2  }
0xb3: {  	s0 =	rddreg [dreg:$0x0];
	s2 =	stileid.u32  }
0xb4: {  	s1 =	rddreg [dreg:$0x1];
	p0 =	sne.s32 s2, $0x0  }
0xb5: {  	s3 =	rddreg [dreg:$0x2];
	[bflag:$0x3] =	sbarrier.arrive $0xFFFF;
	s2 =	simm.s32 @!p0 $0x1C03  }
0xb6: {  	[timem:s3], [sflag:s2] =	dma.local @!p0 [hbm:s0], s1  }
0xb7: {  	s0 =	simm.s32 @!p0 $0x3  }
0xb8: {  	_ =	swait.ge @!p0 [sflag:s0], s1  }
0xb9: {  	s1 =	ssub.s32 @!p0 $0x0, s1;
	[sflag:s0] =	ssyncset.done @!p0 $0x0  }
0xba: {  	[sflag:s0] =	ssyncadd.s32 @!p0 s1  }
0xbb: {  	[bflag:$0x3] =	sbarrier.arrive $0xFFFF  }
0xbc: {  	_ =	shalt  }

// kernel: kernel.13.cloned.1.call-start
scs
__scs_entry_jumppad:
0x0: {  	(pc) =	sbr.rel $0x88, $3  }
0x1: {  	(tag) =	ssettag $0x0;
	lr =	simm.s32 $0x1  }
0x2: {  	[smem:$0x3F90] =	sst lr;
	_ =	strace $0xD0000000  }
0x3: {  	_ = 	snop  }
0x4: {  	_ = 	snop  }
0x5: {  	_ = 	snop  }
0x6: {  	_ = 	snop  }
0x7: {  	_ = 	snop  }
__scs_overlays_trampoline_lowered:
0x8: {  	[smem:$0x3F9F] =	sst s0  }
0x9: {  	[smem:$0x3FA0] =	sst s1  }
0xa: {  	[smem:$0x3FA1] =	sst s2  }
0xb: {  	[smem:$0x3FA2] =	sst s3  }
0xc: {  	[smem:$0x3FA3] =	sst s4  }
0xd: {  	[smem:$0x3FA4] =	sst s5  }
0xe: {  	[smem:$0x3FA5] =	sst s6  }
0xf: {  	[smem:$0x3FA6] =	sst s7  }
0x10: {  	[smem:$0x3FA7] =	sst s8  }
0x11: {  	[smem:$0x3FA8] =	sst s9;
	s0 =	simm.s32 @!p0 $0x0  }
0x12: {  	s1 =	sld [smem:$0x3F8E];
	s0 =	simm.s32 @p0 $0x1  }
0x13: {  	[smem:$0x3FA9] =	sst s0;
	s0 =	simm.s32 @!p1 $0x0  }
0x14: {  	s2 =	sld [smem:$0x3F8D];
	s0 =	simm.s32 @p1 $0x1  }
0x15: {  	[smem:$0x3FAA] =	sst s0;
	s0 =	simm.s32 @!p2 $0x0  }
0x16: {  	s3 =	sld [smem:$0x3FDB];
	s0 =	simm.s32 @p2 $0x1  }
0x17: {  	s4 =	simm.s32 $0x1BF5;
	[smem:$0x3FAC] =	sst s0  }
0x18: {  	s0 =	sld [smem:$0x3F8F];
	_ =	swait.ge [sflag:s4], $0x0  }
0x19: {  	s7 =	sld [smem:$0x3F90]  }
0x1a: {  	s8 =	sadd.s32 $0xFFFFE003, lr  }
0x1b: {  	s9 =	sadd.s32 $0xFFFFFEF7, lr;
	s5 =	simm.s32 $0xFFFFFFFF;
	p2 =	slt.u32 s8, $0xFFFFF086  }
0x1c: {  	p1 =	slt.u32 s9, $0xF7A;
	s5 =	simm.s32 @!p2 $0x0  }
0x1d: {  	s5 =	simm.s32 @p1 $0x1;
	p0 =	seq.s32 s7, s2  }
0x1e: {  	s7 =	smul.u32 @!p0 $0xF7A, s2;
	p2 =	seq.s32 @!p0 s5, $0x0  }
0x1f: {  	s9 =	smul.u32 $0xF7A, s1;
	s8 =	simm.s32 @!p0 $0x1BF5;
	p2 =	por !p2, p0  }
0x20: {  	[sflag:s8] =	ssyncset.s32 @!p0 $0xFFFFF086;
	s6 =	sadd.s32 @!p0 s3, s7;
	s7 =	simm.s32 @!p0 $0x108  }
0x21: {  	s3 =	sadd.s32 s3, s9;
	s6 =	sadd.s32 @!p0 $0x88, s6;
	s7 =	simm.s32 @p2 $0x1082  }
0x22: {  	[simem:s7], [sflag:s8] =	dma.local @!p0 [hbm:s6], $0xF7A  }
0x23: {  	s9 =	sor.u32 $0xD0000000, s2;
	s6 =	simm.s32 $0x108;
	_ =	swait.ge @!p0 [sflag:s8], $0x0  }
0x24: {  	s3 =	sadd.s32 $0x88, s3;
	s6 =	simm.s32 @!p1 $0x1082;
	[sflag:s4] =	ssyncset.s32 $0xFFFFF086  }
0x25: {  	[simem:s6], [sflag:s4] =	dma.local [hbm:s3], $0xF7A  }
0x26: {  	[smem:$0x3F90] =	sst s1;
	(tag) =	ssettag s2;
	_ =	strace s9  }
0x27: {  	s1 =	sld [smem:$0x3FA0]  }
0x28: {  	s2 =	sld [smem:$0x3FA1]  }
0x29: {  	s4 =	sld [smem:$0x3FA3]  }
0x2a: {  	p0 =	seq.s32 s5, $0x0;
	s5 =	sld [smem:$0x3FA4]  }
0x2b: {  	s6 =	sld [smem:$0x3FA5]  }
0x2c: {  	s7 =	sld [smem:$0x3FA6]  }
0x2d: {  	s3 =	simm.s32 $0x108;
	s8 =	sld [smem:$0x3FA7]  }
0x2e: {  	s3 =	simm.s32 @!p0 $0x1082;
	s9 =	sld [smem:$0x3FA8]  }
0x2f: {  	lr =	sadd.s32 s0, s3;
	s0 =	sld [smem:$0x3F9F]  }
0x30: {  	s3 =	sld [smem:$0x3FA2]  }
0x31: {  	[smem:$0x3FAB] =	sst s10  }
0x32: {  	s10 =	sld [smem:$0x3FA9];
	_ =	sdelay $0x3  }
0x33: {  	p0 =	seq.s32 s10, $0x1;
	s10 =	sld [smem:$0x3FAB];
	_ =	sdelay $0x3  }
0x34: {  	[smem:$0x3FAB] =	sst s10  }
0x35: {  	s10 =	sld [smem:$0x3FAA];
	_ =	sdelay $0x3  }
0x36: {  	p1 =	seq.s32 s10, $0x1;
	s10 =	sld [smem:$0x3FAB];
	_ =	sdelay $0x3  }
0x37: {  	[smem:$0x3FAB] =	sst s10  }
0x38: {  	s10 =	sld [smem:$0x3FAC]  }
0x39: {  	_ = 	snop;
	(pc) =	sbr.ind lr, $3  }
0x3a: {  	_ = 	snop  }
0x3b: {  	_ = 	snop  }
0x3c: {  	p2 =	seq.s32 s10, $0x1;
	s10 =	sld [smem:$0x3FAB]  }
0x3d: {  	_ =	shalt  }
0x3e: {  	_ =	shalt  }
0x3f: {  	_ =	shalt  }
0x40: {  	_ =	shalt  }
0x41: {  	_ =	shalt  }
0x42: {  	_ =	shalt  }
0x43: {  	_ =	shalt  }
0x44: {  	_ =	shalt  }
0x45: {  	_ =	shalt  }
0x46: {  	_ =	shalt  }
0x47: {  	_ =	shalt  }
0x48: {  	_ =	shalt  }
0x49: {  	_ =	shalt  }
0x4a: {  	_ =	shalt  }
0x4b: {  	_ =	shalt  }
0x4c: {  	_ =	shalt  }
0x4d: {  	_ =	shalt  }
0x4e: {  	_ =	shalt  }
0x4f: {  	_ =	shalt  }
0x50: {  	_ =	shalt  }
0x51: {  	_ =	shalt  }
0x52: {  	_ =	shalt  }
0x53: {  	_ =	shalt  }
0x54: {  	_ =	shalt  }
0x55: {  	_ =	shalt  }
0x56: {  	_ =	shalt  }
0x57: {  	_ =	shalt  }
0x58: {  	_ =	shalt  }
0x59: {  	_ =	shalt  }
0x5a: {  	_ =	shalt  }
0x5b: {  	_ =	shalt  }
0x5c: {  	_ =	shalt  }
0x5d: {  	_ =	shalt  }
0x5e: {  	_ =	shalt  }
0x5f: {  	_ =	shalt  }
0x60: {  	_ =	shalt  }
0x61: {  	_ =	shalt  }
0x62: {  	_ =	shalt  }
0x63: {  	_ =	shalt  }
0x64: {  	_ =	shalt  }
0x65: {  	_ =	shalt  }
0x66: {  	_ =	shalt  }
0x67: {  	_ =	shalt  }
0x68: {  	_ =	shalt  }
0x69: {  	_ =	shalt  }
0x6a: {  	_ =	shalt  }
0x6b: {  	_ =	shalt  }
0x6c: {  	_ =	shalt  }
0x6d: {  	_ =	shalt  }
0x6e: {  	_ =	shalt  }
0x6f: {  	_ =	shalt  }
0x70: {  	_ =	shalt  }
0x71: {  	_ =	shalt  }
0x72: {  	_ =	shalt  }
0x73: {  	_ =	shalt  }
0x74: {  	_ =	shalt  }
0x75: {  	_ =	shalt  }
0x76: {  	_ =	shalt  }
0x77: {  	_ =	shalt  }
0x78: {  	_ =	shalt  }
0x79: {  	_ =	shalt  }
0x7a: {  	_ =	shalt  }
0x7b: {  	_ =	shalt  }
0x7c: {  	_ =	shalt  }
0x7d: {  	_ =	shalt  }
0x7e: {  	_ =	shalt  }
0x7f: {  	_ =	shalt  }
0x80: {  	_ =	shalt  }
0x81: {  	_ =	shalt  }
0x82: {  	_ =	shalt  }
0x83: {  	_ =	shalt  }
0x84: {  	_ =	shalt  }
0x85: {  	_ =	shalt  }
0x86: {  	_ =	shalt  }
0x87: {  	_ =	shalt  }
.Lfunc_end0:
.L_simem_size_0:
called_computation.1_lowered:
.L_overlay_start_0:
0x88: {  	s2 =	sld [smem:$0x3FD9]  }
0x89: {  	s3 =	sld [smem:$0x3FFE];
	_ =	sdelay $0x1  }
0x8a: {  	s1 =	srdreg.scid  }
0x8b: {  	s0 =	sand.u32 $0x1, s1  }
0x8c: {  	s16 =	sshll.u32 s0, $0xA;
	s2 =	sadd.s32 s3, s2  }
0x8d: {  	s2 =	sadd.s32 s2, s16  }
0x8e: {  	[smem:$0x3FB7] =	sst s2  }
0x8f: {  	_ = 	snop  }
0x90: {  	(tm) =	ssettm $0x1  }
0x91: {  	s17 =	sld [smem:$0x3FFB];
	_ =	sdelay $0x3  }
0x92: {  	_ =	strace s17  }
0x93: {  	s2 =	sld [smem:$0x3FFC];
	_ =	sdelay $0x3  }
0x94: {  	_ =	strace s2  }
0x95: {  	s2 =	sld [smem:$0x3FFD];
	_ =	sdelay $0x3  }
0x96: {  	_ =	strace s2  }
0x97: {  	_ =	strace $0x8FFFFFFF  }
0x98: {  	s18 =	sld [smem:$0x3FDB];
	_ =	sdelay $0x1  }
0x99: {  	s19 =	simm.s32 $_scs_section_size  }
0x9a: {  	s4 =	simm.s32 $_size__tile_overlayer_lowered;
	s5 =	simm.s32 $_tile_overlayer_lowered  }
0x9b: {  	s22 =	simm.s32 $0x1BFF;
	s21 =	sshll.u32 s5, $0x1;
	s2 =	sadd.s32 s19, s18  }
0x9c: {  	s6 =	simm.s32 $0x0;
	s20 =	sshll.u32 s4, $0x1;
	s4 =	sadd.s32 s21, s2  }
0x9d: {  	[timem:s6], [sflag:s22] =	dma.local [hbm:s4], s20  }
0x9e: {  	_ =	swait.ge [sflag:s22], s20  }
0x9f: {  	s3 =	ssub.s32 $0x0, s20;
	[sflag:s22] =	ssyncset.done $0x0  }
0xa0: {  	[sflag:s22] =	ssyncadd.s32 s3;
	_ =	sdelay $0x1  }
0xa1: {  	s23 =	simm.s32 $0x1B8B  }
0xa2: {  	_ =	swait.ge [sflag:s23], $0x1  }
0xa3: {  	[sflag:s23] =	ssyncset.done $0x0  }
0xa4: {  	s25 =	simm.s32 $0x1B8E;
	s24 =	sld [smem:$0x3FFE];
	[sflag:s23] =	ssyncadd.s32 $0xFFFFFFFF  }
0xa5: {  	s26 =	simm.s32 $execute0_lowered;
	[smem:$0x3FD2] =	sst s25  }
0xa6: {  	s4 =	sshll.u32 s26, $0x1;
	_ =	strace $0x80000049;
	[dreg:$0x1] =	wrdreg $0xFFFFFFFF  }
0xa7: {  	s28 =	simm.s32 $_size_execute0_lowered;
	s2 =	sadd.s32 s2, s4;
	[dreg:$0x0] =	wrdreg $0x0  }
0xa8: {  	s4 =	sshll.u32 s28, $0x1;
	[dreg:$0x2] =	wrdreg s2  }
0xa9: {  	[dreg:$0x3] =	wrdreg s4  }
0xaa: {  	[dreg:$0x4] =	wrdreg $0xC0  }
0xab: {  	_ =	task [dreg:s6], $0x5FFFF  }
0xac: {  	[dreg:$0x1] =	wrdreg $0xFFFFFFFF  }
0xad: {  	[dreg:$0x0] =	wrdreg $0x60  }
0xae: {  	[dreg:$0x2] =	wrdreg s24  }
0xaf: {  	[dreg:$0x3] =	wrdreg $0x66800  }
0xb0: {  	[dreg:$0x4] =	wrdreg $0x9  }
0xb1: {  	_ =	task.clear_ibuf [dreg:s6], $0x5FFFF;
	_ =	strace $0x90000049  }
0xb2: {  	s29 =	simm.s32 $0x9;
	_ =	strace $0x8000004B  }
0xb3: {  	_ =	swait.ge [sflag:s29], $0x1  }
0xb4: {  	[sflag:s29] =	ssyncadd.s32 $0xFFFFFFFF  }
0xb5: {  	_ =	strace $0x9000004B  }
0xb6: {  	_ =	sfence  }
0xb7: {  	s30 =	sld [smem:$0x0];
	_ =	sdelay $0x2  }
0xb8: {  	s31 =	sshll.u32 s1, $0xD;
	s1 =	sshrl.u32 s1, $0x2  }
0xb9: {  	s3 =	sand.u32 $0x4000, s31;
	s1 =	sadd.s32 s1, s30  }
0xba: {  	s0 =	sor.u32 s3, s0;
	s1 =	sshll.u32 s1, $0x11  }
0xbb: {  	s0 =	sor.u32 s1, s0  }
0xbc: {  	s0 =	sadd.s32 $0x8F2B, s0  }
0xbd: {  	[sflag:s0] =	ssyncadd.remote.s32 $0x1  }
0xbe: {  	_ =	sfence.sel $0xFFFF  }
0xbf: {  	[dreg:$0x0] =	wrdreg $0xFFFFFFFF;
	(pc) =	sbr.abs _section_cstart, $3  }
0xc0: {  	[dreg:$0x1] =	wrdreg $0xFFFFFFFF  }
0xc1: {  	_ =	task.clear_ibuf [dreg:s6], $0x2FFFF;
	_ =	strace $0x9FFFFFFF  }
0xc2: {  	(tm) =	ssettm $0x7FFFFFFF  }
0xc3: {  	_ =	shalt  }
tec
execute0_lowered:
.L_overlay_start_1:
0x0: {  	(tag) =	ssettag $0x1  }
0x1: {  	s0 =	srdreg.scid  }
0x2: {  	s7 =	rddreg [dreg:$0x0];
	s6 =	sand.u32 $0x1, s0;
	s0 =	stileid.u32  }
0x3: {  	s2 =	rddreg [dreg:$0x1];
	s3 =	simm.s32 $0x0;
	s8 =	smul.u32 $0x2710, s0  }
0x4: {  	[smem:$0x7FF] =	sst s3;
	s1 =	sshll.u32 s6, $0x4;
	s9 =	smul.u32 $0x27100, s6  }
0x5: {  	_ =	strace $0x8000004A;
	s11 =	ssub.s32 $0x2, s6;
	s12 =	smul.u32 $0x271000, s6  }
0x6: {  	s13 =	smul.u32 $0x27100, s0;
	s17 =	sshll.u32 s0, $0x6;
	s4 =	sor.u32 s0, s1  }
0x7: {  	s16 =	sshrl.u32 s11, $0x1;
	s6 =	sor.u32 $0x1C03, s17;
	s17 =	simm.s32 $0x4740  }
0x8: {  	s5 =	smul.u32 $0x500, s4;
	s4 =	sadd.s32 $0xB9600, s7;
	s9 =	sadd.s32 s8, s9  }
0x9: {  	s18 =	sadd.s32 s8, s2;
	s12 =	sadd.s32 s13, s12;
	s15 =	sshrl.u32 s9, $0x3  }
0xa: {  	s9 =	ssub.s32 s11, s16;
	s19 =	sshrl.u32 s12, $0x3;
	s20 =	sadd.s32 $0x36B0, s12  }
0xb: {  	s22 =	sadd.s32 $0x2EE0, s12;
	s24 =	sadd.s32 $0x2710, s12;
	s26 =	sadd.s32 $0x1F40, s12  }
0xc: {  	s29 =	sadd.s32 $0x1770, s12;
	s13 =	sadd.s32 $0xFA0, s12;
	s31 =	sadd.s32 $0x7D0, s12  }
0xd: {  	s11 =	sshrl.u32 s18, $0x3;
	s12 =	simm.s32 $0x3;
	s16 =	simm.s32 $0x3F70  }
0xe: {  	s18 =	simm.s32 $0x4F10;
	s10 =	sadd.s32 s5, s7;
	s5 =	sadd.s32 $0x4200, s7  }
0xf: {  	s14 =	sadd.s32 s15, s7;
	[dreg:$0x3] =	wrdreg s19;
	s21 =	sshrl.u32 s20, $0x3  }
0x10: {  	s23 =	sshrl.u32 s22, $0x3;
	s25 =	sshrl.u32 s24, $0x3;
	s28 =	sshrl.u32 s26, $0x3  }
0x11: {  	s30 =	sshrl.u32 s13, $0x3;
	s9 =	smax.u32 s9, $0x1;
	s13 =	simm.s32 $0x2800  }
0x12: {  	s15 =	simm.s32 $0x37A0;
	s19 =	simm.s32 $0x56E0;
	[dreg:$0x4] =	wrdreg s21  }
0x13: {  	s20 =	simm.s32 $0x5EB0;
	s22 =	simm.s32 $0x7D;
	[dreg:$0x5] =	wrdreg s23  }
0x14: {  	s24 =	simm.s32 $0x0;
	s7 =	sadd.s32 $0xAF600, s10;
	[dreg:$0x6] =	wrdreg s25  }
0x15: {  	[dreg:$0x7] =	wrdreg s28;
	s10 =	sshrl.u32 s29, $0x3;
	s8 =	sadd.s32 $0x13200, s14  }
0x16: {  	[dreg:$0x9] =	wrdreg s30;
	s14 =	simm.s32 $0x2FD0;
	s21 =	simm.s32 $0x1  }
0x17: {  	s23 =	simm.s32 $0x2;
	[dreg:$0x8] =	wrdreg s10;
	s10 =	sshrl.u32 s31, $0x3  }
.LBB2_1:
0x18: {  	[spmem:s11], [sflag:s6] =	dma.local [hbm:s5], $0x4E2  }
0x19: {  	_ =	swait.ge [sflag:s12], $0x4E2  }
0x1a: {  	[sflag:s12] =	ssyncset.done $0x0  }
0x1b: {  	[sflag:s12] =	ssyncadd.s32 $0xFFFFFB1E  }
0x1c: {  	[tilespmem:s3], [sflag:$0x3] =	stream.linear.gather [hbm4b:s7+s3], $0x2800, $0x38;
	[tilespmem:$0x8D90] =	vst v63  }
0x1d: {  	_ =	swait.ge [sflag:s12], $0x2800  }
0x1e: {  	[sflag:s12] =	ssyncset.done $0x0  }
0x1f: {  	[sflag:s12] =	ssyncadd.s32 $0xFFFFD800  }
0x20: {  	[bflag:$0x0] =	sbarrier.arrive $0xFFFF  }
0x21: {  	s25 =	rddreg [dreg:$0x3]  }
0x22: {  	s25 =	sadd.s32 s4, s25  }
0x23: {  	[tilespmem:s13], [sflag:$0x1] =	stream.linear.gather [hbm4b:s25+s3], $0x7D0, $0x38;
	[tilespmem:$0x8D90] =	vst v63  }
0x24: {  	s1 =	sadd.s32 s4, s10;
	s26 =	rddreg [dreg:$0x9]  }
0x25: {  	[tilespmem:s14], [sflag:$0x1] =	stream.linear.gather [hbm4b:s1+s3], $0x7D0, $0x38;
	[tilespmem:$0x8D90] =	vst v63  }
0x26: {  	s28 =	rddreg [dreg:$0x8];
	s30 =	sadd.s32 s4, s26  }
0x27: {  	[tilespmem:s15], [sflag:$0x1] =	stream.linear.gather [hbm4b:s30+s3], $0x7D0, $0x38;
	[tilespmem:$0x8D90] =	vst v63  }
0x28: {  	s31 =	rddreg [dreg:$0x7];
	s1 =	sadd.s32 s4, s28  }
0x29: {  	[tilespmem:s16], [sflag:$0x1] =	stream.linear.gather [hbm4b:s1+s3], $0x7D0, $0x38;
	[tilespmem:$0x8D90] =	vst v63  }
0x2a: {  	s28 =	rddreg [dreg:$0x6];
	s30 =	sadd.s32 s4, s31  }
0x2b: {  	[tilespmem:s17], [sflag:$0x1] =	stream.linear.gather [hbm4b:s30+s3], $0x7D0, $0x38;
	[tilespmem:$0x8D90] =	vst v63  }
0x2c: {  	s31 =	rddreg [dreg:$0x5];
	s1 =	sadd.s32 s4, s28  }
0x2d: {  	[tilespmem:s18], [sflag:$0x1] =	stream.linear.gather [hbm4b:s1+s3], $0x7D0, $0x38;
	[tilespmem:$0x8D90] =	vst v63  }
0x2e: {  	s28 =	rddreg [dreg:$0x4];
	s30 =	sadd.s32 s4, s31  }
0x2f: {  	[tilespmem:s19], [sflag:$0x1] =	stream.linear.gather [hbm4b:s30+s3], $0x7D0, $0x38;
	[tilespmem:$0x8D90] =	vst v63  }
0x30: {  	s31 =	sadd.s32 s4, s28  }
0x31: {  	[tilespmem:s20], [sflag:$0x1] =	stream.linear.gather [hbm4b:s31+s3], $0x7D0, $0x38;
	[tilespmem:$0x8D90] =	vst v63  }
0x32: {  	_ =	swait.ge [sflag:s21], $0x7D0  }
0x33: {  	[sflag:s21] =	ssyncset.done $0x0  }
0x34: {  	s1 =	simm.s32 $0x0;
	[sflag:s21] =	ssyncadd.s32 $0xFFFFF830  }
0x35: {  	[spmem:s2] =	stream.indirect.scatter.add.f32 [tilespmem:s13], [sflag:$0x2], $0x10, s1, s22, $0xb8;
	[tilespmem:$0x8D90] =	vst v63  }
0x36: {  	_ =	swait.ge [sflag:s21], $0x7D0  }
0x37: {  	[sflag:s21] =	ssyncset.done $0x0  }
0x38: {  	s26 =	simm.s32 $0x80;
	[sflag:s21] =	ssyncadd.s32 $0xFFFFF830  }
0x39: {  	[spmem:s2] =	stream.indirect.scatter.add.f32 [tilespmem:s14], [sflag:$0x2], $0x10, s26, s22, $0xb8;
	[tilespmem:$0x8D90] =	vst v63  }
0x3a: {  	_ =	swait.ge [sflag:s21], $0x7D0  }
0x3b: {  	[sflag:s21] =	ssyncset.done $0x0  }
0x3c: {  	s30 =	simm.s32 $0x100;
	[sflag:s21] =	ssyncadd.s32 $0xFFFFF830  }
0x3d: {  	[spmem:s2] =	stream.indirect.scatter.add.f32 [tilespmem:s15], [sflag:$0x2], $0x10, s30, s22, $0xb8;
	[tilespmem:$0x8D90] =	vst v63  }
0x3e: {  	_ =	swait.ge [sflag:s21], $0x7D0  }
0x3f: {  	[sflag:s21] =	ssyncset.done $0x0  }
0x40: {  	s31 =	simm.s32 $0x180;
	[sflag:s21] =	ssyncadd.s32 $0xFFFFF830  }
0x41: {  	[spmem:s2] =	stream.indirect.scatter.add.f32 [tilespmem:s16], [sflag:$0x2], $0x10, s31, s22, $0xb8;
	[tilespmem:$0x8D90] =	vst v63  }
0x42: {  	_ =	swait.ge [sflag:s21], $0x7D0  }
0x43: {  	[sflag:s21] =	ssyncset.done $0x0  }
0x44: {  	s1 =	simm.s32 $0x200;
	[sflag:s21] =	ssyncadd.s32 $0xFFFFF830  }
0x45: {  	[spmem:s2] =	stream.indirect.scatter.add.f32 [tilespmem:s17], [sflag:$0x2], $0x10, s1, s22, $0xb8;
	[tilespmem:$0x8D90] =	vst v63  }
0x46: {  	_ =	swait.ge [sflag:s21], $0x7D0  }
0x47: {  	[sflag:s21] =	ssyncset.done $0x0  }
0x48: {  	s26 =	simm.s32 $0x280;
	[sflag:s21] =	ssyncadd.s32 $0xFFFFF830  }
0x49: {  	[spmem:s2] =	stream.indirect.scatter.add.f32 [tilespmem:s18], [sflag:$0x2], $0x10, s26, s22, $0xb8;
	[tilespmem:$0x8D90] =	vst v63  }
0x4a: {  	_ =	swait.ge [sflag:s21], $0x7D0  }
0x4b: {  	[sflag:s21] =	ssyncset.done $0x0  }
0x4c: {  	s30 =	simm.s32 $0x300;
	[sflag:s21] =	ssyncadd.s32 $0xFFFFF830  }
0x4d: {  	[spmem:s2] =	stream.indirect.scatter.add.f32 [tilespmem:s19], [sflag:$0x2], $0x10, s30, s22, $0xb8;
	[tilespmem:$0x8D90] =	vst v63  }
0x4e: {  	_ =	swait.ge [sflag:s21], $0x7D0  }
0x4f: {  	[sflag:s21] =	ssyncset.done $0x0  }
0x50: {  	s31 =	simm.s32 $0x380;
	[sflag:s21] =	ssyncadd.s32 $0xFFFFF830  }
0x51: {  	[spmem:s2] =	stream.indirect.scatter.add.f32 [tilespmem:s20], [sflag:$0x2], $0x10, s31, s22, $0xb8;
	[tilespmem:$0x8D90] =	vst v63  }
0x52: {  	_ =	swait.ge [sflag:s23], $0x7D0  }
0x53: {  	[sflag:s23] =	ssyncset.done $0x0  }
0x54: {  	[sflag:s23] =	ssyncadd.s32 $0xFFFFF830  }
0x55: {  	_ =	swait.ge [sflag:s23], $0x7D0  }
0x56: {  	[sflag:s23] =	ssyncset.done $0x0  }
0x57: {  	[sflag:s23] =	ssyncadd.s32 $0xFFFFF830  }
0x58: {  	_ =	swait.ge [sflag:s23], $0x7D0  }
0x59: {  	[sflag:s23] =	ssyncset.done $0x0  }
0x5a: {  	[sflag:s23] =	ssyncadd.s32 $0xFFFFF830  }
0x5b: {  	_ =	swait.ge [sflag:s23], $0x7D0  }
0x5c: {  	[sflag:s23] =	ssyncset.done $0x0  }
0x5d: {  	[sflag:s23] =	ssyncadd.s32 $0xFFFFF830  }
0x5e: {  	_ =	swait.ge [sflag:s23], $0x7D0  }
0x5f: {  	[sflag:s23] =	ssyncset.done $0x0  }
0x60: {  	[sflag:s23] =	ssyncadd.s32 $0xFFFFF830  }
0x61: {  	_ =	swait.ge [sflag:s23], $0x7D0  }
0x62: {  	[sflag:s23] =	ssyncset.done $0x0  }
0x63: {  	[sflag:s23] =	ssyncadd.s32 $0xFFFFF830  }
0x64: {  	_ =	swait.ge [sflag:s23], $0x7D0  }
0x65: {  	[sflag:s23] =	ssyncset.done $0x0  }
0x66: {  	[sflag:s23] =	ssyncadd.s32 $0xFFFFF830  }
0x67: {  	s25 =	simm.s32 $0x1000;
	s28 =	smov.u32 s4;
	_ =	swait.ge [sflag:s23], $0x7D0  }
0x68: {  	s26 =	simm.s32 $0x2000;
	s29 =	rddreg [dreg:$0x3];
	[sflag:s23] =	ssyncset.done $0x0  }
.LBB2_2:
0x69: {  	s28 =	sadd.s32 $0x7D0, s28  }
0x6a: {  	[sflag:s23] =	ssyncadd.s32 $0xFFFFF830;
	s29 =	sadd.s32 s28, s29  }
0x6b: {  	[tilespmem:s13], [sflag:$0x1] =	stream.linear.gather [hbm4b:s29+s3], $0x7D0, $0x38;
	[tilespmem:$0x8D90] =	vst v63  }
0x6c: {  	s31 =	rddreg [dreg:$0x9];
	s29 =	sadd.s32 s28, s10  }
0x6d: {  	[tilespmem:s14], [sflag:$0x1] =	stream.linear.gather [hbm4b:s29+s3], $0x7D0, $0x38;
	[tilespmem:$0x8D90] =	vst v63  }
0x6e: {  	s1 =	rddreg [dreg:$0x8];
	s29 =	sadd.s32 s28, s31  }
0x6f: {  	[tilespmem:s15], [sflag:$0x1] =	stream.linear.gather [hbm4b:s29+s3], $0x7D0, $0x38;
	[tilespmem:$0x8D90] =	vst v63  }
0x70: {  	s1 =	sadd.s32 s28, s1;
	s31 =	rddreg [dreg:$0x7]  }
0x71: {  	[tilespmem:s16], [sflag:$0x1] =	stream.linear.gather [hbm4b:s1+s3], $0x7D0, $0x38;
	[tilespmem:$0x8D90] =	vst v63  }
0x72: {  	s29 =	rddreg [dreg:$0x6];
	s1 =	sadd.s32 s28, s31  }
0x73: {  	[tilespmem:s17], [sflag:$0x1] =	stream.linear.gather [hbm4b:s1+s3], $0x7D0, $0x38;
	[tilespmem:$0x8D90] =	vst v63  }
0x74: {  	s31 =	rddreg [dreg:$0x5];
	s1 =	sadd.s32 s28, s29  }
0x75: {  	[tilespmem:s18], [sflag:$0x1] =	stream.linear.gather [hbm4b:s1+s3], $0x7D0, $0x38;
	[tilespmem:$0x8D90] =	vst v63  }
0x76: {  	s31 =	sadd.s32 s28, s31;
	s29 =	rddreg [dreg:$0x4]  }
0x77: {  	[tilespmem:s19], [sflag:$0x1] =	stream.linear.gather [hbm4b:s31+s3], $0x7D0, $0x38;
	[tilespmem:$0x8D90] =	vst v63  }
0x78: {  	s31 =	sadd.s32 s28, s29  }
0x79: {  	[tilespmem:s20], [sflag:$0x1] =	stream.linear.gather [hbm4b:s31+s3], $0x7D0, $0x38;
	[tilespmem:$0x8D90] =	vst v63  }
0x7a: {  	_ =	swait.ge [sflag:s21], $0x7D0  }
0x7b: {  	[sflag:s21] =	ssyncset.done $0x0  }
0x7c: {  	s29 =	sshra.s32 s25, $0x2;
	[sflag:s21] =	ssyncadd.s32 $0xFFFFF830  }
0x7d: {  	[spmem:s2] =	stream.indirect.scatter.add.f32 [tilespmem:s13], [sflag:$0x2], $0x10, s29, s22, $0xb8;
	[tilespmem:$0x8D90] =	vst v63  }
0x7e: {  	_ =	swait.ge [sflag:s21], $0x7D0  }
0x7f: {  	[sflag:s21] =	ssyncset.done $0x0  }
0x80: {  	s31 =	sadd.s32 $0x80, s29;
	[sflag:s21] =	ssyncadd.s32 $0xFFFFF830  }
0x81: {  	[spmem:s2] =	stream.indirect.scatter.add.f32 [tilespmem:s14], [sflag:$0x2], $0x10, s31, s22, $0xb8;
	[tilespmem:$0x8D90] =	vst v63  }
0x82: {  	_ =	swait.ge [sflag:s21], $0x7D0  }
0x83: {  	s30 =	smov.u32 s26;
	[sflag:s21] =	ssyncset.done $0x0  }
0x84: {  	s25 =	smov.u32 s30;
	s30 =	sadd.s32 $0x100, s29;
	[sflag:s21] =	ssyncadd.s32 $0xFFFFF830  }
0x85: {  	[spmem:s2] =	stream.indirect.scatter.add.f32 [tilespmem:s15], [sflag:$0x2], $0x10, s30, s22, $0xb8;
	[tilespmem:$0x8D90] =	vst v63  }
0x86: {  	_ =	swait.ge [sflag:s21], $0x7D0  }
0x87: {  	[sflag:s21] =	ssyncset.done $0x0  }
0x88: {  	s31 =	sadd.s32 $0x180, s29;
	[sflag:s21] =	ssyncadd.s32 $0xFFFFF830  }
0x89: {  	[spmem:s2] =	stream.indirect.scatter.add.f32 [tilespmem:s16], [sflag:$0x2], $0x10, s31, s22, $0xb8;
	[tilespmem:$0x8D90] =	vst v63  }
0x8a: {  	_ =	swait.ge [sflag:s21], $0x7D0  }
0x8b: {  	[sflag:s21] =	ssyncset.done $0x0  }
0x8c: {  	s30 =	sadd.s32 $0x200, s29;
	[sflag:s21] =	ssyncadd.s32 $0xFFFFF830  }
0x8d: {  	[spmem:s2] =	stream.indirect.scatter.add.f32 [tilespmem:s17], [sflag:$0x2], $0x10, s30, s22, $0xb8;
	[tilespmem:$0x8D90] =	vst v63  }
0x8e: {  	_ =	swait.ge [sflag:s21], $0x7D0  }
0x8f: {  	[sflag:s21] =	ssyncset.done $0x0  }
0x90: {  	s31 =	sadd.s32 $0x280, s29;
	[sflag:s21] =	ssyncadd.s32 $0xFFFFF830  }
0x91: {  	[spmem:s2] =	stream.indirect.scatter.add.f32 [tilespmem:s18], [sflag:$0x2], $0x10, s31, s22, $0xb8;
	[tilespmem:$0x8D90] =	vst v63  }
0x92: {  	_ =	swait.ge [sflag:s21], $0x7D0  }
0x93: {  	[sflag:s21] =	ssyncset.done $0x0  }
0x94: {  	s30 =	sadd.s32 $0x300, s29;
	[sflag:s21] =	ssyncadd.s32 $0xFFFFF830  }
0x95: {  	[spmem:s2] =	stream.indirect.scatter.add.f32 [tilespmem:s19], [sflag:$0x2], $0x10, s30, s22, $0xb8;
	[tilespmem:$0x8D90] =	vst v63  }
0x96: {  	_ =	swait.ge [sflag:s21], $0x7D0  }
0x97: {  	[sflag:s21] =	ssyncset.done $0x0  }
0x98: {  	s31 =	sadd.s32 $0x380, s29;
	[sflag:s21] =	ssyncadd.s32 $0xFFFFF830  }
0x99: {  	[spmem:s2] =	stream.indirect.scatter.add.f32 [tilespmem:s20], [sflag:$0x2], $0x10, s31, s22, $0xb8;
	[tilespmem:$0x8D90] =	vst v63  }
0x9a: {  	_ =	swait.ge [sflag:s23], $0x7D0  }
0x9b: {  	[sflag:s23] =	ssyncset.done $0x0  }
0x9c: {  	[sflag:s23] =	ssyncadd.s32 $0xFFFFF830  }
0x9d: {  	_ =	swait.ge [sflag:s23], $0x7D0  }
0x9e: {  	[sflag:s23] =	ssyncset.done $0x0  }
0x9f: {  	[sflag:s23] =	ssyncadd.s32 $0xFFFFF830  }
0xa0: {  	_ =	swait.ge [sflag:s23], $0x7D0  }
0xa1: {  	[sflag:s23] =	ssyncset.done $0x0  }
0xa2: {  	[sflag:s23] =	ssyncadd.s32 $0xFFFFF830  }
0xa3: {  	_ =	swait.ge [sflag:s23], $0x7D0  }
0xa4: {  	[sflag:s23] =	ssyncset.done $0x0  }
0xa5: {  	[sflag:s23] =	ssyncadd.s32 $0xFFFFF830  }
0xa6: {  	_ =	swait.ge [sflag:s23], $0x7D0  }
0xa7: {  	[sflag:s23] =	ssyncset.done $0x0  }
0xa8: {  	[sflag:s23] =	ssyncadd.s32 $0xFFFFF830  }
0xa9: {  	_ =	swait.ge [sflag:s23], $0x7D0  }
0xaa: {  	[sflag:s23] =	ssyncset.done $0x0  }
0xab: {  	p0 =	sne.s32 s26, $0x9000;
	[sflag:s23] =	ssyncadd.s32 $0xFFFFF830  }
.Ltmp0:
0xac: {  	_ =	swait.ge [sflag:s23], $0x7D0;
	(pc) =	sbr.rel @p0 .LBB2_2-.Ltmp0, $4  }
0xad: {  	[sflag:s23] =	ssyncset.done $0x0  }
0xae: {  	[sflag:s23] =	ssyncadd.s32 $0xFFFFF830  }
0xaf: {  	_ =	swait.ge [sflag:s23], $0x7D0  }
0xb0: {  	s26 =	sadd.s32 $0x1000, s26;
	s29 =	rddreg [dreg:$0x3];
	[sflag:s23] =	ssyncset.done $0x0  }
0xb1: {  	s1 =	sadd.s32 $0x7D0, s28  }
0xb2: {  	[sflag:s23] =	ssyncadd.s32 $0xFFFFF830;
	s26 =	sadd.s32 s1, s29  }
0xb3: {  	[tilespmem:s13], [sflag:$0x1] =	stream.linear.gather [hbm4b:s26+s3], $0x7D0, $0x38;
	[tilespmem:$0x8D90] =	vst v63  }
0xb4: {  	s28 =	rddreg [dreg:$0x9];
	s31 =	sadd.s32 s1, s10  }
0xb5: {  	[tilespmem:s14], [sflag:$0x1] =	stream.linear.gather [hbm4b:s31+s3], $0x7D0, $0x38;
	[tilespmem:$0x8D90] =	vst v63  }
0xb6: {  	s30 =	rddreg [dreg:$0x8];
	s31 =	sadd.s32 s1, s28  }
0xb7: {  	[tilespmem:s15], [sflag:$0x1] =	stream.linear.gather [hbm4b:s31+s3], $0x7D0, $0x38;
	[tilespmem:$0x8D90] =	vst v63  }
0xb8: {  	s30 =	sadd.s32 s1, s30;
	s28 =	rddreg [dreg:$0x7]  }
0xb9: {  	[tilespmem:s16], [sflag:$0x1] =	stream.linear.gather [hbm4b:s30+s3], $0x7D0, $0x38;
	[tilespmem:$0x8D90] =	vst v63  }
0xba: {  	s31 =	rddreg [dreg:$0x6];
	s30 =	sadd.s32 s1, s28  }
0xbb: {  	[tilespmem:s17], [sflag:$0x1] =	stream.linear.gather [hbm4b:s30+s3], $0x7D0, $0x38;
	[tilespmem:$0x8D90] =	vst v63  }
0xbc: {  	s31 =	sadd.s32 s1, s31;
	s28 =	rddreg [dreg:$0x5]  }
0xbd: {  	[tilespmem:s18], [sflag:$0x1] =	stream.linear.gather [hbm4b:s31+s3], $0x7D0, $0x38;
	[tilespmem:$0x8D90] =	vst v63  }
0xbe: {  	s30 =	rddreg [dreg:$0x4];
	s31 =	sadd.s32 s1, s28  }
0xbf: {  	[tilespmem:s19], [sflag:$0x1] =	stream.linear.gather [hbm4b:s31+s3], $0x7D0, $0x38;
	[tilespmem:$0x8D90] =	vst v63  }
0xc0: {  	s1 =	sadd.s32 s1, s30  }
0xc1: {  	[tilespmem:s20], [sflag:$0x1] =	stream.linear.gather [hbm4b:s1+s3], $0x7D0, $0x38;
	[tilespmem:$0x8D90] =	vst v63  }
0xc2: {  	_ =	swait.ge [sflag:s21], $0x7D0  }
0xc3: {  	[sflag:s21] =	ssyncset.done $0x0  }
0xc4: {  	s1 =	sshra.s32 s25, $0x2;
	[sflag:s21] =	ssyncadd.s32 $0xFFFFF830  }
0xc5: {  	[spmem:s2] =	stream.indirect.scatter.add.f32 [tilespmem:s13], [sflag:$0x2], $0x10, s1, s22, $0xb8;
	[tilespmem:$0x8D90] =	vst v63  }
0xc6: {  	_ =	swait.ge [sflag:s21], $0x7D0  }
0xc7: {  	[sflag:s21] =	ssyncset.done $0x0  }
0xc8: {  	s25 =	sadd.s32 $0x80, s1;
	[sflag:s21] =	ssyncadd.s32 $0xFFFFF830  }
0xc9: {  	[spmem:s2] =	stream.indirect.scatter.add.f32 [tilespmem:s14], [sflag:$0x2], $0x10, s25, s22, $0xb8;
	[tilespmem:$0x8D90] =	vst v63  }
0xca: {  	_ =	swait.ge [sflag:s21], $0x7D0  }
0xcb: {  	[sflag:s21] =	ssyncset.done $0x0  }
0xcc: {  	s26 =	sadd.s32 $0x100, s1;
	[sflag:s21] =	ssyncadd.s32 $0xFFFFF830  }
0xcd: {  	[spmem:s2] =	stream.indirect.scatter.add.f32 [tilespmem:s15], [sflag:$0x2], $0x10, s26, s22, $0xb8;
	[tilespmem:$0x8D90] =	vst v63  }
0xce: {  	_ =	swait.ge [sflag:s21], $0x7D0  }
0xcf: {  	[sflag:s21] =	ssyncset.done $0x0  }
0xd0: {  	s28 =	sadd.s32 $0x180, s1;
	[sflag:s21] =	ssyncadd.s32 $0xFFFFF830  }
0xd1: {  	[spmem:s2] =	stream.indirect.scatter.add.f32 [tilespmem:s16], [sflag:$0x2], $0x10, s28, s22, $0xb8;
	[tilespmem:$0x8D90] =	vst v63  }
0xd2: {  	_ =	swait.ge [sflag:s21], $0x7D0  }
0xd3: {  	[sflag:s21] =	ssyncset.done $0x0  }
0xd4: {  	s29 =	sadd.s32 $0x200, s1;
	[sflag:s21] =	ssyncadd.s32 $0xFFFFF830  }
0xd5: {  	[spmem:s2] =	stream.indirect.scatter.add.f32 [tilespmem:s17], [sflag:$0x2], $0x10, s29, s22, $0xb8;
	[tilespmem:$0x8D90] =	vst v63  }
0xd6: {  	_ =	swait.ge [sflag:s21], $0x7D0  }
0xd7: {  	[sflag:s21] =	ssyncset.done $0x0  }
0xd8: {  	s30 =	sadd.s32 $0x280, s1;
	[sflag:s21] =	ssyncadd.s32 $0xFFFFF830  }
0xd9: {  	[spmem:s2] =	stream.indirect.scatter.add.f32 [tilespmem:s18], [sflag:$0x2], $0x10, s30, s22, $0xb8;
	[tilespmem:$0x8D90] =	vst v63  }
0xda: {  	_ =	swait.ge [sflag:s21], $0x7D0  }
0xdb: {  	[sflag:s21] =	ssyncset.done $0x0  }
0xdc: {  	s31 =	sadd.s32 $0x300, s1;
	[sflag:s21] =	ssyncadd.s32 $0xFFFFF830  }
0xdd: {  	[spmem:s2] =	stream.indirect.scatter.add.f32 [tilespmem:s19], [sflag:$0x2], $0x10, s31, s22, $0xb8;
	[tilespmem:$0x8D90] =	vst v63  }
0xde: {  	_ =	swait.ge [sflag:s21], $0x7D0  }
0xdf: {  	[sflag:s21] =	ssyncset.done $0x0  }
0xe0: {  	s1 =	sadd.s32 $0x380, s1;
	[sflag:s21] =	ssyncadd.s32 $0xFFFFF830  }
0xe1: {  	[spmem:s2] =	stream.indirect.scatter.add.f32 [tilespmem:s20], [sflag:$0x2], $0x10, s1, s22, $0xb8;
	[tilespmem:$0x8D90] =	vst v63  }
0xe2: {  	_ =	swait.ge [sflag:s23], $0x7D0  }
0xe3: {  	[sflag:s23] =	ssyncset.done $0x0  }
0xe4: {  	[sflag:s23] =	ssyncadd.s32 $0xFFFFF830  }
0xe5: {  	_ =	swait.ge [sflag:s23], $0x7D0  }
0xe6: {  	[sflag:s23] =	ssyncset.done $0x0  }
0xe7: {  	[sflag:s23] =	ssyncadd.s32 $0xFFFFF830  }
0xe8: {  	_ =	swait.ge [sflag:s23], $0x7D0  }
0xe9: {  	[sflag:s23] =	ssyncset.done $0x0  }
0xea: {  	[sflag:s23] =	ssyncadd.s32 $0xFFFFF830  }
0xeb: {  	_ =	swait.ge [sflag:s23], $0x7D0  }
0xec: {  	[sflag:s23] =	ssyncset.done $0x0  }
0xed: {  	[sflag:s23] =	ssyncadd.s32 $0xFFFFF830  }
0xee: {  	_ =	swait.ge [sflag:s23], $0x7D0  }
0xef: {  	[sflag:s23] =	ssyncset.done $0x0  }
0xf0: {  	[sflag:s23] =	ssyncadd.s32 $0xFFFFF830  }
0xf1: {  	_ =	swait.ge [sflag:s23], $0x7D0  }
0xf2: {  	[sflag:s23] =	ssyncset.done $0x0  }
0xf3: {  	[sflag:s23] =	ssyncadd.s32 $0xFFFFF830  }
0xf4: {  	_ =	swait.ge [sflag:s23], $0x7D0  }
0xf5: {  	[sflag:s23] =	ssyncset.done $0x0  }
0xf6: {  	[sflag:s23] =	ssyncadd.s32 $0xFFFFF830  }
0xf7: {  	_ =	swait.ge [sflag:s23], $0x7D0  }
0xf8: {  	s24 =	sadd.s32 $0x1, s24;
	[sflag:s23] =	ssyncset.done $0x0  }
0xf9: {  	p0 =	sne.s32 s24, s9;
	[sflag:s23] =	ssyncadd.s32 $0xFFFFF830  }
.Ltmp1:
0xfa: {  	[bflag:$0x0] =	sbarrier.arrive $0xFFFF;
	(pc) =	sbr.rel @p0 .LBB2_1-.Ltmp1, $4  }
0xfb: {  	[hbm:s8], [sflag:s6] =	dma.local [spmem:s11], $0x4E2  }
0xfc: {  	_ =	swait.ge [sflag:s12], $0x4E2  }
0xfd: {  	[sflag:s12] =	ssyncset.done $0x0  }
0xfe: {  	[sflag:s12] =	ssyncadd.s32 $0xFFFFFB1E  }
0xff: {  	_ =	sfence.sel $0x180000  }
0x100: {  	[bflag:$0x0] =	sbarrier.arrive $0xFFFF  }
0x101: {  	_ =	strace $0x9000004A  }
0x102: {  	[bflag:$0x2] =	sbarrier.arrive $0xFFFF  }
0x103: {  	p0 =	sne.s32 s0, $0x0;
	s0 =	rddreg [dreg:$0x2]  }
0x104: {  	s0 =	sadd.s32 @!p0 $0x100000, s0  }
0x105: {  	[sflag:s0] =	ssyncadd.tile.s32 @!p0 $0x1;
	_ =	shalt  }
.Lfunc_end2:
_tile_overlayer_lowered:
.L_overlay_start_2:
0x106: {  	(tag) =	ssettag $0x2  }
0x107: {  	s0 =	rddreg [dreg:$0x0];
	s2 =	stileid.u32  }
0x108: {  	s1 =	rddreg [dreg:$0x1];
	p0 =	sne.s32 s2, $0x0  }
0x109: {  	s3 =	rddreg [dreg:$0x2];
	[bflag:$0x3] =	sbarrier.arrive $0xFFFF;
	s2 =	simm.s32 @!p0 $0x1C03  }
0x10a: {  	[timem:s3], [sflag:s2] =	dma.local @!p0 [hbm:s0], s1  }
0x10b: {  	s0 =	simm.s32 @!p0 $0x3  }
0x10c: {  	_ =	swait.ge @!p0 [sflag:s0], s1  }
0x10d: {  	s1 =	ssub.s32 @!p0 $0x0, s1;
	[sflag:s0] =	ssyncset.done @!p0 $0x0  }
0x10e: {  	[sflag:s0] =	ssyncadd.s32 @!p0 s1  }
0x10f: {  	[bflag:$0x3] =	sbarrier.arrive $0xFFFF  }
0x110: {  	_ =	shalt  }

// kernel: kernel.16.cloned.1.call-start
scs
__scs_entry_jumppad:
0x0: {  	(pc) =	sbr.rel $0x88, $3  }
0x1: {  	(tag) =	ssettag $0x0;
	lr =	simm.s32 $0x1  }
0x2: {  	[smem:$0x3F90] =	sst lr;
	_ =	strace $0xD0000000  }
0x3: {  	_ = 	snop  }
0x4: {  	_ = 	snop  }
0x5: {  	_ = 	snop  }
0x6: {  	_ = 	snop  }
0x7: {  	_ = 	snop  }
__scs_overlays_trampoline_lowered:
0x8: {  	[smem:$0x3F9F] =	sst s0  }
0x9: {  	[smem:$0x3FA0] =	sst s1  }
0xa: {  	[smem:$0x3FA1] =	sst s2  }
0xb: {  	[smem:$0x3FA2] =	sst s3  }
0xc: {  	[smem:$0x3FA3] =	sst s4  }
0xd: {  	[smem:$0x3FA4] =	sst s5  }
0xe: {  	[smem:$0x3FA5] =	sst s6  }
0xf: {  	[smem:$0x3FA6] =	sst s7  }
0x10: {  	[smem:$0x3FA7] =	sst s8  }
0x11: {  	[smem:$0x3FA8] =	sst s9;
	s0 =	simm.s32 @!p0 $0x0  }
0x12: {  	s1 =	sld [smem:$0x3F8E];
	s0 =	simm.s32 @p0 $0x1  }
0x13: {  	[smem:$0x3FA9] =	sst s0;
	s0 =	simm.s32 @!p1 $0x0  }
0x14: {  	s2 =	sld [smem:$0x3F8D];
	s0 =	simm.s32 @p1 $0x1  }
0x15: {  	[smem:$0x3FAA] =	sst s0;
	s0 =	simm.s32 @!p2 $0x0  }
0x16: {  	s3 =	sld [smem:$0x3FDB];
	s0 =	simm.s32 @p2 $0x1  }
0x17: {  	s4 =	simm.s32 $0x1BF5;
	[smem:$0x3FAC] =	sst s0  }
0x18: {  	s0 =	sld [smem:$0x3F8F];
	_ =	swait.ge [sflag:s4], $0x0  }
0x19: {  	s7 =	sld [smem:$0x3F90]  }
0x1a: {  	s8 =	sadd.s32 $0xFFFFE003, lr  }
0x1b: {  	s9 =	sadd.s32 $0xFFFFFEF7, lr;
	s5 =	simm.s32 $0xFFFFFFFF;
	p2 =	slt.u32 s8, $0xFFFFF086  }
0x1c: {  	p1 =	slt.u32 s9, $0xF7A;
	s5 =	simm.s32 @!p2 $0x0  }
0x1d: {  	s5 =	simm.s32 @p1 $0x1;
	p0 =	seq.s32 s7, s2  }
0x1e: {  	s7 =	smul.u32 @!p0 $0xF7A, s2;
	p2 =	seq.s32 @!p0 s5, $0x0  }
0x1f: {  	s9 =	smul.u32 $0xF7A, s1;
	s8 =	simm.s32 @!p0 $0x1BF5;
	p2 =	por !p2, p0  }
0x20: {  	[sflag:s8] =	ssyncset.s32 @!p0 $0xFFFFF086;
	s6 =	sadd.s32 @!p0 s3, s7;
	s7 =	simm.s32 @!p0 $0x108  }
0x21: {  	s3 =	sadd.s32 s3, s9;
	s6 =	sadd.s32 @!p0 $0x88, s6;
	s7 =	simm.s32 @p2 $0x1082  }
0x22: {  	[simem:s7], [sflag:s8] =	dma.local @!p0 [hbm:s6], $0xF7A  }
0x23: {  	s9 =	sor.u32 $0xD0000000, s2;
	s6 =	simm.s32 $0x108;
	_ =	swait.ge @!p0 [sflag:s8], $0x0  }
0x24: {  	s3 =	sadd.s32 $0x88, s3;
	s6 =	simm.s32 @!p1 $0x1082;
	[sflag:s4] =	ssyncset.s32 $0xFFFFF086  }
0x25: {  	[simem:s6], [sflag:s4] =	dma.local [hbm:s3], $0xF7A  }
0x26: {  	[smem:$0x3F90] =	sst s1;
	(tag) =	ssettag s2;
	_ =	strace s9  }
0x27: {  	s1 =	sld [smem:$0x3FA0]  }
0x28: {  	s2 =	sld [smem:$0x3FA1]  }
0x29: {  	s4 =	sld [smem:$0x3FA3]  }
0x2a: {  	p0 =	seq.s32 s5, $0x0;
	s5 =	sld [smem:$0x3FA4]  }
0x2b: {  	s6 =	sld [smem:$0x3FA5]  }
0x2c: {  	s7 =	sld [smem:$0x3FA6]  }
0x2d: {  	s3 =	simm.s32 $0x108;
	s8 =	sld [smem:$0x3FA7]  }
0x2e: {  	s3 =	simm.s32 @!p0 $0x1082;
	s9 =	sld [smem:$0x3FA8]  }
0x2f: {  	lr =	sadd.s32 s0, s3;
	s0 =	sld [smem:$0x3F9F]  }
0x30: {  	s3 =	sld [smem:$0x3FA2]  }
0x31: {  	[smem:$0x3FAB] =	sst s10  }
0x32: {  	s10 =	sld [smem:$0x3FA9];
	_ =	sdelay $0x3  }
0x33: {  	p0 =	seq.s32 s10, $0x1;
	s10 =	sld [smem:$0x3FAB];
	_ =	sdelay $0x3  }
0x34: {  	[smem:$0x3FAB] =	sst s10  }
0x35: {  	s10 =	sld [smem:$0x3FAA];
	_ =	sdelay $0x3  }
0x36: {  	p1 =	seq.s32 s10, $0x1;
	s10 =	sld [smem:$0x3FAB];
	_ =	sdelay $0x3  }
0x37: {  	[smem:$0x3FAB] =	sst s10  }
0x38: {  	s10 =	sld [smem:$0x3FAC]  }
0x39: {  	_ = 	snop;
	(pc) =	sbr.ind lr, $3  }
0x3a: {  	_ = 	snop  }
0x3b: {  	_ = 	snop  }
0x3c: {  	p2 =	seq.s32 s10, $0x1;
	s10 =	sld [smem:$0x3FAB]  }
0x3d: {  	_ =	shalt  }
0x3e: {  	_ =	shalt  }
0x3f: {  	_ =	shalt  }
0x40: {  	_ =	shalt  }
0x41: {  	_ =	shalt  }
0x42: {  	_ =	shalt  }
0x43: {  	_ =	shalt  }
0x44: {  	_ =	shalt  }
0x45: {  	_ =	shalt  }
0x46: {  	_ =	shalt  }
0x47: {  	_ =	shalt  }
0x48: {  	_ =	shalt  }
0x49: {  	_ =	shalt  }
0x4a: {  	_ =	shalt  }
0x4b: {  	_ =	shalt  }
0x4c: {  	_ =	shalt  }
0x4d: {  	_ =	shalt  }
0x4e: {  	_ =	shalt  }
0x4f: {  	_ =	shalt  }
0x50: {  	_ =	shalt  }
0x51: {  	_ =	shalt  }
0x52: {  	_ =	shalt  }
0x53: {  	_ =	shalt  }
0x54: {  	_ =	shalt  }
0x55: {  	_ =	shalt  }
0x56: {  	_ =	shalt  }
0x57: {  	_ =	shalt  }
0x58: {  	_ =	shalt  }
0x59: {  	_ =	shalt  }
0x5a: {  	_ =	shalt  }
0x5b: {  	_ =	shalt  }
0x5c: {  	_ =	shalt  }
0x5d: {  	_ =	shalt  }
0x5e: {  	_ =	shalt  }
0x5f: {  	_ =	shalt  }
0x60: {  	_ =	shalt  }
0x61: {  	_ =	shalt  }
0x62: {  	_ =	shalt  }
0x63: {  	_ =	shalt  }
0x64: {  	_ =	shalt  }
0x65: {  	_ =	shalt  }
0x66: {  	_ =	shalt  }
0x67: {  	_ =	shalt  }
0x68: {  	_ =	shalt  }
0x69: {  	_ =	shalt  }
0x6a: {  	_ =	shalt  }
0x6b: {  	_ =	shalt  }
0x6c: {  	_ =	shalt  }
0x6d: {  	_ =	shalt  }
0x6e: {  	_ =	shalt  }
0x6f: {  	_ =	shalt  }
0x70: {  	_ =	shalt  }
0x71: {  	_ =	shalt  }
0x72: {  	_ =	shalt  }
0x73: {  	_ =	shalt  }
0x74: {  	_ =	shalt  }
0x75: {  	_ =	shalt  }
0x76: {  	_ =	shalt  }
0x77: {  	_ =	shalt  }
0x78: {  	_ =	shalt  }
0x79: {  	_ =	shalt  }
0x7a: {  	_ =	shalt  }
0x7b: {  	_ =	shalt  }
0x7c: {  	_ =	shalt  }
0x7d: {  	_ =	shalt  }
0x7e: {  	_ =	shalt  }
0x7f: {  	_ =	shalt  }
0x80: {  	_ =	shalt  }
0x81: {  	_ =	shalt  }
0x82: {  	_ =	shalt  }
0x83: {  	_ =	shalt  }
0x84: {  	_ =	shalt  }
0x85: {  	_ =	shalt  }
0x86: {  	_ =	shalt  }
0x87: {  	_ =	shalt  }
.Lfunc_end0:
.L_simem_size_0:
called_computation.2_lowered:
.L_overlay_start_0:
0x88: {  	s2 =	sld [smem:$0x3FD9]  }
0x89: {  	s3 =	sld [smem:$0x3FFE];
	_ =	sdelay $0x1  }
0x8a: {  	s1 =	srdreg.scid  }
0x8b: {  	s0 =	sand.u32 $0x1, s1  }
0x8c: {  	s16 =	sshll.u32 s0, $0xA;
	s2 =	sadd.s32 s3, s2  }
0x8d: {  	s2 =	sadd.s32 s2, s16  }
0x8e: {  	[smem:$0x3FB7] =	sst s2  }
0x8f: {  	_ = 	snop  }
0x90: {  	(tm) =	ssettm $0x1  }
0x91: {  	s17 =	sld [smem:$0x3FFB];
	_ =	sdelay $0x3  }
0x92: {  	_ =	strace s17  }
0x93: {  	s2 =	sld [smem:$0x3FFC];
	_ =	sdelay $0x3  }
0x94: {  	_ =	strace s2  }
0x95: {  	s2 =	sld [smem:$0x3FFD];
	_ =	sdelay $0x3  }
0x96: {  	_ =	strace s2  }
0x97: {  	_ =	strace $0x8FFFFFFF  }
0x98: {  	s18 =	sld [smem:$0x3FDB];
	_ =	sdelay $0x1  }
0x99: {  	s19 =	simm.s32 $_scs_section_size  }
0x9a: {  	s4 =	simm.s32 $_size__tile_overlayer_lowered;
	s5 =	simm.s32 $_tile_overlayer_lowered  }
0x9b: {  	s22 =	simm.s32 $0x1BFF;
	s21 =	sshll.u32 s5, $0x1;
	s2 =	sadd.s32 s19, s18  }
0x9c: {  	s6 =	simm.s32 $0x0;
	s20 =	sshll.u32 s4, $0x1;
	s4 =	sadd.s32 s21, s2  }
0x9d: {  	[timem:s6], [sflag:s22] =	dma.local [hbm:s4], s20  }
0x9e: {  	_ =	swait.ge [sflag:s22], s20  }
0x9f: {  	s3 =	ssub.s32 $0x0, s20;
	[sflag:s22] =	ssyncset.done $0x0  }
0xa0: {  	[sflag:s22] =	ssyncadd.s32 s3;
	_ =	sdelay $0x1  }
0xa1: {  	s23 =	simm.s32 $0x1B8B  }
0xa2: {  	_ =	swait.ge [sflag:s23], $0x1  }
0xa3: {  	[sflag:s23] =	ssyncset.done $0x0  }
0xa4: {  	s25 =	simm.s32 $0x1B8E;
	s24 =	sld [smem:$0x3FFE];
	[sflag:s23] =	ssyncadd.s32 $0xFFFFFFFF  }
0xa5: {  	s26 =	simm.s32 $execute0_lowered;
	[smem:$0x3FD2] =	sst s25  }
0xa6: {  	s4 =	sshll.u32 s26, $0x1;
	_ =	strace $0x8000004C;
	[dreg:$0x1] =	wrdreg $0xFFFFFFFF  }
0xa7: {  	s28 =	simm.s32 $_size_execute0_lowered;
	s2 =	sadd.s32 s2, s4;
	[dreg:$0x0] =	wrdreg $0x0  }
0xa8: {  	s4 =	sshll.u32 s28, $0x1;
	[dreg:$0x2] =	wrdreg s2  }
0xa9: {  	[dreg:$0x3] =	wrdreg s4  }
0xaa: {  	[dreg:$0x4] =	wrdreg $0xC0  }
0xab: {  	_ =	task [dreg:s6], $0x5FFFF  }
0xac: {  	[dreg:$0x1] =	wrdreg $0xFFFFFFFF  }
0xad: {  	[dreg:$0x0] =	wrdreg $0x60  }
0xae: {  	[dreg:$0x2] =	wrdreg s24  }
0xaf: {  	[dreg:$0x3] =	wrdreg $0x9  }
0xb0: {  	_ =	task.clear_ibuf [dreg:s6], $0x4FFFF;
	_ =	strace $0x9000004C  }
0xb1: {  	s29 =	simm.s32 $0x9;
	_ =	strace $0x8000004E  }
0xb2: {  	_ =	swait.ge [sflag:s29], $0x1  }
0xb3: {  	[sflag:s29] =	ssyncadd.s32 $0xFFFFFFFF  }
0xb4: {  	_ =	strace $0x9000004E  }
0xb5: {  	_ =	sfence  }
0xb6: {  	s30 =	sld [smem:$0x0];
	_ =	sdelay $0x2  }
0xb7: {  	s31 =	sshll.u32 s1, $0xD;
	s1 =	sshrl.u32 s1, $0x2  }
0xb8: {  	s3 =	sand.u32 $0x4000, s31;
	s1 =	sadd.s32 s1, s30  }
0xb9: {  	s0 =	sor.u32 s3, s0;
	s1 =	sshll.u32 s1, $0x11  }
0xba: {  	s0 =	sor.u32 s1, s0  }
0xbb: {  	s0 =	sadd.s32 $0x8F2B, s0  }
0xbc: {  	[sflag:s0] =	ssyncadd.remote.s32 $0x1  }
0xbd: {  	_ =	sfence.sel $0xFFFF  }
0xbe: {  	[dreg:$0x0] =	wrdreg $0xFFFFFFFF;
	(pc) =	sbr.abs _section_cstart, $3  }
0xbf: {  	[dreg:$0x1] =	wrdreg $0xFFFFFFFF  }
0xc0: {  	_ =	task.clear_ibuf [dreg:s6], $0x2FFFF;
	_ =	strace $0x9FFFFFFF  }
0xc1: {  	(tm) =	ssettm $0x7FFFFFFF  }
tec
execute0_lowered:
.L_overlay_start_1:
0x0: {  	(tag) =	ssettag $0x1  }
0x1: {  	s0 =	srdreg.scid  }
0x2: {  	s5 =	rddreg [dreg:$0x0];
	s2 =	simm.s32 $0x0;
	s11 =	simm.s32 $0x2FD0  }
0x3: {  	s12 =	simm.s32 $0x37A0;
	s13 =	simm.s32 $0x3F70;
	s14 =	simm.s32 $0x4740  }
0x4: {  	s15 =	simm.s32 $0x4F10;
	s4 =	sand.u32 $0x1, s0;
	s0 =	stileid.u32  }
0x5: {  	[smem:$0x7FF] =	sst s2;
	s9 =	sadd.s32 $0xB9600, s5;
	s7 =	smul.u32 $0x271000, s4  }
0x6: {  	s1 =	sshll.u32 s4, $0x4;
	s8 =	smul.u32 $0x27100, s0;
	s4 =	ssub.s32 $0x2, s4  }
0x7: {  	s3 =	sor.u32 s0, s1;
	s1 =	rddreg [dreg:$0x1];
	_ =	strace $0x8000004D  }
0x8: {  	s16 =	sshrl.u32 s4, $0x1;
	s6 =	smul.u32 $0x500, s3;
	s7 =	sadd.s32 s8, s7  }
0x9: {  	s3 =	sadd.s32 $0x13200, s5;
	s8 =	sshrl.u32 s7, $0x3;
	s10 =	sadd.s32 $0x36B0, s7  }
0xa: {  	s20 =	sadd.s32 $0x2EE0, s7;
	s22 =	sadd.s32 $0x2710, s7;
	s23 =	sadd.s32 $0x1F40, s7  }
0xb: {  	s28 =	sadd.s32 $0x1770, s7;
	s30 =	sadd.s32 $0xFA0, s7;
	s7 =	sadd.s32 $0x7D0, s7  }
0xc: {  	s6 =	sadd.s32 s6, s5;
	s5 =	ssub.s32 s4, s16;
	s17 =	sadd.s32 s8, s9  }
0xd: {  	s18 =	sshrl.u32 s10, $0x3;
	s21 =	sshrl.u32 s20, $0x3;
	s8 =	sshrl.u32 s22, $0x3  }
0xe: {  	s25 =	sshrl.u32 s23, $0x3;
	s29 =	sshrl.u32 s28, $0x3;
	s31 =	sshrl.u32 s30, $0x3  }
0xf: {  	s7 =	sshrl.u32 s7, $0x3;
	s10 =	simm.s32 $0x2800;
	s16 =	simm.s32 $0x56E0  }
0x10: {  	s20 =	simm.s32 $0x0;
	s4 =	sadd.s32 $0x9200, s6;
	[dreg:$0x2] =	wrdreg s17  }
0x11: {  	s19 =	sadd.s32 s18, s9;
	s6 =	sadd.s32 s21, s9;
	s24 =	sadd.s32 s8, s9  }
0x12: {  	s26 =	sadd.s32 s25, s9;
	s5 =	smax.u32 s5, $0x1;
	[dreg:$0x3] =	wrdreg s19  }
0x13: {  	s7 =	sadd.s32 s7, s9;
	s8 =	simm.s32 $0x3;
	[dreg:$0x4] =	wrdreg s6  }
0x14: {  	s17 =	simm.s32 $0x5EB0;
	s18 =	simm.s32 $0x1;
	[dreg:$0x5] =	wrdreg s24  }
0x15: {  	[dreg:$0x6] =	wrdreg s26;
	s6 =	sadd.s32 s29, s9;
	s19 =	simm.s32 $0x2  }
0x16: {  	[dreg:$0x7] =	wrdreg s6;
	s6 =	sadd.s32 s31, s9;
	s9 =	simm.s32 $0x7D  }
.LBB2_1:
0x17: {  	[tilespmem:s2], [sflag:$0x3] =	stream.linear.gather [hbm4b:s4+s2], $0x2800, $0x38;
	[tilespmem:$0x6680] =	vst v63  }
0x18: {  	_ =	swait.ge [sflag:s8], $0x2800  }
0x19: {  	[sflag:s8] =	ssyncset.done $0x0  }
0x1a: {  	[sflag:s8] =	ssyncadd.s32 $0xFFFFD800  }
0x1b: {  	[tilespmem:s10], [sflag:$0x1] =	stream.indirect.gather [hbm4b:s3+s9], $0x10, s2, s9, $0xb8;
	[tilespmem:$0x6680] =	vst v63  }
0x1c: {  	s21 =	simm.s32 $0x80  }
0x1d: {  	[tilespmem:s11], [sflag:$0x1] =	stream.indirect.gather [hbm4b:s3+s9], $0x10, s21, s9, $0xb8;
	[tilespmem:$0x6680] =	vst v63  }
0x1e: {  	s26 =	simm.s32 $0x100  }
0x1f: {  	[tilespmem:s12], [sflag:$0x1] =	stream.indirect.gather [hbm4b:s3+s9], $0x10, s26, s9, $0xb8;
	[tilespmem:$0x6680] =	vst v63  }
0x20: {  	s28 =	simm.s32 $0x180  }
0x21: {  	[tilespmem:s13], [sflag:$0x1] =	stream.indirect.gather [hbm4b:s3+s9], $0x10, s28, s9, $0xb8;
	[tilespmem:$0x6680] =	vst v63  }
0x22: {  	s29 =	simm.s32 $0x200  }
0x23: {  	[tilespmem:s14], [sflag:$0x1] =	stream.indirect.gather [hbm4b:s3+s9], $0x10, s29, s9, $0xb8;
	[tilespmem:$0x6680] =	vst v63  }
0x24: {  	s30 =	simm.s32 $0x280  }
0x25: {  	[tilespmem:s15], [sflag:$0x1] =	stream.indirect.gather [hbm4b:s3+s9], $0x10, s30, s9, $0xb8;
	[tilespmem:$0x6680] =	vst v63  }
0x26: {  	s31 =	simm.s32 $0x300  }
0x27: {  	[tilespmem:s16], [sflag:$0x1] =	stream.indirect.gather [hbm4b:s3+s9], $0x10, s31, s9, $0xb8;
	[tilespmem:$0x6680] =	vst v63  }
0x28: {  	s22 =	simm.s32 $0x380  }
0x29: {  	[tilespmem:s17], [sflag:$0x1] =	stream.indirect.gather [hbm4b:s3+s9], $0x10, s22, s9, $0xb8;
	[tilespmem:$0x6680] =	vst v63  }
0x2a: {  	_ =	swait.ge [sflag:s18], $0x7D0  }
0x2b: {  	s23 =	rddreg [dreg:$0x2];
	[sflag:s18] =	ssyncset.done $0x0  }
0x2c: {  	[sflag:s18] =	ssyncadd.s32 $0xFFFFF830;
	s21 =	sadd.s32 $0x0, s23  }
0x2d: {  	[hbm4b:s21+s2] =	stream.linear.scatter [tilespmem:s10], [sflag:$0x2], $0x7D0, $0x38;
	[tilespmem:$0x6680] =	vst v63  }
0x2e: {  	_ =	swait.ge [sflag:s18], $0x7D0  }
0x2f: {  	[sflag:s18] =	ssyncset.done $0x0  }
0x30: {  	s24 =	sadd.s32 $0x0, s7;
	[sflag:s18] =	ssyncadd.s32 $0xFFFFF830  }
0x31: {  	[hbm4b:s24+s2] =	stream.linear.scatter [tilespmem:s11], [sflag:$0x2], $0x7D0, $0x38;
	[tilespmem:$0x6680] =	vst v63  }
0x32: {  	_ =	swait.ge [sflag:s18], $0x7D0  }
0x33: {  	[sflag:s18] =	ssyncset.done $0x0  }
0x34: {  	s25 =	sadd.s32 $0x0, s6;
	[sflag:s18] =	ssyncadd.s32 $0xFFFFF830  }
0x35: {  	[hbm4b:s25+s2] =	stream.linear.scatter [tilespmem:s12], [sflag:$0x2], $0x7D0, $0x38;
	[tilespmem:$0x6680] =	vst v63  }
0x36: {  	_ =	swait.ge [sflag:s18], $0x7D0  }
0x37: {  	s26 =	rddreg [dreg:$0x7];
	[sflag:s18] =	ssyncset.done $0x0  }
0x38: {  	[sflag:s18] =	ssyncadd.s32 $0xFFFFF830;
	s21 =	sadd.s32 $0x0, s26  }
0x39: {  	[hbm4b:s21+s2] =	stream.linear.scatter [tilespmem:s13], [sflag:$0x2], $0x7D0, $0x38;
	[tilespmem:$0x6680] =	vst v63  }
0x3a: {  	_ =	swait.ge [sflag:s18], $0x7D0  }
0x3b: {  	s28 =	rddreg [dreg:$0x6];
	[sflag:s18] =	ssyncset.done $0x0  }
0x3c: {  	[sflag:s18] =	ssyncadd.s32 $0xFFFFF830;
	s21 =	sadd.s32 $0x0, s28  }
0x3d: {  	[hbm4b:s21+s2] =	stream.linear.scatter [tilespmem:s14], [sflag:$0x2], $0x7D0, $0x38;
	[tilespmem:$0x6680] =	vst v63  }
0x3e: {  	_ =	swait.ge [sflag:s18], $0x7D0  }
0x3f: {  	s29 =	rddreg [dreg:$0x5];
	[sflag:s18] =	ssyncset.done $0x0  }
0x40: {  	[sflag:s18] =	ssyncadd.s32 $0xFFFFF830;
	s21 =	sadd.s32 $0x0, s29  }
0x41: {  	[hbm4b:s21+s2] =	stream.linear.scatter [tilespmem:s15], [sflag:$0x2], $0x7D0, $0x38;
	[tilespmem:$0x6680] =	vst v63  }
0x42: {  	_ =	swait.ge [sflag:s18], $0x7D0  }
0x43: {  	s30 =	rddreg [dreg:$0x4];
	[sflag:s18] =	ssyncset.done $0x0  }
0x44: {  	[sflag:s18] =	ssyncadd.s32 $0xFFFFF830;
	s21 =	sadd.s32 $0x0, s30  }
0x45: {  	[hbm4b:s21+s2] =	stream.linear.scatter [tilespmem:s16], [sflag:$0x2], $0x7D0, $0x38;
	[tilespmem:$0x6680] =	vst v63  }
0x46: {  	_ =	swait.ge [sflag:s18], $0x7D0  }
0x47: {  	s31 =	rddreg [dreg:$0x3];
	[sflag:s18] =	ssyncset.done $0x0  }
0x48: {  	[sflag:s18] =	ssyncadd.s32 $0xFFFFF830;
	s21 =	sadd.s32 $0x0, s31  }
0x49: {  	[hbm4b:s21+s2] =	stream.linear.scatter [tilespmem:s17], [sflag:$0x2], $0x7D0, $0x38;
	[tilespmem:$0x6680] =	vst v63  }
0x4a: {  	_ =	swait.ge [sflag:s19], $0x7D0  }
0x4b: {  	[sflag:s19] =	ssyncset.done $0x0  }
0x4c: {  	[sflag:s19] =	ssyncadd.s32 $0xFFFFF830  }
0x4d: {  	_ =	swait.ge [sflag:s19], $0x7D0  }
0x4e: {  	[sflag:s19] =	ssyncset.done $0x0  }
0x4f: {  	[sflag:s19] =	ssyncadd.s32 $0xFFFFF830  }
0x50: {  	_ =	swait.ge [sflag:s19], $0x7D0  }
0x51: {  	[sflag:s19] =	ssyncset.done $0x0  }
0x52: {  	[sflag:s19] =	ssyncadd.s32 $0xFFFFF830  }
0x53: {  	_ =	swait.ge [sflag:s19], $0x7D0  }
0x54: {  	[sflag:s19] =	ssyncset.done $0x0  }
0x55: {  	[sflag:s19] =	ssyncadd.s32 $0xFFFFF830  }
0x56: {  	_ =	swait.ge [sflag:s19], $0x7D0  }
0x57: {  	[sflag:s19] =	ssyncset.done $0x0  }
0x58: {  	[sflag:s19] =	ssyncadd.s32 $0xFFFFF830  }
0x59: {  	_ =	swait.ge [sflag:s19], $0x7D0  }
0x5a: {  	[sflag:s19] =	ssyncset.done $0x0  }
0x5b: {  	[sflag:s19] =	ssyncadd.s32 $0xFFFFF830  }
0x5c: {  	_ =	swait.ge [sflag:s19], $0x7D0  }
0x5d: {  	[sflag:s19] =	ssyncset.done $0x0  }
0x5e: {  	[sflag:s19] =	ssyncadd.s32 $0xFFFFF830  }
0x5f: {  	_ =	swait.ge [sflag:s19], $0x7D0  }
0x60: {  	s22 =	simm.s32 $0x0;
	s21 =	simm.s32 $0x7D0;
	[sflag:s19] =	ssyncset.done $0x0  }
.LBB2_2:
0x61: {  	[sflag:s19] =	ssyncadd.s32 $0xFFFFF830;
	s22 =	sadd.s32 $0x400, s22  }
0x62: {  	[tilespmem:s10], [sflag:$0x1] =	stream.indirect.gather [hbm4b:s3+s9], $0x10, s22, s9, $0xb8;
	[tilespmem:$0x6680] =	vst v63  }
0x63: {  	s24 =	sadd.s32 $0x80, s22  }
0x64: {  	[tilespmem:s11], [sflag:$0x1] =	stream.indirect.gather [hbm4b:s3+s9], $0x10, s24, s9, $0xb8;
	[tilespmem:$0x6680] =	vst v63  }
0x65: {  	s30 =	sadd.s32 $0x100, s22  }
0x66: {  	[tilespmem:s12], [sflag:$0x1] =	stream.indirect.gather [hbm4b:s3+s9], $0x10, s30, s9, $0xb8;
	[tilespmem:$0x6680] =	vst v63  }
0x67: {  	s31 =	sadd.s32 $0x180, s22  }
0x68: {  	[tilespmem:s13], [sflag:$0x1] =	stream.indirect.gather [hbm4b:s3+s9], $0x10, s31, s9, $0xb8;
	[tilespmem:$0x6680] =	vst v63  }
0x69: {  	s25 =	sadd.s32 $0x200, s22  }
0x6a: {  	[tilespmem:s14], [sflag:$0x1] =	stream.indirect.gather [hbm4b:s3+s9], $0x10, s25, s9, $0xb8;
	[tilespmem:$0x6680] =	vst v63  }
0x6b: {  	s26 =	sadd.s32 $0x280, s22  }
0x6c: {  	[tilespmem:s15], [sflag:$0x1] =	stream.indirect.gather [hbm4b:s3+s9], $0x10, s26, s9, $0xb8;
	[tilespmem:$0x6680] =	vst v63  }
0x6d: {  	s28 =	sadd.s32 $0x300, s22  }
0x6e: {  	[tilespmem:s16], [sflag:$0x1] =	stream.indirect.gather [hbm4b:s3+s9], $0x10, s28, s9, $0xb8;
	[tilespmem:$0x6680] =	vst v63  }
0x6f: {  	s29 =	sadd.s32 $0x380, s22  }
0x70: {  	[tilespmem:s17], [sflag:$0x1] =	stream.indirect.gather [hbm4b:s3+s9], $0x10, s29, s9, $0xb8;
	[tilespmem:$0x6680] =	vst v63  }
0x71: {  	_ =	swait.ge [sflag:s18], $0x7D0  }
0x72: {  	s23 =	smov.u32 s21;
	s30 =	rddreg [dreg:$0x2];
	[sflag:s18] =	ssyncset.done $0x0  }
0x73: {  	[sflag:s18] =	ssyncadd.s32 $0xFFFFF830;
	s24 =	sadd.s32 s23, s30  }
0x74: {  	[hbm4b:s24+s2] =	stream.linear.scatter [tilespmem:s10], [sflag:$0x2], $0x7D0, $0x38;
	[tilespmem:$0x6680] =	vst v63  }
0x75: {  	_ =	swait.ge [sflag:s18], $0x7D0  }
0x76: {  	[sflag:s18] =	ssyncset.done $0x0  }
0x77: {  	s31 =	sadd.s32 s23, s7;
	[sflag:s18] =	ssyncadd.s32 $0xFFFFF830  }
0x78: {  	[hbm4b:s31+s2] =	stream.linear.scatter [tilespmem:s11], [sflag:$0x2], $0x7D0, $0x38;
	[tilespmem:$0x6680] =	vst v63  }
0x79: {  	_ =	swait.ge [sflag:s18], $0x7D0  }
0x7a: {  	[sflag:s18] =	ssyncset.done $0x0  }
0x7b: {  	s25 =	sadd.s32 s23, s6;
	[sflag:s18] =	ssyncadd.s32 $0xFFFFF830  }
0x7c: {  	[hbm4b:s25+s2] =	stream.linear.scatter [tilespmem:s12], [sflag:$0x2], $0x7D0, $0x38;
	[tilespmem:$0x6680] =	vst v63  }
0x7d: {  	_ =	swait.ge [sflag:s18], $0x7D0  }
0x7e: {  	s26 =	rddreg [dreg:$0x7];
	[sflag:s18] =	ssyncset.done $0x0  }
0x7f: {  	[sflag:s18] =	ssyncadd.s32 $0xFFFFF830;
	s24 =	sadd.s32 s23, s26  }
0x80: {  	[hbm4b:s24+s2] =	stream.linear.scatter [tilespmem:s13], [sflag:$0x2], $0x7D0, $0x38;
	[tilespmem:$0x6680] =	vst v63  }
0x81: {  	_ =	swait.ge [sflag:s18], $0x7D0  }
0x82: {  	s28 =	rddreg [dreg:$0x6];
	[sflag:s18] =	ssyncset.done $0x0  }
0x83: {  	[sflag:s18] =	ssyncadd.s32 $0xFFFFF830;
	s24 =	sadd.s32 s23, s28  }
0x84: {  	[hbm4b:s24+s2] =	stream.linear.scatter [tilespmem:s14], [sflag:$0x2], $0x7D0, $0x38;
	[tilespmem:$0x6680] =	vst v63  }
0x85: {  	_ =	swait.ge [sflag:s18], $0x7D0  }
0x86: {  	s29 =	rddreg [dreg:$0x5];
	[sflag:s18] =	ssyncset.done $0x0  }
0x87: {  	[sflag:s18] =	ssyncadd.s32 $0xFFFFF830;
	s24 =	sadd.s32 s23, s29  }
0x88: {  	[hbm4b:s24+s2] =	stream.linear.scatter [tilespmem:s15], [sflag:$0x2], $0x7D0, $0x38;
	[tilespmem:$0x6680] =	vst v63  }
0x89: {  	_ =	swait.ge [sflag:s18], $0x7D0  }
0x8a: {  	s30 =	rddreg [dreg:$0x4];
	[sflag:s18] =	ssyncset.done $0x0  }
0x8b: {  	[sflag:s18] =	ssyncadd.s32 $0xFFFFF830;
	s24 =	sadd.s32 s23, s30  }
0x8c: {  	[hbm4b:s24+s2] =	stream.linear.scatter [tilespmem:s16], [sflag:$0x2], $0x7D0, $0x38;
	[tilespmem:$0x6680] =	vst v63  }
0x8d: {  	_ =	swait.ge [sflag:s18], $0x7D0  }
0x8e: {  	s31 =	rddreg [dreg:$0x3];
	[sflag:s18] =	ssyncset.done $0x0  }
0x8f: {  	[sflag:s18] =	ssyncadd.s32 $0xFFFFF830;
	s23 =	sadd.s32 s23, s31  }
0x90: {  	[hbm4b:s23+s2] =	stream.linear.scatter [tilespmem:s17], [sflag:$0x2], $0x7D0, $0x38;
	[tilespmem:$0x6680] =	vst v63  }
0x91: {  	_ =	swait.ge [sflag:s19], $0x7D0  }
0x92: {  	[sflag:s19] =	ssyncset.done $0x0  }
0x93: {  	[sflag:s19] =	ssyncadd.s32 $0xFFFFF830  }
0x94: {  	_ =	swait.ge [sflag:s19], $0x7D0  }
0x95: {  	[sflag:s19] =	ssyncset.done $0x0  }
0x96: {  	[sflag:s19] =	ssyncadd.s32 $0xFFFFF830  }
0x97: {  	_ =	swait.ge [sflag:s19], $0x7D0  }
0x98: {  	[sflag:s19] =	ssyncset.done $0x0  }
0x99: {  	[sflag:s19] =	ssyncadd.s32 $0xFFFFF830  }
0x9a: {  	_ =	swait.ge [sflag:s19], $0x7D0  }
0x9b: {  	[sflag:s19] =	ssyncset.done $0x0  }
0x9c: {  	[sflag:s19] =	ssyncadd.s32 $0xFFFFF830  }
0x9d: {  	_ =	swait.ge [sflag:s19], $0x7D0  }
0x9e: {  	[sflag:s19] =	ssyncset.done $0x0  }
0x9f: {  	[sflag:s19] =	ssyncadd.s32 $0xFFFFF830  }
0xa0: {  	_ =	swait.ge [sflag:s19], $0x7D0  }
0xa1: {  	[sflag:s19] =	ssyncset.done $0x0  }
0xa2: {  	p0 =	sne.s32 s21, $0x4650;
	[sflag:s19] =	ssyncadd.s32 $0xFFFFF830  }
.Ltmp0:
0xa3: {  	_ =	swait.ge [sflag:s19], $0x7D0;
	(pc) =	sbr.rel @p0 .LBB2_2-.Ltmp0, $4  }
0xa4: {  	[sflag:s19] =	ssyncset.done $0x0  }
0xa5: {  	[sflag:s19] =	ssyncadd.s32 $0xFFFFF830  }
0xa6: {  	_ =	swait.ge [sflag:s19], $0x7D0  }
0xa7: {  	s21 =	sadd.s32 $0x7D0, s21;
	[sflag:s19] =	ssyncset.done $0x0  }
0xa8: {  	s20 =	sadd.s32 $0x1, s20  }
0xa9: {  	p0 =	sne.s32 s20, s5  }
.Ltmp1:
0xaa: {  	_ = 	snop;
	(pc) =	sbr.rel @p0 .LBB2_1-.Ltmp1, $2  }
0xab: {  	_ =	sdelay $0x2  }
0xac: {  	[sflag:s19] =	ssyncadd.s32 $0xFFFFF830  }
0xad: {  	_ =	sfence.sel $0x180000  }
0xae: {  	[bflag:$0x0] =	sbarrier.arrive $0xFFFF  }
0xaf: {  	p0 =	sne.s32 s0, $0x0;
	_ =	strace $0x9000004D  }
0xb0: {  	s0 =	sadd.s32 @!p0 $0x100000, s1;
	[bflag:$0x2] =	sbarrier.arrive $0xFFFF  }
0xb1: {  	[sflag:s0] =	ssyncadd.tile.s32 @!p0 $0x1;
	_ =	shalt  }
.Lfunc_end2:
_tile_overlayer_lowered:
.L_overlay_start_2:
0xb2: {  	(tag) =	ssettag $0x2  }
0xb3: {  	s0 =	rddreg [dreg:$0x0];
	s2 =	stileid.u32  }
0xb4: {  	s1 =	rddreg [dreg:$0x1];
	p0 =	sne.s32 s2, $0x0  }
0xb5: {  	s3 =	rddreg [dreg:$0x2];
	[bflag:$0x3] =	sbarrier.arrive $0xFFFF;
	s2 =	simm.s32 @!p0 $0x1C03  }
0xb6: {  	[timem:s3], [sflag:s2] =	dma.local @!p0 [hbm:s0], s1  }
0xb7: {  	s0 =	simm.s32 @!p0 $0x3  }
0xb8: {  	_ =	swait.ge @!p0 [sflag:s0], s1  }
0xb9: {  	s1 =	ssub.s32 @!p0 $0x0, s1;
	[sflag:s0] =	ssyncset.done @!p0 $0x0  }
0xba: {  	[sflag:s0] =	ssyncadd.s32 @!p0 s1  }
0xbb: {  	[bflag:$0x3] =	sbarrier.arrive $0xFFFF  }
0xbc: {  	_ =	shalt  }

// kernel: kernel.19.cloned.1.call-start
scs
__scs_entry_jumppad:
0x0: {  	(pc) =	sbr.rel $0x88, $3  }
0x1: {  	(tag) =	ssettag $0x0;
	lr =	simm.s32 $0x1  }
0x2: {  	[smem:$0x3F90] =	sst lr;
	_ =	strace $0xD0000000  }
0x3: {  	_ = 	snop  }
0x4: {  	_ = 	snop  }
0x5: {  	_ = 	snop  }
0x6: {  	_ = 	snop  }
0x7: {  	_ = 	snop  }
__scs_overlays_trampoline_lowered:
0x8: {  	[smem:$0x3F9F] =	sst s0  }
0x9: {  	[smem:$0x3FA0] =	sst s1  }
0xa: {  	[smem:$0x3FA1] =	sst s2  }
0xb: {  	[smem:$0x3FA2] =	sst s3  }
0xc: {  	[smem:$0x3FA3] =	sst s4  }
0xd: {  	[smem:$0x3FA4] =	sst s5  }
0xe: {  	[smem:$0x3FA5] =	sst s6  }
0xf: {  	[smem:$0x3FA6] =	sst s7  }
0x10: {  	[smem:$0x3FA7] =	sst s8  }
0x11: {  	[smem:$0x3FA8] =	sst s9;
	s0 =	simm.s32 @!p0 $0x0  }
0x12: {  	s1 =	sld [smem:$0x3F8E];
	s0 =	simm.s32 @p0 $0x1  }
0x13: {  	[smem:$0x3FA9] =	sst s0;
	s0 =	simm.s32 @!p1 $0x0  }
0x14: {  	s2 =	sld [smem:$0x3F8D];
	s0 =	simm.s32 @p1 $0x1  }
0x15: {  	[smem:$0x3FAA] =	sst s0;
	s0 =	simm.s32 @!p2 $0x0  }
0x16: {  	s3 =	sld [smem:$0x3FDB];
	s0 =	simm.s32 @p2 $0x1  }
0x17: {  	s4 =	simm.s32 $0x1BF5;
	[smem:$0x3FAC] =	sst s0  }
0x18: {  	s0 =	sld [smem:$0x3F8F];
	_ =	swait.ge [sflag:s4], $0x0  }
0x19: {  	s7 =	sld [smem:$0x3F90]  }
0x1a: {  	s8 =	sadd.s32 $0xFFFFE003, lr  }
0x1b: {  	s9 =	sadd.s32 $0xFFFFFEF7, lr;
	s5 =	simm.s32 $0xFFFFFFFF;
	p2 =	slt.u32 s8, $0xFFFFF086  }
0x1c: {  	p1 =	slt.u32 s9, $0xF7A;
	s5 =	simm.s32 @!p2 $0x0  }
0x1d: {  	s5 =	simm.s32 @p1 $0x1;
	p0 =	seq.s32 s7, s2  }
0x1e: {  	s7 =	smul.u32 @!p0 $0xF7A, s2;
	p2 =	seq.s32 @!p0 s5, $0x0  }
0x1f: {  	s9 =	smul.u32 $0xF7A, s1;
	s8 =	simm.s32 @!p0 $0x1BF5;
	p2 =	por !p2, p0  }
0x20: {  	[sflag:s8] =	ssyncset.s32 @!p0 $0xFFFFF086;
	s6 =	sadd.s32 @!p0 s3, s7;
	s7 =	simm.s32 @!p0 $0x108  }
0x21: {  	s3 =	sadd.s32 s3, s9;
	s6 =	sadd.s32 @!p0 $0x88, s6;
	s7 =	simm.s32 @p2 $0x1082  }
0x22: {  	[simem:s7], [sflag:s8] =	dma.local @!p0 [hbm:s6], $0xF7A  }
0x23: {  	s9 =	sor.u32 $0xD0000000, s2;
	s6 =	simm.s32 $0x108;
	_ =	swait.ge @!p0 [sflag:s8], $0x0  }
0x24: {  	s3 =	sadd.s32 $0x88, s3;
	s6 =	simm.s32 @!p1 $0x1082;
	[sflag:s4] =	ssyncset.s32 $0xFFFFF086  }
0x25: {  	[simem:s6], [sflag:s4] =	dma.local [hbm:s3], $0xF7A  }
0x26: {  	[smem:$0x3F90] =	sst s1;
	(tag) =	ssettag s2;
	_ =	strace s9  }
0x27: {  	s1 =	sld [smem:$0x3FA0]  }
0x28: {  	s2 =	sld [smem:$0x3FA1]  }
0x29: {  	s4 =	sld [smem:$0x3FA3]  }
0x2a: {  	p0 =	seq.s32 s5, $0x0;
	s5 =	sld [smem:$0x3FA4]  }
0x2b: {  	s6 =	sld [smem:$0x3FA5]  }
0x2c: {  	s7 =	sld [smem:$0x3FA6]  }
0x2d: {  	s3 =	simm.s32 $0x108;
	s8 =	sld [smem:$0x3FA7]  }
0x2e: {  	s3 =	simm.s32 @!p0 $0x1082;
	s9 =	sld [smem:$0x3FA8]  }
0x2f: {  	lr =	sadd.s32 s0, s3;
	s0 =	sld [smem:$0x3F9F]  }
0x30: {  	s3 =	sld [smem:$0x3FA2]  }
0x31: {  	[smem:$0x3FAB] =	sst s10  }
0x32: {  	s10 =	sld [smem:$0x3FA9];
	_ =	sdelay $0x3  }
0x33: {  	p0 =	seq.s32 s10, $0x1;
	s10 =	sld [smem:$0x3FAB];
	_ =	sdelay $0x3  }
0x34: {  	[smem:$0x3FAB] =	sst s10  }
0x35: {  	s10 =	sld [smem:$0x3FAA];
	_ =	sdelay $0x3  }
0x36: {  	p1 =	seq.s32 s10, $0x1;
	s10 =	sld [smem:$0x3FAB];
	_ =	sdelay $0x3  }
0x37: {  	[smem:$0x3FAB] =	sst s10  }
0x38: {  	s10 =	sld [smem:$0x3FAC]  }
0x39: {  	_ = 	snop;
	(pc) =	sbr.ind lr, $3  }
0x3a: {  	_ = 	snop  }
0x3b: {  	_ = 	snop  }
0x3c: {  	p2 =	seq.s32 s10, $0x1;
	s10 =	sld [smem:$0x3FAB]  }
0x3d: {  	_ =	shalt  }
0x3e: {  	_ =	shalt  }
0x3f: {  	_ =	shalt  }
0x40: {  	_ =	shalt  }
0x41: {  	_ =	shalt  }
0x42: {  	_ =	shalt  }
0x43: {  	_ =	shalt  }
0x44: {  	_ =	shalt  }
0x45: {  	_ =	shalt  }
0x46: {  	_ =	shalt  }
0x47: {  	_ =	shalt  }
0x48: {  	_ =	shalt  }
0x49: {  	_ =	shalt  }
0x4a: {  	_ =	shalt  }
0x4b: {  	_ =	shalt  }
0x4c: {  	_ =	shalt  }
0x4d: {  	_ =	shalt  }
0x4e: {  	_ =	shalt  }
0x4f: {  	_ =	shalt  }
0x50: {  	_ =	shalt  }
0x51: {  	_ =	shalt  }
0x52: {  	_ =	shalt  }
0x53: {  	_ =	shalt  }
0x54: {  	_ =	shalt  }
0x55: {  	_ =	shalt  }
0x56: {  	_ =	shalt  }
0x57: {  	_ =	shalt  }
0x58: {  	_ =	shalt  }
0x59: {  	_ =	shalt  }
0x5a: {  	_ =	shalt  }
0x5b: {  	_ =	shalt  }
0x5c: {  	_ =	shalt  }
0x5d: {  	_ =	shalt  }
0x5e: {  	_ =	shalt  }
0x5f: {  	_ =	shalt  }
0x60: {  	_ =	shalt  }
0x61: {  	_ =	shalt  }
0x62: {  	_ =	shalt  }
0x63: {  	_ =	shalt  }
0x64: {  	_ =	shalt  }
0x65: {  	_ =	shalt  }
0x66: {  	_ =	shalt  }
0x67: {  	_ =	shalt  }
0x68: {  	_ =	shalt  }
0x69: {  	_ =	shalt  }
0x6a: {  	_ =	shalt  }
0x6b: {  	_ =	shalt  }
0x6c: {  	_ =	shalt  }
0x6d: {  	_ =	shalt  }
0x6e: {  	_ =	shalt  }
0x6f: {  	_ =	shalt  }
0x70: {  	_ =	shalt  }
0x71: {  	_ =	shalt  }
0x72: {  	_ =	shalt  }
0x73: {  	_ =	shalt  }
0x74: {  	_ =	shalt  }
0x75: {  	_ =	shalt  }
0x76: {  	_ =	shalt  }
0x77: {  	_ =	shalt  }
0x78: {  	_ =	shalt  }
0x79: {  	_ =	shalt  }
0x7a: {  	_ =	shalt  }
0x7b: {  	_ =	shalt  }
0x7c: {  	_ =	shalt  }
0x7d: {  	_ =	shalt  }
0x7e: {  	_ =	shalt  }
0x7f: {  	_ =	shalt  }
0x80: {  	_ =	shalt  }
0x81: {  	_ =	shalt  }
0x82: {  	_ =	shalt  }
0x83: {  	_ =	shalt  }
0x84: {  	_ =	shalt  }
0x85: {  	_ =	shalt  }
0x86: {  	_ =	shalt  }
0x87: {  	_ =	shalt  }
.Lfunc_end0:
.L_simem_size_0:
called_computation.3_lowered:
.L_overlay_start_0:
0x88: {  	s2 =	sld [smem:$0x3FD9]  }
0x89: {  	s3 =	sld [smem:$0x3FFE];
	_ =	sdelay $0x1  }
0x8a: {  	s1 =	srdreg.scid  }
0x8b: {  	s0 =	sand.u32 $0x1, s1  }
0x8c: {  	s16 =	sshll.u32 s0, $0xA;
	s2 =	sadd.s32 s3, s2  }
0x8d: {  	s2 =	sadd.s32 s2, s16  }
0x8e: {  	[smem:$0x3FB7] =	sst s2  }
0x8f: {  	_ = 	snop  }
0x90: {  	(tm) =	ssettm $0x1  }
0x91: {  	s17 =	sld [smem:$0x3FFB];
	_ =	sdelay $0x3  }
0x92: {  	_ =	strace s17  }
0x93: {  	s2 =	sld [smem:$0x3FFC];
	_ =	sdelay $0x3  }
0x94: {  	_ =	strace s2  }
0x95: {  	s2 =	sld [smem:$0x3FFD];
	_ =	sdelay $0x3  }
0x96: {  	_ =	strace s2  }
0x97: {  	_ =	strace $0x8FFFFFFF  }
0x98: {  	s18 =	sld [smem:$0x3FDB];
	_ =	sdelay $0x1  }
0x99: {  	s19 =	simm.s32 $_scs_section_size  }
0x9a: {  	s4 =	simm.s32 $_size__tile_overlayer_lowered;
	s5 =	simm.s32 $_tile_overlayer_lowered  }
0x9b: {  	s22 =	simm.s32 $0x1BFF;
	s21 =	sshll.u32 s5, $0x1;
	s2 =	sadd.s32 s19, s18  }
0x9c: {  	s6 =	simm.s32 $0x0;
	s20 =	sshll.u32 s4, $0x1;
	s4 =	sadd.s32 s21, s2  }
0x9d: {  	[timem:s6], [sflag:s22] =	dma.local [hbm:s4], s20  }
0x9e: {  	_ =	swait.ge [sflag:s22], s20  }
0x9f: {  	s3 =	ssub.s32 $0x0, s20;
	[sflag:s22] =	ssyncset.done $0x0  }
0xa0: {  	[sflag:s22] =	ssyncadd.s32 s3;
	_ =	sdelay $0x1  }
0xa1: {  	s23 =	simm.s32 $0x1B8B  }
0xa2: {  	_ =	swait.ge [sflag:s23], $0x1  }
0xa3: {  	[sflag:s23] =	ssyncset.done $0x0  }
0xa4: {  	s25 =	simm.s32 $0x1B8E;
	s24 =	sld [smem:$0x3FFE];
	[sflag:s23] =	ssyncadd.s32 $0xFFFFFFFF  }
0xa5: {  	s26 =	simm.s32 $execute0_lowered;
	[smem:$0x3FD2] =	sst s25  }
0xa6: {  	s4 =	sshll.u32 s26, $0x1;
	_ =	strace $0x8000004F;
	[dreg:$0x1] =	wrdreg $0xFFFFFFFF  }
0xa7: {  	s28 =	simm.s32 $_size_execute0_lowered;
	s2 =	sadd.s32 s2, s4;
	[dreg:$0x0] =	wrdreg $0x0  }
0xa8: {  	s4 =	sshll.u32 s28, $0x1;
	[dreg:$0x2] =	wrdreg s2  }
0xa9: {  	[dreg:$0x3] =	wrdreg s4  }
0xaa: {  	[dreg:$0x4] =	wrdreg $0xC0  }
0xab: {  	_ =	task [dreg:s6], $0x5FFFF  }
0xac: {  	[dreg:$0x1] =	wrdreg $0xFFFFFFFF  }
0xad: {  	[dreg:$0x0] =	wrdreg $0x60  }
0xae: {  	[dreg:$0x2] =	wrdreg s24  }
0xaf: {  	[dreg:$0x3] =	wrdreg $0x66800  }
0xb0: {  	[dreg:$0x4] =	wrdreg $0x9  }
0xb1: {  	_ =	task.clear_ibuf [dreg:s6], $0x5FFFF;
	_ =	strace $0x9000004F  }
0xb2: {  	s29 =	simm.s32 $0x9;
	_ =	strace $0x80000051  }
0xb3: {  	_ =	swait.ge [sflag:s29], $0x1  }
0xb4: {  	[sflag:s29] =	ssyncadd.s32 $0xFFFFFFFF  }
0xb5: {  	_ =	strace $0x90000051  }
0xb6: {  	_ =	sfence  }
0xb7: {  	s30 =	sld [smem:$0x0];
	_ =	sdelay $0x2  }
0xb8: {  	s31 =	sshll.u32 s1, $0xD;
	s1 =	sshrl.u32 s1, $0x2  }
0xb9: {  	s3 =	sand.u32 $0x4000, s31;
	s1 =	sadd.s32 s1, s30  }
0xba: {  	s0 =	sor.u32 s3, s0;
	s1 =	sshll.u32 s1, $0x11  }
0xbb: {  	s0 =	sor.u32 s1, s0  }
0xbc: {  	s0 =	sadd.s32 $0x8F2B, s0  }
0xbd: {  	[sflag:s0] =	ssyncadd.remote.s32 $0x1  }
0xbe: {  	_ =	sfence.sel $0xFFFF  }
0xbf: {  	[dreg:$0x0] =	wrdreg $0xFFFFFFFF;
	(pc) =	sbr.abs _section_cstart, $3  }
0xc0: {  	[dreg:$0x1] =	wrdreg $0xFFFFFFFF  }
0xc1: {  	_ =	task.clear_ibuf [dreg:s6], $0x2FFFF;
	_ =	strace $0x9FFFFFFF  }
0xc2: {  	(tm) =	ssettm $0x7FFFFFFF  }
0xc3: {  	_ =	shalt  }
tec
execute0_lowered:
.L_overlay_start_1:
0x0: {  	(tag) =	ssettag $0x1  }
0x1: {  	s0 =	srdreg.scid  }
0x2: {  	s7 =	rddreg [dreg:$0x0];
	s6 =	sand.u32 $0x1, s0;
	s0 =	stileid.u32  }
0x3: {  	s2 =	rddreg [dreg:$0x1];
	s3 =	simm.s32 $0x0;
	s8 =	smul.u32 $0x2710, s0  }
0x4: {  	[smem:$0x7FF] =	sst s3;
	s1 =	sshll.u32 s6, $0x4;
	s9 =	smul.u32 $0x27100, s6  }
0x5: {  	_ =	strace $0x80000050;
	s11 =	ssub.s32 $0x2, s6;
	s12 =	smul.u32 $0x271000, s6  }
0x6: {  	s13 =	smul.u32 $0x27100, s0;
	s17 =	sshll.u32 s0, $0x6;
	s4 =	sor.u32 s0, s1  }
0x7: {  	s16 =	sshrl.u32 s11, $0x1;
	s6 =	sor.u32 $0x1C03, s17;
	s17 =	simm.s32 $0x4740  }
0x8: {  	s5 =	smul.u32 $0x500, s4;
	s4 =	sadd.s32 $0x4800, s7;
	s9 =	sadd.s32 s8, s9  }
0x9: {  	s18 =	sadd.s32 s8, s2;
	s12 =	sadd.s32 s13, s12;
	s15 =	sshrl.u32 s9, $0x3  }
0xa: {  	s9 =	ssub.s32 s11, s16;
	s19 =	sshrl.u32 s12, $0x3;
	s20 =	sadd.s32 $0x36B0, s12  }
0xb: {  	s22 =	sadd.s32 $0x2EE0, s12;
	s24 =	sadd.s32 $0x2710, s12;
	s26 =	sadd.s32 $0x1F40, s12  }
0xc: {  	s29 =	sadd.s32 $0x1770, s12;
	s13 =	sadd.s32 $0xFA0, s12;
	s31 =	sadd.s32 $0x7D0, s12  }
0xd: {  	s11 =	sshrl.u32 s18, $0x3;
	s12 =	simm.s32 $0x3;
	s16 =	simm.s32 $0x3F70  }
0xe: {  	s18 =	simm.s32 $0x4F10;
	s10 =	sadd.s32 s5, s7;
	s5 =	sadd.s32 $0x4200, s7  }
0xf: {  	s14 =	sadd.s32 s15, s7;
	[dreg:$0x3] =	wrdreg s19;
	s21 =	sshrl.u32 s20, $0x3  }
0x10: {  	s23 =	sshrl.u32 s22, $0x3;
	s25 =	sshrl.u32 s24, $0x3;
	s28 =	sshrl.u32 s26, $0x3  }
0x11: {  	s30 =	sshrl.u32 s13, $0x3;
	s9 =	smax.u32 s9, $0x1;
	s13 =	simm.s32 $0x2800  }
0x12: {  	s15 =	simm.s32 $0x37A0;
	s19 =	simm.s32 $0x56E0;
	[dreg:$0x4] =	wrdreg s21  }
0x13: {  	s20 =	simm.s32 $0x5EB0;
	s22 =	simm.s32 $0x7D;
	[dreg:$0x5] =	wrdreg s23  }
0x14: {  	s24 =	simm.s32 $0x0;
	s7 =	sadd.s32 $0xAF600, s10;
	[dreg:$0x6] =	wrdreg s25  }
0x15: {  	[dreg:$0x7] =	wrdreg s28;
	s10 =	sshrl.u32 s29, $0x3;
	s8 =	sadd.s32 $0xA0C00, s14  }
0x16: {  	[dreg:$0x9] =	wrdreg s30;
	s14 =	simm.s32 $0x2FD0;
	s21 =	simm.s32 $0x1  }
0x17: {  	s23 =	simm.s32 $0x2;
	[dreg:$0x8] =	wrdreg s10;
	s10 =	sshrl.u32 s31, $0x3  }
.LBB2_1:
0x18: {  	[spmem:s11], [sflag:s6] =	dma.local [hbm:s5], $0x4E2  }
0x19: {  	_ =	swait.ge [sflag:s12], $0x4E2  }
0x1a: {  	[sflag:s12] =	ssyncset.done $0x0  }
0x1b: {  	[sflag:s12] =	ssyncadd.s32 $0xFFFFFB1E  }
0x1c: {  	[tilespmem:s3], [sflag:$0x3] =	stream.linear.gather [hbm4b:s7+s3], $0x2800, $0x38;
	[tilespmem:$0x8D90] =	vst v63  }
0x1d: {  	_ =	swait.ge [sflag:s12], $0x2800  }
0x1e: {  	[sflag:s12] =	ssyncset.done $0x0  }
0x1f: {  	[sflag:s12] =	ssyncadd.s32 $0xFFFFD800  }
0x20: {  	[bflag:$0x0] =	sbarrier.arrive $0xFFFF  }
0x21: {  	s25 =	rddreg [dreg:$0x3]  }
0x22: {  	s25 =	sadd.s32 s4, s25  }
0x23: {  	[tilespmem:s13], [sflag:$0x1] =	stream.linear.gather [hbm4b:s25+s3], $0x7D0, $0x38;
	[tilespmem:$0x8D90] =	vst v63  }
0x24: {  	s1 =	sadd.s32 s4, s10;
	s26 =	rddreg [dreg:$0x9]  }
0x25: {  	[tilespmem:s14], [sflag:$0x1] =	stream.linear.gather [hbm4b:s1+s3], $0x7D0, $0x38;
	[tilespmem:$0x8D90] =	vst v63  }
0x26: {  	s28 =	rddreg [dreg:$0x8];
	s30 =	sadd.s32 s4, s26  }
0x27: {  	[tilespmem:s15], [sflag:$0x1] =	stream.linear.gather [hbm4b:s30+s3], $0x7D0, $0x38;
	[tilespmem:$0x8D90] =	vst v63  }
0x28: {  	s31 =	rddreg [dreg:$0x7];
	s1 =	sadd.s32 s4, s28  }
0x29: {  	[tilespmem:s16], [sflag:$0x1] =	stream.linear.gather [hbm4b:s1+s3], $0x7D0, $0x38;
	[tilespmem:$0x8D90] =	vst v63  }
0x2a: {  	s28 =	rddreg [dreg:$0x6];
	s30 =	sadd.s32 s4, s31  }
0x2b: {  	[tilespmem:s17], [sflag:$0x1] =	stream.linear.gather [hbm4b:s30+s3], $0x7D0, $0x38;
	[tilespmem:$0x8D90] =	vst v63  }
0x2c: {  	s31 =	rddreg [dreg:$0x5];
	s1 =	sadd.s32 s4, s28  }
0x2d: {  	[tilespmem:s18], [sflag:$0x1] =	stream.linear.gather [hbm4b:s1+s3], $0x7D0, $0x38;
	[tilespmem:$0x8D90] =	vst v63  }
0x2e: {  	s28 =	rddreg [dreg:$0x4];
	s30 =	sadd.s32 s4, s31  }
0x2f: {  	[tilespmem:s19], [sflag:$0x1] =	stream.linear.gather [hbm4b:s30+s3], $0x7D0, $0x38;
	[tilespmem:$0x8D90] =	vst v63  }
0x30: {  	s31 =	sadd.s32 s4, s28  }
0x31: {  	[tilespmem:s20], [sflag:$0x1] =	stream.linear.gather [hbm4b:s31+s3], $0x7D0, $0x38;
	[tilespmem:$0x8D90] =	vst v63  }
0x32: {  	_ =	swait.ge [sflag:s21], $0x7D0  }
0x33: {  	[sflag:s21] =	ssyncset.done $0x0  }
0x34: {  	s1 =	simm.s32 $0x0;
	[sflag:s21] =	ssyncadd.s32 $0xFFFFF830  }
0x35: {  	[spmem:s2] =	stream.indirect.scatter.add.f32 [tilespmem:s13], [sflag:$0x2], $0x10, s1, s22, $0xb8;
	[tilespmem:$0x8D90] =	vst v63  }
0x36: {  	_ =	swait.ge [sflag:s21], $0x7D0  }
0x37: {  	[sflag:s21] =	ssyncset.done $0x0  }
0x38: {  	s26 =	simm.s32 $0x80;
	[sflag:s21] =	ssyncadd.s32 $0xFFFFF830  }
0x39: {  	[spmem:s2] =	stream.indirect.scatter.add.f32 [tilespmem:s14], [sflag:$0x2], $0x10, s26, s22, $0xb8;
	[tilespmem:$0x8D90] =	vst v63  }
0x3a: {  	_ =	swait.ge [sflag:s21], $0x7D0  }
0x3b: {  	[sflag:s21] =	ssyncset.done $0x0  }
0x3c: {  	s30 =	simm.s32 $0x100;
	[sflag:s21] =	ssyncadd.s32 $0xFFFFF830  }
0x3d: {  	[spmem:s2] =	stream.indirect.scatter.add.f32 [tilespmem:s15], [sflag:$0x2], $0x10, s30, s22, $0xb8;
	[tilespmem:$0x8D90] =	vst v63  }
0x3e: {  	_ =	swait.ge [sflag:s21], $0x7D0  }
0x3f: {  	[sflag:s21] =	ssyncset.done $0x0  }
0x40: {  	s31 =	simm.s32 $0x180;
	[sflag:s21] =	ssyncadd.s32 $0xFFFFF830  }
0x41: {  	[spmem:s2] =	stream.indirect.scatter.add.f32 [tilespmem:s16], [sflag:$0x2], $0x10, s31, s22, $0xb8;
	[tilespmem:$0x8D90] =	vst v63  }
0x42: {  	_ =	swait.ge [sflag:s21], $0x7D0  }
0x43: {  	[sflag:s21] =	ssyncset.done $0x0  }
0x44: {  	s1 =	simm.s32 $0x200;
	[sflag:s21] =	ssyncadd.s32 $0xFFFFF830  }
0x45: {  	[spmem:s2] =	stream.indirect.scatter.add.f32 [tilespmem:s17], [sflag:$0x2], $0x10, s1, s22, $0xb8;
	[tilespmem:$0x8D90] =	vst v63  }
0x46: {  	_ =	swait.ge [sflag:s21], $0x7D0  }
0x47: {  	[sflag:s21] =	ssyncset.done $0x0  }
0x48: {  	s26 =	simm.s32 $0x280;
	[sflag:s21] =	ssyncadd.s32 $0xFFFFF830  }
0x49: {  	[spmem:s2] =	stream.indirect.scatter.add.f32 [tilespmem:s18], [sflag:$0x2], $0x10, s26, s22, $0xb8;
	[tilespmem:$0x8D90] =	vst v63  }
0x4a: {  	_ =	swait.ge [sflag:s21], $0x7D0  }
0x4b: {  	[sflag:s21] =	ssyncset.done $0x0  }
0x4c: {  	s30 =	simm.s32 $0x300;
	[sflag:s21] =	ssyncadd.s32 $0xFFFFF830  }
0x4d: {  	[spmem:s2] =	stream.indirect.scatter.add.f32 [tilespmem:s19], [sflag:$0x2], $0x10, s30, s22, $0xb8;
	[tilespmem:$0x8D90] =	vst v63  }
0x4e: {  	_ =	swait.ge [sflag:s21], $0x7D0  }
0x4f: {  	[sflag:s21] =	ssyncset.done $0x0  }
0x50: {  	s31 =	simm.s32 $0x380;
	[sflag:s21] =	ssyncadd.s32 $0xFFFFF830  }
0x51: {  	[spmem:s2] =	stream.indirect.scatter.add.f32 [tilespmem:s20], [sflag:$0x2], $0x10, s31, s22, $0xb8;
	[tilespmem:$0x8D90] =	vst v63  }
0x52: {  	_ =	swait.ge [sflag:s23], $0x7D0  }
0x53: {  	[sflag:s23] =	ssyncset.done $0x0  }
0x54: {  	[sflag:s23] =	ssyncadd.s32 $0xFFFFF830  }
0x55: {  	_ =	swait.ge [sflag:s23], $0x7D0  }
0x56: {  	[sflag:s23] =	ssyncset.done $0x0  }
0x57: {  	[sflag:s23] =	ssyncadd.s32 $0xFFFFF830  }
0x58: {  	_ =	swait.ge [sflag:s23], $0x7D0  }
0x59: {  	[sflag:s23] =	ssyncset.done $0x0  }
0x5a: {  	[sflag:s23] =	ssyncadd.s32 $0xFFFFF830  }
0x5b: {  	_ =	swait.ge [sflag:s23], $0x7D0  }
0x5c: {  	[sflag:s23] =	ssyncset.done $0x0  }
0x5d: {  	[sflag:s23] =	ssyncadd.s32 $0xFFFFF830  }
0x5e: {  	_ =	swait.ge [sflag:s23], $0x7D0  }
0x5f: {  	[sflag:s23] =	ssyncset.done $0x0  }
0x60: {  	[sflag:s23] =	ssyncadd.s32 $0xFFFFF830  }
0x61: {  	_ =	swait.ge [sflag:s23], $0x7D0  }
0x62: {  	[sflag:s23] =	ssyncset.done $0x0  }
0x63: {  	[sflag:s23] =	ssyncadd.s32 $0xFFFFF830  }
0x64: {  	_ =	swait.ge [sflag:s23], $0x7D0  }
0x65: {  	[sflag:s23] =	ssyncset.done $0x0  }
0x66: {  	[sflag:s23] =	ssyncadd.s32 $0xFFFFF830  }
0x67: {  	s25 =	simm.s32 $0x1000;
	s28 =	smov.u32 s4;
	_ =	swait.ge [sflag:s23], $0x7D0  }
0x68: {  	s26 =	simm.s32 $0x2000;
	s29 =	rddreg [dreg:$0x3];
	[sflag:s23] =	ssyncset.done $0x0  }
.LBB2_2:
0x69: {  	s28 =	sadd.s32 $0x7D0, s28  }
0x6a: {  	[sflag:s23] =	ssyncadd.s32 $0xFFFFF830;
	s29 =	sadd.s32 s28, s29  }
0x6b: {  	[tilespmem:s13], [sflag:$0x1] =	stream.linear.gather [hbm4b:s29+s3], $0x7D0, $0x38;
	[tilespmem:$0x8D90] =	vst v63  }
0x6c: {  	s31 =	rddreg [dreg:$0x9];
	s29 =	sadd.s32 s28, s10  }
0x6d: {  	[tilespmem:s14], [sflag:$0x1] =	stream.linear.gather [hbm4b:s29+s3], $0x7D0, $0x38;
	[tilespmem:$0x8D90] =	vst v63  }
0x6e: {  	s1 =	rddreg [dreg:$0x8];
	s29 =	sadd.s32 s28, s31  }
0x6f: {  	[tilespmem:s15], [sflag:$0x1] =	stream.linear.gather [hbm4b:s29+s3], $0x7D0, $0x38;
	[tilespmem:$0x8D90] =	vst v63  }
0x70: {  	s1 =	sadd.s32 s28, s1;
	s31 =	rddreg [dreg:$0x7]  }
0x71: {  	[tilespmem:s16], [sflag:$0x1] =	stream.linear.gather [hbm4b:s1+s3], $0x7D0, $0x38;
	[tilespmem:$0x8D90] =	vst v63  }
0x72: {  	s29 =	rddreg [dreg:$0x6];
	s1 =	sadd.s32 s28, s31  }
0x73: {  	[tilespmem:s17], [sflag:$0x1] =	stream.linear.gather [hbm4b:s1+s3], $0x7D0, $0x38;
	[tilespmem:$0x8D90] =	vst v63  }
0x74: {  	s31 =	rddreg [dreg:$0x5];
	s1 =	sadd.s32 s28, s29  }
0x75: {  	[tilespmem:s18], [sflag:$0x1] =	stream.linear.gather [hbm4b:s1+s3], $0x7D0, $0x38;
	[tilespmem:$0x8D90] =	vst v63  }
0x76: {  	s31 =	sadd.s32 s28, s31;
	s29 =	rddreg [dreg:$0x4]  }
0x77: {  	[tilespmem:s19], [sflag:$0x1] =	stream.linear.gather [hbm4b:s31+s3], $0x7D0, $0x38;
	[tilespmem:$0x8D90] =	vst v63  }
0x78: {  	s31 =	sadd.s32 s28, s29  }
0x79: {  	[tilespmem:s20], [sflag:$0x1] =	stream.linear.gather [hbm4b:s31+s3], $0x7D0, $0x38;
	[tilespmem:$0x8D90] =	vst v63  }
0x7a: {  	_ =	swait.ge [sflag:s21], $0x7D0  }
0x7b: {  	[sflag:s21] =	ssyncset.done $0x0  }
0x7c: {  	s29 =	sshra.s32 s25, $0x2;
	[sflag:s21] =	ssyncadd.s32 $0xFFFFF830  }
0x7d: {  	[spmem:s2] =	stream.indirect.scatter.add.f32 [tilespmem:s13], [sflag:$0x2], $0x10, s29, s22, $0xb8;
	[tilespmem:$0x8D90] =	vst v63  }
0x7e: {  	_ =	swait.ge [sflag:s21], $0x7D0  }
0x7f: {  	[sflag:s21] =	ssyncset.done $0x0  }
0x80: {  	s31 =	sadd.s32 $0x80, s29;
	[sflag:s21] =	ssyncadd.s32 $0xFFFFF830  }
0x81: {  	[spmem:s2] =	stream.indirect.scatter.add.f32 [tilespmem:s14], [sflag:$0x2], $0x10, s31, s22, $0xb8;
	[tilespmem:$0x8D90] =	vst v63  }
0x82: {  	_ =	swait.ge [sflag:s21], $0x7D0  }
0x83: {  	s30 =	smov.u32 s26;
	[sflag:s21] =	ssyncset.done $0x0  }
0x84: {  	s25 =	smov.u32 s30;
	s30 =	sadd.s32 $0x100, s29;
	[sflag:s21] =	ssyncadd.s32 $0xFFFFF830  }
0x85: {  	[spmem:s2] =	stream.indirect.scatter.add.f32 [tilespmem:s15], [sflag:$0x2], $0x10, s30, s22, $0xb8;
	[tilespmem:$0x8D90] =	vst v63  }
0x86: {  	_ =	swait.ge [sflag:s21], $0x7D0  }
0x87: {  	[sflag:s21] =	ssyncset.done $0x0  }
0x88: {  	s31 =	sadd.s32 $0x180, s29;
	[sflag:s21] =	ssyncadd.s32 $0xFFFFF830  }
0x89: {  	[spmem:s2] =	stream.indirect.scatter.add.f32 [tilespmem:s16], [sflag:$0x2], $0x10, s31, s22, $0xb8;
	[tilespmem:$0x8D90] =	vst v63  }
0x8a: {  	_ =	swait.ge [sflag:s21], $0x7D0  }
0x8b: {  	[sflag:s21] =	ssyncset.done $0x0  }
0x8c: {  	s30 =	sadd.s32 $0x200, s29;
	[sflag:s21] =	ssyncadd.s32 $0xFFFFF830  }
0x8d: {  	[spmem:s2] =	stream.indirect.scatter.add.f32 [tilespmem:s17], [sflag:$0x2], $0x10, s30, s22, $0xb8;
	[tilespmem:$0x8D90] =	vst v63  }
0x8e: {  	_ =	swait.ge [sflag:s21], $0x7D0  }
0x8f: {  	[sflag:s21] =	ssyncset.done $0x0  }
0x90: {  	s31 =	sadd.s32 $0x280, s29;
	[sflag:s21] =	ssyncadd.s32 $0xFFFFF830  }
0x91: {  	[spmem:s2] =	stream.indirect.scatter.add.f32 [tilespmem:s18], [sflag:$0x2], $0x10, s31, s22, $0xb8;
	[tilespmem:$0x8D90] =	vst v63  }
0x92: {  	_ =	swait.ge [sflag:s21], $0x7D0  }
0x93: {  	[sflag:s21] =	ssyncset.done $0x0  }
0x94: {  	s30 =	sadd.s32 $0x300, s29;
	[sflag:s21] =	ssyncadd.s32 $0xFFFFF830  }
0x95: {  	[spmem:s2] =	stream.indirect.scatter.add.f32 [tilespmem:s19], [sflag:$0x2], $0x10, s30, s22, $0xb8;
	[tilespmem:$0x8D90] =	vst v63  }
0x96: {  	_ =	swait.ge [sflag:s21], $0x7D0  }
0x97: {  	[sflag:s21] =	ssyncset.done $0x0  }
0x98: {  	s31 =	sadd.s32 $0x380, s29;
	[sflag:s21] =	ssyncadd.s32 $0xFFFFF830  }
0x99: {  	[spmem:s2] =	stream.indirect.scatter.add.f32 [tilespmem:s20], [sflag:$0x2], $0x10, s31, s22, $0xb8;
	[tilespmem:$0x8D90] =	vst v63  }
0x9a: {  	_ =	swait.ge [sflag:s23], $0x7D0  }
0x9b: {  	[sflag:s23] =	ssyncset.done $0x0  }
0x9c: {  	[sflag:s23] =	ssyncadd.s32 $0xFFFFF830  }
0x9d: {  	_ =	swait.ge [sflag:s23], $0x7D0  }
0x9e: {  	[sflag:s23] =	ssyncset.done $0x0  }
0x9f: {  	[sflag:s23] =	ssyncadd.s32 $0xFFFFF830  }
0xa0: {  	_ =	swait.ge [sflag:s23], $0x7D0  }
0xa1: {  	[sflag:s23] =	ssyncset.done $0x0  }
0xa2: {  	[sflag:s23] =	ssyncadd.s32 $0xFFFFF830  }
0xa3: {  	_ =	swait.ge [sflag:s23], $0x7D0  }
0xa4: {  	[sflag:s23] =	ssyncset.done $0x0  }
0xa5: {  	[sflag:s23] =	ssyncadd.s32 $0xFFFFF830  }
0xa6: {  	_ =	swait.ge [sflag:s23], $0x7D0  }
0xa7: {  	[sflag:s23] =	ssyncset.done $0x0  }
0xa8: {  	[sflag:s23] =	ssyncadd.s32 $0xFFFFF830  }
0xa9: {  	_ =	swait.ge [sflag:s23], $0x7D0  }
0xaa: {  	[sflag:s23] =	ssyncset.done $0x0  }
0xab: {  	p0 =	sne.s32 s26, $0x9000;
	[sflag:s23] =	ssyncadd.s32 $0xFFFFF830  }
.Ltmp0:
0xac: {  	_ =	swait.ge [sflag:s23], $0x7D0;
	(pc) =	sbr.rel @p0 .LBB2_2-.Ltmp0, $4  }
0xad: {  	[sflag:s23] =	ssyncset.done $0x0  }
0xae: {  	[sflag:s23] =	ssyncadd.s32 $0xFFFFF830  }
0xaf: {  	_ =	swait.ge [sflag:s23], $0x7D0  }
0xb0: {  	s26 =	sadd.s32 $0x1000, s26;
	s29 =	rddreg [dreg:$0x3];
	[sflag:s23] =	ssyncset.done $0x0  }
0xb1: {  	s1 =	sadd.s32 $0x7D0, s28  }
0xb2: {  	[sflag:s23] =	ssyncadd.s32 $0xFFFFF830;
	s26 =	sadd.s32 s1, s29  }
0xb3: {  	[tilespmem:s13], [sflag:$0x1] =	stream.linear.gather [hbm4b:s26+s3], $0x7D0, $0x38;
	[tilespmem:$0x8D90] =	vst v63  }
0xb4: {  	s28 =	rddreg [dreg:$0x9];
	s31 =	sadd.s32 s1, s10  }
0xb5: {  	[tilespmem:s14], [sflag:$0x1] =	stream.linear.gather [hbm4b:s31+s3], $0x7D0, $0x38;
	[tilespmem:$0x8D90] =	vst v63  }
0xb6: {  	s30 =	rddreg [dreg:$0x8];
	s31 =	sadd.s32 s1, s28  }
0xb7: {  	[tilespmem:s15], [sflag:$0x1] =	stream.linear.gather [hbm4b:s31+s3], $0x7D0, $0x38;
	[tilespmem:$0x8D90] =	vst v63  }
0xb8: {  	s30 =	sadd.s32 s1, s30;
	s28 =	rddreg [dreg:$0x7]  }
0xb9: {  	[tilespmem:s16], [sflag:$0x1] =	stream.linear.gather [hbm4b:s30+s3], $0x7D0, $0x38;
	[tilespmem:$0x8D90] =	vst v63  }
0xba: {  	s31 =	rddreg [dreg:$0x6];
	s30 =	sadd.s32 s1, s28  }
0xbb: {  	[tilespmem:s17], [sflag:$0x1] =	stream.linear.gather [hbm4b:s30+s3], $0x7D0, $0x38;
	[tilespmem:$0x8D90] =	vst v63  }
0xbc: {  	s31 =	sadd.s32 s1, s31;
	s28 =	rddreg [dreg:$0x5]  }
0xbd: {  	[tilespmem:s18], [sflag:$0x1] =	stream.linear.gather [hbm4b:s31+s3], $0x7D0, $0x38;
	[tilespmem:$0x8D90] =	vst v63  }
0xbe: {  	s30 =	rddreg [dreg:$0x4];
	s31 =	sadd.s32 s1, s28  }
0xbf: {  	[tilespmem:s19], [sflag:$0x1] =	stream.linear.gather [hbm4b:s31+s3], $0x7D0, $0x38;
	[tilespmem:$0x8D90] =	vst v63  }
0xc0: {  	s1 =	sadd.s32 s1, s30  }
0xc1: {  	[tilespmem:s20], [sflag:$0x1] =	stream.linear.gather [hbm4b:s1+s3], $0x7D0, $0x38;
	[tilespmem:$0x8D90] =	vst v63  }
0xc2: {  	_ =	swait.ge [sflag:s21], $0x7D0  }
0xc3: {  	[sflag:s21] =	ssyncset.done $0x0  }
0xc4: {  	s1 =	sshra.s32 s25, $0x2;
	[sflag:s21] =	ssyncadd.s32 $0xFFFFF830  }
0xc5: {  	[spmem:s2] =	stream.indirect.scatter.add.f32 [tilespmem:s13], [sflag:$0x2], $0x10, s1, s22, $0xb8;
	[tilespmem:$0x8D90] =	vst v63  }
0xc6: {  	_ =	swait.ge [sflag:s21], $0x7D0  }
0xc7: {  	[sflag:s21] =	ssyncset.done $0x0  }
0xc8: {  	s25 =	sadd.s32 $0x80, s1;
	[sflag:s21] =	ssyncadd.s32 $0xFFFFF830  }
0xc9: {  	[spmem:s2] =	stream.indirect.scatter.add.f32 [tilespmem:s14], [sflag:$0x2], $0x10, s25, s22, $0xb8;
	[tilespmem:$0x8D90] =	vst v63  }
0xca: {  	_ =	swait.ge [sflag:s21], $0x7D0  }
0xcb: {  	[sflag:s21] =	ssyncset.done $0x0  }
0xcc: {  	s26 =	sadd.s32 $0x100, s1;
	[sflag:s21] =	ssyncadd.s32 $0xFFFFF830  }
0xcd: {  	[spmem:s2] =	stream.indirect.scatter.add.f32 [tilespmem:s15], [sflag:$0x2], $0x10, s26, s22, $0xb8;
	[tilespmem:$0x8D90] =	vst v63  }
0xce: {  	_ =	swait.ge [sflag:s21], $0x7D0  }
0xcf: {  	[sflag:s21] =	ssyncset.done $0x0  }
0xd0: {  	s28 =	sadd.s32 $0x180, s1;
	[sflag:s21] =	ssyncadd.s32 $0xFFFFF830  }
0xd1: {  	[spmem:s2] =	stream.indirect.scatter.add.f32 [tilespmem:s16], [sflag:$0x2], $0x10, s28, s22, $0xb8;
	[tilespmem:$0x8D90] =	vst v63  }
0xd2: {  	_ =	swait.ge [sflag:s21], $0x7D0  }
0xd3: {  	[sflag:s21] =	ssyncset.done $0x0  }
0xd4: {  	s29 =	sadd.s32 $0x200, s1;
	[sflag:s21] =	ssyncadd.s32 $0xFFFFF830  }
0xd5: {  	[spmem:s2] =	stream.indirect.scatter.add.f32 [tilespmem:s17], [sflag:$0x2], $0x10, s29, s22, $0xb8;
	[tilespmem:$0x8D90] =	vst v63  }
0xd6: {  	_ =	swait.ge [sflag:s21], $0x7D0  }
0xd7: {  	[sflag:s21] =	ssyncset.done $0x0  }
0xd8: {  	s30 =	sadd.s32 $0x280, s1;
	[sflag:s21] =	ssyncadd.s32 $0xFFFFF830  }
0xd9: {  	[spmem:s2] =	stream.indirect.scatter.add.f32 [tilespmem:s18], [sflag:$0x2], $0x10, s30, s22, $0xb8;
	[tilespmem:$0x8D90] =	vst v63  }
0xda: {  	_ =	swait.ge [sflag:s21], $0x7D0  }
0xdb: {  	[sflag:s21] =	ssyncset.done $0x0  }
0xdc: {  	s31 =	sadd.s32 $0x300, s1;
	[sflag:s21] =	ssyncadd.s32 $0xFFFFF830  }
0xdd: {  	[spmem:s2] =	stream.indirect.scatter.add.f32 [tilespmem:s19], [sflag:$0x2], $0x10, s31, s22, $0xb8;
	[tilespmem:$0x8D90] =	vst v63  }
0xde: {  	_ =	swait.ge [sflag:s21], $0x7D0  }
0xdf: {  	[sflag:s21] =	ssyncset.done $0x0  }
0xe0: {  	s1 =	sadd.s32 $0x380, s1;
	[sflag:s21] =	ssyncadd.s32 $0xFFFFF830  }
0xe1: {  	[spmem:s2] =	stream.indirect.scatter.add.f32 [tilespmem:s20], [sflag:$0x2], $0x10, s1, s22, $0xb8;
	[tilespmem:$0x8D90] =	vst v63  }
0xe2: {  	_ =	swait.ge [sflag:s23], $0x7D0  }
0xe3: {  	[sflag:s23] =	ssyncset.done $0x0  }
0xe4: {  	[sflag:s23] =	ssyncadd.s32 $0xFFFFF830  }
0xe5: {  	_ =	swait.ge [sflag:s23], $0x7D0  }
0xe6: {  	[sflag:s23] =	ssyncset.done $0x0  }
0xe7: {  	[sflag:s23] =	ssyncadd.s32 $0xFFFFF830  }
0xe8: {  	_ =	swait.ge [sflag:s23], $0x7D0  }
0xe9: {  	[sflag:s23] =	ssyncset.done $0x0  }
0xea: {  	[sflag:s23] =	ssyncadd.s32 $0xFFFFF830  }
0xeb: {  	_ =	swait.ge [sflag:s23], $0x7D0  }
0xec: {  	[sflag:s23] =	ssyncset.done $0x0  }
0xed: {  	[sflag:s23] =	ssyncadd.s32 $0xFFFFF830  }
0xee: {  	_ =	swait.ge [sflag:s23], $0x7D0  }
0xef: {  	[sflag:s23] =	ssyncset.done $0x0  }
0xf0: {  	[sflag:s23] =	ssyncadd.s32 $0xFFFFF830  }
0xf1: {  	_ =	swait.ge [sflag:s23], $0x7D0  }
0xf2: {  	[sflag:s23] =	ssyncset.done $0x0  }
0xf3: {  	[sflag:s23] =	ssyncadd.s32 $0xFFFFF830  }
0xf4: {  	_ =	swait.ge [sflag:s23], $0x7D0  }
0xf5: {  	[sflag:s23] =	ssyncset.done $0x0  }
0xf6: {  	[sflag:s23] =	ssyncadd.s32 $0xFFFFF830  }
0xf7: {  	_ =	swait.ge [sflag:s23], $0x7D0  }
0xf8: {  	s24 =	sadd.s32 $0x1, s24;
	[sflag:s23] =	ssyncset.done $0x0  }
0xf9: {  	p0 =	sne.s32 s24, s9;
	[sflag:s23] =	ssyncadd.s32 $0xFFFFF830  }
.Ltmp1:
0xfa: {  	[bflag:$0x0] =	sbarrier.arrive $0xFFFF;
	(pc) =	sbr.rel @p0 .LBB2_1-.Ltmp1, $4  }
0xfb: {  	[hbm:s8], [sflag:s6] =	dma.local [spmem:s11], $0x4E2  }
0xfc: {  	_ =	swait.ge [sflag:s12], $0x4E2  }
0xfd: {  	[sflag:s12] =	ssyncset.done $0x0  }
0xfe: {  	[sflag:s12] =	ssyncadd.s32 $0xFFFFFB1E  }
0xff: {  	_ =	sfence.sel $0x180000  }
0x100: {  	[bflag:$0x0] =	sbarrier.arrive $0xFFFF  }
0x101: {  	_ =	strace $0x90000050  }
0x102: {  	[bflag:$0x2] =	sbarrier.arrive $0xFFFF  }
0x103: {  	p0 =	sne.s32 s0, $0x0;
	s0 =	rddreg [dreg:$0x2]  }
0x104: {  	s0 =	sadd.s32 @!p0 $0x100000, s0  }
0x105: {  	[sflag:s0] =	ssyncadd.tile.s32 @!p0 $0x1;
	_ =	shalt  }
.Lfunc_end2:
_tile_overlayer_lowered:
.L_overlay_start_2:
0x106: {  	(tag) =	ssettag $0x2  }
0x107: {  	s0 =	rddreg [dreg:$0x0];
	s2 =	stileid.u32  }
0x108: {  	s1 =	rddreg [dreg:$0x1];
	p0 =	sne.s32 s2, $0x0  }
0x109: {  	s3 =	rddreg [dreg:$0x2];
	[bflag:$0x3] =	sbarrier.arrive $0xFFFF;
	s2 =	simm.s32 @!p0 $0x1C03  }
0x10a: {  	[timem:s3], [sflag:s2] =	dma.local @!p0 [hbm:s0], s1  }
0x10b: {  	s0 =	simm.s32 @!p0 $0x3  }
0x10c: {  	_ =	swait.ge @!p0 [sflag:s0], s1  }
0x10d: {  	s1 =	ssub.s32 @!p0 $0x0, s1;
	[sflag:s0] =	ssyncset.done @!p0 $0x0  }
0x10e: {  	[sflag:s0] =	ssyncadd.s32 @!p0 s1  }
0x10f: {  	[bflag:$0x3] =	sbarrier.arrive $0xFFFF  }
0x110: {  	_ =	shalt  }

</sc_bundles>
